<compile_context>
chip_gen: v7x
topology: tpu7x:2x2x1
jax: 0.10.2.dev20260603
libtpu: 0.0.44.dev20260713+nightly
codegen_flags: <defaults>
</compile_context>

<pallas_src>
import functools

import jax
import jax.numpy as jnp
from jax import lax
from jax.experimental import pallas as pl
from jax.experimental.pallas import tpu as pltpu
from jax.experimental.pallas import tpu_sc as plsc

NC = 2
NS = 16
NW = NC * NS
LANES = 16
BLK = 128


def _matmul_body(x_ref, w_ref, o_ref):
    o_ref[0] = jnp.dot(x_ref[...], w_ref[0], preferred_element_type=jnp.float32)


def _finalize_body(agg_ref, deg_ref, xroot_ref, bias_ref, o_ref):
    a = agg_ref[0] + agg_ref[1]
    ones_b = jnp.ones((NW, a.shape[1]), jnp.float32)
    d = lax.dot_general(deg_ref[...], ones_b, (((0,), (0,)), ((), ())),
                        preferred_element_type=jnp.float32)
    d = jnp.maximum(d, 1.0)
    o_ref[...] = jnp.maximum(a / d + xroot_ref[...] + bias_ref[...], 0.0)


def _chunks(total, step):
    out = []
    r0 = 0
    while r0 < total:
        out.append((r0, min(step, total - r0)))
        r0 += min(step, total - r0)
    return out


def _make_sc_agg(N, H, NPAD, GPT):
    RPT = NPAD // NS

    mesh = plsc.VectorSubcoreMesh(
        core_axis_name="c", subcore_axis_name="s", num_cores=NC, num_subcores=NS)

    @functools.partial(
        pl.kernel,
        out_type=[
            jax.ShapeDtypeStruct((NC, NPAD, H), jnp.float32),
            jax.ShapeDtypeStruct((NW, NPAD // BLK, BLK), jnp.float32),
        ],
        mesh=mesh,
        scratch_types=[
            pltpu.VMEM((GPT, BLK), jnp.int32),
            pltpu.VMEM((GPT, BLK), jnp.int32),
            pltpu.VMEM((BLK, H), jnp.float32),
            pltpu.VMEM((NPAD // BLK, BLK), jnp.float32),
            pltpu.VMEM_SHARED((NPAD, H), jnp.float32),
            pltpu.SemaphoreType.DMA,
        ],
        compiler_params=pltpu.CompilerParams(needs_layout_passes=False),
        name="sc_agg",
    )
    def sc_agg(xall, gidx, didx, z1, agg_out, deg_out,
               gidx_v, didx_v, rows_v, deg_v, agg_s, sem):
        c = lax.axis_index("c")
        s = lax.axis_index("s")
        wid = c * NS + s
        row0 = s * RPT

        zeros16 = jnp.zeros((LANES,), jnp.float32)
        ones16 = jnp.ones((LANES,), jnp.float32)

        def zero_step(i, carry):
            for k in range(BLK // LANES):
                deg_v[i, pl.ds(k * LANES, LANES)] = zeros16
            return carry

        lax.fori_loop(0, NPAD // BLK, zero_step, 0)

        pltpu.sync_copy(z1, rows_v)
        for r, sz in _chunks(RPT, BLK):
            pltpu.sync_copy(rows_v.at[pl.ds(0, sz)], agg_s.at[pl.ds(row0 + r, sz)])

        pltpu.sync_copy(gidx.at[wid], gidx_v)
        pltpu.sync_copy(didx.at[wid], didx_v)
        plsc.subcore_barrier()

        def blk_step(g, carry):
            pltpu.async_copy(xall.at[gidx_v.at[g]], rows_v, sem).wait()
            pltpu.sync_copy(rows_v, agg_s.at[didx_v.at[g]], add=True)
            for k in range(BLK // LANES):
                dvec = didx_v[g, pl.ds(k * LANES, LANES)]
                plsc.addupdate_scatter(
                    deg_v, [lax.shift_right_logical(dvec, 7),
                            lax.bitwise_and(dvec, 127)], ones16)
            return carry

        lax.fori_loop(0, GPT, blk_step, 0)
        plsc.subcore_barrier()

        for r, sz in _chunks(RPT, BLK):
            pltpu.sync_copy(agg_s.at[pl.ds(row0 + r, sz)], rows_v.at[pl.ds(0, sz)])
            pltpu.sync_copy(rows_v.at[pl.ds(0, sz)], agg_out.at[c, pl.ds(row0 + r, sz)])
        pltpu.sync_copy(deg_v, deg_out.at[wid])

    return sc_agg


def _make_sc_score(N, H, R, TPT, TB):
    mesh = plsc.VectorSubcoreMesh(
        core_axis_name="c", subcore_axis_name="s", num_cores=NC, num_subcores=NS)

    @functools.partial(
        pl.kernel,
        out_type=jax.ShapeDtypeStruct((NW * TPT,), jnp.float32),
        mesh=mesh,
        scratch_types=[
            pltpu.VMEM((TB, BLK), jnp.int32),
            pltpu.VMEM((TB, BLK), jnp.int32),
            pltpu.VMEM((TB, BLK), jnp.int32),
            pltpu.VMEM((BLK, H), jnp.float32),
            pltpu.VMEM((BLK, H), jnp.float32),
            pltpu.VMEM((R * H,), jnp.float32),
            pltpu.VMEM((TPT,), jnp.float32),
            pltpu.VMEM((LANES * LANES,), jnp.float32),
            pltpu.SemaphoreType.DMA,
        ],
        compiler_params=pltpu.CompilerParams(needs_layout_passes=False),
        name="sc_score",
    )
    def sc_score(h, rel, hidx, tidx, ridx, out,
                 hidx_v, tidx_v, ridx_v, hrow, trow, rel_v, sc_v, tmp_v, sem):
        c = lax.axis_index("c")
        s = lax.axis_index("s")
        wid = c * NS + s

        pltpu.sync_copy(hidx.at[wid], hidx_v)
        pltpu.sync_copy(tidx.at[wid], tidx_v)
        pltpu.sync_copy(ridx.at[wid], ridx_v)
        pltpu.sync_copy(rel, rel_v)

        iota16 = jnp.arange(LANES, dtype=jnp.int32) * LANES
        iota1 = jnp.arange(LANES, dtype=jnp.int32)

        def blk_step(g, carry):
            d1 = pltpu.async_copy(h.at[hidx_v.at[g]], hrow, sem)
            d2 = pltpu.async_copy(h.at[tidx_v.at[g]], trow, sem)
            d1.wait()
            d2.wait()

            def sub(b, carry2):
                rvec = ridx_v[g, pl.ds(b * LANES, LANES)] * H
                for j in range(LANES):
                    row = b * LANES + j
                    rj = jnp.broadcast_to(rvec[j], (LANES,)) + iota1
                    acc = (hrow[row, 0:LANES] * trow[row, 0:LANES]
                           * plsc.load_gather(rel_v, [rj]))
                    for v in range(1, H // LANES):
                        sl = pl.ds(v * LANES, LANES)
                        acc = acc + (hrow[row, sl] * trow[row, sl]
                                     * plsc.load_gather(rel_v, [rj + v * LANES]))
                    tmp_v[pl.ds(j * LANES, LANES)] = acc
                svec = plsc.load_gather(tmp_v, [iota16])
                for k in range(1, LANES):
                    svec = svec + plsc.load_gather(tmp_v, [iota16 + k])
                sc_v[pl.ds(g * BLK + b * LANES, LANES)] = svec
                return carry2

            lax.fori_loop(0, BLK // LANES, sub, 0)
            return carry

        lax.fori_loop(0, TB, blk_step, 0)
        pltpu.sync_copy(sc_v, out.at[pl.ds(wid * TPT, TPT)])

    return sc_score


def _pad_reshape(a, total, fill, shape):
    pad = total - a.shape[0]
    a = jnp.concatenate([a, jnp.full((pad,), fill, a.dtype)])
    return a.reshape(shape)


def kernel(node_ids, edge_index, edge_type, head_idx, rel_idx, tail_idx,
           emb_table, W, W_root, bias, rel_table):
    N, D = emb_table.shape
    R, _, H = W.shape
    E = edge_type.shape[0]
    T = head_idx.shape[0]

    NPAD = -(-N // (NS * BLK)) * NS * BLK

    x = jnp.take(emb_table, node_ids, axis=0)
    x = jnp.concatenate([x, jnp.zeros((NPAD - N, D), jnp.float32)], axis=0)
    Wcat = jnp.concatenate([W, W_root[None]], axis=0)

    BN = 1024
    xall = pl.pallas_call(
        _matmul_body,
        grid=(R + 1, NPAD // BN),
        in_specs=[
            pl.BlockSpec((BN, D), lambda r, i: (i, 0)),
            pl.BlockSpec((1, D, H), lambda r, i: (r, 0, 0)),
        ],
        out_specs=pl.BlockSpec((1, BN, H), lambda r, i: (r, i, 0)),
        out_shape=jax.ShapeDtypeStruct((R + 1, NPAD, H), jnp.float32),
    )(x, Wcat)
    xall_flat = xall.reshape((R + 1) * NPAD, H)

    GPT = -(-E // (NW * BLK))
    EPAD = NW * GPT * BLK

    src = edge_index[0]
    dst = edge_index[1]
    gidx = _pad_reshape(edge_type * NPAD + src, EPAD, R * NPAD, (NW, GPT, BLK))
    didx = _pad_reshape(dst, EPAD, N, (NW, GPT, BLK))

    z1 = jnp.zeros((BLK, H), jnp.float32)

    agg, deg = _make_sc_agg(N, H, NPAD, GPT)(xall_flat, gidx, didx, z1)
    deg = deg.reshape(NW, NPAD)

    BN2 = 1280
    h = pl.pallas_call(
        _finalize_body,
        grid=(NPAD // BN2,),
        in_specs=[
            pl.BlockSpec((NC, BN2, H), lambda i: (0, i, 0)),
            pl.BlockSpec((NW, BN2), lambda i: (0, i)),
            pl.BlockSpec((BN2, H), lambda i: (i, 0)),
            pl.BlockSpec((1, H), lambda i: (0, 0)),
        ],
        out_specs=pl.BlockSpec((BN2, H), lambda i: (i, 0)),
        out_shape=jax.ShapeDtypeStruct((NPAD, H), jnp.float32),
    )(agg, deg, xall[R], bias.reshape(1, H))

    TB = -(-T // (NW * BLK))
    TPT = TB * BLK
    TPAD = NW * TPT
    hidx = _pad_reshape(head_idx, TPAD, 0, (NW, TB, BLK))
    tidx = _pad_reshape(tail_idx, TPAD, 0, (NW, TB, BLK))
    ridx = _pad_reshape(rel_idx, TPAD, 0, (NW, TB, BLK))

    scores = _make_sc_score(N, H, R, TPT, TB)(
        h, rel_table.reshape(R * H), hidx, tidx, ridx)
    return scores[:T]

# --- scband reference (transcript-rebuilt; emitter-appended) ---
"""Pipeline reference for scband-rgcnlink-predictor-74122545594485 (READ-ONLY COPY).

The authoritative reference and input builder live on the scoring server;
editing this copy changes nothing except your own understanding.
"""

import jax, jax.numpy as jnp
import numpy as np

N = 10000
R = 16
D = 128
H = 128
E = 320000
T = 100000


def setup_inputs(seed: int = 0) -> dict:
    key = jax.random.key(seed)
    ks = jax.random.split(key, 10)
    node_ids = jnp.arange(N, dtype=jnp.int32)
    edge_index = jax.random.randint(ks[0], (2, E), 0, N, dtype=jnp.int32)
    edge_type = jax.random.randint(ks[1], (E,), 0, R, dtype=jnp.int32)
    head_idx = jax.random.randint(ks[2], (T,), 0, N, dtype=jnp.int32)
    rel_idx = jax.random.randint(ks[3], (T,), 0, R, dtype=jnp.int32)
    tail_idx = jax.random.randint(ks[4], (T,), 0, N, dtype=jnp.int32)
    emb_table = jax.random.normal(ks[5], (N, D), dtype=jnp.float32) * 0.05
    W = jax.random.normal(ks[6], (R, D, H), dtype=jnp.float32) * (1.0 / np.sqrt(D))
    W_root = jax.random.normal(ks[7], (D, H), dtype=jnp.float32) * (1.0 / np.sqrt(D))
    bias = jnp.zeros((H,), dtype=jnp.float32)
    rel_table = jax.random.normal(ks[8], (R, H), dtype=jnp.float32) * 0.05
    return {
        'node_ids': node_ids,
        'edge_index': edge_index,
        'edge_type': edge_type,
        'head_idx': head_idx,
        'rel_idx': rel_idx,
        'tail_idx': tail_idx,
        'emb_table': emb_table,
        'W': W,
        'W_root': W_root,
        'bias': bias,
        'rel_table': rel_table,
    }


def reference(node_ids, edge_index, edge_type, head_idx, rel_idx, tail_idx,
              emb_table, W, W_root, bias, rel_table):
    # x = self.emb(node_ids)
    x = jnp.take(emb_table, node_ids, axis=0)
    src = edge_index[0]
    dst = edge_index[1]
    # RGCNConv: relation-specific transform of source features.
    # Transform every node by every relation weight, then gather per edge.
    x_all = jnp.einsum('nd,rdh->nrh', x, W)          # [N, R, H]
    msg = x_all[src, edge_type]                       # [E, H] gather
    # mean aggregation over incoming edges per destination node
    agg = jax.ops.segment_sum(msg, dst, num_segments=N)
    deg = jax.ops.segment_sum(jnp.ones((E,), dtype=x.dtype), dst, num_segments=N)
    deg = jnp.clip(deg, 1.0, None)[:, None]
    h = agg / deg + x @ W_root + bias
    h = jax.nn.relu(h)
    # score_triplet: sum(h_vec * r * t_vec, dim=-1)
    h_vec = jnp.take(h, head_idx, axis=0)
    t_vec = jnp.take(h, tail_idx, axis=0)
    r = jnp.take(rel_table, rel_idx, axis=0)
    scores = jnp.sum(h_vec * r * t_vec, axis=-1)
    return scores

if __name__ == "__main__":
    import jax
    _d = setup_inputs()
    print(jax.jit(kernel)(*tuple(_d.values())))

</pallas_src>

<mosaic_0001>
#map = affine_map<(d0, d1) -> (0, 0)>
#map1 = affine_map<(d0, d1) -> (0)>
#map2 = affine_map<(d0, d1) -> (0, 0, 0)>
module attributes {stable_mosaic.version = 14 : i64} {
  func.func @sc_score(%arg0: i32, %arg1: i32, %arg2: memref<10240x128xf32, #tpu.memory_space<hbm>>, %arg3: memref<2048xf32, #tpu.memory_space<hbm>>, %arg4: memref<32x25x128xi32, #tpu.memory_space<hbm>>, %arg5: memref<32x25x128xi32, #tpu.memory_space<hbm>>, %arg6: memref<32x25x128xi32, #tpu.memory_space<hbm>>, %arg7: memref<102400xf32, #tpu.memory_space<hbm>>, %arg8: memref<25x128xi32, #tpu.memory_space<vmem>>, %arg9: memref<25x128xi32, #tpu.memory_space<vmem>>, %arg10: memref<25x128xi32, #tpu.memory_space<vmem>>, %arg11: memref<128x128xf32, #tpu.memory_space<vmem>>, %arg12: memref<128x128xf32, #tpu.memory_space<vmem>>, %arg13: memref<2048xf32, #tpu.memory_space<vmem>>, %arg14: memref<3200xf32, #tpu.memory_space<vmem>>, %arg15: memref<256xf32, #tpu.memory_space<vmem>>, %arg16: memref<!tpu.dma_semaphore, #tpu.memory_space<semaphore_mem>>) attributes {dimension_semantics = [#tpu.dimension_semantics<core_parallel>, #tpu.dimension_semantics<subcore_parallel>], iteration_bounds = array<i64: 2, 16>, scalar_prefetch = 0 : i64, scratch_operands = 9 : i64, tpu.core_type = #tpu.core_type<sc_vector_subcore>, window_params = [{transform_indices = #map}, {transform_indices = #map1}, {transform_indices = #map2}, {transform_indices = #map2}, {transform_indices = #map2}, {transform_indices = #map1}]} {
    %mul3A = arith.constant 16 : i32
    %mul3A_0 = arith.muli %arg0, %mul3A : i32
    %add3A = arith.addi %mul3A_0, %arg1 : i32
    "tpu.region"() ({
      %run_scoped3A = tpu.sem_alloc : memref<!tpu.dma_semaphore, #tpu.memory_space<semaphore_mem>>
      %dma_start3A = arith.constant 0 : i32
      %dma_start3A_12 = arith.constant 0 : i32
      %dma_start3A_13 = tpu.memref_slice %arg4[%add3A, %dma_start3A, %dma_start3A_12] : memref<32x25x128xi32, #tpu.memory_space<hbm>> -> memref<1x25x128xi32, #tpu.memory_space<hbm>>
      %dma_start3A_14 = tpu.memref_squeeze %dma_start3A_13 : memref<1x25x128xi32, #tpu.memory_space<hbm>> -> memref<25x128xi32, #tpu.memory_space<hbm>>
      %dma_start3A_15 = arith.constant 0 : i32
      %dma_start3A_16 = arith.constant 0 : i32
      %dma_start3A_17 = tpu.memref_slice %arg4[%add3A, %dma_start3A_15, %dma_start3A_16] : memref<32x25x128xi32, #tpu.memory_space<hbm>> -> memref<1x25x128xi32, #tpu.memory_space<hbm>>
      %dma_start3A_18 = tpu.memref_squeeze %dma_start3A_17 : memref<1x25x128xi32, #tpu.memory_space<hbm>> -> memref<25x128xi32, #tpu.memory_space<hbm>>
      tpu.enqueue_dma source(%dma_start3A_18 : memref<25x128xi32, #tpu.memory_space<hbm>>) target(%arg8 : memref<25x128xi32, #tpu.memory_space<vmem>>) target_semaphore(%run_scoped3A : memref<!tpu.dma_semaphore, #tpu.memory_space<semaphore_mem>>)
      %dma_wait3A = arith.constant 0 : i32
      %dma_wait3A_19 = arith.constant 0 : i32
      %dma_wait3A_20 = tpu.memref_slice %arg4[%add3A, %dma_wait3A, %dma_wait3A_19] : memref<32x25x128xi32, #tpu.memory_space<hbm>> -> memref<1x25x128xi32, #tpu.memory_space<hbm>>
      %dma_wait3A_21 = tpu.memref_squeeze %dma_wait3A_20 : memref<1x25x128xi32, #tpu.memory_space<hbm>> -> memref<25x128xi32, #tpu.memory_space<hbm>>
      %dma_wait3A_22 = arith.constant 0 : i32
      %dma_wait3A_23 = arith.constant 0 : i32
      %dma_wait3A_24 = tpu.memref_slice %arg4[%add3A, %dma_wait3A_22, %dma_wait3A_23] : memref<32x25x128xi32, #tpu.memory_space<hbm>> -> memref<1x25x128xi32, #tpu.memory_space<hbm>>
      %dma_wait3A_25 = tpu.memref_squeeze %dma_wait3A_24 : memref<1x25x128xi32, #tpu.memory_space<hbm>> -> memref<25x128xi32, #tpu.memory_space<hbm>>
      tpu.wait_dma2 semaphore(%run_scoped3A : memref<!tpu.dma_semaphore, #tpu.memory_space<semaphore_mem>>) src(%dma_wait3A_25 : memref<25x128xi32, #tpu.memory_space<hbm>>) dst(%arg8 : memref<25x128xi32, #tpu.memory_space<vmem>>)
      tpu.yield
    }) : () -> ()
    "tpu.region"() ({
      %run_scoped3A = tpu.sem_alloc : memref<!tpu.dma_semaphore, #tpu.memory_space<semaphore_mem>>
      %dma_start3A = arith.constant 0 : i32
      %dma_start3A_12 = arith.constant 0 : i32
      %dma_start3A_13 = tpu.memref_slice %arg5[%add3A, %dma_start3A, %dma_start3A_12] : memref<32x25x128xi32, #tpu.memory_space<hbm>> -> memref<1x25x128xi32, #tpu.memory_space<hbm>>
      %dma_start3A_14 = tpu.memref_squeeze %dma_start3A_13 : memref<1x25x128xi32, #tpu.memory_space<hbm>> -> memref<25x128xi32, #tpu.memory_space<hbm>>
      %dma_start3A_15 = arith.constant 0 : i32
      %dma_start3A_16 = arith.constant 0 : i32
      %dma_start3A_17 = tpu.memref_slice %arg5[%add3A, %dma_start3A_15, %dma_start3A_16] : memref<32x25x128xi32, #tpu.memory_space<hbm>> -> memref<1x25x128xi32, #tpu.memory_space<hbm>>
      %dma_start3A_18 = tpu.memref_squeeze %dma_start3A_17 : memref<1x25x128xi32, #tpu.memory_space<hbm>> -> memref<25x128xi32, #tpu.memory_space<hbm>>
      tpu.enqueue_dma source(%dma_start3A_18 : memref<25x128xi32, #tpu.memory_space<hbm>>) target(%arg9 : memref<25x128xi32, #tpu.memory_space<vmem>>) target_semaphore(%run_scoped3A : memref<!tpu.dma_semaphore, #tpu.memory_space<semaphore_mem>>)
      %dma_wait3A = arith.constant 0 : i32
      %dma_wait3A_19 = arith.constant 0 : i32
      %dma_wait3A_20 = tpu.memref_slice %arg5[%add3A, %dma_wait3A, %dma_wait3A_19] : memref<32x25x128xi32, #tpu.memory_space<hbm>> -> memref<1x25x128xi32, #tpu.memory_space<hbm>>
      %dma_wait3A_21 = tpu.memref_squeeze %dma_wait3A_20 : memref<1x25x128xi32, #tpu.memory_space<hbm>> -> memref<25x128xi32, #tpu.memory_space<hbm>>
      %dma_wait3A_22 = arith.constant 0 : i32
      %dma_wait3A_23 = arith.constant 0 : i32
      %dma_wait3A_24 = tpu.memref_slice %arg5[%add3A, %dma_wait3A_22, %dma_wait3A_23] : memref<32x25x128xi32, #tpu.memory_space<hbm>> -> memref<1x25x128xi32, #tpu.memory_space<hbm>>
      %dma_wait3A_25 = tpu.memref_squeeze %dma_wait3A_24 : memref<1x25x128xi32, #tpu.memory_space<hbm>> -> memref<25x128xi32, #tpu.memory_space<hbm>>
      tpu.wait_dma2 semaphore(%run_scoped3A : memref<!tpu.dma_semaphore, #tpu.memory_space<semaphore_mem>>) src(%dma_wait3A_25 : memref<25x128xi32, #tpu.memory_space<hbm>>) dst(%arg9 : memref<25x128xi32, #tpu.memory_space<vmem>>)
      tpu.yield
    }) : () -> ()
    "tpu.region"() ({
      %run_scoped3A = tpu.sem_alloc : memref<!tpu.dma_semaphore, #tpu.memory_space<semaphore_mem>>
      %dma_start3A = arith.constant 0 : i32
      %dma_start3A_12 = arith.constant 0 : i32
      %dma_start3A_13 = tpu.memref_slice %arg6[%add3A, %dma_start3A, %dma_start3A_12] : memref<32x25x128xi32, #tpu.memory_space<hbm>> -> memref<1x25x128xi32, #tpu.memory_space<hbm>>
      %dma_start3A_14 = tpu.memref_squeeze %dma_start3A_13 : memref<1x25x128xi32, #tpu.memory_space<hbm>> -> memref<25x128xi32, #tpu.memory_space<hbm>>
      %dma_start3A_15 = arith.constant 0 : i32
      %dma_start3A_16 = arith.constant 0 : i32
      %dma_start3A_17 = tpu.memref_slice %arg6[%add3A, %dma_start3A_15, %dma_start3A_16] : memref<32x25x128xi32, #tpu.memory_space<hbm>> -> memref<1x25x128xi32, #tpu.memory_space<hbm>>
      %dma_start3A_18 = tpu.memref_squeeze %dma_start3A_17 : memref<1x25x128xi32, #tpu.memory_space<hbm>> -> memref<25x128xi32, #tpu.memory_space<hbm>>
      tpu.enqueue_dma source(%dma_start3A_18 : memref<25x128xi32, #tpu.memory_space<hbm>>) target(%arg10 : memref<25x128xi32, #tpu.memory_space<vmem>>) target_semaphore(%run_scoped3A : memref<!tpu.dma_semaphore, #tpu.memory_space<semaphore_mem>>)
      %dma_wait3A = arith.constant 0 : i32
      %dma_wait3A_19 = arith.constant 0 : i32
      %dma_wait3A_20 = tpu.memref_slice %arg6[%add3A, %dma_wait3A, %dma_wait3A_19] : memref<32x25x128xi32, #tpu.memory_space<hbm>> -> memref<1x25x128xi32, #tpu.memory_space<hbm>>
      %dma_wait3A_21 = tpu.memref_squeeze %dma_wait3A_20 : memref<1x25x128xi32, #tpu.memory_space<hbm>> -> memref<25x128xi32, #tpu.memory_space<hbm>>
      %dma_wait3A_22 = arith.constant 0 : i32
      %dma_wait3A_23 = arith.constant 0 : i32
      %dma_wait3A_24 = tpu.memref_slice %arg6[%add3A, %dma_wait3A_22, %dma_wait3A_23] : memref<32x25x128xi32, #tpu.memory_space<hbm>> -> memref<1x25x128xi32, #tpu.memory_space<hbm>>
      %dma_wait3A_25 = tpu.memref_squeeze %dma_wait3A_24 : memref<1x25x128xi32, #tpu.memory_space<hbm>> -> memref<25x128xi32, #tpu.memory_space<hbm>>
      tpu.wait_dma2 semaphore(%run_scoped3A : memref<!tpu.dma_semaphore, #tpu.memory_space<semaphore_mem>>) src(%dma_wait3A_25 : memref<25x128xi32, #tpu.memory_space<hbm>>) dst(%arg10 : memref<25x128xi32, #tpu.memory_space<vmem>>)
      tpu.yield
    }) : () -> ()
    "tpu.region"() ({
      %run_scoped3A = tpu.sem_alloc : memref<!tpu.dma_semaphore, #tpu.memory_space<semaphore_mem>>
      tpu.enqueue_dma source(%arg3 : memref<2048xf32, #tpu.memory_space<hbm>>) target(%arg13 : memref<2048xf32, #tpu.memory_space<vmem>>) target_semaphore(%run_scoped3A : memref<!tpu.dma_semaphore, #tpu.memory_space<semaphore_mem>>)
      tpu.wait_dma2 semaphore(%run_scoped3A : memref<!tpu.dma_semaphore, #tpu.memory_space<semaphore_mem>>) src(%arg3 : memref<2048xf32, #tpu.memory_space<hbm>>) dst(%arg13 : memref<2048xf32, #tpu.memory_space<vmem>>)
      tpu.yield
    }) : () -> ()
    %iota3A = tpu.iota {dimensions = array<i32: 0>} : vector<16xi32>
    %mul3A_1 = arith.constant 16 : i32
    %mul3A_2 = vector.broadcast %mul3A_1 : i32 to vector<16xi32>
    %mul3A_3 = arith.muli %iota3A, %mul3A_2 : vector<16xi32>
    %iota3A_4 = tpu.iota {dimensions = array<i32: 0>} : vector<16xi32>
    %scan3A = arith.constant 0 : i32
    %scan3A_5 = arith.constant 0 : i32
    %scan3A_6 = arith.constant 25 : i32
    %scan3A_7 = arith.addi %scan3A_5, %scan3A_6 : i32
    %scan3A_8 = arith.constant 1 : i32
    scf.for %scan3A_12 = %scan3A_5 to %scan3A_7 step %scan3A_8  : i32 {
      %dma_start3A = arith.constant 0 : i32
      %dma_start3A_13 = tpu.memref_slice %arg8[%scan3A_12, %dma_start3A] : memref<25x128xi32, #tpu.memory_space<vmem>> -> memref<1x128xi32, #tpu.memory_space<vmem>>
      %dma_start3A_14 = tpu.memref_squeeze %dma_start3A_13 : memref<1x128xi32, #tpu.memory_space<vmem>> -> memref<128xi32, #tpu.memory_space<vmem>>
      %dma_start3A_15 = arith.constant 0 : i32
      %dma_start3A_16 = arith.constant 0 : i32
      %dma_start3A_17 = tpu.memref_slice %arg2[%dma_start3A_15, %dma_start3A_16] : memref<10240x128xf32, #tpu.memory_space<hbm>> -> memref<10240x128xf32, #tpu.memory_space<hbm>>
      tpu.enqueue_indirect_dma source(%dma_start3A_17 : memref<10240x128xf32, #tpu.memory_space<hbm>>) target(%arg11 : memref<128x128xf32, #tpu.memory_space<vmem>>) offsets(%dma_start3A_14 : memref<128xi32, #tpu.memory_space<vmem>>) semaphore(%arg16 : memref<!tpu.dma_semaphore, #tpu.memory_space<semaphore_mem>>)
      %dma_start3A_18 = arith.constant 0 : i32
      %dma_start3A_19 = tpu.memref_slice %arg9[%scan3A_12, %dma_start3A_18] : memref<25x128xi32, #tpu.memory_space<vmem>> -> memref<1x128xi32, #tpu.memory_space<vmem>>
      %dma_start3A_20 = tpu.memref_squeeze %dma_start3A_19 : memref<1x128xi32, #tpu.memory_space<vmem>> -> memref<128xi32, #tpu.memory_space<vmem>>
      %dma_start3A_21 = arith.constant 0 : i32
      %dma_start3A_22 = arith.constant 0 : i32
      %dma_start3A_23 = tpu.memref_slice %arg2[%dma_start3A_21, %dma_start3A_22] : memref<10240x128xf32, #tpu.memory_space<hbm>> -> memref<10240x128xf32, #tpu.memory_space<hbm>>
      tpu.enqueue_indirect_dma source(%dma_start3A_23 : memref<10240x128xf32, #tpu.memory_space<hbm>>) target(%arg12 : memref<128x128xf32, #tpu.memory_space<vmem>>) offsets(%dma_start3A_20 : memref<128xi32, #tpu.memory_space<vmem>>) semaphore(%arg16 : memref<!tpu.dma_semaphore, #tpu.memory_space<semaphore_mem>>)
      %dma_wait3A = arith.constant 0 : i32
      %dma_wait3A_24 = tpu.memref_slice %arg8[%scan3A_12, %dma_wait3A] : memref<25x128xi32, #tpu.memory_space<vmem>> -> memref<1x128xi32, #tpu.memory_space<vmem>>
      %dma_wait3A_25 = tpu.memref_squeeze %dma_wait3A_24 : memref<1x128xi32, #tpu.memory_space<vmem>> -> memref<128xi32, #tpu.memory_space<vmem>>
      %dma_wait3A_26 = arith.constant 0 : i32
      %dma_wait3A_27 = arith.constant 0 : i32
      %dma_wait3A_28 = tpu.memref_slice %arg2[%dma_wait3A_26, %dma_wait3A_27] : memref<10240x128xf32, #tpu.memory_space<hbm>> -> memref<10240x128xf32, #tpu.memory_space<hbm>>
      tpu.wait_indirect_dma semaphore(%arg16 : memref<!tpu.dma_semaphore, #tpu.memory_space<semaphore_mem>>) src(%dma_wait3A_28 : memref<10240x128xf32, #tpu.memory_space<hbm>>) dst(%arg11 : memref<128x128xf32, #tpu.memory_space<vmem>>)
      %dma_wait3A_29 = arith.constant 0 : i32
      %dma_wait3A_30 = tpu.memref_slice %arg9[%scan3A_12, %dma_wait3A_29] : memref<25x128xi32, #tpu.memory_space<vmem>> -> memref<1x128xi32, #tpu.memory_space<vmem>>
      %dma_wait3A_31 = tpu.memref_squeeze %dma_wait3A_30 : memref<1x128xi32, #tpu.memory_space<vmem>> -> memref<128xi32, #tpu.memory_space<vmem>>
      %dma_wait3A_32 = arith.constant 0 : i32
      %dma_wait3A_33 = arith.constant 0 : i32
      %dma_wait3A_34 = tpu.memref_slice %arg2[%dma_wait3A_32, %dma_wait3A_33] : memref<10240x128xf32, #tpu.memory_space<hbm>> -> memref<10240x128xf32, #tpu.memory_space<hbm>>
      tpu.wait_indirect_dma semaphore(%arg16 : memref<!tpu.dma_semaphore, #tpu.memory_space<semaphore_mem>>) src(%dma_wait3A_34 : memref<10240x128xf32, #tpu.memory_space<hbm>>) dst(%arg12 : memref<128x128xf32, #tpu.memory_space<vmem>>)
      %scan3A_35 = arith.constant 0 : i32
      %scan3A_36 = arith.constant 0 : i32
      %scan3A_37 = arith.constant 8 : i32
      %scan3A_38 = arith.addi %scan3A_36, %scan3A_37 : i32
      %scan3A_39 = arith.constant 1 : i32
      scf.for %scan3A_41 = %scan3A_36 to %scan3A_38 step %scan3A_39  : i32 {
        %mul3A_42 = arith.constant 16 : i32
        %mul3A_43 = arith.muli %scan3A_41, %mul3A_42 : i32
        %get3A = arith.index_cast %scan3A_12 : i32 to index
        %get3A_44 = arith.index_cast %mul3A_43 : i32 to index
        %get3A_45 = tpu.vector_load %arg10[%get3A, %get3A_44] {strides = array<i32>} : memref<25x128xi32, #tpu.memory_space<vmem>>, vector<16xi32>,
        %mul3A_46 = arith.constant 128 : i32
        %mul3A_47 = vector.broadcast %mul3A_46 : i32 to vector<16xi32>
        %mul3A_48 = arith.muli %get3A_45, %mul3A_47 : vector<16xi32>
        %mul3A_49 = arith.constant 16 : i32
        %mul3A_50 = arith.muli %scan3A_41, %mul3A_49 : i32
        %add3A_51 = arith.constant 0 : i32
        %add3A_52 = arith.addi %mul3A_50, %add3A_51 : i32
        %slice3A = vector.extract_strided_slice %mul3A_48 {offsets = [0], sizes = [1], strides = [1]} : vector<16xi32> to vector<1xi32>
        %squeeze3A = vector.extract %slice3A[0] : i32 from vector<1xi32>
        %broadcast_in_dim3A = vector.broadcast %squeeze3A : i32 to vector<16xi32>
        %add3A_53 = arith.addi %broadcast_in_dim3A, %iota3A_4 : vector<16xi32>
        %get3A_54 = arith.index_cast %add3A_52 : i32 to index
        %get3A_55 = arith.constant 0 : index
        %get3A_56 = tpu.vector_load %arg11[%get3A_54, %get3A_55] {strides = array<i32>} : memref<128x128xf32, #tpu.memory_space<vmem>>, vector<16xf32>,
        %get3A_57 = arith.index_cast %add3A_52 : i32 to index
        %get3A_58 = arith.constant 0 : index
        %get3A_59 = tpu.vector_load %arg12[%get3A_57, %get3A_58] {strides = array<i32>} : memref<128x128xf32, #tpu.memory_space<vmem>>, vector<16xf32>,
        %mul3A_60 = arith.mulf %get3A_56, %get3A_59 : vector<16xf32>
        %gather3A = tpu.vector_load_idx %arg13[%add3A_53] : memref<2048xf32, #tpu.memory_space<vmem>>[vector<16xi32>], vector<16xf32>,
        %mul3A_61 = arith.mulf %mul3A_60, %gather3A : vector<16xf32>
        %get3A_62 = arith.index_cast %add3A_52 : i32 to index
        %get3A_63 = arith.constant 16 : index
        %get3A_64 = tpu.vector_load %arg11[%get3A_62, %get3A_63] {strides = array<i32>} : memref<128x128xf32, #tpu.memory_space<vmem>>, vector<16xf32>,
        %get3A_65 = arith.index_cast %add3A_52 : i32 to index
        %get3A_66 = arith.constant 16 : index
        %get3A_67 = tpu.vector_load %arg12[%get3A_65, %get3A_66] {strides = array<i32>} : memref<128x128xf32, #tpu.memory_space<vmem>>, vector<16xf32>,
        %mul3A_68 = arith.mulf %get3A_64, %get3A_67 : vector<16xf32>
        %add3A_69 = arith.constant 16 : i32
        %add3A_70 = vector.broadcast %add3A_69 : i32 to vector<16xi32>
        %add3A_71 = arith.addi %add3A_53, %add3A_70 : vector<16xi32>
        %gather3A_72 = tpu.vector_load_idx %arg13[%add3A_71] : memref<2048xf32, #tpu.memory_space<vmem>>[vector<16xi32>], vector<16xf32>,
        %mul3A_73 = arith.mulf %mul3A_68, %gather3A_72 : vector<16xf32>
        %add3A_74 = arith.addf %mul3A_61, %mul3A_73 : vector<16xf32>
        %get3A_75 = arith.index_cast %add3A_52 : i32 to index
        %get3A_76 = arith.constant 32 : index
        %get3A_77 = tpu.vector_load %arg11[%get3A_75, %get3A_76] {strides = array<i32>} : memref<128x128xf32, #tpu.memory_space<vmem>>, vector<16xf32>,
        %get3A_78 = arith.index_cast %add3A_52 : i32 to index
        %get3A_79 = arith.constant 32 : index
        %get3A_80 = tpu.vector_load %arg12[%get3A_78, %get3A_79] {strides = array<i32>} : memref<128x128xf32, #tpu.memory_space<vmem>>, vector<16xf32>,
        %mul3A_81 = arith.mulf %get3A_77, %get3A_80 : vector<16xf32>
        %add3A_82 = arith.constant 32 : i32
        %add3A_83 = vector.broadcast %add3A_82 : i32 to vector<16xi32>
        %add3A_84 = arith.addi %add3A_53, %add3A_83 : vector<16xi32>
        %gather3A_85 = tpu.vector_load_idx %arg13[%add3A_84] : memref<2048xf32, #tpu.memory_space<vmem>>[vector<16xi32>], vector<16xf32>,
        %mul3A_86 = arith.mulf %mul3A_81, %gather3A_85 : vector<16xf32>
        %add3A_87 = arith.addf %add3A_74, %mul3A_86 : vector<16xf32>
        %get3A_88 = arith.index_cast %add3A_52 : i32 to index
        %get3A_89 = arith.constant 48 : index
        %get3A_90 = tpu.vector_load %arg11[%get3A_88, %get3A_89] {strides = array<i32>} : memref<128x128xf32, #tpu.memory_space<vmem>>, vector<16xf32>,
        %get3A_91 = arith.index_cast %add3A_52 : i32 to index
        %get3A_92 = arith.constant 48 : index
        %get3A_93 = tpu.vector_load %arg12[%get3A_91, %get3A_92] {strides = array<i32>} : memref<128x128xf32, #tpu.memory_space<vmem>>, vector<16xf32>,
        %mul3A_94 = arith.mulf %get3A_90, %get3A_93 : vector<16xf32>
        %add3A_95 = arith.constant 48 : i32
        %add3A_96 = vector.broadcast %add3A_95 : i32 to vector<16xi32>
        %add3A_97 = arith.addi %add3A_53, %add3A_96 : vector<16xi32>
        %gather3A_98 = tpu.vector_load_idx %arg13[%add3A_97] : memref<2048xf32, #tpu.memory_space<vmem>>[vector<16xi32>], vector<16xf32>,
        %mul3A_99 = arith.mulf %mul3A_94, %gather3A_98 : vector<16xf32>
        %add3A_100 = arith.addf %add3A_87, %mul3A_99 : vector<16xf32>
        %get3A_101 = arith.index_cast %add3A_52 : i32 to index
        %get3A_102 = arith.constant 64 : index
        %get3A_103 = tpu.vector_load %arg11[%get3A_101, %get3A_102] {strides = array<i32>} : memref<128x128xf32, #tpu.memory_space<vmem>>, vector<16xf32>,
        %get3A_104 = arith.index_cast %add3A_52 : i32 to index
        %get3A_105 = arith.constant 64 : index
        %get3A_106 = tpu.vector_load %arg12[%get3A_104, %get3A_105] {strides = array<i32>} : memref<128x128xf32, #tpu.memory_space<vmem>>, vector<16xf32>,
        %mul3A_107 = arith.mulf %get3A_103, %get3A_106 : vector<16xf32>
        %add3A_108 = arith.constant 64 : i32
        %add3A_109 = vector.broadcast %add3A_108 : i32 to vector<16xi32>
        %add3A_110 = arith.addi %add3A_53, %add3A_109 : vector<16xi32>
        %gather3A_111 = tpu.vector_load_idx %arg13[%add3A_110] : memref<2048xf32, #tpu.memory_space<vmem>>[vector<16xi32>], vector<16xf32>,
        %mul3A_112 = arith.mulf %mul3A_107, %gather3A_111 : vector<16xf32>
        %add3A_113 = arith.addf %add3A_100, %mul3A_112 : vector<16xf32>
        %get3A_114 = arith.index_cast %add3A_52 : i32 to index
        %get3A_115 = arith.constant 80 : index
        %get3A_116 = tpu.vector_load %arg11[%get3A_114, %get3A_115] {strides = array<i32>} : memref<128x128xf32, #tpu.memory_space<vmem>>, vector<16xf32>,
        %get3A_117 = arith.index_cast %add3A_52 : i32 to index
        %get3A_118 = arith.constant 80 : index
        %get3A_119 = tpu.vector_load %arg12[%get3A_117, %get3A_118] {strides = array<i32>} : memref<128x128xf32, #tpu.memory_space<vmem>>, vector<16xf32>,
        %mul3A_120 = arith.mulf %get3A_116, %get3A_119 : vector<16xf32>
        %add3A_121 = arith.constant 80 : i32
        %add3A_122 = vector.broadcast %add3A_121 : i32 to vector<16xi32>
        %add3A_123 = arith.addi %add3A_53, %add3A_122 : vector<16xi32>
        %gather3A_124 = tpu.vector_load_idx %arg13[%add3A_123] : memref<2048xf32, #tpu.memory_space<vmem>>[vector<16xi32>], vector<16xf32>,
        %mul3A_125 = arith.mulf %mul3A_120, %gather3A_124 : vector<16xf32>
        %add3A_126 = arith.addf %add3A_113, %mul3A_125 : vector<16xf32>
        %get3A_127 = arith.index_cast %add3A_52 : i32 to index
        %get3A_128 = arith.constant 96 : index
        %get3A_129 = tpu.vector_load %arg11[%get3A_127, %get3A_128] {strides = array<i32>} : memref<128x128xf32, #tpu.memory_space<vmem>>, vector<16xf32>,
        %get3A_130 = arith.index_cast %add3A_52 : i32 to index
        %get3A_131 = arith.constant 96 : index
        %get3A_132 = tpu.vector_load %arg12[%get3A_130, %get3A_131] {strides = array<i32>} : memref<128x128xf32, #tpu.memory_space<vmem>>, vector<16xf32>,
        %mul3A_133 = arith.mulf %get3A_129, %get3A_132 : vector<16xf32>
        %add3A_134 = arith.constant 96 : i32
        %add3A_135 = vector.broadcast %add3A_134 : i32 to vector<16xi32>
        %add3A_136 = arith.addi %add3A_53, %add3A_135 : vector<16xi32>
        %gather3A_137 = tpu.vector_load_idx %arg13[%add3A_136] : memref<2048xf32, #tpu.memory_space<vmem>>[vector<16xi32>], vector<16xf32>,
        %mul3A_138 = arith.mulf %mul3A_133, %gather3A_137 : vector<16xf32>
        %add3A_139 = arith.addf %add3A_126, %mul3A_138 : vector<16xf32>
        %get3A_140 = arith.index_cast %add3A_52 : i32 to index
        %get3A_141 = arith.constant 112 : index
        %get3A_142 = tpu.vector_load %arg11[%get3A_140, %get3A_141] {strides = array<i32>} : memref<128x128xf32, #tpu.memory_space<vmem>>, vector<16xf32>,
        %get3A_143 = arith.index_cast %add3A_52 : i32 to index
        %get3A_144 = arith.constant 112 : index
        %get3A_145 = tpu.vector_load %arg12[%get3A_143, %get3A_144] {strides = array<i32>} : memref<128x128xf32, #tpu.memory_space<vmem>>, vector<16xf32>,
        %mul3A_146 = arith.mulf %get3A_142, %get3A_145 : vector<16xf32>
        %add3A_147 = arith.constant 112 : i32
        %add3A_148 = vector.broadcast %add3A_147 : i32 to vector<16xi32>
        %add3A_149 = arith.addi %add3A_53, %add3A_148 : vector<16xi32>
        %gather3A_150 = tpu.vector_load_idx %arg13[%add3A_149] : memref<2048xf32, #tpu.memory_space<vmem>>[vector<16xi32>], vector<16xf32>,
        %mul3A_151 = arith.mulf %mul3A_146, %gather3A_150 : vector<16xf32>
        %add3A_152 = arith.addf %add3A_139, %mul3A_151 : vector<16xf32>
        %swap3A = arith.constant 0 : index
        %swap3A_153 = tpu.vector_load %arg15[%swap3A] {strides = array<i32>} : memref<256xf32, #tpu.memory_space<vmem>>, vector<16xf32>,
        tpu.vector_store %arg15[%swap3A], %add3A_152 {strides = array<i32>} : memref<256xf32, #tpu.memory_space<vmem>>, vector<16xf32>,
        %mul3A_154 = arith.constant 16 : i32
        %mul3A_155 = arith.muli %scan3A_41, %mul3A_154 : i32
        %add3A_156 = arith.constant 1 : i32
        %add3A_157 = arith.addi %mul3A_155, %add3A_156 : i32
        %slice3A_158 = vector.extract_strided_slice %mul3A_48 {offsets = [1], sizes = [1], strides = [1]} : vector<16xi32> to vector<1xi32>
        %squeeze3A_159 = vector.extract %slice3A_158[0] : i32 from vector<1xi32>
        %broadcast_in_dim3A_160 = vector.broadcast %squeeze3A_159 : i32 to vector<16xi32>
        %add3A_161 = arith.addi %broadcast_in_dim3A_160, %iota3A_4 : vector<16xi32>
        %get3A_162 = arith.index_cast %add3A_157 : i32 to index
        %get3A_163 = arith.constant 0 : index
        %get3A_164 = tpu.vector_load %arg11[%get3A_162, %get3A_163] {strides = array<i32>} : memref<128x128xf32, #tpu.memory_space<vmem>>, vector<16xf32>,
        %get3A_165 = arith.index_cast %add3A_157 : i32 to index
        %get3A_166 = arith.constant 0 : index
        %get3A_167 = tpu.vector_load %arg12[%get3A_165, %get3A_166] {strides = array<i32>} : memref<128x128xf32, #tpu.memory_space<vmem>>, vector<16xf32>,
        %mul3A_168 = arith.mulf %get3A_164, %get3A_167 : vector<16xf32>
        %gather3A_169 = tpu.vector_load_idx %arg13[%add3A_161] : memref<2048xf32, #tpu.memory_space<vmem>>[vector<16xi32>], vector<16xf32>,
        %mul3A_170 = arith.mulf %mul3A_168, %gather3A_169 : vector<16xf32>
        %get3A_171 = arith.index_cast %add3A_157 : i32 to index
        %get3A_172 = arith.constant 16 : index
        %get3A_173 = tpu.vector_load %arg11[%get3A_171, %get3A_172] {strides = array<i32>} : memref<128x128xf32, #tpu.memory_space<vmem>>, vector<16xf32>,
        %get3A_174 = arith.index_cast %add3A_157 : i32 to index
        %get3A_175 = arith.constant 16 : index
        %get3A_176 = tpu.vector_load %arg12[%get3A_174, %get3A_175] {strides = array<i32>} : memref<128x128xf32, #tpu.memory_space<vmem>>, vector<16xf32>,
        %mul3A_177 = arith.mulf %get3A_173, %get3A_176 : vector<16xf32>
        %add3A_178 = arith.constant 16 : i32
        %add3A_179 = vector.broadcast %add3A_178 : i32 to vector<16xi32>
        %add3A_180 = arith.addi %add3A_161, %add3A_179 : vector<16xi32>
        %gather3A_181 = tpu.vector_load_idx %arg13[%add3A_180] : memref<2048xf32, #tpu.memory_space<vmem>>[vector<16xi32>], vector<16xf32>,
        %mul3A_182 = arith.mulf %mul3A_177, %gather3A_181 : vector<16xf32>
        %add3A_183 = arith.addf %mul3A_170, %mul3A_182 : vector<16xf32>
        %get3A_184 = arith.index_cast %add3A_157 : i32 to index
        %get3A_185 = arith.constant 32 : index
        %get3A_186 = tpu.vector_load %arg11[%get3A_184, %get3A_185] {strides = array<i32>} : memref<128x128xf32, #tpu.memory_space<vmem>>, vector<16xf32>,
        %get3A_187 = arith.index_cast %add3A_157 : i32 to index
        %get3A_188 = arith.constant 32 : index
        %get3A_189 = tpu.vector_load %arg12[%get3A_187, %get3A_188] {strides = array<i32>} : memref<128x128xf32, #tpu.memory_space<vmem>>, vector<16xf32>,
        %mul3A_190 = arith.mulf %get3A_186, %get3A_189 : vector<16xf32>
        %add3A_191 = arith.constant 32 : i32
        %add3A_192 = vector.broadcast %add3A_191 : i32 to vector<16xi32>
        %add3A_193 = arith.addi %add3A_161, %add3A_192 : vector<16xi32>
        %gather3A_194 = tpu.vector_load_idx %arg13[%add3A_193] : memref<2048xf32, #tpu.memory_space<vmem>>[vector<16xi32>], vector<16xf32>,
        %mul3A_195 = arith.mulf %mul3A_190, %gather3A_194 : vector<16xf32>
        %add3A_196 = arith.addf %add3A_183, %mul3A_195 : vector<16xf32>
        %get3A_197 = arith.index_cast %add3A_157 : i32 to index
        %get3A_198 = arith.constant 48 : index
        %get3A_199 = tpu.vector_load %arg11[%get3A_197, %get3A_198] {strides = array<i32>} : memref<128x128xf32, #tpu.memory_space<vmem>>, vector<16xf32>,
        %get3A_200 = arith.index_cast %add3A_157 : i32 to index
        %get3A_201 = arith.constant 48 : index
        %get3A_202 = tpu.vector_load %arg12[%get3A_200, %get3A_201] {strides = array<i32>} : memref<128x128xf32, #tpu.memory_space<vmem>>, vector<16xf32>,
        %mul3A_203 = arith.mulf %get3A_199, %get3A_202 : vector<16xf32>
        %add3A_204 = arith.constant 48 : i32
        %add3A_205 = vector.broadcast %add3A_204 : i32 to vector<16xi32>
        %add3A_206 = arith.addi %add3A_161, %add3A_205 : vector<16xi32>
        %gather3A_207 = tpu.vector_load_idx %arg13[%add3A_206] : memref<2048xf32, #tpu.memory_space<vmem>>[vector<16xi32>], vector<16xf32>,
        %mul3A_208 = arith.mulf %mul3A_203, %gather3A_207 : vector<16xf32>
        %add3A_209 = arith.addf %add3A_196, %mul3A_208 : vector<16xf32>
        %get3A_210 = arith.index_cast %add3A_157 : i32 to index
        %get3A_211 = arith.constant 64 : index
        %get3A_212 = tpu.vector_load %arg11[%get3A_210, %get3A_211] {strides = array<i32>} : memref<128x128xf32, #tpu.memory_space<vmem>>, vector<16xf32>,
        %get3A_213 = arith.index_cast %add3A_157 : i32 to index
        %get3A_214 = arith.constant 64 : index
        %get3A_215 = tpu.vector_load %arg12[%get3A_213, %get3A_214] {strides = array<i32>} : memref<128x128xf32, #tpu.memory_space<vmem>>, vector<16xf32>,
        %mul3A_216 = arith.mulf %get3A_212, %get3A_215 : vector<16xf32>
        %add3A_217 = arith.constant 64 : i32
        %add3A_218 = vector.broadcast %add3A_217 : i32 to vector<16xi32>
        %add3A_219 = arith.addi %add3A_161, %add3A_218 : vector<16xi32>
        %gather3A_220 = tpu.vector_load_idx %arg13[%add3A_219] : memref<2048xf32, #tpu.memory_space<vmem>>[vector<16xi32>], vector<16xf32>,
        %mul3A_221 = arith.mulf %mul3A_216, %gather3A_220 : vector<16xf32>
        %add3A_222 = arith.addf %add3A_209, %mul3A_221 : vector<16xf32>
        %get3A_223 = arith.index_cast %add3A_157 : i32 to index
        %get3A_224 = arith.constant 80 : index
        %get3A_225 = tpu.vector_load %arg11[%get3A_223, %get3A_224] {strides = array<i32>} : memref<128x128xf32, #tpu.memory_space<vmem>>, vector<16xf32>,
        %get3A_226 = arith.index_cast %add3A_157 : i32 to index
        %get3A_227 = arith.constant 80 : index
        %get3A_228 = tpu.vector_load %arg12[%get3A_226, %get3A_227] {strides = array<i32>} : memref<128x128xf32, #tpu.memory_space<vmem>>, vector<16xf32>,
        %mul3A_229 = arith.mulf %get3A_225, %get3A_228 : vector<16xf32>
        %add3A_230 = arith.constant 80 : i32
        %add3A_231 = vector.broadcast %add3A_230 : i32 to vector<16xi32>
        %add3A_232 = arith.addi %add3A_161, %add3A_231 : vector<16xi32>
        %gather3A_233 = tpu.vector_load_idx %arg13[%add3A_232] : memref<2048xf32, #tpu.memory_space<vmem>>[vector<16xi32>], vector<16xf32>,
        %mul3A_234 = arith.mulf %mul3A_229, %gather3A_233 : vector<16xf32>
        %add3A_235 = arith.addf %add3A_222, %mul3A_234 : vector<16xf32>
        %get3A_236 = arith.index_cast %add3A_157 : i32 to index
        %get3A_237 = arith.constant 96 : index
        %get3A_238 = tpu.vector_load %arg11[%get3A_236, %get3A_237] {strides = array<i32>} : memref<128x128xf32, #tpu.memory_space<vmem>>, vector<16xf32>,
        %get3A_239 = arith.index_cast %add3A_157 : i32 to index
        %get3A_240 = arith.constant 96 : index
        %get3A_241 = tpu.vector_load %arg12[%get3A_239, %get3A_240] {strides = array<i32>} : memref<128x128xf32, #tpu.memory_space<vmem>>, vector<16xf32>,
        %mul3A_242 = arith.mulf %get3A_238, %get3A_241 : vector<16xf32>
        %add3A_243 = arith.constant 96 : i32
        %add3A_244 = vector.broadcast %add3A_243 : i32 to vector<16xi32>
        %add3A_245 = arith.addi %add3A_161, %add3A_244 : vector<16xi32>
        %gather3A_246 = tpu.vector_load_idx %arg13[%add3A_245] : memref<2048xf32, #tpu.memory_space<vmem>>[vector<16xi32>], vector<16xf32>,
        %mul3A_247 = arith.mulf %mul3A_242, %gather3A_246 : vector<16xf32>
        %add3A_248 = arith.addf %add3A_235, %mul3A_247 : vector<16xf32>
        %get3A_249 = arith.index_cast %add3A_157 : i32 to index
        %get3A_250 = arith.constant 112 : index
        %get3A_251 = tpu.vector_load %arg11[%get3A_249, %get3A_250] {strides = array<i32>} : memref<128x128xf32, #tpu.memory_space<vmem>>, vector<16xf32>,
        %get3A_252 = arith.index_cast %add3A_157 : i32 to index
        %get3A_253 = arith.constant 112 : index
        %get3A_254 = tpu.vector_load %arg12[%get3A_252, %get3A_253] {strides = array<i32>} : memref<128x128xf32, #tpu.memory_space<vmem>>, vector<16xf32>,
        %mul3A_255 = arith.mulf %get3A_251, %get3A_254 : vector<16xf32>
        %add3A_256 = arith.constant 112 : i32
        %add3A_257 = vector.broadcast %add3A_256 : i32 to vector<16xi32>
        %add3A_258 = arith.addi %add3A_161, %add3A_257 : vector<16xi32>
        %gather3A_259 = tpu.vector_load_idx %arg13[%add3A_258] : memref<2048xf32, #tpu.memory_space<vmem>>[vector<16xi32>], vector<16xf32>,
        %mul3A_260 = arith.mulf %mul3A_255, %gather3A_259 : vector<16xf32>
        %add3A_261 = arith.addf %add3A_248, %mul3A_260 : vector<16xf32>
        %swap3A_262 = arith.constant 16 : index
        %swap3A_263 = tpu.vector_load %arg15[%swap3A_262] {strides = array<i32>} : memref<256xf32, #tpu.memory_space<vmem>>, vector<16xf32>,
        tpu.vector_store %arg15[%swap3A_262], %add3A_261 {strides = array<i32>} : memref<256xf32, #tpu.memory_space<vmem>>, vector<16xf32>,
        %mul3A_264 = arith.constant 16 : i32
        %mul3A_265 = arith.muli %scan3A_41, %mul3A_264 : i32
        %add3A_266 = arith.constant 2 : i32
        %add3A_267 = arith.addi %mul3A_265, %add3A_266 : i32
        %slice3A_268 = vector.extract_strided_slice %mul3A_48 {offsets = [2], sizes = [1], strides = [1]} : vector<16xi32> to vector<1xi32>
        %squeeze3A_269 = vector.extract %slice3A_268[0] : i32 from vector<1xi32>
        %broadcast_in_dim3A_270 = vector.broadcast %squeeze3A_269 : i32 to vector<16xi32>
        %add3A_271 = arith.addi %broadcast_in_dim3A_270, %iota3A_4 : vector<16xi32>
        %get3A_272 = arith.index_cast %add3A_267 : i32 to index
        %get3A_273 = arith.constant 0 : index
        %get3A_274 = tpu.vector_load %arg11[%get3A_272, %get3A_273] {strides = array<i32>} : memref<128x128xf32, #tpu.memory_space<vmem>>, vector<16xf32>,
        %get3A_275 = arith.index_cast %add3A_267 : i32 to index
        %get3A_276 = arith.constant 0 : index
        %get3A_277 = tpu.vector_load %arg12[%get3A_275, %get3A_276] {strides = array<i32>} : memref<128x128xf32, #tpu.memory_space<vmem>>, vector<16xf32>,
        %mul3A_278 = arith.mulf %get3A_274, %get3A_277 : vector<16xf32>
        %gather3A_279 = tpu.vector_load_idx %arg13[%add3A_271] : memref<2048xf32, #tpu.memory_space<vmem>>[vector<16xi32>], vector<16xf32>,
        %mul3A_280 = arith.mulf %mul3A_278, %gather3A_279 : vector<16xf32>
        %get3A_281 = arith.index_cast %add3A_267 : i32 to index
        %get3A_282 = arith.constant 16 : index
        %get3A_283 = tpu.vector_load %arg11[%get3A_281, %get3A_282] {strides = array<i32>} : memref<128x128xf32, #tpu.memory_space<vmem>>, vector<16xf32>,
        %get3A_284 = arith.index_cast %add3A_267 : i32 to index
        %get3A_285 = arith.constant 16 : index
        %get3A_286 = tpu.vector_load %arg12[%get3A_284, %get3A_285] {strides = array<i32>} : memref<128x128xf32, #tpu.memory_space<vmem>>, vector<16xf32>,
        %mul3A_287 = arith.mulf %get3A_283, %get3A_286 : vector<16xf32>
        %add3A_288 = arith.constant 16 : i32
        %add3A_289 = vector.broadcast %add3A_288 : i32 to vector<16xi32>
        %add3A_290 = arith.addi %add3A_271, %add3A_289 : vector<16xi32>
        %gather3A_291 = tpu.vector_load_idx %arg13[%add3A_290] : memref<2048xf32, #tpu.memory_space<vmem>>[vector<16xi32>], vector<16xf32>,
        %mul3A_292 = arith.mulf %mul3A_287, %gather3A_291 : vector<16xf32>
        %add3A_293 = arith.addf %mul3A_280, %mul3A_292 : vector<16xf32>
        %get3A_294 = arith.index_cast %add3A_267 : i32 to index
        %get3A_295 = arith.constant 32 : index
        %get3A_296 = tpu.vector_load %arg11[%get3A_294, %get3A_295] {strides = array<i32>} : memref<128x128xf32, #tpu.memory_space<vmem>>, vector<16xf32>,
        %get3A_297 = arith.index_cast %add3A_267 : i32 to index
        %get3A_298 = arith.constant 32 : index
        %get3A_299 = tpu.vector_load %arg12[%get3A_297, %get3A_298] {strides = array<i32>} : memref<128x128xf32, #tpu.memory_space<vmem>>, vector<16xf32>,
        %mul3A_300 = arith.mulf %get3A_296, %get3A_299 : vector<16xf32>
        %add3A_301 = arith.constant 32 : i32
        %add3A_302 = vector.broadcast %add3A_301 : i32 to vector<16xi32>
        %add3A_303 = arith.addi %add3A_271, %add3A_302 : vector<16xi32>
        %gather3A_304 = tpu.vector_load_idx %arg13[%add3A_303] : memref<2048xf32, #tpu.memory_space<vmem>>[vector<16xi32>], vector<16xf32>,
        %mul3A_305 = arith.mulf %mul3A_300, %gather3A_304 : vector<16xf32>
        %add3A_306 = arith.addf %add3A_293, %mul3A_305 : vector<16xf32>
        %get3A_307 = arith.index_cast %add3A_267 : i32 to index
        %get3A_308 = arith.constant 48 : index
        %get3A_309 = tpu.vector_load %arg11[%get3A_307, %get3A_308] {strides = array<i32>} : memref<128x128xf32, #tpu.memory_space<vmem>>, vector<16xf32>,
        %get3A_310 = arith.index_cast %add3A_267 : i32 to index
        %get3A_311 = arith.constant 48 : index
        %get3A_312 = tpu.vector_load %arg12[%get3A_310, %get3A_311] {strides = array<i32>} : memref<128x128xf32, #tpu.memory_space<vmem>>, vector<16xf32>,
        %mul3A_313 = arith.mulf %get3A_309, %get3A_312 : vector<16xf32>
        %add3A_314 = arith.constant 48 : i32
        %add3A_315 = vector.broadcast %add3A_314 : i32 to vector<16xi32>
        %add3A_316 = arith.addi %add3A_271, %add3A_315 : vector<16xi32>
        %gather3A_317 = tpu.vector_load_idx %arg13[%add3A_316] : memref<2048xf32, #tpu.memory_space<vmem>>[vector<16xi32>], vector<16xf32>,
        %mul3A_318 = arith.mulf %mul3A_313, %gather3A_317 : vector<16xf32>
        %add3A_319 = arith.addf %add3A_306, %mul3A_318 : vector<16xf32>
        %get3A_320 = arith.index_cast %add3A_267 : i32 to index
        %get3A_321 = arith.constant 64 : index
        %get3A_322 = tpu.vector_load %arg11[%get3A_320, %get3A_321] {strides = array<i32>} : memref<128x128xf32, #tpu.memory_space<vmem>>, vector<16xf32>,
        %get3A_323 = arith.index_cast %add3A_267 : i32 to index
        %get3A_324 = arith.constant 64 : index
        %get3A_325 = tpu.vector_load %arg12[%get3A_323, %get3A_324] {strides = array<i32>} : memref<128x128xf32, #tpu.memory_space<vmem>>, vector<16xf32>,
        %mul3A_326 = arith.mulf %get3A_322, %get3A_325 : vector<16xf32>
        %add3A_327 = arith.constant 64 : i32
        %add3A_328 = vector.broadcast %add3A_327 : i32 to vector<16xi32>
        %add3A_329 = arith.addi %add3A_271, %add3A_328 : vector<16xi32>
        %gather3A_330 = tpu.vector_load_idx %arg13[%add3A_329] : memref<2048xf32, #tpu.memory_space<vmem>>[vector<16xi32>], vector<16xf32>,
        %mul3A_331 = arith.mulf %mul3A_326, %gather3A_330 : vector<16xf32>
        %add3A_332 = arith.addf %add3A_319, %mul3A_331 : vector<16xf32>
        %get3A_333 = arith.index_cast %add3A_267 : i32 to index
        %get3A_334 = arith.constant 80 : index
        %get3A_335 = tpu.vector_load %arg11[%get3A_333, %get3A_334] {strides = array<i32>} : memref<128x128xf32, #tpu.memory_space<vmem>>, vector<16xf32>,
        %get3A_336 = arith.index_cast %add3A_267 : i32 to index
        %get3A_337 = arith.constant 80 : index
        %get3A_338 = tpu.vector_load %arg12[%get3A_336, %get3A_337] {strides = array<i32>} : memref<128x128xf32, #tpu.memory_space<vmem>>, vector<16xf32>,
        %mul3A_339 = arith.mulf %get3A_335, %get3A_338 : vector<16xf32>
        %add3A_340 = arith.constant 80 : i32
        %add3A_341 = vector.broadcast %add3A_340 : i32 to vector<16xi32>
        %add3A_342 = arith.addi %add3A_271, %add3A_341 : vector<16xi32>
        %gather3A_343 = tpu.vector_load_idx %arg13[%add3A_342] : memref<2048xf32, #tpu.memory_space<vmem>>[vector<16xi32>], vector<16xf32>,
        %mul3A_344 = arith.mulf %mul3A_339, %gather3A_343 : vector<16xf32>
        %add3A_345 = arith.addf %add3A_332, %mul3A_344 : vector<16xf32>
        %get3A_346 = arith.index_cast %add3A_267 : i32 to index
        %get3A_347 = arith.constant 96 : index
        %get3A_348 = tpu.vector_load %arg11[%get3A_346, %get3A_347] {strides = array<i32>} : memref<128x128xf32, #tpu.memory_space<vmem>>, vector<16xf32>,
        %get3A_349 = arith.index_cast %add3A_267 : i32 to index
        %get3A_350 = arith.constant 96 : index
        %get3A_351 = tpu.vector_load %arg12[%get3A_349, %get3A_350] {strides = array<i32>} : memref<128x128xf32, #tpu.memory_space<vmem>>, vector<16xf32>,
        %mul3A_352 = arith.mulf %get3A_348, %get3A_351 : vector<16xf32>
        %add3A_353 = arith.constant 96 : i32
        %add3A_354 = vector.broadcast %add3A_353 : i32 to vector<16xi32>
        %add3A_355 = arith.addi %add3A_271, %add3A_354 : vector<16xi32>
        %gather3A_356 = tpu.vector_load_idx %arg13[%add3A_355] : memref<2048xf32, #tpu.memory_space<vmem>>[vector<16xi32>], vector<16xf32>,
        %mul3A_357 = arith.mulf %mul3A_352, %gather3A_356 : vector<16xf32>
        %add3A_358 = arith.addf %add3A_345, %mul3A_357 : vector<16xf32>
        %get3A_359 = arith.index_cast %add3A_267 : i32 to index
        %get3A_360 = arith.constant 112 : index
        %get3A_361 = tpu.vector_load %arg11[%get3A_359, %get3A_360] {strides = array<i32>} : memref<128x128xf32, #tpu.memory_space<vmem>>, vector<16xf32>,
        %get3A_362 = arith.index_cast %add3A_267 : i32 to index
        %get3A_363 = arith.constant 112 : index
        %get3A_364 = tpu.vector_load %arg12[%get3A_362, %get3A_363] {strides = array<i32>} : memref<128x128xf32, #tpu.memory_space<vmem>>, vector<16xf32>,
        %mul3A_365 = arith.mulf %get3A_361, %get3A_364 : vector<16xf32>
        %add3A_366 = arith.constant 112 : i32
        %add3A_367 = vector.broadcast %add3A_366 : i32 to vector<16xi32>
        %add3A_368 = arith.addi %add3A_271, %add3A_367 : vector<16xi32>
        %gather3A_369 = tpu.vector_load_idx %arg13[%add3A_368] : memref<2048xf32, #tpu.memory_space<vmem>>[vector<16xi32>], vector<16xf32>,
        %mul3A_370 = arith.mulf %mul3A_365, %gather3A_369 : vector<16xf32>
        %add3A_371 = arith.addf %add3A_358, %mul3A_370 : vector<16xf32>
        %swap3A_372 = arith.constant 32 : index
        %swap3A_373 = tpu.vector_load %arg15[%swap3A_372] {strides = array<i32>} : memref<256xf32, #tpu.memory_space<vmem>>, vector<16xf32>,
        tpu.vector_store %arg15[%swap3A_372], %add3A_371 {strides = array<i32>} : memref<256xf32, #tpu.memory_space<vmem>>, vector<16xf32>,
        %mul3A_374 = arith.constant 16 : i32
        %mul3A_375 = arith.muli %scan3A_41, %mul3A_374 : i32
        %add3A_376 = arith.constant 3 : i32
        %add3A_377 = arith.addi %mul3A_375, %add3A_376 : i32
        %slice3A_378 = vector.extract_strided_slice %mul3A_48 {offsets = [3], sizes = [1], strides = [1]} : vector<16xi32> to vector<1xi32>
        %squeeze3A_379 = vector.extract %slice3A_378[0] : i32 from vector<1xi32>
        %broadcast_in_dim3A_380 = vector.broadcast %squeeze3A_379 : i32 to vector<16xi32>
        %add3A_381 = arith.addi %broadcast_in_dim3A_380, %iota3A_4 : vector<16xi32>
        %get3A_382 = arith.index_cast %add3A_377 : i32 to index
        %get3A_383 = arith.constant 0 : index
        %get3A_384 = tpu.vector_load %arg11[%get3A_382, %get3A_383] {strides = array<i32>} : memref<128x128xf32, #tpu.memory_space<vmem>>, vector<16xf32>,
        %get3A_385 = arith.index_cast %add3A_377 : i32 to index
        %get3A_386 = arith.constant 0 : index
        %get3A_387 = tpu.vector_load %arg12[%get3A_385, %get3A_386] {strides = array<i32>} : memref<128x128xf32, #tpu.memory_space<vmem>>, vector<16xf32>,
        %mul3A_388 = arith.mulf %get3A_384, %get3A_387 : vector<16xf32>
        %gather3A_389 = tpu.vector_load_idx %arg13[%add3A_381] : memref<2048xf32, #tpu.memory_space<vmem>>[vector<16xi32>], vector<16xf32>,
        %mul3A_390 = arith.mulf %mul3A_388, %gather3A_389 : vector<16xf32>
        %get3A_391 = arith.index_cast %add3A_377 : i32 to index
        %get3A_392 = arith.constant 16 : index
        %get3A_393 = tpu.vector_load %arg11[%get3A_391, %get3A_392] {strides = array<i32>} : memref<128x128xf32, #tpu.memory_space<vmem>>, vector<16xf32>,
        %get3A_394 = arith.index_cast %add3A_377 : i32 to index
        %get3A_395 = arith.constant 16 : index
        %get3A_396 = tpu.vector_load %arg12[%get3A_394, %get3A_395] {strides = array<i32>} : memref<128x128xf32, #tpu.memory_space<vmem>>, vector<16xf32>,
        %mul3A_397 = arith.mulf %get3A_393, %get3A_396 : vector<16xf32>
        %add3A_398 = arith.constant 16 : i32
        %add3A_399 = vector.broadcast %add3A_398 : i32 to vector<16xi32>
        %add3A_400 = arith.addi %add3A_381, %add3A_399 : vector<16xi32>
        %gather3A_401 = tpu.vector_load_idx %arg13[%add3A_400] : memref<2048xf32, #tpu.memory_space<vmem>>[vector<16xi32>], vector<16xf32>,
        %mul3A_402 = arith.mulf %mul3A_397, %gather3A_401 : vector<16xf32>
        %add3A_403 = arith.addf %mul3A_390, %mul3A_402 : vector<16xf32>
        %get3A_404 = arith.index_cast %add3A_377 : i32 to index
        %get3A_405 = arith.constant 32 : index
        %get3A_406 = tpu.vector_load %arg11[%get3A_404, %get3A_405] {strides = array<i32>} : memref<128x128xf32, #tpu.memory_space<vmem>>, vector<16xf32>,
        %get3A_407 = arith.index_cast %add3A_377 : i32 to index
        %get3A_408 = arith.constant 32 : index
        %get3A_409 = tpu.vector_load %arg12[%get3A_407, %get3A_408] {strides = array<i32>} : memref<128x128xf32, #tpu.memory_space<vmem>>, vector<16xf32>,
        %mul3A_410 = arith.mulf %get3A_406, %get3A_409 : vector<16xf32>
        %add3A_411 = arith.constant 32 : i32
        %add3A_412 = vector.broadcast %add3A_411 : i32 to vector<16xi32>
        %add3A_413 = arith.addi %add3A_381, %add3A_412 : vector<16xi32>
        %gather3A_414 = tpu.vector_load_idx %arg13[%add3A_413] : memref<2048xf32, #tpu.memory_space<vmem>>[vector<16xi32>], vector<16xf32>,
        %mul3A_415 = arith.mulf %mul3A_410, %gather3A_414 : vector<16xf32>
        %add3A_416 = arith.addf %add3A_403, %mul3A_415 : vector<16xf32>
        %get3A_417 = arith.index_cast %add3A_377 : i32 to index
        %get3A_418 = arith.constant 48 : index
        %get3A_419 = tpu.vector_load %arg11[%get3A_417, %get3A_418] {strides = array<i32>} : memref<128x128xf32, #tpu.memory_space<vmem>>, vector<16xf32>,
        %get3A_420 = arith.index_cast %add3A_377 : i32 to index
        %get3A_421 = arith.constant 48 : index
        %get3A_422 = tpu.vector_load %arg12[%get3A_420, %get3A_421] {strides = array<i32>} : memref<128x128xf32, #tpu.memory_space<vmem>>, vector<16xf32>,
        %mul3A_423 = arith.mulf %get3A_419, %get3A_422 : vector<16xf32>
        %add3A_424 = arith.constant 48 : i32
        %add3A_425 = vector.broadcast %add3A_424 : i32 to vector<16xi32>
        %add3A_426 = arith.addi %add3A_381, %add3A_425 : vector<16xi32>
        %gather3A_427 = tpu.vector_load_idx %arg13[%add3A_426] : memref<2048xf32, #tpu.memory_space<vmem>>[vector<16xi32>], vector<16xf32>,
        %mul3A_428 = arith.mulf %mul3A_423, %gather3A_427 : vector<16xf32>
        %add3A_429 = arith.addf %add3A_416, %mul3A_428 : vector<16xf32>
        %get3A_430 = arith.index_cast %add3A_377 : i32 to index
        %get3A_431 = arith.constant 64 : index
        %get3A_432 = tpu.vector_load %arg11[%get3A_430, %get3A_431] {strides = array<i32>} : memref<128x128xf32, #tpu.memory_space<vmem>>, vector<16xf32>,
        %get3A_433 = arith.index_cast %add3A_377 : i32 to index
        %get3A_434 = arith.constant 64 : index
        %get3A_435 = tpu.vector_load %arg12[%get3A_433, %get3A_434] {strides = array<i32>} : memref<128x128xf32, #tpu.memory_space<vmem>>, vector<16xf32>,
        %mul3A_436 = arith.mulf %get3A_432, %get3A_435 : vector<16xf32>
        %add3A_437 = arith.constant 64 : i32
        %add3A_438 = vector.broadcast %add3A_437 : i32 to vector<16xi32>
        %add3A_439 = arith.addi %add3A_381, %add3A_438 : vector<16xi32>
        %gather3A_440 = tpu.vector_load_idx %arg13[%add3A_439] : memref<2048xf32, #tpu.memory_space<vmem>>[vector<16xi32>], vector<16xf32>,
        %mul3A_441 = arith.mulf %mul3A_436, %gather3A_440 : vector<16xf32>
        %add3A_442 = arith.addf %add3A_429, %mul3A_441 : vector<16xf32>
        %get3A_443 = arith.index_cast %add3A_377 : i32 to index
        %get3A_444 = arith.constant 80 : index
        %get3A_445 = tpu.vector_load %arg11[%get3A_443, %get3A_444] {strides = array<i32>} : memref<128x128xf32, #tpu.memory_space<vmem>>, vector<16xf32>,
        %get3A_446 = arith.index_cast %add3A_377 : i32 to index
        %get3A_447 = arith.constant 80 : index
        %get3A_448 = tpu.vector_load %arg12[%get3A_446, %get3A_447] {strides = array<i32>} : memref<128x128xf32, #tpu.memory_space<vmem>>, vector<16xf32>,
        %mul3A_449 = arith.mulf %get3A_445, %get3A_448 : vector<16xf32>
        %add3A_450 = arith.constant 80 : i32
        %add3A_451 = vector.broadcast %add3A_450 : i32 to vector<16xi32>
        %add3A_452 = arith.addi %add3A_381, %add3A_451 : vector<16xi32>
        %gather3A_453 = tpu.vector_load_idx %arg13[%add3A_452] : memref<2048xf32, #tpu.memory_space<vmem>>[vector<16xi32>], vector<16xf32>,
        %mul3A_454 = arith.mulf %mul3A_449, %gather3A_453 : vector<16xf32>
        %add3A_455 = arith.addf %add3A_442, %mul3A_454 : vector<16xf32>
        %get3A_456 = arith.index_cast %add3A_377 : i32 to index
        %get3A_457 = arith.constant 96 : index
        %get3A_458 = tpu.vector_load %arg11[%get3A_456, %get3A_457] {strides = array<i32>} : memref<128x128xf32, #tpu.memory_space<vmem>>, vector<16xf32>,
        %get3A_459 = arith.index_cast %add3A_377 : i32 to index
        %get3A_460 = arith.constant 96 : index
        %get3A_461 = tpu.vector_load %arg12[%get3A_459, %get3A_460] {strides = array<i32>} : memref<128x128xf32, #tpu.memory_space<vmem>>, vector<16xf32>,
        %mul3A_462 = arith.mulf %get3A_458, %get3A_461 : vector<16xf32>
        %add3A_463 = arith.constant 96 : i32
        %add3A_464 = vector.broadcast %add3A_463 : i32 to vector<16xi32>
        %add3A_465 = arith.addi %add3A_381, %add3A_464 : vector<16xi32>
        %gather3A_466 = tpu.vector_load_idx %arg13[%add3A_465] : memref<2048xf32, #tpu.memory_space<vmem>>[vector<16xi32>], vector<16xf32>,
        %mul3A_467 = arith.mulf %mul3A_462, %gather3A_466 : vector<16xf32>
        %add3A_468 = arith.addf %add3A_455, %mul3A_467 : vector<16xf32>
        %get3A_469 = arith.index_cast %add3A_377 : i32 to index
        %get3A_470 = arith.constant 112 : index
        %get3A_471 = tpu.vector_load %arg11[%get3A_469, %get3A_470] {strides = array<i32>} : memref<128x128xf32, #tpu.memory_space<vmem>>, vector<16xf32>,
        %get3A_472 = arith.index_cast %add3A_377 : i32 to index
        %get3A_473 = arith.constant 112 : index
        %get3A_474 = tpu.vector_load %arg12[%get3A_472, %get3A_473] {strides = array<i32>} : memref<128x128xf32, #tpu.memory_space<vmem>>, vector<16xf32>,
        %mul3A_475 = arith.mulf %get3A_471, %get3A_474 : vector<16xf32>
        %add3A_476 = arith.constant 112 : i32
        %add3A_477 = vector.broadcast %add3A_476 : i32 to vector<16xi32>
        %add3A_478 = arith.addi %add3A_381, %add3A_477 : vector<16xi32>
        %gather3A_479 = tpu.vector_load_idx %arg13[%add3A_478] : memref<2048xf32, #tpu.memory_space<vmem>>[vector<16xi32>], vector<16xf32>,
        %mul3A_480 = arith.mulf %mul3A_475, %gather3A_479 : vector<16xf32>
        %add3A_481 = arith.addf %add3A_468, %mul3A_480 : vector<16xf32>
        %swap3A_482 = arith.constant 48 : index
        %swap3A_483 = tpu.vector_load %arg15[%swap3A_482] {strides = array<i32>} : memref<256xf32, #tpu.memory_space<vmem>>, vector<16xf32>,
        tpu.vector_store %arg15[%swap3A_482], %add3A_481 {strides = array<i32>} : memref<256xf32, #tpu.memory_space<vmem>>, vector<16xf32>,
        %mul3A_484 = arith.constant 16 : i32
        %mul3A_485 = arith.muli %scan3A_41, %mul3A_484 : i32
        %add3A_486 = arith.constant 4 : i32
        %add3A_487 = arith.addi %mul3A_485, %add3A_486 : i32
        %slice3A_488 = vector.extract_strided_slice %mul3A_48 {offsets = [4], sizes = [1], strides = [1]} : vector<16xi32> to vector<1xi32>
        %squeeze3A_489 = vector.extract %slice3A_488[0] : i32 from vector<1xi32>
        %broadcast_in_dim3A_490 = vector.broadcast %squeeze3A_489 : i32 to vector<16xi32>
        %add3A_491 = arith.addi %broadcast_in_dim3A_490, %iota3A_4 : vector<16xi32>
        %get3A_492 = arith.index_cast %add3A_487 : i32 to index
        %get3A_493 = arith.constant 0 : index
        %get3A_494 = tpu.vector_load %arg11[%get3A_492, %get3A_493] {strides = array<i32>} : memref<128x128xf32, #tpu.memory_space<vmem>>, vector<16xf32>,
        %get3A_495 = arith.index_cast %add3A_487 : i32 to index
        %get3A_496 = arith.constant 0 : index
        %get3A_497 = tpu.vector_load %arg12[%get3A_495, %get3A_496] {strides = array<i32>} : memref<128x128xf32, #tpu.memory_space<vmem>>, vector<16xf32>,
        %mul3A_498 = arith.mulf %get3A_494, %get3A_497 : vector<16xf32>
        %gather3A_499 = tpu.vector_load_idx %arg13[%add3A_491] : memref<2048xf32, #tpu.memory_space<vmem>>[vector<16xi32>], vector<16xf32>,
        %mul3A_500 = arith.mulf %mul3A_498, %gather3A_499 : vector<16xf32>
        %get3A_501 = arith.index_cast %add3A_487 : i32 to index
        %get3A_502 = arith.constant 16 : index
        %get3A_503 = tpu.vector_load %arg11[%get3A_501, %get3A_502] {strides = array<i32>} : memref<128x128xf32, #tpu.memory_space<vmem>>, vector<16xf32>,
        %get3A_504 = arith.index_cast %add3A_487 : i32 to index
        %get3A_505 = arith.constant 16 : index
        %get3A_506 = tpu.vector_load %arg12[%get3A_504, %get3A_505] {strides = array<i32>} : memref<128x128xf32, #tpu.memory_space<vmem>>, vector<16xf32>,
        %mul3A_507 = arith.mulf %get3A_503, %get3A_506 : vector<16xf32>
        %add3A_508 = arith.constant 16 : i32
        %add3A_509 = vector.broadcast %add3A_508 : i32 to vector<16xi32>
        %add3A_510 = arith.addi %add3A_491, %add3A_509 : vector<16xi32>
        %gather3A_511 = tpu.vector_load_idx %arg13[%add3A_510] : memref<2048xf32, #tpu.memory_space<vmem>>[vector<16xi32>], vector<16xf32>,
        %mul3A_512 = arith.mulf %mul3A_507, %gather3A_511 : vector<16xf32>
        %add3A_513 = arith.addf %mul3A_500, %mul3A_512 : vector<16xf32>
        %get3A_514 = arith.index_cast %add3A_487 : i32 to index
        %get3A_515 = arith.constant 32 : index
        %get3A_516 = tpu.vector_load %arg11[%get3A_514, %get3A_515] {strides = array<i32>} : memref<128x128xf32, #tpu.memory_space<vmem>>, vector<16xf32>,
        %get3A_517 = arith.index_cast %add3A_487 : i32 to index
        %get3A_518 = arith.constant 32 : index
        %get3A_519 = tpu.vector_load %arg12[%get3A_517, %get3A_518] {strides = array<i32>} : memref<128x128xf32, #tpu.memory_space<vmem>>, vector<16xf32>,
        %mul3A_520 = arith.mulf %get3A_516, %get3A_519 : vector<16xf32>
        %add3A_521 = arith.constant 32 : i32
        %add3A_522 = vector.broadcast %add3A_521 : i32 to vector<16xi32>
        %add3A_523 = arith.addi %add3A_491, %add3A_522 : vector<16xi32>
        %gather3A_524 = tpu.vector_load_idx %arg13[%add3A_523] : memref<2048xf32, #tpu.memory_space<vmem>>[vector<16xi32>], vector<16xf32>,
        %mul3A_525 = arith.mulf %mul3A_520, %gather3A_524 : vector<16xf32>
        %add3A_526 = arith.addf %add3A_513, %mul3A_525 : vector<16xf32>
        %get3A_527 = arith.index_cast %add3A_487 : i32 to index
        %get3A_528 = arith.constant 48 : index
        %get3A_529 = tpu.vector_load %arg11[%get3A_527, %get3A_528] {strides = array<i32>} : memref<128x128xf32, #tpu.memory_space<vmem>>, vector<16xf32>,
        %get3A_530 = arith.index_cast %add3A_487 : i32 to index
        %get3A_531 = arith.constant 48 : index
        %get3A_532 = tpu.vector_load %arg12[%get3A_530, %get3A_531] {strides = array<i32>} : memref<128x128xf32, #tpu.memory_space<vmem>>, vector<16xf32>,
        %mul3A_533 = arith.mulf %get3A_529, %get3A_532 : vector<16xf32>
        %add3A_534 = arith.constant 48 : i32
        %add3A_535 = vector.broadcast %add3A_534 : i32 to vector<16xi32>
        %add3A_536 = arith.addi %add3A_491, %add3A_535 : vector<16xi32>
        %gather3A_537 = tpu.vector_load_idx %arg13[%add3A_536] : memref<2048xf32, #tpu.memory_space<vmem>>[vector<16xi32>], vector<16xf32>,
        %mul3A_538 = arith.mulf %mul3A_533, %gather3A_537 : vector<16xf32>
        %add3A_539 = arith.addf %add3A_526, %mul3A_538 : vector<16xf32>
        %get3A_540 = arith.index_cast %add3A_487 : i32 to index
        %get3A_541 = arith.constant 64 : index
        %get3A_542 = tpu.vector_load %arg11[%get3A_540, %get3A_541] {strides = array<i32>} : memref<128x128xf32, #tpu.memory_space<vmem>>, vector<16xf32>,
        %get3A_543 = arith.index_cast %add3A_487 : i32 to index
        %get3A_544 = arith.constant 64 : index
        %get3A_545 = tpu.vector_load %arg12[%get3A_543, %get3A_544] {strides = array<i32>} : memref<128x128xf32, #tpu.memory_space<vmem>>, vector<16xf32>,
        %mul3A_546 = arith.mulf %get3A_542, %get3A_545 : vector<16xf32>
        %add3A_547 = arith.constant 64 : i32
        %add3A_548 = vector.broadcast %add3A_547 : i32 to vector<16xi32>
        %add3A_549 = arith.addi %add3A_491, %add3A_548 : vector<16xi32>
        %gather3A_550 = tpu.vector_load_idx %arg13[%add3A_549] : memref<2048xf32, #tpu.memory_space<vmem>>[vector<16xi32>], vector<16xf32>,
        %mul3A_551 = arith.mulf %mul3A_546, %gather3A_550 : vector<16xf32>
        %add3A_552 = arith.addf %add3A_539, %mul3A_551 : vector<16xf32>
        %get3A_553 = arith.index_cast %add3A_487 : i32 to index
        %get3A_554 = arith.constant 80 : index
        %get3A_555 = tpu.vector_load %arg11[%get3A_553, %get3A_554] {strides = array<i32>} : memref<128x128xf32, #tpu.memory_space<vmem>>, vector<16xf32>,
        %get3A_556 = arith.index_cast %add3A_487 : i32 to index
        %get3A_557 = arith.constant 80 : index
        %get3A_558 = tpu.vector_load %arg12[%get3A_556, %get3A_557] {strides = array<i32>} : memref<128x128xf32, #tpu.memory_space<vmem>>, vector<16xf32>,
        %mul3A_559 = arith.mulf %get3A_555, %get3A_558 : vector<16xf32>
        %add3A_560 = arith.constant 80 : i32
        %add3A_561 = vector.broadcast %add3A_560 : i32 to vector<16xi32>
        %add3A_562 = arith.addi %add3A_491, %add3A_561 : vector<16xi32>
        %gather3A_563 = tpu.vector_load_idx %arg13[%add3A_562] : memref<2048xf32, #tpu.memory_space<vmem>>[vector<16xi32>], vector<16xf32>,
        %mul3A_564 = arith.mulf %mul3A_559, %gather3A_563 : vector<16xf32>
        %add3A_565 = arith.addf %add3A_552, %mul3A_564 : vector<16xf32>
        %get3A_566 = arith.index_cast %add3A_487 : i32 to index
        %get3A_567 = arith.constant 96 : index
        %get3A_568 = tpu.vector_load %arg11[%get3A_566, %get3A_567] {strides = array<i32>} : memref<128x128xf32, #tpu.memory_space<vmem>>, vector<16xf32>,
        %get3A_569 = arith.index_cast %add3A_487 : i32 to index
        %get3A_570 = arith.constant 96 : index
        %get3A_571 = tpu.vector_load %arg12[%get3A_569, %get3A_570] {strides = array<i32>} : memref<128x128xf32, #tpu.memory_space<vmem>>, vector<16xf32>,
        %mul3A_572 = arith.mulf %get3A_568, %get3A_571 : vector<16xf32>
        %add3A_573 = arith.constant 96 : i32
        %add3A_574 = vector.broadcast %add3A_573 : i32 to vector<16xi32>
        %add3A_575 = arith.addi %add3A_491, %add3A_574 : vector<16xi32>
        %gather3A_576 = tpu.vector_load_idx %arg13[%add3A_575] : memref<2048xf32, #tpu.memory_space<vmem>>[vector<16xi32>], vector<16xf32>,
        %mul3A_577 = arith.mulf %mul3A_572, %gather3A_576 : vector<16xf32>
        %add3A_578 = arith.addf %add3A_565, %mul3A_577 : vector<16xf32>
        %get3A_579 = arith.index_cast %add3A_487 : i32 to index
        %get3A_580 = arith.constant 112 : index
        %get3A_581 = tpu.vector_load %arg11[%get3A_579, %get3A_580] {strides = array<i32>} : memref<128x128xf32, #tpu.memory_space<vmem>>, vector<16xf32>,
        %get3A_582 = arith.index_cast %add3A_487 : i32 to index
        %get3A_583 = arith.constant 112 : index
        %get3A_584 = tpu.vector_load %arg12[%get3A_582, %get3A_583] {strides = array<i32>} : memref<128x128xf32, #tpu.memory_space<vmem>>, vector<16xf32>,
        %mul3A_585 = arith.mulf %get3A_581, %get3A_584 : vector<16xf32>
        %add3A_586 = arith.constant 112 : i32
        %add3A_587 = vector.broadcast %add3A_586 : i32 to vector<16xi32>
        %add3A_588 = arith.addi %add3A_491, %add3A_587 : vector<16xi32>
        %gather3A_589 = tpu.vector_load_idx %arg13[%add3A_588] : memref<2048xf32, #tpu.memory_space<vmem>>[vector<16xi32>], vector<16xf32>,
        %mul3A_590 = arith.mulf %mul3A_585, %gather3A_589 : vector<16xf32>
        %add3A_591 = arith.addf %add3A_578, %mul3A_590 : vector<16xf32>
        %swap3A_592 = arith.constant 64 : index
        %swap3A_593 = tpu.vector_load %arg15[%swap3A_592] {strides = array<i32>} : memref<256xf32, #tpu.memory_space<vmem>>, vector<16xf32>,
        tpu.vector_store %arg15[%swap3A_592], %add3A_591 {strides = array<i32>} : memref<256xf32, #tpu.memory_space<vmem>>, vector<16xf32>,
        %mul3A_594 = arith.constant 16 : i32
        %mul3A_595 = arith.muli %scan3A_41, %mul3A_594 : i32
        %add3A_596 = arith.constant 5 : i32
        %add3A_597 = arith.addi %mul3A_595, %add3A_596 : i32
        %slice3A_598 = vector.extract_strided_slice %mul3A_48 {offsets = [5], sizes = [1], strides = [1]} : vector<16xi32> to vector<1xi32>
        %squeeze3A_599 = vector.extract %slice3A_598[0] : i32 from vector<1xi32>
        %broadcast_in_dim3A_600 = vector.broadcast %squeeze3A_599 : i32 to vector<16xi32>
        %add3A_601 = arith.addi %broadcast_in_dim3A_600, %iota3A_4 : vector<16xi32>
        %get3A_602 = arith.index_cast %add3A_597 : i32 to index
        %get3A_603 = arith.constant 0 : index
        %get3A_604 = tpu.vector_load %arg11[%get3A_602, %get3A_603] {strides = array<i32>} : memref<128x128xf32, #tpu.memory_space<vmem>>, vector<16xf32>,
        %get3A_605 = arith.index_cast %add3A_597 : i32 to index
        %get3A_606 = arith.constant 0 : index
        %get3A_607 = tpu.vector_load %arg12[%get3A_605, %get3A_606] {strides = array<i32>} : memref<128x128xf32, #tpu.memory_space<vmem>>, vector<16xf32>,
        %mul3A_608 = arith.mulf %get3A_604, %get3A_607 : vector<16xf32>
        %gather3A_609 = tpu.vector_load_idx %arg13[%add3A_601] : memref<2048xf32, #tpu.memory_space<vmem>>[vector<16xi32>], vector<16xf32>,
        %mul3A_610 = arith.mulf %mul3A_608, %gather3A_609 : vector<16xf32>
        %get3A_611 = arith.index_cast %add3A_597 : i32 to index
        %get3A_612 = arith.constant 16 : index
        %get3A_613 = tpu.vector_load %arg11[%get3A_611, %get3A_612] {strides = array<i32>} : memref<128x128xf32, #tpu.memory_space<vmem>>, vector<16xf32>,
        %get3A_614 = arith.index_cast %add3A_597 : i32 to index
        %get3A_615 = arith.constant 16 : index
        %get3A_616 = tpu.vector_load %arg12[%get3A_614, %get3A_615] {strides = array<i32>} : memref<128x128xf32, #tpu.memory_space<vmem>>, vector<16xf32>,
        %mul3A_617 = arith.mulf %get3A_613, %get3A_616 : vector<16xf32>
        %add3A_618 = arith.constant 16 : i32
        %add3A_619 = vector.broadcast %add3A_618 : i32 to vector<16xi32>
        %add3A_620 = arith.addi %add3A_601, %add3A_619 : vector<16xi32>
        %gather3A_621 = tpu.vector_load_idx %arg13[%add3A_620] : memref<2048xf32, #tpu.memory_space<vmem>>[vector<16xi32>], vector<16xf32>,
        %mul3A_622 = arith.mulf %mul3A_617, %gather3A_621 : vector<16xf32>
        %add3A_623 = arith.addf %mul3A_610, %mul3A_622 : vector<16xf32>
        %get3A_624 = arith.index_cast %add3A_597 : i32 to index
        %get3A_625 = arith.constant 32 : index
        %get3A_626 = tpu.vector_load %arg11[%get3A_624, %get3A_625] {strides = array<i32>} : memref<128x128xf32, #tpu.memory_space<vmem>>, vector<16xf32>,
        %get3A_627 = arith.index_cast %add3A_597 : i32 to index
        %get3A_628 = arith.constant 32 : index
        %get3A_629 = tpu.vector_load %arg12[%get3A_627, %get3A_628] {strides = array<i32>} : memref<128x128xf32, #tpu.memory_space<vmem>>, vector<16xf32>,
        %mul3A_630 = arith.mulf %get3A_626, %get3A_629 : vector<16xf32>
        %add3A_631 = arith.constant 32 : i32
        %add3A_632 = vector.broadcast %add3A_631 : i32 to vector<16xi32>
        %add3A_633 = arith.addi %add3A_601, %add3A_632 : vector<16xi32>
        %gather3A_634 = tpu.vector_load_idx %arg13[%add3A_633] : memref<2048xf32, #tpu.memory_space<vmem>>[vector<16xi32>], vector<16xf32>,
        %mul3A_635 = arith.mulf %mul3A_630, %gather3A_634 : vector<16xf32>
        %add3A_636 = arith.addf %add3A_623, %mul3A_635 : vector<16xf32>
        %get3A_637 = arith.index_cast %add3A_597 : i32 to index
        %get3A_638 = arith.constant 48 : index
        %get3A_639 = tpu.vector_load %arg11[%get3A_637, %get3A_638] {strides = array<i32>} : memref<128x128xf32, #tpu.memory_space<vmem>>, vector<16xf32>,
        %get3A_640 = arith.index_cast %add3A_597 : i32 to index
        %get3A_641 = arith.constant 48 : index
        %get3A_642 = tpu.vector_load %arg12[%get3A_640, %get3A_641] {strides = array<i32>} : memref<128x128xf32, #tpu.memory_space<vmem>>, vector<16xf32>,
        %mul3A_643 = arith.mulf %get3A_639, %get3A_642 : vector<16xf32>
        %add3A_644 = arith.constant 48 : i32
        %add3A_645 = vector.broadcast %add3A_644 : i32 to vector<16xi32>
        %add3A_646 = arith.addi %add3A_601, %add3A_645 : vector<16xi32>
        %gather3A_647 = tpu.vector_load_idx %arg13[%add3A_646] : memref<2048xf32, #tpu.memory_space<vmem>>[vector<16xi32>], vector<16xf32>,
        %mul3A_648 = arith.mulf %mul3A_643, %gather3A_647 : vector<16xf32>
        %add3A_649 = arith.addf %add3A_636, %mul3A_648 : vector<16xf32>
        %get3A_650 = arith.index_cast %add3A_597 : i32 to index
        %get3A_651 = arith.constant 64 : index
        %get3A_652 = tpu.vector_load %arg11[%get3A_650, %get3A_651] {strides = array<i32>} : memref<128x128xf32, #tpu.memory_space<vmem>>, vector<16xf32>,
        %get3A_653 = arith.index_cast %add3A_597 : i32 to index
        %get3A_654 = arith.constant 64 : index
        %get3A_655 = tpu.vector_load %arg12[%get3A_653, %get3A_654] {strides = array<i32>} : memref<128x128xf32, #tpu.memory_space<vmem>>, vector<16xf32>,
        %mul3A_656 = arith.mulf %get3A_652, %get3A_655 : vector<16xf32>
        %add3A_657 = arith.constant 64 : i32
        %add3A_658 = vector.broadcast %add3A_657 : i32 to vector<16xi32>
        %add3A_659 = arith.addi %add3A_601, %add3A_658 : vector<16xi32>
        %gather3A_660 = tpu.vector_load_idx %arg13[%add3A_659] : memref<2048xf32, #tpu.memory_space<vmem>>[vector<16xi32>], vector<16xf32>,
        %mul3A_661 = arith.mulf %mul3A_656, %gather3A_660 : vector<16xf32>
        %add3A_662 = arith.addf %add3A_649, %mul3A_661 : vector<16xf32>
        %get3A_663 = arith.index_cast %add3A_597 : i32 to index
        %get3A_664 = arith.constant 80 : index
        %get3A_665 = tpu.vector_load %arg11[%get3A_663, %get3A_664] {strides = array<i32>} : memref<128x128xf32, #tpu.memory_space<vmem>>, vector<16xf32>,
        %get3A_666 = arith.index_cast %add3A_597 : i32 to index
        %get3A_667 = arith.constant 80 : index
        %get3A_668 = tpu.vector_load %arg12[%get3A_666, %get3A_667] {strides = array<i32>} : memref<128x128xf32, #tpu.memory_space<vmem>>, vector<16xf32>,
        %mul3A_669 = arith.mulf %get3A_665, %get3A_668 : vector<16xf32>
        %add3A_670 = arith.constant 80 : i32
        %add3A_671 = vector.broadcast %add3A_670 : i32 to vector<16xi32>
        %add3A_672 = arith.addi %add3A_601, %add3A_671 : vector<16xi32>
        %gather3A_673 = tpu.vector_load_idx %arg13[%add3A_672] : memref<2048xf32, #tpu.memory_space<vmem>>[vector<16xi32>], vector<16xf32>,
        %mul3A_674 = arith.mulf %mul3A_669, %gather3A_673 : vector<16xf32>
        %add3A_675 = arith.addf %add3A_662, %mul3A_674 : vector<16xf32>
        %get3A_676 = arith.index_cast %add3A_597 : i32 to index
        %get3A_677 = arith.constant 96 : index
        %get3A_678 = tpu.vector_load %arg11[%get3A_676, %get3A_677] {strides = array<i32>} : memref<128x128xf32, #tpu.memory_space<vmem>>, vector<16xf32>,
        %get3A_679 = arith.index_cast %add3A_597 : i32 to index
        %get3A_680 = arith.constant 96 : index
        %get3A_681 = tpu.vector_load %arg12[%get3A_679, %get3A_680] {strides = array<i32>} : memref<128x128xf32, #tpu.memory_space<vmem>>, vector<16xf32>,
        %mul3A_682 = arith.mulf %get3A_678, %get3A_681 : vector<16xf32>
        %add3A_683 = arith.constant 96 : i32
        %add3A_684 = vector.broadcast %add3A_683 : i32 to vector<16xi32>
        %add3A_685 = arith.addi %add3A_601, %add3A_684 : vector<16xi32>
        %gather3A_686 = tpu.vector_load_idx %arg13[%add3A_685] : memref<2048xf32, #tpu.memory_space<vmem>>[vector<16xi32>], vector<16xf32>,
        %mul3A_687 = arith.mulf %mul3A_682, %gather3A_686 : vector<16xf32>
        %add3A_688 = arith.addf %add3A_675, %mul3A_687 : vector<16xf32>
        %get3A_689 = arith.index_cast %add3A_597 : i32 to index
        %get3A_690 = arith.constant 112 : index
        %get3A_691 = tpu.vector_load %arg11[%get3A_689, %get3A_690] {strides = array<i32>} : memref<128x128xf32, #tpu.memory_space<vmem>>, vector<16xf32>,
        %get3A_692 = arith.index_cast %add3A_597 : i32 to index
        %get3A_693 = arith.constant 112 : index
        %get3A_694 = tpu.vector_load %arg12[%get3A_692, %get3A_693] {strides = array<i32>} : memref<128x128xf32, #tpu.memory_space<vmem>>, vector<16xf32>,
        %mul3A_695 = arith.mulf %get3A_691, %get3A_694 : vector<16xf32>
        %add3A_696 = arith.constant 112 : i32
        %add3A_697 = vector.broadcast %add3A_696 : i32 to vector<16xi32>
        %add3A_698 = arith.addi %add3A_601, %add3A_697 : vector<16xi32>
        %gather3A_699 = tpu.vector_load_idx %arg13[%add3A_698] : memref<2048xf32, #tpu.memory_space<vmem>>[vector<16xi32>], vector<16xf32>,
        %mul3A_700 = arith.mulf %mul3A_695, %gather3A_699 : vector<16xf32>
        %add3A_701 = arith.addf %add3A_688, %mul3A_700 : vector<16xf32>
        %swap3A_702 = arith.constant 80 : index
        %swap3A_703 = tpu.vector_load %arg15[%swap3A_702] {strides = array<i32>} : memref<256xf32, #tpu.memory_space<vmem>>, vector<16xf32>,
        tpu.vector_store %arg15[%swap3A_702], %add3A_701 {strides = array<i32>} : memref<256xf32, #tpu.memory_space<vmem>>, vector<16xf32>,
        %mul3A_704 = arith.constant 16 : i32
        %mul3A_705 = arith.muli %scan3A_41, %mul3A_704 : i32
        %add3A_706 = arith.constant 6 : i32
        %add3A_707 = arith.addi %mul3A_705, %add3A_706 : i32
        %slice3A_708 = vector.extract_strided_slice %mul3A_48 {offsets = [6], sizes = [1], strides = [1]} : vector<16xi32> to vector<1xi32>
        %squeeze3A_709 = vector.extract %slice3A_708[0] : i32 from vector<1xi32>
        %broadcast_in_dim3A_710 = vector.broadcast %squeeze3A_709 : i32 to vector<16xi32>
        %add3A_711 = arith.addi %broadcast_in_dim3A_710, %iota3A_4 : vector<16xi32>
        %get3A_712 = arith.index_cast %add3A_707 : i32 to index
        %get3A_713 = arith.constant 0 : index
        %get3A_714 = tpu.vector_load %arg11[%get3A_712, %get3A_713] {strides = array<i32>} : memref<128x128xf32, #tpu.memory_space<vmem>>, vector<16xf32>,
        %get3A_715 = arith.index_cast %add3A_707 : i32 to index
        %get3A_716 = arith.constant 0 : index
        %get3A_717 = tpu.vector_load %arg12[%get3A_715, %get3A_716] {strides = array<i32>} : memref<128x128xf32, #tpu.memory_space<vmem>>, vector<16xf32>,
        %mul3A_718 = arith.mulf %get3A_714, %get3A_717 : vector<16xf32>
        %gather3A_719 = tpu.vector_load_idx %arg13[%add3A_711] : memref<2048xf32, #tpu.memory_space<vmem>>[vector<16xi32>], vector<16xf32>,
        %mul3A_720 = arith.mulf %mul3A_718, %gather3A_719 : vector<16xf32>
        %get3A_721 = arith.index_cast %add3A_707 : i32 to index
        %get3A_722 = arith.constant 16 : index
        %get3A_723 = tpu.vector_load %arg11[%get3A_721, %get3A_722] {strides = array<i32>} : memref<128x128xf32, #tpu.memory_space<vmem>>, vector<16xf32>,
        %get3A_724 = arith.index_cast %add3A_707 : i32 to index
        %get3A_725 = arith.constant 16 : index
        %get3A_726 = tpu.vector_load %arg12[%get3A_724, %get3A_725] {strides = array<i32>} : memref<128x128xf32, #tpu.memory_space<vmem>>, vector<16xf32>,
        %mul3A_727 = arith.mulf %get3A_723, %get3A_726 : vector<16xf32>
        %add3A_728 = arith.constant 16 : i32
        %add3A_729 = vector.broadcast %add3A_728 : i32 to vector<16xi32>
        %add3A_730 = arith.addi %add3A_711, %add3A_729 : vector<16xi32>
        %gather3A_731 = tpu.vector_load_idx %arg13[%add3A_730] : memref<2048xf32, #tpu.memory_space<vmem>>[vector<16xi32>], vector<16xf32>,
        %mul3A_732 = arith.mulf %mul3A_727, %gather3A_731 : vector<16xf32>
        %add3A_733 = arith.addf %mul3A_720, %mul3A_732 : vector<16xf32>
        %get3A_734 = arith.index_cast %add3A_707 : i32 to index
        %get3A_735 = arith.constant 32 : index
        %get3A_736 = tpu.vector_load %arg11[%get3A_734, %get3A_735] {strides = array<i32>} : memref<128x128xf32, #tpu.memory_space<vmem>>, vector<16xf32>,
        %get3A_737 = arith.index_cast %add3A_707 : i32 to index
        %get3A_738 = arith.constant 32 : index
        %get3A_739 = tpu.vector_load %arg12[%get3A_737, %get3A_738] {strides = array<i32>} : memref<128x128xf32, #tpu.memory_space<vmem>>, vector<16xf32>,
        %mul3A_740 = arith.mulf %get3A_736, %get3A_739 : vector<16xf32>
        %add3A_741 = arith.constant 32 : i32
        %add3A_742 = vector.broadcast %add3A_741 : i32 to vector<16xi32>
        %add3A_743 = arith.addi %add3A_711, %add3A_742 : vector<16xi32>
        %gather3A_744 = tpu.vector_load_idx %arg13[%add3A_743] : memref<2048xf32, #tpu.memory_space<vmem>>[vector<16xi32>], vector<16xf32>,
        %mul3A_745 = arith.mulf %mul3A_740, %gather3A_744 : vector<16xf32>
        %add3A_746 = arith.addf %add3A_733, %mul3A_745 : vector<16xf32>
        %get3A_747 = arith.index_cast %add3A_707 : i32 to index
        %get3A_748 = arith.constant 48 : index
        %get3A_749 = tpu.vector_load %arg11[%get3A_747, %get3A_748] {strides = array<i32>} : memref<128x128xf32, #tpu.memory_space<vmem>>, vector<16xf32>,
        %get3A_750 = arith.index_cast %add3A_707 : i32 to index
        %get3A_751 = arith.constant 48 : index
        %get3A_752 = tpu.vector_load %arg12[%get3A_750, %get3A_751] {strides = array<i32>} : memref<128x128xf32, #tpu.memory_space<vmem>>, vector<16xf32>,
        %mul3A_753 = arith.mulf %get3A_749, %get3A_752 : vector<16xf32>
        %add3A_754 = arith.constant 48 : i32
        %add3A_755 = vector.broadcast %add3A_754 : i32 to vector<16xi32>
        %add3A_756 = arith.addi %add3A_711, %add3A_755 : vector<16xi32>
        %gather3A_757 = tpu.vector_load_idx %arg13[%add3A_756] : memref<2048xf32, #tpu.memory_space<vmem>>[vector<16xi32>], vector<16xf32>,
        %mul3A_758 = arith.mulf %mul3A_753, %gather3A_757 : vector<16xf32>
        %add3A_759 = arith.addf %add3A_746, %mul3A_758 : vector<16xf32>
        %get3A_760 = arith.index_cast %add3A_707 : i32 to index
        %get3A_761 = arith.constant 64 : index
        %get3A_762 = tpu.vector_load %arg11[%get3A_760, %get3A_761] {strides = array<i32>} : memref<128x128xf32, #tpu.memory_space<vmem>>, vector<16xf32>,
        %get3A_763 = arith.index_cast %add3A_707 : i32 to index
        %get3A_764 = arith.constant 64 : index
        %get3A_765 = tpu.vector_load %arg12[%get3A_763, %get3A_764] {strides = array<i32>} : memref<128x128xf32, #tpu.memory_space<vmem>>, vector<16xf32>,
        %mul3A_766 = arith.mulf %get3A_762, %get3A_765 : vector<16xf32>
        %add3A_767 = arith.constant 64 : i32
        %add3A_768 = vector.broadcast %add3A_767 : i32 to vector<16xi32>
        %add3A_769 = arith.addi %add3A_711, %add3A_768 : vector<16xi32>
        %gather3A_770 = tpu.vector_load_idx %arg13[%add3A_769] : memref<2048xf32, #tpu.memory_space<vmem>>[vector<16xi32>], vector<16xf32>,
        %mul3A_771 = arith.mulf %mul3A_766, %gather3A_770 : vector<16xf32>
        %add3A_772 = arith.addf %add3A_759, %mul3A_771 : vector<16xf32>
        %get3A_773 = arith.index_cast %add3A_707 : i32 to index
        %get3A_774 = arith.constant 80 : index
        %get3A_775 = tpu.vector_load %arg11[%get3A_773, %get3A_774] {strides = array<i32>} : memref<128x128xf32, #tpu.memory_space<vmem>>, vector<16xf32>,
        %get3A_776 = arith.index_cast %add3A_707 : i32 to index
        %get3A_777 = arith.constant 80 : index
        %get3A_778 = tpu.vector_load %arg12[%get3A_776, %get3A_777] {strides = array<i32>} : memref<128x128xf32, #tpu.memory_space<vmem>>, vector<16xf32>,
        %mul3A_779 = arith.mulf %get3A_775, %get3A_778 : vector<16xf32>
        %add3A_780 = arith.constant 80 : i32
        %add3A_781 = vector.broadcast %add3A_780 : i32 to vector<16xi32>
        %add3A_782 = arith.addi %add3A_711, %add3A_781 : vector<16xi32>
        %gather3A_783 = tpu.vector_load_idx %arg13[%add3A_782] : memref<2048xf32, #tpu.memory_space<vmem>>[vector<16xi32>], vector<16xf32>,
        %mul3A_784 = arith.mulf %mul3A_779, %gather3A_783 : vector<16xf32>
        %add3A_785 = arith.addf %add3A_772, %mul3A_784 : vector<16xf32>
        %get3A_786 = arith.index_cast %add3A_707 : i32 to index
        %get3A_787 = arith.constant 96 : index
        %get3A_788 = tpu.vector_load %arg11[%get3A_786, %get3A_787] {strides = array<i32>} : memref<128x128xf32, #tpu.memory_space<vmem>>, vector<16xf32>,
        %get3A_789 = arith.index_cast %add3A_707 : i32 to index
        %get3A_790 = arith.constant 96 : index
        %get3A_791 = tpu.vector_load %arg12[%get3A_789, %get3A_790] {strides = array<i32>} : memref<128x128xf32, #tpu.memory_space<vmem>>, vector<16xf32>,
        %mul3A_792 = arith.mulf %get3A_788, %get3A_791 : vector<16xf32>
        %add3A_793 = arith.constant 96 : i32
        %add3A_794 = vector.broadcast %add3A_793 : i32 to vector<16xi32>
        %add3A_795 = arith.addi %add3A_711, %add3A_794 : vector<16xi32>
        %gather3A_796 = tpu.vector_load_idx %arg13[%add3A_795] : memref<2048xf32, #tpu.memory_space<vmem>>[vector<16xi32>], vector<16xf32>,
        %mul3A_797 = arith.mulf %mul3A_792, %gather3A_796 : vector<16xf32>
        %add3A_798 = arith.addf %add3A_785, %mul3A_797 : vector<16xf32>
        %get3A_799 = arith.index_cast %add3A_707 : i32 to index
        %get3A_800 = arith.constant 112 : index
        %get3A_801 = tpu.vector_load %arg11[%get3A_799, %get3A_800] {strides = array<i32>} : memref<128x128xf32, #tpu.memory_space<vmem>>, vector<16xf32>,
        %get3A_802 = arith.index_cast %add3A_707 : i32 to index
        %get3A_803 = arith.constant 112 : index
        %get3A_804 = tpu.vector_load %arg12[%get3A_802, %get3A_803] {strides = array<i32>} : memref<128x128xf32, #tpu.memory_space<vmem>>, vector<16xf32>,
        %mul3A_805 = arith.mulf %get3A_801, %get3A_804 : vector<16xf32>
        %add3A_806 = arith.constant 112 : i32
        %add3A_807 = vector.broadcast %add3A_806 : i32 to vector<16xi32>
        %add3A_808 = arith.addi %add3A_711, %add3A_807 : vector<16xi32>
        %gather3A_809 = tpu.vector_load_idx %arg13[%add3A_808] : memref<2048xf32, #tpu.memory_space<vmem>>[vector<16xi32>], vector<16xf32>,
        %mul3A_810 = arith.mulf %mul3A_805, %gather3A_809 : vector<16xf32>
        %add3A_811 = arith.addf %add3A_798, %mul3A_810 : vector<16xf32>
        %swap3A_812 = arith.constant 96 : index
        %swap3A_813 = tpu.vector_load %arg15[%swap3A_812] {strides = array<i32>} : memref<256xf32, #tpu.memory_space<vmem>>, vector<16xf32>,
        tpu.vector_store %arg15[%swap3A_812], %add3A_811 {strides = array<i32>} : memref<256xf32, #tpu.memory_space<vmem>>, vector<16xf32>,
        %mul3A_814 = arith.constant 16 : i32
        %mul3A_815 = arith.muli %scan3A_41, %mul3A_814 : i32
        %add3A_816 = arith.constant 7 : i32
        %add3A_817 = arith.addi %mul3A_815, %add3A_816 : i32
        %slice3A_818 = vector.extract_strided_slice %mul3A_48 {offsets = [7], sizes = [1], strides = [1]} : vector<16xi32> to vector<1xi32>
        %squeeze3A_819 = vector.extract %slice3A_818[0] : i32 from vector<1xi32>
        %broadcast_in_dim3A_820 = vector.broadcast %squeeze3A_819 : i32 to vector<16xi32>
        %add3A_821 = arith.addi %broadcast_in_dim3A_820, %iota3A_4 : vector<16xi32>
        %get3A_822 = arith.index_cast %add3A_817 : i32 to index
        %get3A_823 = arith.constant 0 : index
        %get3A_824 = tpu.vector_load %arg11[%get3A_822, %get3A_823] {strides = array<i32>} : memref<128x128xf32, #tpu.memory_space<vmem>>, vector<16xf32>,
        %get3A_825 = arith.index_cast %add3A_817 : i32 to index
        %get3A_826 = arith.constant 0 : index
        %get3A_827 = tpu.vector_load %arg12[%get3A_825, %get3A_826] {strides = array<i32>} : memref<128x128xf32, #tpu.memory_space<vmem>>, vector<16xf32>,
        %mul3A_828 = arith.mulf %get3A_824, %get3A_827 : vector<16xf32>
        %gather3A_829 = tpu.vector_load_idx %arg13[%add3A_821] : memref<2048xf32, #tpu.memory_space<vmem>>[vector<16xi32>], vector<16xf32>,
        %mul3A_830 = arith.mulf %mul3A_828, %gather3A_829 : vector<16xf32>
        %get3A_831 = arith.index_cast %add3A_817 : i32 to index
        %get3A_832 = arith.constant 16 : index
        %get3A_833 = tpu.vector_load %arg11[%get3A_831, %get3A_832] {strides = array<i32>} : memref<128x128xf32, #tpu.memory_space<vmem>>, vector<16xf32>,
        %get3A_834 = arith.index_cast %add3A_817 : i32 to index
        %get3A_835 = arith.constant 16 : index
        %get3A_836 = tpu.vector_load %arg12[%get3A_834, %get3A_835] {strides = array<i32>} : memref<128x128xf32, #tpu.memory_space<vmem>>, vector<16xf32>,
        %mul3A_837 = arith.mulf %get3A_833, %get3A_836 : vector<16xf32>
        %add3A_838 = arith.constant 16 : i32
        %add3A_839 = vector.broadcast %add3A_838 : i32 to vector<16xi32>
        %add3A_840 = arith.addi %add3A_821, %add3A_839 : vector<16xi32>
        %gather3A_841 = tpu.vector_load_idx %arg13[%add3A_840] : memref<2048xf32, #tpu.memory_space<vmem>>[vector<16xi32>], vector<16xf32>,
        %mul3A_842 = arith.mulf %mul3A_837, %gather3A_841 : vector<16xf32>
        %add3A_843 = arith.addf %mul3A_830, %mul3A_842 : vector<16xf32>
        %get3A_844 = arith.index_cast %add3A_817 : i32 to index
        %get3A_845 = arith.constant 32 : index
        %get3A_846 = tpu.vector_load %arg11[%get3A_844, %get3A_845] {strides = array<i32>} : memref<128x128xf32, #tpu.memory_space<vmem>>, vector<16xf32>,
        %get3A_847 = arith.index_cast %add3A_817 : i32 to index
        %get3A_848 = arith.constant 32 : index
        %get3A_849 = tpu.vector_load %arg12[%get3A_847, %get3A_848] {strides = array<i32>} : memref<128x128xf32, #tpu.memory_space<vmem>>, vector<16xf32>,
        %mul3A_850 = arith.mulf %get3A_846, %get3A_849 : vector<16xf32>
        %add3A_851 = arith.constant 32 : i32
        %add3A_852 = vector.broadcast %add3A_851 : i32 to vector<16xi32>
        %add3A_853 = arith.addi %add3A_821, %add3A_852 : vector<16xi32>
        %gather3A_854 = tpu.vector_load_idx %arg13[%add3A_853] : memref<2048xf32, #tpu.memory_space<vmem>>[vector<16xi32>], vector<16xf32>,
        %mul3A_855 = arith.mulf %mul3A_850, %gather3A_854 : vector<16xf32>
        %add3A_856 = arith.addf %add3A_843, %mul3A_855 : vector<16xf32>
        %get3A_857 = arith.index_cast %add3A_817 : i32 to index
        %get3A_858 = arith.constant 48 : index
        %get3A_859 = tpu.vector_load %arg11[%get3A_857, %get3A_858] {strides = array<i32>} : memref<128x128xf32, #tpu.memory_space<vmem>>, vector<16xf32>,
        %get3A_860 = arith.index_cast %add3A_817 : i32 to index
        %get3A_861 = arith.constant 48 : index
        %get3A_862 = tpu.vector_load %arg12[%get3A_860, %get3A_861] {strides = array<i32>} : memref<128x128xf32, #tpu.memory_space<vmem>>, vector<16xf32>,
        %mul3A_863 = arith.mulf %get3A_859, %get3A_862 : vector<16xf32>
        %add3A_864 = arith.constant 48 : i32
        %add3A_865 = vector.broadcast %add3A_864 : i32 to vector<16xi32>
        %add3A_866 = arith.addi %add3A_821, %add3A_865 : vector<16xi32>
        %gather3A_867 = tpu.vector_load_idx %arg13[%add3A_866] : memref<2048xf32, #tpu.memory_space<vmem>>[vector<16xi32>], vector<16xf32>,
        %mul3A_868 = arith.mulf %mul3A_863, %gather3A_867 : vector<16xf32>
        %add3A_869 = arith.addf %add3A_856, %mul3A_868 : vector<16xf32>
        %get3A_870 = arith.index_cast %add3A_817 : i32 to index
        %get3A_871 = arith.constant 64 : index
        %get3A_872 = tpu.vector_load %arg11[%get3A_870, %get3A_871] {strides = array<i32>} : memref<128x128xf32, #tpu.memory_space<vmem>>, vector<16xf32>,
        %get3A_873 = arith.index_cast %add3A_817 : i32 to index
        %get3A_874 = arith.constant 64 : index
        %get3A_875 = tpu.vector_load %arg12[%get3A_873, %get3A_874] {strides = array<i32>} : memref<128x128xf32, #tpu.memory_space<vmem>>, vector<16xf32>,
        %mul3A_876 = arith.mulf %get3A_872, %get3A_875 : vector<16xf32>
        %add3A_877 = arith.constant 64 : i32
        %add3A_878 = vector.broadcast %add3A_877 : i32 to vector<16xi32>
        %add3A_879 = arith.addi %add3A_821, %add3A_878 : vector<16xi32>
        %gather3A_880 = tpu.vector_load_idx %arg13[%add3A_879] : memref<2048xf32, #tpu.memory_space<vmem>>[vector<16xi32>], vector<16xf32>,
        %mul3A_881 = arith.mulf %mul3A_876, %gather3A_880 : vector<16xf32>
        %add3A_882 = arith.addf %add3A_869, %mul3A_881 : vector<16xf32>
        %get3A_883 = arith.index_cast %add3A_817 : i32 to index
        %get3A_884 = arith.constant 80 : index
        %get3A_885 = tpu.vector_load %arg11[%get3A_883, %get3A_884] {strides = array<i32>} : memref<128x128xf32, #tpu.memory_space<vmem>>, vector<16xf32>,
        %get3A_886 = arith.index_cast %add3A_817 : i32 to index
        %get3A_887 = arith.constant 80 : index
        %get3A_888 = tpu.vector_load %arg12[%get3A_886, %get3A_887] {strides = array<i32>} : memref<128x128xf32, #tpu.memory_space<vmem>>, vector<16xf32>,
        %mul3A_889 = arith.mulf %get3A_885, %get3A_888 : vector<16xf32>
        %add3A_890 = arith.constant 80 : i32
        %add3A_891 = vector.broadcast %add3A_890 : i32 to vector<16xi32>
        %add3A_892 = arith.addi %add3A_821, %add3A_891 : vector<16xi32>
        %gather3A_893 = tpu.vector_load_idx %arg13[%add3A_892] : memref<2048xf32, #tpu.memory_space<vmem>>[vector<16xi32>], vector<16xf32>,
        %mul3A_894 = arith.mulf %mul3A_889, %gather3A_893 : vector<16xf32>
        %add3A_895 = arith.addf %add3A_882, %mul3A_894 : vector<16xf32>
        %get3A_896 = arith.index_cast %add3A_817 : i32 to index
        %get3A_897 = arith.constant 96 : index
        %get3A_898 = tpu.vector_load %arg11[%get3A_896, %get3A_897] {strides = array<i32>} : memref<128x128xf32, #tpu.memory_space<vmem>>, vector<16xf32>,
        %get3A_899 = arith.index_cast %add3A_817 : i32 to index
        %get3A_900 = arith.constant 96 : index
        %get3A_901 = tpu.vector_load %arg12[%get3A_899, %get3A_900] {strides = array<i32>} : memref<128x128xf32, #tpu.memory_space<vmem>>, vector<16xf32>,
        %mul3A_902 = arith.mulf %get3A_898, %get3A_901 : vector<16xf32>
        %add3A_903 = arith.constant 96 : i32
        %add3A_904 = vector.broadcast %add3A_903 : i32 to vector<16xi32>
        %add3A_905 = arith.addi %add3A_821, %add3A_904 : vector<16xi32>
        %gather3A_906 = tpu.vector_load_idx %arg13[%add3A_905] : memref<2048xf32, #tpu.memory_space<vmem>>[vector<16xi32>], vector<16xf32>,
        %mul3A_907 = arith.mulf %mul3A_902, %gather3A_906 : vector<16xf32>
        %add3A_908 = arith.addf %add3A_895, %mul3A_907 : vector<16xf32>
        %get3A_909 = arith.index_cast %add3A_817 : i32 to index
        %get3A_910 = arith.constant 112 : index
        %get3A_911 = tpu.vector_load %arg11[%get3A_909, %get3A_910] {strides = array<i32>} : memref<128x128xf32, #tpu.memory_space<vmem>>, vector<16xf32>,
        %get3A_912 = arith.index_cast %add3A_817 : i32 to index
        %get3A_913 = arith.constant 112 : index
        %get3A_914 = tpu.vector_load %arg12[%get3A_912, %get3A_913] {strides = array<i32>} : memref<128x128xf32, #tpu.memory_space<vmem>>, vector<16xf32>,
        %mul3A_915 = arith.mulf %get3A_911, %get3A_914 : vector<16xf32>
        %add3A_916 = arith.constant 112 : i32
        %add3A_917 = vector.broadcast %add3A_916 : i32 to vector<16xi32>
        %add3A_918 = arith.addi %add3A_821, %add3A_917 : vector<16xi32>
        %gather3A_919 = tpu.vector_load_idx %arg13[%add3A_918] : memref<2048xf32, #tpu.memory_space<vmem>>[vector<16xi32>], vector<16xf32>,
        %mul3A_920 = arith.mulf %mul3A_915, %gather3A_919 : vector<16xf32>
        %add3A_921 = arith.addf %add3A_908, %mul3A_920 : vector<16xf32>
        %swap3A_922 = arith.constant 112 : index
        %swap3A_923 = tpu.vector_load %arg15[%swap3A_922] {strides = array<i32>} : memref<256xf32, #tpu.memory_space<vmem>>, vector<16xf32>,
        tpu.vector_store %arg15[%swap3A_922], %add3A_921 {strides = array<i32>} : memref<256xf32, #tpu.memory_space<vmem>>, vector<16xf32>,
        %mul3A_924 = arith.constant 16 : i32
        %mul3A_925 = arith.muli %scan3A_41, %mul3A_924 : i32
        %add3A_926 = arith.constant 8 : i32
        %add3A_927 = arith.addi %mul3A_925, %add3A_926 : i32
        %slice3A_928 = vector.extract_strided_slice %mul3A_48 {offsets = [8], sizes = [1], strides = [1]} : vector<16xi32> to vector<1xi32>
        %squeeze3A_929 = vector.extract %slice3A_928[0] : i32 from vector<1xi32>
        %broadcast_in_dim3A_930 = vector.broadcast %squeeze3A_929 : i32 to vector<16xi32>
        %add3A_931 = arith.addi %broadcast_in_dim3A_930, %iota3A_4 : vector<16xi32>
        %get3A_932 = arith.index_cast %add3A_927 : i32 to index
        %get3A_933 = arith.constant 0 : index
        %get3A_934 = tpu.vector_load %arg11[%get3A_932, %get3A_933] {strides = array<i32>} : memref<128x128xf32, #tpu.memory_space<vmem>>, vector<16xf32>,
        %get3A_935 = arith.index_cast %add3A_927 : i32 to index
        %get3A_936 = arith.constant 0 : index
        %get3A_937 = tpu.vector_load %arg12[%get3A_935, %get3A_936] {strides = array<i32>} : memref<128x128xf32, #tpu.memory_space<vmem>>, vector<16xf32>,
        %mul3A_938 = arith.mulf %get3A_934, %get3A_937 : vector<16xf32>
        %gather3A_939 = tpu.vector_load_idx %arg13[%add3A_931] : memref<2048xf32, #tpu.memory_space<vmem>>[vector<16xi32>], vector<16xf32>,
        %mul3A_940 = arith.mulf %mul3A_938, %gather3A_939 : vector<16xf32>
        %get3A_941 = arith.index_cast %add3A_927 : i32 to index
        %get3A_942 = arith.constant 16 : index
        %get3A_943 = tpu.vector_load %arg11[%get3A_941, %get3A_942] {strides = array<i32>} : memref<128x128xf32, #tpu.memory_space<vmem>>, vector<16xf32>,
        %get3A_944 = arith.index_cast %add3A_927 : i32 to index
        %get3A_945 = arith.constant 16 : index
        %get3A_946 = tpu.vector_load %arg12[%get3A_944, %get3A_945] {strides = array<i32>} : memref<128x128xf32, #tpu.memory_space<vmem>>, vector<16xf32>,
        %mul3A_947 = arith.mulf %get3A_943, %get3A_946 : vector<16xf32>
        %add3A_948 = arith.constant 16 : i32
        %add3A_949 = vector.broadcast %add3A_948 : i32 to vector<16xi32>
        %add3A_950 = arith.addi %add3A_931, %add3A_949 : vector<16xi32>
        %gather3A_951 = tpu.vector_load_idx %arg13[%add3A_950] : memref<2048xf32, #tpu.memory_space<vmem>>[vector<16xi32>], vector<16xf32>,
        %mul3A_952 = arith.mulf %mul3A_947, %gather3A_951 : vector<16xf32>
        %add3A_953 = arith.addf %mul3A_940, %mul3A_952 : vector<16xf32>
        %get3A_954 = arith.index_cast %add3A_927 : i32 to index
        %get3A_955 = arith.constant 32 : index
        %get3A_956 = tpu.vector_load %arg11[%get3A_954, %get3A_955] {strides = array<i32>} : memref<128x128xf32, #tpu.memory_space<vmem>>, vector<16xf32>,
        %get3A_957 = arith.index_cast %add3A_927 : i32 to index
        %get3A_958 = arith.constant 32 : index
        %get3A_959 = tpu.vector_load %arg12[%get3A_957, %get3A_958] {strides = array<i32>} : memref<128x128xf32, #tpu.memory_space<vmem>>, vector<16xf32>,
        %mul3A_960 = arith.mulf %get3A_956, %get3A_959 : vector<16xf32>
        %add3A_961 = arith.constant 32 : i32
        %add3A_962 = vector.broadcast %add3A_961 : i32 to vector<16xi32>
        %add3A_963 = arith.addi %add3A_931, %add3A_962 : vector<16xi32>
        %gather3A_964 = tpu.vector_load_idx %arg13[%add3A_963] : memref<2048xf32, #tpu.memory_space<vmem>>[vector<16xi32>], vector<16xf32>,
        %mul3A_965 = arith.mulf %mul3A_960, %gather3A_964 : vector<16xf32>
        %add3A_966 = arith.addf %add3A_953, %mul3A_965 : vector<16xf32>
        %get3A_967 = arith.index_cast %add3A_927 : i32 to index
        %get3A_968 = arith.constant 48 : index
        %get3A_969 = tpu.vector_load %arg11[%get3A_967, %get3A_968] {strides = array<i32>} : memref<128x128xf32, #tpu.memory_space<vmem>>, vector<16xf32>,
        %get3A_970 = arith.index_cast %add3A_927 : i32 to index
        %get3A_971 = arith.constant 48 : index
        %get3A_972 = tpu.vector_load %arg12[%get3A_970, %get3A_971] {strides = array<i32>} : memref<128x128xf32, #tpu.memory_space<vmem>>, vector<16xf32>,
        %mul3A_973 = arith.mulf %get3A_969, %get3A_972 : vector<16xf32>
        %add3A_974 = arith.constant 48 : i32
        %add3A_975 = vector.broadcast %add3A_974 : i32 to vector<16xi32>
        %add3A_976 = arith.addi %add3A_931, %add3A_975 : vector<16xi32>
        %gather3A_977 = tpu.vector_load_idx %arg13[%add3A_976] : memref<2048xf32, #tpu.memory_space<vmem>>[vector<16xi32>], vector<16xf32>,
        %mul3A_978 = arith.mulf %mul3A_973, %gather3A_977 : vector<16xf32>
        %add3A_979 = arith.addf %add3A_966, %mul3A_978 : vector<16xf32>
        %get3A_980 = arith.index_cast %add3A_927 : i32 to index
        %get3A_981 = arith.constant 64 : index
        %get3A_982 = tpu.vector_load %arg11[%get3A_980, %get3A_981] {strides = array<i32>} : memref<128x128xf32, #tpu.memory_space<vmem>>, vector<16xf32>,
        %get3A_983 = arith.index_cast %add3A_927 : i32 to index
        %get3A_984 = arith.constant 64 : index
        %get3A_985 = tpu.vector_load %arg12[%get3A_983, %get3A_984] {strides = array<i32>} : memref<128x128xf32, #tpu.memory_space<vmem>>, vector<16xf32>,
        %mul3A_986 = arith.mulf %get3A_982, %get3A_985 : vector<16xf32>
        %add3A_987 = arith.constant 64 : i32
        %add3A_988 = vector.broadcast %add3A_987 : i32 to vector<16xi32>
        %add3A_989 = arith.addi %add3A_931, %add3A_988 : vector<16xi32>
        %gather3A_990 = tpu.vector_load_idx %arg13[%add3A_989] : memref<2048xf32, #tpu.memory_space<vmem>>[vector<16xi32>], vector<16xf32>,
        %mul3A_991 = arith.mulf %mul3A_986, %gather3A_990 : vector<16xf32>
        %add3A_992 = arith.addf %add3A_979, %mul3A_991 : vector<16xf32>
        %get3A_993 = arith.index_cast %add3A_927 : i32 to index
        %get3A_994 = arith.constant 80 : index
        %get3A_995 = tpu.vector_load %arg11[%get3A_993, %get3A_994] {strides = array<i32>} : memref<128x128xf32, #tpu.memory_space<vmem>>, vector<16xf32>,
        %get3A_996 = arith.index_cast %add3A_927 : i32 to index
        %get3A_997 = arith.constant 80 : index
        %get3A_998 = tpu.vector_load %arg12[%get3A_996, %get3A_997] {strides = array<i32>} : memref<128x128xf32, #tpu.memory_space<vmem>>, vector<16xf32>,
        %mul3A_999 = arith.mulf %get3A_995, %get3A_998 : vector<16xf32>
        %add3A_1000 = arith.constant 80 : i32
        %add3A_1001 = vector.broadcast %add3A_1000 : i32 to vector<16xi32>
        %add3A_1002 = arith.addi %add3A_931, %add3A_1001 : vector<16xi32>
        %gather3A_1003 = tpu.vector_load_idx %arg13[%add3A_1002] : memref<2048xf32, #tpu.memory_space<vmem>>[vector<16xi32>], vector<16xf32>,
        %mul3A_1004 = arith.mulf %mul3A_999, %gather3A_1003 : vector<16xf32>
        %add3A_1005 = arith.addf %add3A_992, %mul3A_1004 : vector<16xf32>
        %get3A_1006 = arith.index_cast %add3A_927 : i32 to index
        %get3A_1007 = arith.constant 96 : index
        %get3A_1008 = tpu.vector_load %arg11[%get3A_1006, %get3A_1007] {strides = array<i32>} : memref<128x128xf32, #tpu.memory_space<vmem>>, vector<16xf32>,
        %get3A_1009 = arith.index_cast %add3A_927 : i32 to index
        %get3A_1010 = arith.constant 96 : index
        %get3A_1011 = tpu.vector_load %arg12[%get3A_1009, %get3A_1010] {strides = array<i32>} : memref<128x128xf32, #tpu.memory_space<vmem>>, vector<16xf32>,
        %mul3A_1012 = arith.mulf %get3A_1008, %get3A_1011 : vector<16xf32>
        %add3A_1013 = arith.constant 96 : i32
        %add3A_1014 = vector.broadcast %add3A_1013 : i32 to vector<16xi32>
        %add3A_1015 = arith.addi %add3A_931, %add3A_1014 : vector<16xi32>
        %gather3A_1016 = tpu.vector_load_idx %arg13[%add3A_1015] : memref<2048xf32, #tpu.memory_space<vmem>>[vector<16xi32>], vector<16xf32>,
        %mul3A_1017 = arith.mulf %mul3A_1012, %gather3A_1016 : vector<16xf32>
        %add3A_1018 = arith.addf %add3A_1005, %mul3A_1017 : vector<16xf32>
        %get3A_1019 = arith.index_cast %add3A_927 : i32 to index
        %get3A_1020 = arith.constant 112 : index
        %get3A_1021 = tpu.vector_load %arg11[%get3A_1019, %get3A_1020] {strides = array<i32>} : memref<128x128xf32, #tpu.memory_space<vmem>>, vector<16xf32>,
        %get3A_1022 = arith.index_cast %add3A_927 : i32 to index
        %get3A_1023 = arith.constant 112 : index
        %get3A_1024 = tpu.vector_load %arg12[%get3A_1022, %get3A_1023] {strides = array<i32>} : memref<128x128xf32, #tpu.memory_space<vmem>>, vector<16xf32>,
        %mul3A_1025 = arith.mulf %get3A_1021, %get3A_1024 : vector<16xf32>
        %add3A_1026 = arith.constant 112 : i32
        %add3A_1027 = vector.broadcast %add3A_1026 : i32 to vector<16xi32>
        %add3A_1028 = arith.addi %add3A_931, %add3A_1027 : vector<16xi32>
        %gather3A_1029 = tpu.vector_load_idx %arg13[%add3A_1028] : memref<2048xf32, #tpu.memory_space<vmem>>[vector<16xi32>], vector<16xf32>,
        %mul3A_1030 = arith.mulf %mul3A_1025, %gather3A_1029 : vector<16xf32>
        %add3A_1031 = arith.addf %add3A_1018, %mul3A_1030 : vector<16xf32>
        %swap3A_1032 = arith.constant 128 : index
        %swap3A_1033 = tpu.vector_load %arg15[%swap3A_1032] {strides = array<i32>} : memref<256xf32, #tpu.memory_space<vmem>>, vector<16xf32>,
        tpu.vector_store %arg15[%swap3A_1032], %add3A_1031 {strides = array<i32>} : memref<256xf32, #tpu.memory_space<vmem>>, vector<16xf32>,
        %mul3A_1034 = arith.constant 16 : i32
        %mul3A_1035 = arith.muli %scan3A_41, %mul3A_1034 : i32
        %add3A_1036 = arith.constant 9 : i32
        %add3A_1037 = arith.addi %mul3A_1035, %add3A_1036 : i32
        %slice3A_1038 = vector.extract_strided_slice %mul3A_48 {offsets = [9], sizes = [1], strides = [1]} : vector<16xi32> to vector<1xi32>
        %squeeze3A_1039 = vector.extract %slice3A_1038[0] : i32 from vector<1xi32>
        %broadcast_in_dim3A_1040 = vector.broadcast %squeeze3A_1039 : i32 to vector<16xi32>
        %add3A_1041 = arith.addi %broadcast_in_dim3A_1040, %iota3A_4 : vector<16xi32>
        %get3A_1042 = arith.index_cast %add3A_1037 : i32 to index
        %get3A_1043 = arith.constant 0 : index
        %get3A_1044 = tpu.vector_load %arg11[%get3A_1042, %get3A_1043] {strides = array<i32>} : memref<128x128xf32, #tpu.memory_space<vmem>>, vector<16xf32>,
        %get3A_1045 = arith.index_cast %add3A_1037 : i32 to index
        %get3A_1046 = arith.constant 0 : index
        %get3A_1047 = tpu.vector_load %arg12[%get3A_1045, %get3A_1046] {strides = array<i32>} : memref<128x128xf32, #tpu.memory_space<vmem>>, vector<16xf32>,
        %mul3A_1048 = arith.mulf %get3A_1044, %get3A_1047 : vector<16xf32>
        %gather3A_1049 = tpu.vector_load_idx %arg13[%add3A_1041] : memref<2048xf32, #tpu.memory_space<vmem>>[vector<16xi32>], vector<16xf32>,
        %mul3A_1050 = arith.mulf %mul3A_1048, %gather3A_1049 : vector<16xf32>
        %get3A_1051 = arith.index_cast %add3A_1037 : i32 to index
        %get3A_1052 = arith.constant 16 : index
        %get3A_1053 = tpu.vector_load %arg11[%get3A_1051, %get3A_1052] {strides = array<i32>} : memref<128x128xf32, #tpu.memory_space<vmem>>, vector<16xf32>,
        %get3A_1054 = arith.index_cast %add3A_1037 : i32 to index
        %get3A_1055 = arith.constant 16 : index
        %get3A_1056 = tpu.vector_load %arg12[%get3A_1054, %get3A_1055] {strides = array<i32>} : memref<128x128xf32, #tpu.memory_space<vmem>>, vector<16xf32>,
        %mul3A_1057 = arith.mulf %get3A_1053, %get3A_1056 : vector<16xf32>
        %add3A_1058 = arith.constant 16 : i32
        %add3A_1059 = vector.broadcast %add3A_1058 : i32 to vector<16xi32>
        %add3A_1060 = arith.addi %add3A_1041, %add3A_1059 : vector<16xi32>
        %gather3A_1061 = tpu.vector_load_idx %arg13[%add3A_1060] : memref<2048xf32, #tpu.memory_space<vmem>>[vector<16xi32>], vector<16xf32>,
        %mul3A_1062 = arith.mulf %mul3A_1057, %gather3A_1061 : vector<16xf32>
        %add3A_1063 = arith.addf %mul3A_1050, %mul3A_1062 : vector<16xf32>
        %get3A_1064 = arith.index_cast %add3A_1037 : i32 to index
        %get3A_1065 = arith.constant 32 : index
        %get3A_1066 = tpu.vector_load %arg11[%get3A_1064, %get3A_1065] {strides = array<i32>} : memref<128x128xf32, #tpu.memory_space<vmem>>, vector<16xf32>,
        %get3A_1067 = arith.index_cast %add3A_1037 : i32 to index
        %get3A_1068 = arith.constant 32 : index
        %get3A_1069 = tpu.vector_load %arg12[%get3A_1067, %get3A_1068] {strides = array<i32>} : memref<128x128xf32, #tpu.memory_space<vmem>>, vector<16xf32>,
        %mul3A_1070 = arith.mulf %get3A_1066, %get3A_1069 : vector<16xf32>
        %add3A_1071 = arith.constant 32 : i32
        %add3A_1072 = vector.broadcast %add3A_1071 : i32 to vector<16xi32>
        %add3A_1073 = arith.addi %add3A_1041, %add3A_1072 : vector<16xi32>
        %gather3A_1074 = tpu.vector_load_idx %arg13[%add3A_1073] : memref<2048xf32, #tpu.memory_space<vmem>>[vector<16xi32>], vector<16xf32>,
        %mul3A_1075 = arith.mulf %mul3A_1070, %gather3A_1074 : vector<16xf32>
        %add3A_1076 = arith.addf %add3A_1063, %mul3A_1075 : vector<16xf32>
        %get3A_1077 = arith.index_cast %add3A_1037 : i32 to index
        %get3A_1078 = arith.constant 48 : index
        %get3A_1079 = tpu.vector_load %arg11[%get3A_1077, %get3A_1078] {strides = array<i32>} : memref<128x128xf32, #tpu.memory_space<vmem>>, vector<16xf32>,
        %get3A_1080 = arith.index_cast %add3A_1037 : i32 to index
        %get3A_1081 = arith.constant 48 : index
        %get3A_1082 = tpu.vector_load %arg12[%get3A_1080, %get3A_1081] {strides = array<i32>} : memref<128x128xf32, #tpu.memory_space<vmem>>, vector<16xf32>,
        %mul3A_1083 = arith.mulf %get3A_1079, %get3A_1082 : vector<16xf32>
        %add3A_1084 = arith.constant 48 : i32
        %add3A_1085 = vector.broadcast %add3A_1084 : i32 to vector<16xi32>
        %add3A_1086 = arith.addi %add3A_1041, %add3A_1085 : vector<16xi32>
        %gather3A_1087 = tpu.vector_load_idx %arg13[%add3A_1086] : memref<2048xf32, #tpu.memory_space<vmem>>[vector<16xi32>], vector<16xf32>,
        %mul3A_1088 = arith.mulf %mul3A_1083, %gather3A_1087 : vector<16xf32>
        %add3A_1089 = arith.addf %add3A_1076, %mul3A_1088 : vector<16xf32>
        %get3A_1090 = arith.index_cast %add3A_1037 : i32 to index
        %get3A_1091 = arith.constant 64 : index
        %get3A_1092 = tpu.vector_load %arg11[%get3A_1090, %get3A_1091] {strides = array<i32>} : memref<128x128xf32, #tpu.memory_space<vmem>>, vector<16xf32>,
        %get3A_1093 = arith.index_cast %add3A_1037 : i32 to index
        %get3A_1094 = arith.constant 64 : index
        %get3A_1095 = tpu.vector_load %arg12[%get3A_1093, %get3A_1094] {strides = array<i32>} : memref<128x128xf32, #tpu.memory_space<vmem>>, vector<16xf32>,
        %mul3A_1096 = arith.mulf %get3A_1092, %get3A_1095 : vector<16xf32>
        %add3A_1097 = arith.constant 64 : i32
        %add3A_1098 = vector.broadcast %add3A_1097 : i32 to vector<16xi32>
        %add3A_1099 = arith.addi %add3A_1041, %add3A_1098 : vector<16xi32>
        %gather3A_1100 = tpu.vector_load_idx %arg13[%add3A_1099] : memref<2048xf32, #tpu.memory_space<vmem>>[vector<16xi32>], vector<16xf32>,
        %mul3A_1101 = arith.mulf %mul3A_1096, %gather3A_1100 : vector<16xf32>
        %add3A_1102 = arith.addf %add3A_1089, %mul3A_1101 : vector<16xf32>
        %get3A_1103 = arith.index_cast %add3A_1037 : i32 to index
        %get3A_1104 = arith.constant 80 : index
        %get3A_1105 = tpu.vector_load %arg11[%get3A_1103, %get3A_1104] {strides = array<i32>} : memref<128x128xf32, #tpu.memory_space<vmem>>, vector<16xf32>,
        %get3A_1106 = arith.index_cast %add3A_1037 : i32 to index
        %get3A_1107 = arith.constant 80 : index
        %get3A_1108 = tpu.vector_load %arg12[%get3A_1106, %get3A_1107] {strides = array<i32>} : memref<128x128xf32, #tpu.memory_space<vmem>>, vector<16xf32>,
        %mul3A_1109 = arith.mulf %get3A_1105, %get3A_1108 : vector<16xf32>
        %add3A_1110 = arith.constant 80 : i32
        %add3A_1111 = vector.broadcast %add3A_1110 : i32 to vector<16xi32>
        %add3A_1112 = arith.addi %add3A_1041, %add3A_1111 : vector<16xi32>
        %gather3A_1113 = tpu.vector_load_idx %arg13[%add3A_1112] : memref<2048xf32, #tpu.memory_space<vmem>>[vector<16xi32>], vector<16xf32>,
        %mul3A_1114 = arith.mulf %mul3A_1109, %gather3A_1113 : vector<16xf32>
        %add3A_1115 = arith.addf %add3A_1102, %mul3A_1114 : vector<16xf32>
        %get3A_1116 = arith.index_cast %add3A_1037 : i32 to index
        %get3A_1117 = arith.constant 96 : index
        %get3A_1118 = tpu.vector_load %arg11[%get3A_1116, %get3A_1117] {strides = array<i32>} : memref<128x128xf32, #tpu.memory_space<vmem>>, vector<16xf32>,
        %get3A_1119 = arith.index_cast %add3A_1037 : i32 to index
        %get3A_1120 = arith.constant 96 : index
        %get3A_1121 = tpu.vector_load %arg12[%get3A_1119, %get3A_1120] {strides = array<i32>} : memref<128x128xf32, #tpu.memory_space<vmem>>, vector<16xf32>,
        %mul3A_1122 = arith.mulf %get3A_1118, %get3A_1121 : vector<16xf32>
        %add3A_1123 = arith.constant 96 : i32
        %add3A_1124 = vector.broadcast %add3A_1123 : i32 to vector<16xi32>
        %add3A_1125 = arith.addi %add3A_1041, %add3A_1124 : vector<16xi32>
        %gather3A_1126 = tpu.vector_load_idx %arg13[%add3A_1125] : memref<2048xf32, #tpu.memory_space<vmem>>[vector<16xi32>], vector<16xf32>,
        %mul3A_1127 = arith.mulf %mul3A_1122, %gather3A_1126 : vector<16xf32>
        %add3A_1128 = arith.addf %add3A_1115, %mul3A_1127 : vector<16xf32>
        %get3A_1129 = arith.index_cast %add3A_1037 : i32 to index
        %get3A_1130 = arith.constant 112 : index
        %get3A_1131 = tpu.vector_load %arg11[%get3A_1129, %get3A_1130] {strides = array<i32>} : memref<128x128xf32, #tpu.memory_space<vmem>>, vector<16xf32>,
        %get3A_1132 = arith.index_cast %add3A_1037 : i32 to index
        %get3A_1133 = arith.constant 112 : index
        %get3A_1134 = tpu.vector_load %arg12[%get3A_1132, %get3A_1133] {strides = array<i32>} : memref<128x128xf32, #tpu.memory_space<vmem>>, vector<16xf32>,
        %mul3A_1135 = arith.mulf %get3A_1131, %get3A_1134 : vector<16xf32>
        %add3A_1136 = arith.constant 112 : i32
        %add3A_1137 = vector.broadcast %add3A_1136 : i32 to vector<16xi32>
        %add3A_1138 = arith.addi %add3A_1041, %add3A_1137 : vector<16xi32>
        %gather3A_1139 = tpu.vector_load_idx %arg13[%add3A_1138] : memref<2048xf32, #tpu.memory_space<vmem>>[vector<16xi32>], vector<16xf32>,
        %mul3A_1140 = arith.mulf %mul3A_1135, %gather3A_1139 : vector<16xf32>
        %add3A_1141 = arith.addf %add3A_1128, %mul3A_1140 : vector<16xf32>
        %swap3A_1142 = arith.constant 144 : index
        %swap3A_1143 = tpu.vector_load %arg15[%swap3A_1142] {strides = array<i32>} : memref<256xf32, #tpu.memory_space<vmem>>, vector<16xf32>,
        tpu.vector_store %arg15[%swap3A_1142], %add3A_1141 {strides = array<i32>} : memref<256xf32, #tpu.memory_space<vmem>>, vector<16xf32>,
        %mul3A_1144 = arith.constant 16 : i32
        %mul3A_1145 = arith.muli %scan3A_41, %mul3A_1144 : i32
        %add3A_1146 = arith.constant 10 : i32
        %add3A_1147 = arith.addi %mul3A_1145, %add3A_1146 : i32
        %slice3A_1148 = vector.extract_strided_slice %mul3A_48 {offsets = [10], sizes = [1], strides = [1]} : vector<16xi32> to vector<1xi32>
        %squeeze3A_1149 = vector.extract %slice3A_1148[0] : i32 from vector<1xi32>
        %broadcast_in_dim3A_1150 = vector.broadcast %squeeze3A_1149 : i32 to vector<16xi32>
        %add3A_1151 = arith.addi %broadcast_in_dim3A_1150, %iota3A_4 : vector<16xi32>
        %get3A_1152 = arith.index_cast %add3A_1147 : i32 to index
        %get3A_1153 = arith.constant 0 : index
        %get3A_1154 = tpu.vector_load %arg11[%get3A_1152, %get3A_1153] {strides = array<i32>} : memref<128x128xf32, #tpu.memory_space<vmem>>, vector<16xf32>,
        %get3A_1155 = arith.index_cast %add3A_1147 : i32 to index
        %get3A_1156 = arith.constant 0 : index
        %get3A_1157 = tpu.vector_load %arg12[%get3A_1155, %get3A_1156] {strides = array<i32>} : memref<128x128xf32, #tpu.memory_space<vmem>>, vector<16xf32>,
        %mul3A_1158 = arith.mulf %get3A_1154, %get3A_1157 : vector<16xf32>
        %gather3A_1159 = tpu.vector_load_idx %arg13[%add3A_1151] : memref<2048xf32, #tpu.memory_space<vmem>>[vector<16xi32>], vector<16xf32>,
        %mul3A_1160 = arith.mulf %mul3A_1158, %gather3A_1159 : vector<16xf32>
        %get3A_1161 = arith.index_cast %add3A_1147 : i32 to index
        %get3A_1162 = arith.constant 16 : index
        %get3A_1163 = tpu.vector_load %arg11[%get3A_1161, %get3A_1162] {strides = array<i32>} : memref<128x128xf32, #tpu.memory_space<vmem>>, vector<16xf32>,
        %get3A_1164 = arith.index_cast %add3A_1147 : i32 to index
        %get3A_1165 = arith.constant 16 : index
        %get3A_1166 = tpu.vector_load %arg12[%get3A_1164, %get3A_1165] {strides = array<i32>} : memref<128x128xf32, #tpu.memory_space<vmem>>, vector<16xf32>,
        %mul3A_1167 = arith.mulf %get3A_1163, %get3A_1166 : vector<16xf32>
        %add3A_1168 = arith.constant 16 : i32
        %add3A_1169 = vector.broadcast %add3A_1168 : i32 to vector<16xi32>
        %add3A_1170 = arith.addi %add3A_1151, %add3A_1169 : vector<16xi32>
        %gather3A_1171 = tpu.vector_load_idx %arg13[%add3A_1170] : memref<2048xf32, #tpu.memory_space<vmem>>[vector<16xi32>], vector<16xf32>,
        %mul3A_1172 = arith.mulf %mul3A_1167, %gather3A_1171 : vector<16xf32>
        %add3A_1173 = arith.addf %mul3A_1160, %mul3A_1172 : vector<16xf32>
        %get3A_1174 = arith.index_cast %add3A_1147 : i32 to index
        %get3A_1175 = arith.constant 32 : index
        %get3A_1176 = tpu.vector_load %arg11[%get3A_1174, %get3A_1175] {strides = array<i32>} : memref<128x128xf32, #tpu.memory_space<vmem>>, vector<16xf32>,
        %get3A_1177 = arith.index_cast %add3A_1147 : i32 to index
        %get3A_1178 = arith.constant 32 : index
        %get3A_1179 = tpu.vector_load %arg12[%get3A_1177, %get3A_1178] {strides = array<i32>} : memref<128x128xf32, #tpu.memory_space<vmem>>, vector<16xf32>,
        %mul3A_1180 = arith.mulf %get3A_1176, %get3A_1179 : vector<16xf32>
        %add3A_1181 = arith.constant 32 : i32
        %add3A_1182 = vector.broadcast %add3A_1181 : i32 to vector<16xi32>
        %add3A_1183 = arith.addi %add3A_1151, %add3A_1182 : vector<16xi32>
        %gather3A_1184 = tpu.vector_load_idx %arg13[%add3A_1183] : memref<2048xf32, #tpu.memory_space<vmem>>[vector<16xi32>], vector<16xf32>,
        %mul3A_1185 = arith.mulf %mul3A_1180, %gather3A_1184 : vector<16xf32>
        %add3A_1186 = arith.addf %add3A_1173, %mul3A_1185 : vector<16xf32>
        %get3A_1187 = arith.index_cast %add3A_1147 : i32 to index
        %get3A_1188 = arith.constant 48 : index
        %get3A_1189 = tpu.vector_load %arg11[%get3A_1187, %get3A_1188] {strides = array<i32>} : memref<128x128xf32, #tpu.memory_space<vmem>>, vector<16xf32>,
        %get3A_1190 = arith.index_cast %add3A_1147 : i32 to index
        %get3A_1191 = arith.constant 48 : index
        %get3A_1192 = tpu.vector_load %arg12[%get3A_1190, %get3A_1191] {strides = array<i32>} : memref<128x128xf32, #tpu.memory_space<vmem>>, vector<16xf32>,
        %mul3A_1193 = arith.mulf %get3A_1189, %get3A_1192 : vector<16xf32>
        %add3A_1194 = arith.constant 48 : i32
        %add3A_1195 = vector.broadcast %add3A_1194 : i32 to vector<16xi32>
        %add3A_1196 = arith.addi %add3A_1151, %add3A_1195 : vector<16xi32>
        %gather3A_1197 = tpu.vector_load_idx %arg13[%add3A_1196] : memref<2048xf32, #tpu.memory_space<vmem>>[vector<16xi32>], vector<16xf32>,
        %mul3A_1198 = arith.mulf %mul3A_1193, %gather3A_1197 : vector<16xf32>
        %add3A_1199 = arith.addf %add3A_1186, %mul3A_1198 : vector<16xf32>
        %get3A_1200 = arith.index_cast %add3A_1147 : i32 to index
        %get3A_1201 = arith.constant 64 : index
        %get3A_1202 = tpu.vector_load %arg11[%get3A_1200, %get3A_1201] {strides = array<i32>} : memref<128x128xf32, #tpu.memory_space<vmem>>, vector<16xf32>,
        %get3A_1203 = arith.index_cast %add3A_1147 : i32 to index
        %get3A_1204 = arith.constant 64 : index
        %get3A_1205 = tpu.vector_load %arg12[%get3A_1203, %get3A_1204] {strides = array<i32>} : memref<128x128xf32, #tpu.memory_space<vmem>>, vector<16xf32>,
        %mul3A_1206 = arith.mulf %get3A_1202, %get3A_1205 : vector<16xf32>
        %add3A_1207 = arith.constant 64 : i32
        %add3A_1208 = vector.broadcast %add3A_1207 : i32 to vector<16xi32>
        %add3A_1209 = arith.addi %add3A_1151, %add3A_1208 : vector<16xi32>
        %gather3A_1210 = tpu.vector_load_idx %arg13[%add3A_1209] : memref<2048xf32, #tpu.memory_space<vmem>>[vector<16xi32>], vector<16xf32>,
        %mul3A_1211 = arith.mulf %mul3A_1206, %gather3A_1210 : vector<16xf32>
        %add3A_1212 = arith.addf %add3A_1199, %mul3A_1211 : vector<16xf32>
        %get3A_1213 = arith.index_cast %add3A_1147 : i32 to index
        %get3A_1214 = arith.constant 80 : index
        %get3A_1215 = tpu.vector_load %arg11[%get3A_1213, %get3A_1214] {strides = array<i32>} : memref<128x128xf32, #tpu.memory_space<vmem>>, vector<16xf32>,
        %get3A_1216 = arith.index_cast %add3A_1147 : i32 to index
        %get3A_1217 = arith.constant 80 : index
        %get3A_1218 = tpu.vector_load %arg12[%get3A_1216, %get3A_1217] {strides = array<i32>} : memref<128x128xf32, #tpu.memory_space<vmem>>, vector<16xf32>,
        %mul3A_1219 = arith.mulf %get3A_1215, %get3A_1218 : vector<16xf32>
        %add3A_1220 = arith.constant 80 : i32
        %add3A_1221 = vector.broadcast %add3A_1220 : i32 to vector<16xi32>
        %add3A_1222 = arith.addi %add3A_1151, %add3A_1221 : vector<16xi32>
        %gather3A_1223 = tpu.vector_load_idx %arg13[%add3A_1222] : memref<2048xf32, #tpu.memory_space<vmem>>[vector<16xi32>], vector<16xf32>,
        %mul3A_1224 = arith.mulf %mul3A_1219, %gather3A_1223 : vector<16xf32>
        %add3A_1225 = arith.addf %add3A_1212, %mul3A_1224 : vector<16xf32>
        %get3A_1226 = arith.index_cast %add3A_1147 : i32 to index
        %get3A_1227 = arith.constant 96 : index
        %get3A_1228 = tpu.vector_load %arg11[%get3A_1226, %get3A_1227] {strides = array<i32>} : memref<128x128xf32, #tpu.memory_space<vmem>>, vector<16xf32>,
        %get3A_1229 = arith.index_cast %add3A_1147 : i32 to index
        %get3A_1230 = arith.constant 96 : index
        %get3A_1231 = tpu.vector_load %arg12[%get3A_1229, %get3A_1230] {strides = array<i32>} : memref<128x128xf32, #tpu.memory_space<vmem>>, vector<16xf32>,
        %mul3A_1232 = arith.mulf %get3A_1228, %get3A_1231 : vector<16xf32>
        %add3A_1233 = arith.constant 96 : i32
        %add3A_1234 = vector.broadcast %add3A_1233 : i32 to vector<16xi32>
        %add3A_1235 = arith.addi %add3A_1151, %add3A_1234 : vector<16xi32>
        %gather3A_1236 = tpu.vector_load_idx %arg13[%add3A_1235] : memref<2048xf32, #tpu.memory_space<vmem>>[vector<16xi32>], vector<16xf32>,
        %mul3A_1237 = arith.mulf %mul3A_1232, %gather3A_1236 : vector<16xf32>
        %add3A_1238 = arith.addf %add3A_1225, %mul3A_1237 : vector<16xf32>
        %get3A_1239 = arith.index_cast %add3A_1147 : i32 to index
        %get3A_1240 = arith.constant 112 : index
        %get3A_1241 = tpu.vector_load %arg11[%get3A_1239, %get3A_1240] {strides = array<i32>} : memref<128x128xf32, #tpu.memory_space<vmem>>, vector<16xf32>,
        %get3A_1242 = arith.index_cast %add3A_1147 : i32 to index
        %get3A_1243 = arith.constant 112 : index
        %get3A_1244 = tpu.vector_load %arg12[%get3A_1242, %get3A_1243] {strides = array<i32>} : memref<128x128xf32, #tpu.memory_space<vmem>>, vector<16xf32>,
        %mul3A_1245 = arith.mulf %get3A_1241, %get3A_1244 : vector<16xf32>
        %add3A_1246 = arith.constant 112 : i32
        %add3A_1247 = vector.broadcast %add3A_1246 : i32 to vector<16xi32>
        %add3A_1248 = arith.addi %add3A_1151, %add3A_1247 : vector<16xi32>
        %gather3A_1249 = tpu.vector_load_idx %arg13[%add3A_1248] : memref<2048xf32, #tpu.memory_space<vmem>>[vector<16xi32>], vector<16xf32>,
        %mul3A_1250 = arith.mulf %mul3A_1245, %gather3A_1249 : vector<16xf32>
        %add3A_1251 = arith.addf %add3A_1238, %mul3A_1250 : vector<16xf32>
        %swap3A_1252 = arith.constant 160 : index
        %swap3A_1253 = tpu.vector_load %arg15[%swap3A_1252] {strides = array<i32>} : memref<256xf32, #tpu.memory_space<vmem>>, vector<16xf32>,
        tpu.vector_store %arg15[%swap3A_1252], %add3A_1251 {strides = array<i32>} : memref<256xf32, #tpu.memory_space<vmem>>, vector<16xf32>,
        %mul3A_1254 = arith.constant 16 : i32
        %mul3A_1255 = arith.muli %scan3A_41, %mul3A_1254 : i32
        %add3A_1256 = arith.constant 11 : i32
        %add3A_1257 = arith.addi %mul3A_1255, %add3A_1256 : i32
        %slice3A_1258 = vector.extract_strided_slice %mul3A_48 {offsets = [11], sizes = [1], strides = [1]} : vector<16xi32> to vector<1xi32>
        %squeeze3A_1259 = vector.extract %slice3A_1258[0] : i32 from vector<1xi32>
        %broadcast_in_dim3A_1260 = vector.broadcast %squeeze3A_1259 : i32 to vector<16xi32>
        %add3A_1261 = arith.addi %broadcast_in_dim3A_1260, %iota3A_4 : vector<16xi32>
        %get3A_1262 = arith.index_cast %add3A_1257 : i32 to index
        %get3A_1263 = arith.constant 0 : index
        %get3A_1264 = tpu.vector_load %arg11[%get3A_1262, %get3A_1263] {strides = array<i32>} : memref<128x128xf32, #tpu.memory_space<vmem>>, vector<16xf32>,
        %get3A_1265 = arith.index_cast %add3A_1257 : i32 to index
        %get3A_1266 = arith.constant 0 : index
        %get3A_1267 = tpu.vector_load %arg12[%get3A_1265, %get3A_1266] {strides = array<i32>} : memref<128x128xf32, #tpu.memory_space<vmem>>, vector<16xf32>,
        %mul3A_1268 = arith.mulf %get3A_1264, %get3A_1267 : vector<16xf32>
        %gather3A_1269 = tpu.vector_load_idx %arg13[%add3A_1261] : memref<2048xf32, #tpu.memory_space<vmem>>[vector<16xi32>], vector<16xf32>,
        %mul3A_1270 = arith.mulf %mul3A_1268, %gather3A_1269 : vector<16xf32>
        %get3A_1271 = arith.index_cast %add3A_1257 : i32 to index
        %get3A_1272 = arith.constant 16 : index
        %get3A_1273 = tpu.vector_load %arg11[%get3A_1271, %get3A_1272] {strides = array<i32>} : memref<128x128xf32, #tpu.memory_space<vmem>>, vector<16xf32>,
        %get3A_1274 = arith.index_cast %add3A_1257 : i32 to index
        %get3A_1275 = arith.constant 16 : index
        %get3A_1276 = tpu.vector_load %arg12[%get3A_1274, %get3A_1275] {strides = array<i32>} : memref<128x128xf32, #tpu.memory_space<vmem>>, vector<16xf32>,
        %mul3A_1277 = arith.mulf %get3A_1273, %get3A_1276 : vector<16xf32>
        %add3A_1278 = arith.constant 16 : i32
        %add3A_1279 = vector.broadcast %add3A_1278 : i32 to vector<16xi32>
        %add3A_1280 = arith.addi %add3A_1261, %add3A_1279 : vector<16xi32>
        %gather3A_1281 = tpu.vector_load_idx %arg13[%add3A_1280] : memref<2048xf32, #tpu.memory_space<vmem>>[vector<16xi32>], vector<16xf32>,
        %mul3A_1282 = arith.mulf %mul3A_1277, %gather3A_1281 : vector<16xf32>
        %add3A_1283 = arith.addf %mul3A_1270, %mul3A_1282 : vector<16xf32>
        %get3A_1284 = arith.index_cast %add3A_1257 : i32 to index
        %get3A_1285 = arith.constant 32 : index
        %get3A_1286 = tpu.vector_load %arg11[%get3A_1284, %get3A_1285] {strides = array<i32>} : memref<128x128xf32, #tpu.memory_space<vmem>>, vector<16xf32>,
        %get3A_1287 = arith.index_cast %add3A_1257 : i32 to index
        %get3A_1288 = arith.constant 32 : index
        %get3A_1289 = tpu.vector_load %arg12[%get3A_1287, %get3A_1288] {strides = array<i32>} : memref<128x128xf32, #tpu.memory_space<vmem>>, vector<16xf32>,
        %mul3A_1290 = arith.mulf %get3A_1286, %get3A_1289 : vector<16xf32>
        %add3A_1291 = arith.constant 32 : i32
        %add3A_1292 = vector.broadcast %add3A_1291 : i32 to vector<16xi32>
        %add3A_1293 = arith.addi %add3A_1261, %add3A_1292 : vector<16xi32>
        %gather3A_1294 = tpu.vector_load_idx %arg13[%add3A_1293] : memref<2048xf32, #tpu.memory_space<vmem>>[vector<16xi32>], vector<16xf32>,
        %mul3A_1295 = arith.mulf %mul3A_1290, %gather3A_1294 : vector<16xf32>
        %add3A_1296 = arith.addf %add3A_1283, %mul3A_1295 : vector<16xf32>
        %get3A_1297 = arith.index_cast %add3A_1257 : i32 to index
        %get3A_1298 = arith.constant 48 : index
        %get3A_1299 = tpu.vector_load %arg11[%get3A_1297, %get3A_1298] {strides = array<i32>} : memref<128x128xf32, #tpu.memory_space<vmem>>, vector<16xf32>,
        %get3A_1300 = arith.index_cast %add3A_1257 : i32 to index
        %get3A_1301 = arith.constant 48 : index
        %get3A_1302 = tpu.vector_load %arg12[%get3A_1300, %get3A_1301] {strides = array<i32>} : memref<128x128xf32, #tpu.memory_space<vmem>>, vector<16xf32>,
        %mul3A_1303 = arith.mulf %get3A_1299, %get3A_1302 : vector<16xf32>
        %add3A_1304 = arith.constant 48 : i32
        %add3A_1305 = vector.broadcast %add3A_1304 : i32 to vector<16xi32>
        %add3A_1306 = arith.addi %add3A_1261, %add3A_1305 : vector<16xi32>
        %gather3A_1307 = tpu.vector_load_idx %arg13[%add3A_1306] : memref<2048xf32, #tpu.memory_space<vmem>>[vector<16xi32>], vector<16xf32>,
        %mul3A_1308 = arith.mulf %mul3A_1303, %gather3A_1307 : vector<16xf32>
        %add3A_1309 = arith.addf %add3A_1296, %mul3A_1308 : vector<16xf32>
        %get3A_1310 = arith.index_cast %add3A_1257 : i32 to index
        %get3A_1311 = arith.constant 64 : index
        %get3A_1312 = tpu.vector_load %arg11[%get3A_1310, %get3A_1311] {strides = array<i32>} : memref<128x128xf32, #tpu.memory_space<vmem>>, vector<16xf32>,
        %get3A_1313 = arith.index_cast %add3A_1257 : i32 to index
        %get3A_1314 = arith.constant 64 : index
        %get3A_1315 = tpu.vector_load %arg12[%get3A_1313, %get3A_1314] {strides = array<i32>} : memref<128x128xf32, #tpu.memory_space<vmem>>, vector<16xf32>,
        %mul3A_1316 = arith.mulf %get3A_1312, %get3A_1315 : vector<16xf32>
        %add3A_1317 = arith.constant 64 : i32
        %add3A_1318 = vector.broadcast %add3A_1317 : i32 to vector<16xi32>
        %add3A_1319 = arith.addi %add3A_1261, %add3A_1318 : vector<16xi32>
        %gather3A_1320 = tpu.vector_load_idx %arg13[%add3A_1319] : memref<2048xf32, #tpu.memory_space<vmem>>[vector<16xi32>], vector<16xf32>,
        %mul3A_1321 = arith.mulf %mul3A_1316, %gather3A_1320 : vector<16xf32>
        %add3A_1322 = arith.addf %add3A_1309, %mul3A_1321 : vector<16xf32>
        %get3A_1323 = arith.index_cast %add3A_1257 : i32 to index
        %get3A_1324 = arith.constant 80 : index
        %get3A_1325 = tpu.vector_load %arg11[%get3A_1323, %get3A_1324] {strides = array<i32>} : memref<128x128xf32, #tpu.memory_space<vmem>>, vector<16xf32>,
        %get3A_1326 = arith.index_cast %add3A_1257 : i32 to index
        %get3A_1327 = arith.constant 80 : index
        %get3A_1328 = tpu.vector_load %arg12[%get3A_1326, %get3A_1327] {strides = array<i32>} : memref<128x128xf32, #tpu.memory_space<vmem>>, vector<16xf32>,
        %mul3A_1329 = arith.mulf %get3A_1325, %get3A_1328 : vector<16xf32>
        %add3A_1330 = arith.constant 80 : i32
        %add3A_1331 = vector.broadcast %add3A_1330 : i32 to vector<16xi32>
        %add3A_1332 = arith.addi %add3A_1261, %add3A_1331 : vector<16xi32>
        %gather3A_1333 = tpu.vector_load_idx %arg13[%add3A_1332] : memref<2048xf32, #tpu.memory_space<vmem>>[vector<16xi32>], vector<16xf32>,
        %mul3A_1334 = arith.mulf %mul3A_1329, %gather3A_1333 : vector<16xf32>
        %add3A_1335 = arith.addf %add3A_1322, %mul3A_1334 : vector<16xf32>
        %get3A_1336 = arith.index_cast %add3A_1257 : i32 to index
        %get3A_1337 = arith.constant 96 : index
        %get3A_1338 = tpu.vector_load %arg11[%get3A_1336, %get3A_1337] {strides = array<i32>} : memref<128x128xf32, #tpu.memory_space<vmem>>, vector<16xf32>,
        %get3A_1339 = arith.index_cast %add3A_1257 : i32 to index
        %get3A_1340 = arith.constant 96 : index
        %get3A_1341 = tpu.vector_load %arg12[%get3A_1339, %get3A_1340] {strides = array<i32>} : memref<128x128xf32, #tpu.memory_space<vmem>>, vector<16xf32>,
        %mul3A_1342 = arith.mulf %get3A_1338, %get3A_1341 : vector<16xf32>
        %add3A_1343 = arith.constant 96 : i32
        %add3A_1344 = vector.broadcast %add3A_1343 : i32 to vector<16xi32>
        %add3A_1345 = arith.addi %add3A_1261, %add3A_1344 : vector<16xi32>
        %gather3A_1346 = tpu.vector_load_idx %arg13[%add3A_1345] : memref<2048xf32, #tpu.memory_space<vmem>>[vector<16xi32>], vector<16xf32>,
        %mul3A_1347 = arith.mulf %mul3A_1342, %gather3A_1346 : vector<16xf32>
        %add3A_1348 = arith.addf %add3A_1335, %mul3A_1347 : vector<16xf32>
        %get3A_1349 = arith.index_cast %add3A_1257 : i32 to index
        %get3A_1350 = arith.constant 112 : index
        %get3A_1351 = tpu.vector_load %arg11[%get3A_1349, %get3A_1350] {strides = array<i32>} : memref<128x128xf32, #tpu.memory_space<vmem>>, vector<16xf32>,
        %get3A_1352 = arith.index_cast %add3A_1257 : i32 to index
        %get3A_1353 = arith.constant 112 : index
        %get3A_1354 = tpu.vector_load %arg12[%get3A_1352, %get3A_1353] {strides = array<i32>} : memref<128x128xf32, #tpu.memory_space<vmem>>, vector<16xf32>,
        %mul3A_1355 = arith.mulf %get3A_1351, %get3A_1354 : vector<16xf32>
        %add3A_1356 = arith.constant 112 : i32
        %add3A_1357 = vector.broadcast %add3A_1356 : i32 to vector<16xi32>
        %add3A_1358 = arith.addi %add3A_1261, %add3A_1357 : vector<16xi32>
        %gather3A_1359 = tpu.vector_load_idx %arg13[%add3A_1358] : memref<2048xf32, #tpu.memory_space<vmem>>[vector<16xi32>], vector<16xf32>,
        %mul3A_1360 = arith.mulf %mul3A_1355, %gather3A_1359 : vector<16xf32>
        %add3A_1361 = arith.addf %add3A_1348, %mul3A_1360 : vector<16xf32>
        %swap3A_1362 = arith.constant 176 : index
        %swap3A_1363 = tpu.vector_load %arg15[%swap3A_1362] {strides = array<i32>} : memref<256xf32, #tpu.memory_space<vmem>>, vector<16xf32>,
        tpu.vector_store %arg15[%swap3A_1362], %add3A_1361 {strides = array<i32>} : memref<256xf32, #tpu.memory_space<vmem>>, vector<16xf32>,
        %mul3A_1364 = arith.constant 16 : i32
        %mul3A_1365 = arith.muli %scan3A_41, %mul3A_1364 : i32
        %add3A_1366 = arith.constant 12 : i32
        %add3A_1367 = arith.addi %mul3A_1365, %add3A_1366 : i32
        %slice3A_1368 = vector.extract_strided_slice %mul3A_48 {offsets = [12], sizes = [1], strides = [1]} : vector<16xi32> to vector<1xi32>
        %squeeze3A_1369 = vector.extract %slice3A_1368[0] : i32 from vector<1xi32>
        %broadcast_in_dim3A_1370 = vector.broadcast %squeeze3A_1369 : i32 to vector<16xi32>
        %add3A_1371 = arith.addi %broadcast_in_dim3A_1370, %iota3A_4 : vector<16xi32>
        %get3A_1372 = arith.index_cast %add3A_1367 : i32 to index
        %get3A_1373 = arith.constant 0 : index
        %get3A_1374 = tpu.vector_load %arg11[%get3A_1372, %get3A_1373] {strides = array<i32>} : memref<128x128xf32, #tpu.memory_space<vmem>>, vector<16xf32>,
        %get3A_1375 = arith.index_cast %add3A_1367 : i32 to index
        %get3A_1376 = arith.constant 0 : index
        %get3A_1377 = tpu.vector_load %arg12[%get3A_1375, %get3A_1376] {strides = array<i32>} : memref<128x128xf32, #tpu.memory_space<vmem>>, vector<16xf32>,
        %mul3A_1378 = arith.mulf %get3A_1374, %get3A_1377 : vector<16xf32>
        %gather3A_1379 = tpu.vector_load_idx %arg13[%add3A_1371] : memref<2048xf32, #tpu.memory_space<vmem>>[vector<16xi32>], vector<16xf32>,
        %mul3A_1380 = arith.mulf %mul3A_1378, %gather3A_1379 : vector<16xf32>
        %get3A_1381 = arith.index_cast %add3A_1367 : i32 to index
        %get3A_1382 = arith.constant 16 : index
        %get3A_1383 = tpu.vector_load %arg11[%get3A_1381, %get3A_1382] {strides = array<i32>} : memref<128x128xf32, #tpu.memory_space<vmem>>, vector<16xf32>,
        %get3A_1384 = arith.index_cast %add3A_1367 : i32 to index
        %get3A_1385 = arith.constant 16 : index
        %get3A_1386 = tpu.vector_load %arg12[%get3A_1384, %get3A_1385] {strides = array<i32>} : memref<128x128xf32, #tpu.memory_space<vmem>>, vector<16xf32>,
        %mul3A_1387 = arith.mulf %get3A_1383, %get3A_1386 : vector<16xf32>
        %add3A_1388 = arith.constant 16 : i32
        %add3A_1389 = vector.broadcast %add3A_1388 : i32 to vector<16xi32>
        %add3A_1390 = arith.addi %add3A_1371, %add3A_1389 : vector<16xi32>
        %gather3A_1391 = tpu.vector_load_idx %arg13[%add3A_1390] : memref<2048xf32, #tpu.memory_space<vmem>>[vector<16xi32>], vector<16xf32>,
        %mul3A_1392 = arith.mulf %mul3A_1387, %gather3A_1391 : vector<16xf32>
        %add3A_1393 = arith.addf %mul3A_1380, %mul3A_1392 : vector<16xf32>
        %get3A_1394 = arith.index_cast %add3A_1367 : i32 to index
        %get3A_1395 = arith.constant 32 : index
        %get3A_1396 = tpu.vector_load %arg11[%get3A_1394, %get3A_1395] {strides = array<i32>} : memref<128x128xf32, #tpu.memory_space<vmem>>, vector<16xf32>,
        %get3A_1397 = arith.index_cast %add3A_1367 : i32 to index
        %get3A_1398 = arith.constant 32 : index
        %get3A_1399 = tpu.vector_load %arg12[%get3A_1397, %get3A_1398] {strides = array<i32>} : memref<128x128xf32, #tpu.memory_space<vmem>>, vector<16xf32>,
        %mul3A_1400 = arith.mulf %get3A_1396, %get3A_1399 : vector<16xf32>
        %add3A_1401 = arith.constant 32 : i32
        %add3A_1402 = vector.broadcast %add3A_1401 : i32 to vector<16xi32>
        %add3A_1403 = arith.addi %add3A_1371, %add3A_1402 : vector<16xi32>
        %gather3A_1404 = tpu.vector_load_idx %arg13[%add3A_1403] : memref<2048xf32, #tpu.memory_space<vmem>>[vector<16xi32>], vector<16xf32>,
        %mul3A_1405 = arith.mulf %mul3A_1400, %gather3A_1404 : vector<16xf32>
        %add3A_1406 = arith.addf %add3A_1393, %mul3A_1405 : vector<16xf32>
        %get3A_1407 = arith.index_cast %add3A_1367 : i32 to index
        %get3A_1408 = arith.constant 48 : index
        %get3A_1409 = tpu.vector_load %arg11[%get3A_1407, %get3A_1408] {strides = array<i32>} : memref<128x128xf32, #tpu.memory_space<vmem>>, vector<16xf32>,
        %get3A_1410 = arith.index_cast %add3A_1367 : i32 to index
        %get3A_1411 = arith.constant 48 : index
        %get3A_1412 = tpu.vector_load %arg12[%get3A_1410, %get3A_1411] {strides = array<i32>} : memref<128x128xf32, #tpu.memory_space<vmem>>, vector<16xf32>,
        %mul3A_1413 = arith.mulf %get3A_1409, %get3A_1412 : vector<16xf32>
        %add3A_1414 = arith.constant 48 : i32
        %add3A_1415 = vector.broadcast %add3A_1414 : i32 to vector<16xi32>
        %add3A_1416 = arith.addi %add3A_1371, %add3A_1415 : vector<16xi32>
        %gather3A_1417 = tpu.vector_load_idx %arg13[%add3A_1416] : memref<2048xf32, #tpu.memory_space<vmem>>[vector<16xi32>], vector<16xf32>,
        %mul3A_1418 = arith.mulf %mul3A_1413, %gather3A_1417 : vector<16xf32>
        %add3A_1419 = arith.addf %add3A_1406, %mul3A_1418 : vector<16xf32>
        %get3A_1420 = arith.index_cast %add3A_1367 : i32 to index
        %get3A_1421 = arith.constant 64 : index
        %get3A_1422 = tpu.vector_load %arg11[%get3A_1420, %get3A_1421] {strides = array<i32>} : memref<128x128xf32, #tpu.memory_space<vmem>>, vector<16xf32>,
        %get3A_1423 = arith.index_cast %add3A_1367 : i32 to index
        %get3A_1424 = arith.constant 64 : index
        %get3A_1425 = tpu.vector_load %arg12[%get3A_1423, %get3A_1424] {strides = array<i32>} : memref<128x128xf32, #tpu.memory_space<vmem>>, vector<16xf32>,
        %mul3A_1426 = arith.mulf %get3A_1422, %get3A_1425 : vector<16xf32>
        %add3A_1427 = arith.constant 64 : i32
        %add3A_1428 = vector.broadcast %add3A_1427 : i32 to vector<16xi32>
        %add3A_1429 = arith.addi %add3A_1371, %add3A_1428 : vector<16xi32>
        %gather3A_1430 = tpu.vector_load_idx %arg13[%add3A_1429] : memref<2048xf32, #tpu.memory_space<vmem>>[vector<16xi32>], vector<16xf32>,
        %mul3A_1431 = arith.mulf %mul3A_1426, %gather3A_1430 : vector<16xf32>
        %add3A_1432 = arith.addf %add3A_1419, %mul3A_1431 : vector<16xf32>
        %get3A_1433 = arith.index_cast %add3A_1367 : i32 to index
        %get3A_1434 = arith.constant 80 : index
        %get3A_1435 = tpu.vector_load %arg11[%get3A_1433, %get3A_1434] {strides = array<i32>} : memref<128x128xf32, #tpu.memory_space<vmem>>, vector<16xf32>,
        %get3A_1436 = arith.index_cast %add3A_1367 : i32 to index
        %get3A_1437 = arith.constant 80 : index
        %get3A_1438 = tpu.vector_load %arg12[%get3A_1436, %get3A_1437] {strides = array<i32>} : memref<128x128xf32, #tpu.memory_space<vmem>>, vector<16xf32>,
        %mul3A_1439 = arith.mulf %get3A_1435, %get3A_1438 : vector<16xf32>
        %add3A_1440 = arith.constant 80 : i32
        %add3A_1441 = vector.broadcast %add3A_1440 : i32 to vector<16xi32>
        %add3A_1442 = arith.addi %add3A_1371, %add3A_1441 : vector<16xi32>
        %gather3A_1443 = tpu.vector_load_idx %arg13[%add3A_1442] : memref<2048xf32, #tpu.memory_space<vmem>>[vector<16xi32>], vector<16xf32>,
        %mul3A_1444 = arith.mulf %mul3A_1439, %gather3A_1443 : vector<16xf32>
        %add3A_1445 = arith.addf %add3A_1432, %mul3A_1444 : vector<16xf32>
        %get3A_1446 = arith.index_cast %add3A_1367 : i32 to index
        %get3A_1447 = arith.constant 96 : index
        %get3A_1448 = tpu.vector_load %arg11[%get3A_1446, %get3A_1447] {strides = array<i32>} : memref<128x128xf32, #tpu.memory_space<vmem>>, vector<16xf32>,
        %get3A_1449 = arith.index_cast %add3A_1367 : i32 to index
        %get3A_1450 = arith.constant 96 : index
        %get3A_1451 = tpu.vector_load %arg12[%get3A_1449, %get3A_1450] {strides = array<i32>} : memref<128x128xf32, #tpu.memory_space<vmem>>, vector<16xf32>,
        %mul3A_1452 = arith.mulf %get3A_1448, %get3A_1451 : vector<16xf32>
        %add3A_1453 = arith.constant 96 : i32
        %add3A_1454 = vector.broadcast %add3A_1453 : i32 to vector<16xi32>
        %add3A_1455 = arith.addi %add3A_1371, %add3A_1454 : vector<16xi32>
        %gather3A_1456 = tpu.vector_load_idx %arg13[%add3A_1455] : memref<2048xf32, #tpu.memory_space<vmem>>[vector<16xi32>], vector<16xf32>,
        %mul3A_1457 = arith.mulf %mul3A_1452, %gather3A_1456 : vector<16xf32>
        %add3A_1458 = arith.addf %add3A_1445, %mul3A_1457 : vector<16xf32>
        %get3A_1459 = arith.index_cast %add3A_1367 : i32 to index
        %get3A_1460 = arith.constant 112 : index
        %get3A_1461 = tpu.vector_load %arg11[%get3A_1459, %get3A_1460] {strides = array<i32>} : memref<128x128xf32, #tpu.memory_space<vmem>>, vector<16xf32>,
        %get3A_1462 = arith.index_cast %add3A_1367 : i32 to index
        %get3A_1463 = arith.constant 112 : index
        %get3A_1464 = tpu.vector_load %arg12[%get3A_1462, %get3A_1463] {strides = array<i32>} : memref<128x128xf32, #tpu.memory_space<vmem>>, vector<16xf32>,
        %mul3A_1465 = arith.mulf %get3A_1461, %get3A_1464 : vector<16xf32>
        %add3A_1466 = arith.constant 112 : i32
        %add3A_1467 = vector.broadcast %add3A_1466 : i32 to vector<16xi32>
        %add3A_1468 = arith.addi %add3A_1371, %add3A_1467 : vector<16xi32>
        %gather3A_1469 = tpu.vector_load_idx %arg13[%add3A_1468] : memref<2048xf32, #tpu.memory_space<vmem>>[vector<16xi32>], vector<16xf32>,
        %mul3A_1470 = arith.mulf %mul3A_1465, %gather3A_1469 : vector<16xf32>
        %add3A_1471 = arith.addf %add3A_1458, %mul3A_1470 : vector<16xf32>
        %swap3A_1472 = arith.constant 192 : index
        %swap3A_1473 = tpu.vector_load %arg15[%swap3A_1472] {strides = array<i32>} : memref<256xf32, #tpu.memory_space<vmem>>, vector<16xf32>,
        tpu.vector_store %arg15[%swap3A_1472], %add3A_1471 {strides = array<i32>} : memref<256xf32, #tpu.memory_space<vmem>>, vector<16xf32>,
        %mul3A_1474 = arith.constant 16 : i32
        %mul3A_1475 = arith.muli %scan3A_41, %mul3A_1474 : i32
        %add3A_1476 = arith.constant 13 : i32
        %add3A_1477 = arith.addi %mul3A_1475, %add3A_1476 : i32
        %slice3A_1478 = vector.extract_strided_slice %mul3A_48 {offsets = [13], sizes = [1], strides = [1]} : vector<16xi32> to vector<1xi32>
        %squeeze3A_1479 = vector.extract %slice3A_1478[0] : i32 from vector<1xi32>
        %broadcast_in_dim3A_1480 = vector.broadcast %squeeze3A_1479 : i32 to vector<16xi32>
        %add3A_1481 = arith.addi %broadcast_in_dim3A_1480, %iota3A_4 : vector<16xi32>
        %get3A_1482 = arith.index_cast %add3A_1477 : i32 to index
        %get3A_1483 = arith.constant 0 : index
        %get3A_1484 = tpu.vector_load %arg11[%get3A_1482, %get3A_1483] {strides = array<i32>} : memref<128x128xf32, #tpu.memory_space<vmem>>, vector<16xf32>,
        %get3A_1485 = arith.index_cast %add3A_1477 : i32 to index
        %get3A_1486 = arith.constant 0 : index
        %get3A_1487 = tpu.vector_load %arg12[%get3A_1485, %get3A_1486] {strides = array<i32>} : memref<128x128xf32, #tpu.memory_space<vmem>>, vector<16xf32>,
        %mul3A_1488 = arith.mulf %get3A_1484, %get3A_1487 : vector<16xf32>
        %gather3A_1489 = tpu.vector_load_idx %arg13[%add3A_1481] : memref<2048xf32, #tpu.memory_space<vmem>>[vector<16xi32>], vector<16xf32>,
        %mul3A_1490 = arith.mulf %mul3A_1488, %gather3A_1489 : vector<16xf32>
        %get3A_1491 = arith.index_cast %add3A_1477 : i32 to index
        %get3A_1492 = arith.constant 16 : index
        %get3A_1493 = tpu.vector_load %arg11[%get3A_1491, %get3A_1492] {strides = array<i32>} : memref<128x128xf32, #tpu.memory_space<vmem>>, vector<16xf32>,
        %get3A_1494 = arith.index_cast %add3A_1477 : i32 to index
        %get3A_1495 = arith.constant 16 : index
        %get3A_1496 = tpu.vector_load %arg12[%get3A_1494, %get3A_1495] {strides = array<i32>} : memref<128x128xf32, #tpu.memory_space<vmem>>, vector<16xf32>,
        %mul3A_1497 = arith.mulf %get3A_1493, %get3A_1496 : vector<16xf32>
        %add3A_1498 = arith.constant 16 : i32
        %add3A_1499 = vector.broadcast %add3A_1498 : i32 to vector<16xi32>
        %add3A_1500 = arith.addi %add3A_1481, %add3A_1499 : vector<16xi32>
        %gather3A_1501 = tpu.vector_load_idx %arg13[%add3A_1500] : memref<2048xf32, #tpu.memory_space<vmem>>[vector<16xi32>], vector<16xf32>,
        %mul3A_1502 = arith.mulf %mul3A_1497, %gather3A_1501 : vector<16xf32>
        %add3A_1503 = arith.addf %mul3A_1490, %mul3A_1502 : vector<16xf32>
        %get3A_1504 = arith.index_cast %add3A_1477 : i32 to index
        %get3A_1505 = arith.constant 32 : index
        %get3A_1506 = tpu.vector_load %arg11[%get3A_1504, %get3A_1505] {strides = array<i32>} : memref<128x128xf32, #tpu.memory_space<vmem>>, vector<16xf32>,
        %get3A_1507 = arith.index_cast %add3A_1477 : i32 to index
        %get3A_1508 = arith.constant 32 : index
        %get3A_1509 = tpu.vector_load %arg12[%get3A_1507, %get3A_1508] {strides = array<i32>} : memref<128x128xf32, #tpu.memory_space<vmem>>, vector<16xf32>,
        %mul3A_1510 = arith.mulf %get3A_1506, %get3A_1509 : vector<16xf32>
        %add3A_1511 = arith.constant 32 : i32
        %add3A_1512 = vector.broadcast %add3A_1511 : i32 to vector<16xi32>
        %add3A_1513 = arith.addi %add3A_1481, %add3A_1512 : vector<16xi32>
        %gather3A_1514 = tpu.vector_load_idx %arg13[%add3A_1513] : memref<2048xf32, #tpu.memory_space<vmem>>[vector<16xi32>], vector<16xf32>,
        %mul3A_1515 = arith.mulf %mul3A_1510, %gather3A_1514 : vector<16xf32>
        %add3A_1516 = arith.addf %add3A_1503, %mul3A_1515 : vector<16xf32>
        %get3A_1517 = arith.index_cast %add3A_1477 : i32 to index
        %get3A_1518 = arith.constant 48 : index
        %get3A_1519 = tpu.vector_load %arg11[%get3A_1517, %get3A_1518] {strides = array<i32>} : memref<128x128xf32, #tpu.memory_space<vmem>>, vector<16xf32>,
        %get3A_1520 = arith.index_cast %add3A_1477 : i32 to index
        %get3A_1521 = arith.constant 48 : index
        %get3A_1522 = tpu.vector_load %arg12[%get3A_1520, %get3A_1521] {strides = array<i32>} : memref<128x128xf32, #tpu.memory_space<vmem>>, vector<16xf32>,
        %mul3A_1523 = arith.mulf %get3A_1519, %get3A_1522 : vector<16xf32>
        %add3A_1524 = arith.constant 48 : i32
        %add3A_1525 = vector.broadcast %add3A_1524 : i32 to vector<16xi32>
        %add3A_1526 = arith.addi %add3A_1481, %add3A_1525 : vector<16xi32>
        %gather3A_1527 = tpu.vector_load_idx %arg13[%add3A_1526] : memref<2048xf32, #tpu.memory_space<vmem>>[vector<16xi32>], vector<16xf32>,
        %mul3A_1528 = arith.mulf %mul3A_1523, %gather3A_1527 : vector<16xf32>
        %add3A_1529 = arith.addf %add3A_1516, %mul3A_1528 : vector<16xf32>
        %get3A_1530 = arith.index_cast %add3A_1477 : i32 to index
        %get3A_1531 = arith.constant 64 : index
        %get3A_1532 = tpu.vector_load %arg11[%get3A_1530, %get3A_1531] {strides = array<i32>} : memref<128x128xf32, #tpu.memory_space<vmem>>, vector<16xf32>,
        %get3A_1533 = arith.index_cast %add3A_1477 : i32 to index
        %get3A_1534 = arith.constant 64 : index
        %get3A_1535 = tpu.vector_load %arg12[%get3A_1533, %get3A_1534] {strides = array<i32>} : memref<128x128xf32, #tpu.memory_space<vmem>>, vector<16xf32>,
        %mul3A_1536 = arith.mulf %get3A_1532, %get3A_1535 : vector<16xf32>
        %add3A_1537 = arith.constant 64 : i32
        %add3A_1538 = vector.broadcast %add3A_1537 : i32 to vector<16xi32>
        %add3A_1539 = arith.addi %add3A_1481, %add3A_1538 : vector<16xi32>
        %gather3A_1540 = tpu.vector_load_idx %arg13[%add3A_1539] : memref<2048xf32, #tpu.memory_space<vmem>>[vector<16xi32>], vector<16xf32>,
        %mul3A_1541 = arith.mulf %mul3A_1536, %gather3A_1540 : vector<16xf32>
        %add3A_1542 = arith.addf %add3A_1529, %mul3A_1541 : vector<16xf32>
        %get3A_1543 = arith.index_cast %add3A_1477 : i32 to index
        %get3A_1544 = arith.constant 80 : index
        %get3A_1545 = tpu.vector_load %arg11[%get3A_1543, %get3A_1544] {strides = array<i32>} : memref<128x128xf32, #tpu.memory_space<vmem>>, vector<16xf32>,
        %get3A_1546 = arith.index_cast %add3A_1477 : i32 to index
        %get3A_1547 = arith.constant 80 : index
        %get3A_1548 = tpu.vector_load %arg12[%get3A_1546, %get3A_1547] {strides = array<i32>} : memref<128x128xf32, #tpu.memory_space<vmem>>, vector<16xf32>,
        %mul3A_1549 = arith.mulf %get3A_1545, %get3A_1548 : vector<16xf32>
        %add3A_1550 = arith.constant 80 : i32
        %add3A_1551 = vector.broadcast %add3A_1550 : i32 to vector<16xi32>
        %add3A_1552 = arith.addi %add3A_1481, %add3A_1551 : vector<16xi32>
        %gather3A_1553 = tpu.vector_load_idx %arg13[%add3A_1552] : memref<2048xf32, #tpu.memory_space<vmem>>[vector<16xi32>], vector<16xf32>,
        %mul3A_1554 = arith.mulf %mul3A_1549, %gather3A_1553 : vector<16xf32>
        %add3A_1555 = arith.addf %add3A_1542, %mul3A_1554 : vector<16xf32>
        %get3A_1556 = arith.index_cast %add3A_1477 : i32 to index
        %get3A_1557 = arith.constant 96 : index
        %get3A_1558 = tpu.vector_load %arg11[%get3A_1556, %get3A_1557] {strides = array<i32>} : memref<128x128xf32, #tpu.memory_space<vmem>>, vector<16xf32>,
        %get3A_1559 = arith.index_cast %add3A_1477 : i32 to index
        %get3A_1560 = arith.constant 96 : index
        %get3A_1561 = tpu.vector_load %arg12[%get3A_1559, %get3A_1560] {strides = array<i32>} : memref<128x128xf32, #tpu.memory_space<vmem>>, vector<16xf32>,
        %mul3A_1562 = arith.mulf %get3A_1558, %get3A_1561 : vector<16xf32>
        %add3A_1563 = arith.constant 96 : i32
        %add3A_1564 = vector.broadcast %add3A_1563 : i32 to vector<16xi32>
        %add3A_1565 = arith.addi %add3A_1481, %add3A_1564 : vector<16xi32>
        %gather3A_1566 = tpu.vector_load_idx %arg13[%add3A_1565] : memref<2048xf32, #tpu.memory_space<vmem>>[vector<16xi32>], vector<16xf32>,
        %mul3A_1567 = arith.mulf %mul3A_1562, %gather3A_1566 : vector<16xf32>
        %add3A_1568 = arith.addf %add3A_1555, %mul3A_1567 : vector<16xf32>
        %get3A_1569 = arith.index_cast %add3A_1477 : i32 to index
        %get3A_1570 = arith.constant 112 : index
        %get3A_1571 = tpu.vector_load %arg11[%get3A_1569, %get3A_1570] {strides = array<i32>} : memref<128x128xf32, #tpu.memory_space<vmem>>, vector<16xf32>,
        %get3A_1572 = arith.index_cast %add3A_1477 : i32 to index
        %get3A_1573 = arith.constant 112 : index
        %get3A_1574 = tpu.vector_load %arg12[%get3A_1572, %get3A_1573] {strides = array<i32>} : memref<128x128xf32, #tpu.memory_space<vmem>>, vector<16xf32>,
        %mul3A_1575 = arith.mulf %get3A_1571, %get3A_1574 : vector<16xf32>
        %add3A_1576 = arith.constant 112 : i32
        %add3A_1577 = vector.broadcast %add3A_1576 : i32 to vector<16xi32>
        %add3A_1578 = arith.addi %add3A_1481, %add3A_1577 : vector<16xi32>
        %gather3A_1579 = tpu.vector_load_idx %arg13[%add3A_1578] : memref<2048xf32, #tpu.memory_space<vmem>>[vector<16xi32>], vector<16xf32>,
        %mul3A_1580 = arith.mulf %mul3A_1575, %gather3A_1579 : vector<16xf32>
        %add3A_1581 = arith.addf %add3A_1568, %mul3A_1580 : vector<16xf32>
        %swap3A_1582 = arith.constant 208 : index
        %swap3A_1583 = tpu.vector_load %arg15[%swap3A_1582] {strides = array<i32>} : memref<256xf32, #tpu.memory_space<vmem>>, vector<16xf32>,
        tpu.vector_store %arg15[%swap3A_1582], %add3A_1581 {strides = array<i32>} : memref<256xf32, #tpu.memory_space<vmem>>, vector<16xf32>,
        %mul3A_1584 = arith.constant 16 : i32
        %mul3A_1585 = arith.muli %scan3A_41, %mul3A_1584 : i32
        %add3A_1586 = arith.constant 14 : i32
        %add3A_1587 = arith.addi %mul3A_1585, %add3A_1586 : i32
        %slice3A_1588 = vector.extract_strided_slice %mul3A_48 {offsets = [14], sizes = [1], strides = [1]} : vector<16xi32> to vector<1xi32>
        %squeeze3A_1589 = vector.extract %slice3A_1588[0] : i32 from vector<1xi32>
        %broadcast_in_dim3A_1590 = vector.broadcast %squeeze3A_1589 : i32 to vector<16xi32>
        %add3A_1591 = arith.addi %broadcast_in_dim3A_1590, %iota3A_4 : vector<16xi32>
        %get3A_1592 = arith.index_cast %add3A_1587 : i32 to index
        %get3A_1593 = arith.constant 0 : index
        %get3A_1594 = tpu.vector_load %arg11[%get3A_1592, %get3A_1593] {strides = array<i32>} : memref<128x128xf32, #tpu.memory_space<vmem>>, vector<16xf32>,
        %get3A_1595 = arith.index_cast %add3A_1587 : i32 to index
        %get3A_1596 = arith.constant 0 : index
        %get3A_1597 = tpu.vector_load %arg12[%get3A_1595, %get3A_1596] {strides = array<i32>} : memref<128x128xf32, #tpu.memory_space<vmem>>, vector<16xf32>,
        %mul3A_1598 = arith.mulf %get3A_1594, %get3A_1597 : vector<16xf32>
        %gather3A_1599 = tpu.vector_load_idx %arg13[%add3A_1591] : memref<2048xf32, #tpu.memory_space<vmem>>[vector<16xi32>], vector<16xf32>,
        %mul3A_1600 = arith.mulf %mul3A_1598, %gather3A_1599 : vector<16xf32>
        %get3A_1601 = arith.index_cast %add3A_1587 : i32 to index
        %get3A_1602 = arith.constant 16 : index
        %get3A_1603 = tpu.vector_load %arg11[%get3A_1601, %get3A_1602] {strides = array<i32>} : memref<128x128xf32, #tpu.memory_space<vmem>>, vector<16xf32>,
        %get3A_1604 = arith.index_cast %add3A_1587 : i32 to index
        %get3A_1605 = arith.constant 16 : index
        %get3A_1606 = tpu.vector_load %arg12[%get3A_1604, %get3A_1605] {strides = array<i32>} : memref<128x128xf32, #tpu.memory_space<vmem>>, vector<16xf32>,
        %mul3A_1607 = arith.mulf %get3A_1603, %get3A_1606 : vector<16xf32>
        %add3A_1608 = arith.constant 16 : i32
        %add3A_1609 = vector.broadcast %add3A_1608 : i32 to vector<16xi32>
        %add3A_1610 = arith.addi %add3A_1591, %add3A_1609 : vector<16xi32>
        %gather3A_1611 = tpu.vector_load_idx %arg13[%add3A_1610] : memref<2048xf32, #tpu.memory_space<vmem>>[vector<16xi32>], vector<16xf32>,
        %mul3A_1612 = arith.mulf %mul3A_1607, %gather3A_1611 : vector<16xf32>
        %add3A_1613 = arith.addf %mul3A_1600, %mul3A_1612 : vector<16xf32>
        %get3A_1614 = arith.index_cast %add3A_1587 : i32 to index
        %get3A_1615 = arith.constant 32 : index
        %get3A_1616 = tpu.vector_load %arg11[%get3A_1614, %get3A_1615] {strides = array<i32>} : memref<128x128xf32, #tpu.memory_space<vmem>>, vector<16xf32>,
        %get3A_1617 = arith.index_cast %add3A_1587 : i32 to index
        %get3A_1618 = arith.constant 32 : index
        %get3A_1619 = tpu.vector_load %arg12[%get3A_1617, %get3A_1618] {strides = array<i32>} : memref<128x128xf32, #tpu.memory_space<vmem>>, vector<16xf32>,
        %mul3A_1620 = arith.mulf %get3A_1616, %get3A_1619 : vector<16xf32>
        %add3A_1621 = arith.constant 32 : i32
        %add3A_1622 = vector.broadcast %add3A_1621 : i32 to vector<16xi32>
        %add3A_1623 = arith.addi %add3A_1591, %add3A_1622 : vector<16xi32>
        %gather3A_1624 = tpu.vector_load_idx %arg13[%add3A_1623] : memref<2048xf32, #tpu.memory_space<vmem>>[vector<16xi32>], vector<16xf32>,
        %mul3A_1625 = arith.mulf %mul3A_1620, %gather3A_1624 : vector<16xf32>
        %add3A_1626 = arith.addf %add3A_1613, %mul3A_1625 : vector<16xf32>
        %get3A_1627 = arith.index_cast %add3A_1587 : i32 to index
        %get3A_1628 = arith.constant 48 : index
        %get3A_1629 = tpu.vector_load %arg11[%get3A_1627, %get3A_1628] {strides = array<i32>} : memref<128x128xf32, #tpu.memory_space<vmem>>, vector<16xf32>,
        %get3A_1630 = arith.index_cast %add3A_1587 : i32 to index
        %get3A_1631 = arith.constant 48 : index
        %get3A_1632 = tpu.vector_load %arg12[%get3A_1630, %get3A_1631] {strides = array<i32>} : memref<128x128xf32, #tpu.memory_space<vmem>>, vector<16xf32>,
        %mul3A_1633 = arith.mulf %get3A_1629, %get3A_1632 : vector<16xf32>
        %add3A_1634 = arith.constant 48 : i32
        %add3A_1635 = vector.broadcast %add3A_1634 : i32 to vector<16xi32>
        %add3A_1636 = arith.addi %add3A_1591, %add3A_1635 : vector<16xi32>
        %gather3A_1637 = tpu.vector_load_idx %arg13[%add3A_1636] : memref<2048xf32, #tpu.memory_space<vmem>>[vector<16xi32>], vector<16xf32>,
        %mul3A_1638 = arith.mulf %mul3A_1633, %gather3A_1637 : vector<16xf32>
        %add3A_1639 = arith.addf %add3A_1626, %mul3A_1638 : vector<16xf32>
        %get3A_1640 = arith.index_cast %add3A_1587 : i32 to index
        %get3A_1641 = arith.constant 64 : index
        %get3A_1642 = tpu.vector_load %arg11[%get3A_1640, %get3A_1641] {strides = array<i32>} : memref<128x128xf32, #tpu.memory_space<vmem>>, vector<16xf32>,
        %get3A_1643 = arith.index_cast %add3A_1587 : i32 to index
        %get3A_1644 = arith.constant 64 : index
        %get3A_1645 = tpu.vector_load %arg12[%get3A_1643, %get3A_1644] {strides = array<i32>} : memref<128x128xf32, #tpu.memory_space<vmem>>, vector<16xf32>,
        %mul3A_1646 = arith.mulf %get3A_1642, %get3A_1645 : vector<16xf32>
        %add3A_1647 = arith.constant 64 : i32
        %add3A_1648 = vector.broadcast %add3A_1647 : i32 to vector<16xi32>
        %add3A_1649 = arith.addi %add3A_1591, %add3A_1648 : vector<16xi32>
        %gather3A_1650 = tpu.vector_load_idx %arg13[%add3A_1649] : memref<2048xf32, #tpu.memory_space<vmem>>[vector<16xi32>], vector<16xf32>,
        %mul3A_1651 = arith.mulf %mul3A_1646, %gather3A_1650 : vector<16xf32>
        %add3A_1652 = arith.addf %add3A_1639, %mul3A_1651 : vector<16xf32>
        %get3A_1653 = arith.index_cast %add3A_1587 : i32 to index
        %get3A_1654 = arith.constant 80 : index
        %get3A_1655 = tpu.vector_load %arg11[%get3A_1653, %get3A_1654] {strides = array<i32>} : memref<128x128xf32, #tpu.memory_space<vmem>>, vector<16xf32>,
        %get3A_1656 = arith.index_cast %add3A_1587 : i32 to index
        %get3A_1657 = arith.constant 80 : index
        %get3A_1658 = tpu.vector_load %arg12[%get3A_1656, %get3A_1657] {strides = array<i32>} : memref<128x128xf32, #tpu.memory_space<vmem>>, vector<16xf32>,
        %mul3A_1659 = arith.mulf %get3A_1655, %get3A_1658 : vector<16xf32>
        %add3A_1660 = arith.constant 80 : i32
        %add3A_1661 = vector.broadcast %add3A_1660 : i32 to vector<16xi32>
        %add3A_1662 = arith.addi %add3A_1591, %add3A_1661 : vector<16xi32>
        %gather3A_1663 = tpu.vector_load_idx %arg13[%add3A_1662] : memref<2048xf32, #tpu.memory_space<vmem>>[vector<16xi32>], vector<16xf32>,
        %mul3A_1664 = arith.mulf %mul3A_1659, %gather3A_1663 : vector<16xf32>
        %add3A_1665 = arith.addf %add3A_1652, %mul3A_1664 : vector<16xf32>
        %get3A_1666 = arith.index_cast %add3A_1587 : i32 to index
        %get3A_1667 = arith.constant 96 : index
        %get3A_1668 = tpu.vector_load %arg11[%get3A_1666, %get3A_1667] {strides = array<i32>} : memref<128x128xf32, #tpu.memory_space<vmem>>, vector<16xf32>,
        %get3A_1669 = arith.index_cast %add3A_1587 : i32 to index
        %get3A_1670 = arith.constant 96 : index
        %get3A_1671 = tpu.vector_load %arg12[%get3A_1669, %get3A_1670] {strides = array<i32>} : memref<128x128xf32, #tpu.memory_space<vmem>>, vector<16xf32>,
        %mul3A_1672 = arith.mulf %get3A_1668, %get3A_1671 : vector<16xf32>
        %add3A_1673 = arith.constant 96 : i32
        %add3A_1674 = vector.broadcast %add3A_1673 : i32 to vector<16xi32>
        %add3A_1675 = arith.addi %add3A_1591, %add3A_1674 : vector<16xi32>
        %gather3A_1676 = tpu.vector_load_idx %arg13[%add3A_1675] : memref<2048xf32, #tpu.memory_space<vmem>>[vector<16xi32>], vector<16xf32>,
        %mul3A_1677 = arith.mulf %mul3A_1672, %gather3A_1676 : vector<16xf32>
        %add3A_1678 = arith.addf %add3A_1665, %mul3A_1677 : vector<16xf32>
        %get3A_1679 = arith.index_cast %add3A_1587 : i32 to index
        %get3A_1680 = arith.constant 112 : index
        %get3A_1681 = tpu.vector_load %arg11[%get3A_1679, %get3A_1680] {strides = array<i32>} : memref<128x128xf32, #tpu.memory_space<vmem>>, vector<16xf32>,
        %get3A_1682 = arith.index_cast %add3A_1587 : i32 to index
        %get3A_1683 = arith.constant 112 : index
        %get3A_1684 = tpu.vector_load %arg12[%get3A_1682, %get3A_1683] {strides = array<i32>} : memref<128x128xf32, #tpu.memory_space<vmem>>, vector<16xf32>,
        %mul3A_1685 = arith.mulf %get3A_1681, %get3A_1684 : vector<16xf32>
        %add3A_1686 = arith.constant 112 : i32
        %add3A_1687 = vector.broadcast %add3A_1686 : i32 to vector<16xi32>
        %add3A_1688 = arith.addi %add3A_1591, %add3A_1687 : vector<16xi32>
        %gather3A_1689 = tpu.vector_load_idx %arg13[%add3A_1688] : memref<2048xf32, #tpu.memory_space<vmem>>[vector<16xi32>], vector<16xf32>,
        %mul3A_1690 = arith.mulf %mul3A_1685, %gather3A_1689 : vector<16xf32>
        %add3A_1691 = arith.addf %add3A_1678, %mul3A_1690 : vector<16xf32>
        %swap3A_1692 = arith.constant 224 : index
        %swap3A_1693 = tpu.vector_load %arg15[%swap3A_1692] {strides = array<i32>} : memref<256xf32, #tpu.memory_space<vmem>>, vector<16xf32>,
        tpu.vector_store %arg15[%swap3A_1692], %add3A_1691 {strides = array<i32>} : memref<256xf32, #tpu.memory_space<vmem>>, vector<16xf32>,
        %mul3A_1694 = arith.constant 16 : i32
        %mul3A_1695 = arith.muli %scan3A_41, %mul3A_1694 : i32
        %add3A_1696 = arith.constant 15 : i32
        %add3A_1697 = arith.addi %mul3A_1695, %add3A_1696 : i32
        %slice3A_1698 = vector.extract_strided_slice %mul3A_48 {offsets = [15], sizes = [1], strides = [1]} : vector<16xi32> to vector<1xi32>
        %squeeze3A_1699 = vector.extract %slice3A_1698[0] : i32 from vector<1xi32>
        %broadcast_in_dim3A_1700 = vector.broadcast %squeeze3A_1699 : i32 to vector<16xi32>
        %add3A_1701 = arith.addi %broadcast_in_dim3A_1700, %iota3A_4 : vector<16xi32>
        %get3A_1702 = arith.index_cast %add3A_1697 : i32 to index
        %get3A_1703 = arith.constant 0 : index
        %get3A_1704 = tpu.vector_load %arg11[%get3A_1702, %get3A_1703] {strides = array<i32>} : memref<128x128xf32, #tpu.memory_space<vmem>>, vector<16xf32>,
        %get3A_1705 = arith.index_cast %add3A_1697 : i32 to index
        %get3A_1706 = arith.constant 0 : index
        %get3A_1707 = tpu.vector_load %arg12[%get3A_1705, %get3A_1706] {strides = array<i32>} : memref<128x128xf32, #tpu.memory_space<vmem>>, vector<16xf32>,
        %mul3A_1708 = arith.mulf %get3A_1704, %get3A_1707 : vector<16xf32>
        %gather3A_1709 = tpu.vector_load_idx %arg13[%add3A_1701] : memref<2048xf32, #tpu.memory_space<vmem>>[vector<16xi32>], vector<16xf32>,
        %mul3A_1710 = arith.mulf %mul3A_1708, %gather3A_1709 : vector<16xf32>
        %get3A_1711 = arith.index_cast %add3A_1697 : i32 to index
        %get3A_1712 = arith.constant 16 : index
        %get3A_1713 = tpu.vector_load %arg11[%get3A_1711, %get3A_1712] {strides = array<i32>} : memref<128x128xf32, #tpu.memory_space<vmem>>, vector<16xf32>,
        %get3A_1714 = arith.index_cast %add3A_1697 : i32 to index
        %get3A_1715 = arith.constant 16 : index
        %get3A_1716 = tpu.vector_load %arg12[%get3A_1714, %get3A_1715] {strides = array<i32>} : memref<128x128xf32, #tpu.memory_space<vmem>>, vector<16xf32>,
        %mul3A_1717 = arith.mulf %get3A_1713, %get3A_1716 : vector<16xf32>
        %add3A_1718 = arith.constant 16 : i32
        %add3A_1719 = vector.broadcast %add3A_1718 : i32 to vector<16xi32>
        %add3A_1720 = arith.addi %add3A_1701, %add3A_1719 : vector<16xi32>
        %gather3A_1721 = tpu.vector_load_idx %arg13[%add3A_1720] : memref<2048xf32, #tpu.memory_space<vmem>>[vector<16xi32>], vector<16xf32>,
        %mul3A_1722 = arith.mulf %mul3A_1717, %gather3A_1721 : vector<16xf32>
        %add3A_1723 = arith.addf %mul3A_1710, %mul3A_1722 : vector<16xf32>
        %get3A_1724 = arith.index_cast %add3A_1697 : i32 to index
        %get3A_1725 = arith.constant 32 : index
        %get3A_1726 = tpu.vector_load %arg11[%get3A_1724, %get3A_1725] {strides = array<i32>} : memref<128x128xf32, #tpu.memory_space<vmem>>, vector<16xf32>,
        %get3A_1727 = arith.index_cast %add3A_1697 : i32 to index
        %get3A_1728 = arith.constant 32 : index
        %get3A_1729 = tpu.vector_load %arg12[%get3A_1727, %get3A_1728] {strides = array<i32>} : memref<128x128xf32, #tpu.memory_space<vmem>>, vector<16xf32>,
        %mul3A_1730 = arith.mulf %get3A_1726, %get3A_1729 : vector<16xf32>
        %add3A_1731 = arith.constant 32 : i32
        %add3A_1732 = vector.broadcast %add3A_1731 : i32 to vector<16xi32>
        %add3A_1733 = arith.addi %add3A_1701, %add3A_1732 : vector<16xi32>
        %gather3A_1734 = tpu.vector_load_idx %arg13[%add3A_1733] : memref<2048xf32, #tpu.memory_space<vmem>>[vector<16xi32>], vector<16xf32>,
        %mul3A_1735 = arith.mulf %mul3A_1730, %gather3A_1734 : vector<16xf32>
        %add3A_1736 = arith.addf %add3A_1723, %mul3A_1735 : vector<16xf32>
        %get3A_1737 = arith.index_cast %add3A_1697 : i32 to index
        %get3A_1738 = arith.constant 48 : index
        %get3A_1739 = tpu.vector_load %arg11[%get3A_1737, %get3A_1738] {strides = array<i32>} : memref<128x128xf32, #tpu.memory_space<vmem>>, vector<16xf32>,
        %get3A_1740 = arith.index_cast %add3A_1697 : i32 to index
        %get3A_1741 = arith.constant 48 : index
        %get3A_1742 = tpu.vector_load %arg12[%get3A_1740, %get3A_1741] {strides = array<i32>} : memref<128x128xf32, #tpu.memory_space<vmem>>, vector<16xf32>,
        %mul3A_1743 = arith.mulf %get3A_1739, %get3A_1742 : vector<16xf32>
        %add3A_1744 = arith.constant 48 : i32
        %add3A_1745 = vector.broadcast %add3A_1744 : i32 to vector<16xi32>
        %add3A_1746 = arith.addi %add3A_1701, %add3A_1745 : vector<16xi32>
        %gather3A_1747 = tpu.vector_load_idx %arg13[%add3A_1746] : memref<2048xf32, #tpu.memory_space<vmem>>[vector<16xi32>], vector<16xf32>,
        %mul3A_1748 = arith.mulf %mul3A_1743, %gather3A_1747 : vector<16xf32>
        %add3A_1749 = arith.addf %add3A_1736, %mul3A_1748 : vector<16xf32>
        %get3A_1750 = arith.index_cast %add3A_1697 : i32 to index
        %get3A_1751 = arith.constant 64 : index
        %get3A_1752 = tpu.vector_load %arg11[%get3A_1750, %get3A_1751] {strides = array<i32>} : memref<128x128xf32, #tpu.memory_space<vmem>>, vector<16xf32>,
        %get3A_1753 = arith.index_cast %add3A_1697 : i32 to index
        %get3A_1754 = arith.constant 64 : index
        %get3A_1755 = tpu.vector_load %arg12[%get3A_1753, %get3A_1754] {strides = array<i32>} : memref<128x128xf32, #tpu.memory_space<vmem>>, vector<16xf32>,
        %mul3A_1756 = arith.mulf %get3A_1752, %get3A_1755 : vector<16xf32>
        %add3A_1757 = arith.constant 64 : i32
        %add3A_1758 = vector.broadcast %add3A_1757 : i32 to vector<16xi32>
        %add3A_1759 = arith.addi %add3A_1701, %add3A_1758 : vector<16xi32>
        %gather3A_1760 = tpu.vector_load_idx %arg13[%add3A_1759] : memref<2048xf32, #tpu.memory_space<vmem>>[vector<16xi32>], vector<16xf32>,
        %mul3A_1761 = arith.mulf %mul3A_1756, %gather3A_1760 : vector<16xf32>
        %add3A_1762 = arith.addf %add3A_1749, %mul3A_1761 : vector<16xf32>
        %get3A_1763 = arith.index_cast %add3A_1697 : i32 to index
        %get3A_1764 = arith.constant 80 : index
        %get3A_1765 = tpu.vector_load %arg11[%get3A_1763, %get3A_1764] {strides = array<i32>} : memref<128x128xf32, #tpu.memory_space<vmem>>, vector<16xf32>,
        %get3A_1766 = arith.index_cast %add3A_1697 : i32 to index
        %get3A_1767 = arith.constant 80 : index
        %get3A_1768 = tpu.vector_load %arg12[%get3A_1766, %get3A_1767] {strides = array<i32>} : memref<128x128xf32, #tpu.memory_space<vmem>>, vector<16xf32>,
        %mul3A_1769 = arith.mulf %get3A_1765, %get3A_1768 : vector<16xf32>
        %add3A_1770 = arith.constant 80 : i32
        %add3A_1771 = vector.broadcast %add3A_1770 : i32 to vector<16xi32>
        %add3A_1772 = arith.addi %add3A_1701, %add3A_1771 : vector<16xi32>
        %gather3A_1773 = tpu.vector_load_idx %arg13[%add3A_1772] : memref<2048xf32, #tpu.memory_space<vmem>>[vector<16xi32>], vector<16xf32>,
        %mul3A_1774 = arith.mulf %mul3A_1769, %gather3A_1773 : vector<16xf32>
        %add3A_1775 = arith.addf %add3A_1762, %mul3A_1774 : vector<16xf32>
        %get3A_1776 = arith.index_cast %add3A_1697 : i32 to index
        %get3A_1777 = arith.constant 96 : index
        %get3A_1778 = tpu.vector_load %arg11[%get3A_1776, %get3A_1777] {strides = array<i32>} : memref<128x128xf32, #tpu.memory_space<vmem>>, vector<16xf32>,
        %get3A_1779 = arith.index_cast %add3A_1697 : i32 to index
        %get3A_1780 = arith.constant 96 : index
        %get3A_1781 = tpu.vector_load %arg12[%get3A_1779, %get3A_1780] {strides = array<i32>} : memref<128x128xf32, #tpu.memory_space<vmem>>, vector<16xf32>,
        %mul3A_1782 = arith.mulf %get3A_1778, %get3A_1781 : vector<16xf32>
        %add3A_1783 = arith.constant 96 : i32
        %add3A_1784 = vector.broadcast %add3A_1783 : i32 to vector<16xi32>
        %add3A_1785 = arith.addi %add3A_1701, %add3A_1784 : vector<16xi32>
        %gather3A_1786 = tpu.vector_load_idx %arg13[%add3A_1785] : memref<2048xf32, #tpu.memory_space<vmem>>[vector<16xi32>], vector<16xf32>,
        %mul3A_1787 = arith.mulf %mul3A_1782, %gather3A_1786 : vector<16xf32>
        %add3A_1788 = arith.addf %add3A_1775, %mul3A_1787 : vector<16xf32>
        %get3A_1789 = arith.index_cast %add3A_1697 : i32 to index
        %get3A_1790 = arith.constant 112 : index
        %get3A_1791 = tpu.vector_load %arg11[%get3A_1789, %get3A_1790] {strides = array<i32>} : memref<128x128xf32, #tpu.memory_space<vmem>>, vector<16xf32>,
        %get3A_1792 = arith.index_cast %add3A_1697 : i32 to index
        %get3A_1793 = arith.constant 112 : index
        %get3A_1794 = tpu.vector_load %arg12[%get3A_1792, %get3A_1793] {strides = array<i32>} : memref<128x128xf32, #tpu.memory_space<vmem>>, vector<16xf32>,
        %mul3A_1795 = arith.mulf %get3A_1791, %get3A_1794 : vector<16xf32>
        %add3A_1796 = arith.constant 112 : i32
        %add3A_1797 = vector.broadcast %add3A_1796 : i32 to vector<16xi32>
        %add3A_1798 = arith.addi %add3A_1701, %add3A_1797 : vector<16xi32>
        %gather3A_1799 = tpu.vector_load_idx %arg13[%add3A_1798] : memref<2048xf32, #tpu.memory_space<vmem>>[vector<16xi32>], vector<16xf32>,
        %mul3A_1800 = arith.mulf %mul3A_1795, %gather3A_1799 : vector<16xf32>
        %add3A_1801 = arith.addf %add3A_1788, %mul3A_1800 : vector<16xf32>
        %swap3A_1802 = arith.constant 240 : index
        %swap3A_1803 = tpu.vector_load %arg15[%swap3A_1802] {strides = array<i32>} : memref<256xf32, #tpu.memory_space<vmem>>, vector<16xf32>,
        tpu.vector_store %arg15[%swap3A_1802], %add3A_1801 {strides = array<i32>} : memref<256xf32, #tpu.memory_space<vmem>>, vector<16xf32>,
        %gather3A_1804 = tpu.vector_load_idx %arg15[%mul3A_3] : memref<256xf32, #tpu.memory_space<vmem>>[vector<16xi32>], vector<16xf32>,
        %add3A_1805 = arith.constant 1 : i32
        %add3A_1806 = vector.broadcast %add3A_1805 : i32 to vector<16xi32>
        %add3A_1807 = arith.addi %mul3A_3, %add3A_1806 : vector<16xi32>
        %gather3A_1808 = tpu.vector_load_idx %arg15[%add3A_1807] : memref<256xf32, #tpu.memory_space<vmem>>[vector<16xi32>], vector<16xf32>,
        %add3A_1809 = arith.addf %gather3A_1804, %gather3A_1808 : vector<16xf32>
        %add3A_1810 = arith.constant 2 : i32
        %add3A_1811 = vector.broadcast %add3A_1810 : i32 to vector<16xi32>
        %add3A_1812 = arith.addi %mul3A_3, %add3A_1811 : vector<16xi32>
        %gather3A_1813 = tpu.vector_load_idx %arg15[%add3A_1812] : memref<256xf32, #tpu.memory_space<vmem>>[vector<16xi32>], vector<16xf32>,
        %add3A_1814 = arith.addf %add3A_1809, %gather3A_1813 : vector<16xf32>
        %add3A_1815 = arith.constant 3 : i32
        %add3A_1816 = vector.broadcast %add3A_1815 : i32 to vector<16xi32>
        %add3A_1817 = arith.addi %mul3A_3, %add3A_1816 : vector<16xi32>
        %gather3A_1818 = tpu.vector_load_idx %arg15[%add3A_1817] : memref<256xf32, #tpu.memory_space<vmem>>[vector<16xi32>], vector<16xf32>,
        %add3A_1819 = arith.addf %add3A_1814, %gather3A_1818 : vector<16xf32>
        %add3A_1820 = arith.constant 4 : i32
        %add3A_1821 = vector.broadcast %add3A_1820 : i32 to vector<16xi32>
        %add3A_1822 = arith.addi %mul3A_3, %add3A_1821 : vector<16xi32>
        %gather3A_1823 = tpu.vector_load_idx %arg15[%add3A_1822] : memref<256xf32, #tpu.memory_space<vmem>>[vector<16xi32>], vector<16xf32>,
        %add3A_1824 = arith.addf %add3A_1819, %gather3A_1823 : vector<16xf32>
        %add3A_1825 = arith.constant 5 : i32
        %add3A_1826 = vector.broadcast %add3A_1825 : i32 to vector<16xi32>
        %add3A_1827 = arith.addi %mul3A_3, %add3A_1826 : vector<16xi32>
        %gather3A_1828 = tpu.vector_load_idx %arg15[%add3A_1827] : memref<256xf32, #tpu.memory_space<vmem>>[vector<16xi32>], vector<16xf32>,
        %add3A_1829 = arith.addf %add3A_1824, %gather3A_1828 : vector<16xf32>
        %add3A_1830 = arith.constant 6 : i32
        %add3A_1831 = vector.broadcast %add3A_1830 : i32 to vector<16xi32>
        %add3A_1832 = arith.addi %mul3A_3, %add3A_1831 : vector<16xi32>
        %gather3A_1833 = tpu.vector_load_idx %arg15[%add3A_1832] : memref<256xf32, #tpu.memory_space<vmem>>[vector<16xi32>], vector<16xf32>,
        %add3A_1834 = arith.addf %add3A_1829, %gather3A_1833 : vector<16xf32>
        %add3A_1835 = arith.constant 7 : i32
        %add3A_1836 = vector.broadcast %add3A_1835 : i32 to vector<16xi32>
        %add3A_1837 = arith.addi %mul3A_3, %add3A_1836 : vector<16xi32>
        %gather3A_1838 = tpu.vector_load_idx %arg15[%add3A_1837] : memref<256xf32, #tpu.memory_space<vmem>>[vector<16xi32>], vector<16xf32>,
        %add3A_1839 = arith.addf %add3A_1834, %gather3A_1838 : vector<16xf32>
        %add3A_1840 = arith.constant 8 : i32
        %add3A_1841 = vector.broadcast %add3A_1840 : i32 to vector<16xi32>
        %add3A_1842 = arith.addi %mul3A_3, %add3A_1841 : vector<16xi32>
        %gather3A_1843 = tpu.vector_load_idx %arg15[%add3A_1842] : memref<256xf32, #tpu.memory_space<vmem>>[vector<16xi32>], vector<16xf32>,
        %add3A_1844 = arith.addf %add3A_1839, %gather3A_1843 : vector<16xf32>
        %add3A_1845 = arith.constant 9 : i32
        %add3A_1846 = vector.broadcast %add3A_1845 : i32 to vector<16xi32>
        %add3A_1847 = arith.addi %mul3A_3, %add3A_1846 : vector<16xi32>
        %gather3A_1848 = tpu.vector_load_idx %arg15[%add3A_1847] : memref<256xf32, #tpu.memory_space<vmem>>[vector<16xi32>], vector<16xf32>,
        %add3A_1849 = arith.addf %add3A_1844, %gather3A_1848 : vector<16xf32>
        %add3A_1850 = arith.constant 10 : i32
        %add3A_1851 = vector.broadcast %add3A_1850 : i32 to vector<16xi32>
        %add3A_1852 = arith.addi %mul3A_3, %add3A_1851 : vector<16xi32>
        %gather3A_1853 = tpu.vector_load_idx %arg15[%add3A_1852] : memref<256xf32, #tpu.memory_space<vmem>>[vector<16xi32>], vector<16xf32>,
        %add3A_1854 = arith.addf %add3A_1849, %gather3A_1853 : vector<16xf32>
        %add3A_1855 = arith.constant 11 : i32
        %add3A_1856 = vector.broadcast %add3A_1855 : i32 to vector<16xi32>
        %add3A_1857 = arith.addi %mul3A_3, %add3A_1856 : vector<16xi32>
        %gather3A_1858 = tpu.vector_load_idx %arg15[%add3A_1857] : memref<256xf32, #tpu.memory_space<vmem>>[vector<16xi32>], vector<16xf32>,
        %add3A_1859 = arith.addf %add3A_1854, %gather3A_1858 : vector<16xf32>
        %add3A_1860 = arith.constant 12 : i32
        %add3A_1861 = vector.broadcast %add3A_1860 : i32 to vector<16xi32>
        %add3A_1862 = arith.addi %mul3A_3, %add3A_1861 : vector<16xi32>
        %gather3A_1863 = tpu.vector_load_idx %arg15[%add3A_1862] : memref<256xf32, #tpu.memory_space<vmem>>[vector<16xi32>], vector<16xf32>,
        %add3A_1864 = arith.addf %add3A_1859, %gather3A_1863 : vector<16xf32>
        %add3A_1865 = arith.constant 13 : i32
        %add3A_1866 = vector.broadcast %add3A_1865 : i32 to vector<16xi32>
        %add3A_1867 = arith.addi %mul3A_3, %add3A_1866 : vector<16xi32>
        %gather3A_1868 = tpu.vector_load_idx %arg15[%add3A_1867] : memref<256xf32, #tpu.memory_space<vmem>>[vector<16xi32>], vector<16xf32>,
        %add3A_1869 = arith.addf %add3A_1864, %gather3A_1868 : vector<16xf32>
        %add3A_1870 = arith.constant 14 : i32
        %add3A_1871 = vector.broadcast %add3A_1870 : i32 to vector<16xi32>
        %add3A_1872 = arith.addi %mul3A_3, %add3A_1871 : vector<16xi32>
        %gather3A_1873 = tpu.vector_load_idx %arg15[%add3A_1872] : memref<256xf32, #tpu.memory_space<vmem>>[vector<16xi32>], vector<16xf32>,
        %add3A_1874 = arith.addf %add3A_1869, %gather3A_1873 : vector<16xf32>
        %add3A_1875 = arith.constant 15 : i32
        %add3A_1876 = vector.broadcast %add3A_1875 : i32 to vector<16xi32>
        %add3A_1877 = arith.addi %mul3A_3, %add3A_1876 : vector<16xi32>
        %gather3A_1878 = tpu.vector_load_idx %arg15[%add3A_1877] : memref<256xf32, #tpu.memory_space<vmem>>[vector<16xi32>], vector<16xf32>,
        %add3A_1879 = arith.addf %add3A_1874, %gather3A_1878 : vector<16xf32>
        %mul3A_1880 = arith.constant 128 : i32
        %mul3A_1881 = arith.muli %scan3A_12, %mul3A_1880 : i32
        %mul3A_1882 = arith.constant 16 : i32
        %mul3A_1883 = arith.muli %scan3A_41, %mul3A_1882 : i32
        %add3A_1884 = arith.addi %mul3A_1881, %mul3A_1883 : i32
        %swap3A_1885 = arith.index_cast %add3A_1884 : i32 to index
        %swap3A_1886 = tpu.vector_load %arg14[%swap3A_1885] {strides = array<i32>} : memref<3200xf32, #tpu.memory_space<vmem>>, vector<16xf32>,
        tpu.vector_store %arg14[%swap3A_1885], %add3A_1879 {strides = array<i32>} : memref<3200xf32, #tpu.memory_space<vmem>>, vector<16xf32>,
      }
      %scan3A_40 = arith.constant 8 : i32
    }
    %scan3A_9 = arith.constant 25 : i32
    %mul3A_10 = arith.constant 3200 : i32
    %mul3A_11 = arith.muli %add3A, %mul3A_10 : i32
    "tpu.region"() ({
      %run_scoped3A = tpu.sem_alloc : memref<!tpu.dma_semaphore, #tpu.memory_space<semaphore_mem>>
      %dma_start3A = tpu.memref_slice %arg7[%mul3A_11] : memref<102400xf32, #tpu.memory_space<hbm>> -> memref<3200xf32, #tpu.memory_space<hbm>>
      %dma_start3A_12 = tpu.memref_slice %arg7[%mul3A_11] : memref<102400xf32, #tpu.memory_space<hbm>> -> memref<3200xf32, #tpu.memory_space<hbm>>
      tpu.enqueue_dma source(%arg14 : memref<3200xf32, #tpu.memory_space<vmem>>) target(%dma_start3A_12 : memref<3200xf32, #tpu.memory_space<hbm>>) target_semaphore(%run_scoped3A : memref<!tpu.dma_semaphore, #tpu.memory_space<semaphore_mem>>)
      %dma_wait3A = tpu.memref_slice %arg7[%mul3A_11] : memref<102400xf32, #tpu.memory_space<hbm>> -> memref<3200xf32, #tpu.memory_space<hbm>>
      %dma_wait3A_13 = tpu.memref_slice %arg7[%mul3A_11] : memref<102400xf32, #tpu.memory_space<hbm>> -> memref<3200xf32, #tpu.memory_space<hbm>>
      tpu.wait_dma2 semaphore(%run_scoped3A : memref<!tpu.dma_semaphore, #tpu.memory_space<semaphore_mem>>) src(%arg14 : memref<3200xf32, #tpu.memory_space<vmem>>) dst(%dma_wait3A_13 : memref<3200xf32, #tpu.memory_space<hbm>>)
      tpu.yield
    }) : () -> ()
    return
  }
}

#map = affine_map<(d0, d1) -> (0, 0)>
#map1 = affine_map<(d0, d1) -> (0, 0, 0)>
module attributes {stable_mosaic.version = 14 : i64} {
  func.func @sc_agg(%arg0: i32, %arg1: i32, %arg2: memref<174080x128xf32, #tpu.memory_space<hbm>>, %arg3: memref<32x79x128xi32, #tpu.memory_space<hbm>>, %arg4: memref<32x79x128xi32, #tpu.memory_space<hbm>>, %arg5: memref<128x128xf32, #tpu.memory_space<hbm>>, %arg6: memref<2x10240x128xf32, #tpu.memory_space<hbm>>, %arg7: memref<32x80x128xf32, #tpu.memory_space<hbm>>, %arg8: memref<79x128xi32, #tpu.memory_space<vmem>>, %arg9: memref<79x128xi32, #tpu.memory_space<vmem>>, %arg10: memref<128x128xf32, #tpu.memory_space<vmem>>, %arg11: memref<80x128xf32, #tpu.memory_space<vmem>>, %arg12: memref<10240x128xf32, #tpu.memory_space<vmem_shared>>, %arg13: memref<!tpu.dma_semaphore, #tpu.memory_space<semaphore_mem>>) attributes {dimension_semantics = [#tpu.dimension_semantics<core_parallel>, #tpu.dimension_semantics<subcore_parallel>], iteration_bounds = array<i64: 2, 16>, scalar_prefetch = 0 : i64, scratch_operands = 6 : i64, tpu.core_type = #tpu.core_type<sc_vector_subcore>, window_params = [{transform_indices = #map}, {transform_indices = #map1}, {transform_indices = #map1}, {transform_indices = #map}, {transform_indices = #map1}, {transform_indices = #map1}]} {
    %mul3A = arith.constant 16 : i32
    %mul3A_0 = arith.muli %arg0, %mul3A : i32
    %add3A = arith.addi %mul3A_0, %arg1 : i32
    %mul3A_1 = arith.constant 640 : i32
    %mul3A_2 = arith.muli %arg1, %mul3A_1 : i32
    %broadcast_in_dim3A = arith.constant 0.000000e+00 : f32
    %broadcast_in_dim3A_3 = vector.broadcast %broadcast_in_dim3A : f32 to vector<16xf32>
    %broadcast_in_dim3A_4 = arith.constant 1.000000e+00 : f32
    %broadcast_in_dim3A_5 = vector.broadcast %broadcast_in_dim3A_4 : f32 to vector<16xf32>
    %scan3A = arith.constant 0 : i32
    %scan3A_6 = arith.constant 0 : i32
    %scan3A_7 = arith.constant 80 : i32
    %scan3A_8 = arith.addi %scan3A_6, %scan3A_7 : i32
    %scan3A_9 = arith.constant 1 : i32
    scf.for %scan3A_48 = %scan3A_6 to %scan3A_8 step %scan3A_9  : i32 {
      %swap3A = arith.index_cast %scan3A_48 : i32 to index
      %swap3A_49 = arith.constant 0 : index
      %swap3A_50 = tpu.vector_load %arg11[%swap3A, %swap3A_49] {strides = array<i32>} : memref<80x128xf32, #tpu.memory_space<vmem>>, vector<16xf32>,
      tpu.vector_store %arg11[%swap3A, %swap3A_49], %broadcast_in_dim3A_3 {strides = array<i32>} : memref<80x128xf32, #tpu.memory_space<vmem>>, vector<16xf32>,
      %swap3A_51 = arith.index_cast %scan3A_48 : i32 to index
      %swap3A_52 = arith.constant 16 : index
      %swap3A_53 = tpu.vector_load %arg11[%swap3A_51, %swap3A_52] {strides = array<i32>} : memref<80x128xf32, #tpu.memory_space<vmem>>, vector<16xf32>,
      tpu.vector_store %arg11[%swap3A_51, %swap3A_52], %broadcast_in_dim3A_3 {strides = array<i32>} : memref<80x128xf32, #tpu.memory_space<vmem>>, vector<16xf32>,
      %swap3A_54 = arith.index_cast %scan3A_48 : i32 to index
      %swap3A_55 = arith.constant 32 : index
      %swap3A_56 = tpu.vector_load %arg11[%swap3A_54, %swap3A_55] {strides = array<i32>} : memref<80x128xf32, #tpu.memory_space<vmem>>, vector<16xf32>,
      tpu.vector_store %arg11[%swap3A_54, %swap3A_55], %broadcast_in_dim3A_3 {strides = array<i32>} : memref<80x128xf32, #tpu.memory_space<vmem>>, vector<16xf32>,
      %swap3A_57 = arith.index_cast %scan3A_48 : i32 to index
      %swap3A_58 = arith.constant 48 : index
      %swap3A_59 = tpu.vector_load %arg11[%swap3A_57, %swap3A_58] {strides = array<i32>} : memref<80x128xf32, #tpu.memory_space<vmem>>, vector<16xf32>,
      tpu.vector_store %arg11[%swap3A_57, %swap3A_58], %broadcast_in_dim3A_3 {strides = array<i32>} : memref<80x128xf32, #tpu.memory_space<vmem>>, vector<16xf32>,
      %swap3A_60 = arith.index_cast %scan3A_48 : i32 to index
      %swap3A_61 = arith.constant 64 : index
      %swap3A_62 = tpu.vector_load %arg11[%swap3A_60, %swap3A_61] {strides = array<i32>} : memref<80x128xf32, #tpu.memory_space<vmem>>, vector<16xf32>,
      tpu.vector_store %arg11[%swap3A_60, %swap3A_61], %broadcast_in_dim3A_3 {strides = array<i32>} : memref<80x128xf32, #tpu.memory_space<vmem>>, vector<16xf32>,
      %swap3A_63 = arith.index_cast %scan3A_48 : i32 to index
      %swap3A_64 = arith.constant 80 : index
      %swap3A_65 = tpu.vector_load %arg11[%swap3A_63, %swap3A_64] {strides = array<i32>} : memref<80x128xf32, #tpu.memory_space<vmem>>, vector<16xf32>,
      tpu.vector_store %arg11[%swap3A_63, %swap3A_64], %broadcast_in_dim3A_3 {strides = array<i32>} : memref<80x128xf32, #tpu.memory_space<vmem>>, vector<16xf32>,
      %swap3A_66 = arith.index_cast %scan3A_48 : i32 to index
      %swap3A_67 = arith.constant 96 : index
      %swap3A_68 = tpu.vector_load %arg11[%swap3A_66, %swap3A_67] {strides = array<i32>} : memref<80x128xf32, #tpu.memory_space<vmem>>, vector<16xf32>,
      tpu.vector_store %arg11[%swap3A_66, %swap3A_67], %broadcast_in_dim3A_3 {strides = array<i32>} : memref<80x128xf32, #tpu.memory_space<vmem>>, vector<16xf32>,
      %swap3A_69 = arith.index_cast %scan3A_48 : i32 to index
      %swap3A_70 = arith.constant 112 : index
      %swap3A_71 = tpu.vector_load %arg11[%swap3A_69, %swap3A_70] {strides = array<i32>} : memref<80x128xf32, #tpu.memory_space<vmem>>, vector<16xf32>,
      tpu.vector_store %arg11[%swap3A_69, %swap3A_70], %broadcast_in_dim3A_3 {strides = array<i32>} : memref<80x128xf32, #tpu.memory_space<vmem>>, vector<16xf32>,
    }
    %scan3A_10 = arith.constant 80 : i32
    "tpu.region"() ({
      %run_scoped3A = tpu.sem_alloc : memref<!tpu.dma_semaphore, #tpu.memory_space<semaphore_mem>>
      tpu.enqueue_dma source(%arg5 : memref<128x128xf32, #tpu.memory_space<hbm>>) target(%arg10 : memref<128x128xf32, #tpu.memory_space<vmem>>) target_semaphore(%run_scoped3A : memref<!tpu.dma_semaphore, #tpu.memory_space<semaphore_mem>>)
      tpu.wait_dma2 semaphore(%run_scoped3A : memref<!tpu.dma_semaphore, #tpu.memory_space<semaphore_mem>>) src(%arg5 : memref<128x128xf32, #tpu.memory_space<hbm>>) dst(%arg10 : memref<128x128xf32, #tpu.memory_space<vmem>>)
      tpu.yield
    }) : () -> ()
    %add3A_11 = arith.constant 0 : i32
    %add3A_12 = arith.addi %mul3A_2, %add3A_11 : i32
    "tpu.region"() ({
      %run_scoped3A = tpu.sem_alloc : memref<!tpu.dma_semaphore, #tpu.memory_space<semaphore_mem>>
      %dma_start3A = arith.constant 0 : i32
      %dma_start3A_48 = arith.constant 0 : i32
      %dma_start3A_49 = tpu.memref_slice %arg10[%dma_start3A, %dma_start3A_48] : memref<128x128xf32, #tpu.memory_space<vmem>> -> memref<128x128xf32, #tpu.memory_space<vmem>>
      %dma_start3A_50 = arith.constant 0 : i32
      %dma_start3A_51 = tpu.memref_slice %arg12[%add3A_12, %dma_start3A_50] : memref<10240x128xf32, #tpu.memory_space<vmem_shared>> -> memref<128x128xf32, #tpu.memory_space<vmem_shared>>
      %dma_start3A_52 = arith.constant 0 : i32
      %dma_start3A_53 = tpu.memref_slice %arg12[%add3A_12, %dma_start3A_52] : memref<10240x128xf32, #tpu.memory_space<vmem_shared>> -> memref<128x128xf32, #tpu.memory_space<vmem_shared>>
      %dma_start3A_54 = arith.constant 0 : i32
      %dma_start3A_55 = arith.constant 0 : i32
      %dma_start3A_56 = tpu.memref_slice %arg10[%dma_start3A_54, %dma_start3A_55] : memref<128x128xf32, #tpu.memory_space<vmem>> -> memref<128x128xf32, #tpu.memory_space<vmem>>
      tpu.enqueue_dma source(%dma_start3A_56 : memref<128x128xf32, #tpu.memory_space<vmem>>) target(%dma_start3A_53 : memref<128x128xf32, #tpu.memory_space<vmem_shared>>) target_semaphore(%run_scoped3A : memref<!tpu.dma_semaphore, #tpu.memory_space<semaphore_mem>>)
      %dma_wait3A = arith.constant 0 : i32
      %dma_wait3A_57 = arith.constant 0 : i32
      %dma_wait3A_58 = tpu.memref_slice %arg10[%dma_wait3A, %dma_wait3A_57] : memref<128x128xf32, #tpu.memory_space<vmem>> -> memref<128x128xf32, #tpu.memory_space<vmem>>
      %dma_wait3A_59 = arith.constant 0 : i32
      %dma_wait3A_60 = tpu.memref_slice %arg12[%add3A_12, %dma_wait3A_59] : memref<10240x128xf32, #tpu.memory_space<vmem_shared>> -> memref<128x128xf32, #tpu.memory_space<vmem_shared>>
      %dma_wait3A_61 = arith.constant 0 : i32
      %dma_wait3A_62 = tpu.memref_slice %arg12[%add3A_12, %dma_wait3A_61] : memref<10240x128xf32, #tpu.memory_space<vmem_shared>> -> memref<128x128xf32, #tpu.memory_space<vmem_shared>>
      %dma_wait3A_63 = arith.constant 0 : i32
      %dma_wait3A_64 = arith.constant 0 : i32
      %dma_wait3A_65 = tpu.memref_slice %arg10[%dma_wait3A_63, %dma_wait3A_64] : memref<128x128xf32, #tpu.memory_space<vmem>> -> memref<128x128xf32, #tpu.memory_space<vmem>>
      tpu.wait_dma2 semaphore(%run_scoped3A : memref<!tpu.dma_semaphore, #tpu.memory_space<semaphore_mem>>) src(%dma_wait3A_65 : memref<128x128xf32, #tpu.memory_space<vmem>>) dst(%dma_wait3A_62 : memref<128x128xf32, #tpu.memory_space<vmem_shared>>)
      tpu.yield
    }) : () -> ()
    %add3A_13 = arith.constant 128 : i32
    %add3A_14 = arith.addi %mul3A_2, %add3A_13 : i32
    "tpu.region"() ({
      %run_scoped3A = tpu.sem_alloc : memref<!tpu.dma_semaphore, #tpu.memory_space<semaphore_mem>>
      %dma_start3A = arith.constant 0 : i32
      %dma_start3A_48 = arith.constant 0 : i32
      %dma_start3A_49 = tpu.memref_slice %arg10[%dma_start3A, %dma_start3A_48] : memref<128x128xf32, #tpu.memory_space<vmem>> -> memref<128x128xf32, #tpu.memory_space<vmem>>
      %dma_start3A_50 = arith.constant 0 : i32
      %dma_start3A_51 = tpu.memref_slice %arg12[%add3A_14, %dma_start3A_50] : memref<10240x128xf32, #tpu.memory_space<vmem_shared>> -> memref<128x128xf32, #tpu.memory_space<vmem_shared>>
      %dma_start3A_52 = arith.constant 0 : i32
      %dma_start3A_53 = tpu.memref_slice %arg12[%add3A_14, %dma_start3A_52] : memref<10240x128xf32, #tpu.memory_space<vmem_shared>> -> memref<128x128xf32, #tpu.memory_space<vmem_shared>>
      %dma_start3A_54 = arith.constant 0 : i32
      %dma_start3A_55 = arith.constant 0 : i32
      %dma_start3A_56 = tpu.memref_slice %arg10[%dma_start3A_54, %dma_start3A_55] : memref<128x128xf32, #tpu.memory_space<vmem>> -> memref<128x128xf32, #tpu.memory_space<vmem>>
      tpu.enqueue_dma source(%dma_start3A_56 : memref<128x128xf32, #tpu.memory_space<vmem>>) target(%dma_start3A_53 : memref<128x128xf32, #tpu.memory_space<vmem_shared>>) target_semaphore(%run_scoped3A : memref<!tpu.dma_semaphore, #tpu.memory_space<semaphore_mem>>)
      %dma_wait3A = arith.constant 0 : i32
      %dma_wait3A_57 = arith.constant 0 : i32
      %dma_wait3A_58 = tpu.memref_slice %arg10[%dma_wait3A, %dma_wait3A_57] : memref<128x128xf32, #tpu.memory_space<vmem>> -> memref<128x128xf32, #tpu.memory_space<vmem>>
      %dma_wait3A_59 = arith.constant 0 : i32
      %dma_wait3A_60 = tpu.memref_slice %arg12[%add3A_14, %dma_wait3A_59] : memref<10240x128xf32, #tpu.memory_space<vmem_shared>> -> memref<128x128xf32, #tpu.memory_space<vmem_shared>>
      %dma_wait3A_61 = arith.constant 0 : i32
      %dma_wait3A_62 = tpu.memref_slice %arg12[%add3A_14, %dma_wait3A_61] : memref<10240x128xf32, #tpu.memory_space<vmem_shared>> -> memref<128x128xf32, #tpu.memory_space<vmem_shared>>
      %dma_wait3A_63 = arith.constant 0 : i32
      %dma_wait3A_64 = arith.constant 0 : i32
      %dma_wait3A_65 = tpu.memref_slice %arg10[%dma_wait3A_63, %dma_wait3A_64] : memref<128x128xf32, #tpu.memory_space<vmem>> -> memref<128x128xf32, #tpu.memory_space<vmem>>
      tpu.wait_dma2 semaphore(%run_scoped3A : memref<!tpu.dma_semaphore, #tpu.memory_space<semaphore_mem>>) src(%dma_wait3A_65 : memref<128x128xf32, #tpu.memory_space<vmem>>) dst(%dma_wait3A_62 : memref<128x128xf32, #tpu.memory_space<vmem_shared>>)
      tpu.yield
    }) : () -> ()
    %add3A_15 = arith.constant 256 : i32
    %add3A_16 = arith.addi %mul3A_2, %add3A_15 : i32
    "tpu.region"() ({
      %run_scoped3A = tpu.sem_alloc : memref<!tpu.dma_semaphore, #tpu.memory_space<semaphore_mem>>
      %dma_start3A = arith.constant 0 : i32
      %dma_start3A_48 = arith.constant 0 : i32
      %dma_start3A_49 = tpu.memref_slice %arg10[%dma_start3A, %dma_start3A_48] : memref<128x128xf32, #tpu.memory_space<vmem>> -> memref<128x128xf32, #tpu.memory_space<vmem>>
      %dma_start3A_50 = arith.constant 0 : i32
      %dma_start3A_51 = tpu.memref_slice %arg12[%add3A_16, %dma_start3A_50] : memref<10240x128xf32, #tpu.memory_space<vmem_shared>> -> memref<128x128xf32, #tpu.memory_space<vmem_shared>>
      %dma_start3A_52 = arith.constant 0 : i32
      %dma_start3A_53 = tpu.memref_slice %arg12[%add3A_16, %dma_start3A_52] : memref<10240x128xf32, #tpu.memory_space<vmem_shared>> -> memref<128x128xf32, #tpu.memory_space<vmem_shared>>
      %dma_start3A_54 = arith.constant 0 : i32
      %dma_start3A_55 = arith.constant 0 : i32
      %dma_start3A_56 = tpu.memref_slice %arg10[%dma_start3A_54, %dma_start3A_55] : memref<128x128xf32, #tpu.memory_space<vmem>> -> memref<128x128xf32, #tpu.memory_space<vmem>>
      tpu.enqueue_dma source(%dma_start3A_56 : memref<128x128xf32, #tpu.memory_space<vmem>>) target(%dma_start3A_53 : memref<128x128xf32, #tpu.memory_space<vmem_shared>>) target_semaphore(%run_scoped3A : memref<!tpu.dma_semaphore, #tpu.memory_space<semaphore_mem>>)
      %dma_wait3A = arith.constant 0 : i32
      %dma_wait3A_57 = arith.constant 0 : i32
      %dma_wait3A_58 = tpu.memref_slice %arg10[%dma_wait3A, %dma_wait3A_57] : memref<128x128xf32, #tpu.memory_space<vmem>> -> memref<128x128xf32, #tpu.memory_space<vmem>>
      %dma_wait3A_59 = arith.constant 0 : i32
      %dma_wait3A_60 = tpu.memref_slice %arg12[%add3A_16, %dma_wait3A_59] : memref<10240x128xf32, #tpu.memory_space<vmem_shared>> -> memref<128x128xf32, #tpu.memory_space<vmem_shared>>
      %dma_wait3A_61 = arith.constant 0 : i32
      %dma_wait3A_62 = tpu.memref_slice %arg12[%add3A_16, %dma_wait3A_61] : memref<10240x128xf32, #tpu.memory_space<vmem_shared>> -> memref<128x128xf32, #tpu.memory_space<vmem_shared>>
      %dma_wait3A_63 = arith.constant 0 : i32
      %dma_wait3A_64 = arith.constant 0 : i32
      %dma_wait3A_65 = tpu.memref_slice %arg10[%dma_wait3A_63, %dma_wait3A_64] : memref<128x128xf32, #tpu.memory_space<vmem>> -> memref<128x128xf32, #tpu.memory_space<vmem>>
      tpu.wait_dma2 semaphore(%run_scoped3A : memref<!tpu.dma_semaphore, #tpu.memory_space<semaphore_mem>>) src(%dma_wait3A_65 : memref<128x128xf32, #tpu.memory_space<vmem>>) dst(%dma_wait3A_62 : memref<128x128xf32, #tpu.memory_space<vmem_shared>>)
      tpu.yield
    }) : () -> ()
    %add3A_17 = arith.constant 384 : i32
    %add3A_18 = arith.addi %mul3A_2, %add3A_17 : i32
    "tpu.region"() ({
      %run_scoped3A = tpu.sem_alloc : memref<!tpu.dma_semaphore, #tpu.memory_space<semaphore_mem>>
      %dma_start3A = arith.constant 0 : i32
      %dma_start3A_48 = arith.constant 0 : i32
      %dma_start3A_49 = tpu.memref_slice %arg10[%dma_start3A, %dma_start3A_48] : memref<128x128xf32, #tpu.memory_space<vmem>> -> memref<128x128xf32, #tpu.memory_space<vmem>>
      %dma_start3A_50 = arith.constant 0 : i32
      %dma_start3A_51 = tpu.memref_slice %arg12[%add3A_18, %dma_start3A_50] : memref<10240x128xf32, #tpu.memory_space<vmem_shared>> -> memref<128x128xf32, #tpu.memory_space<vmem_shared>>
      %dma_start3A_52 = arith.constant 0 : i32
      %dma_start3A_53 = tpu.memref_slice %arg12[%add3A_18, %dma_start3A_52] : memref<10240x128xf32, #tpu.memory_space<vmem_shared>> -> memref<128x128xf32, #tpu.memory_space<vmem_shared>>
      %dma_start3A_54 = arith.constant 0 : i32
      %dma_start3A_55 = arith.constant 0 : i32
      %dma_start3A_56 = tpu.memref_slice %arg10[%dma_start3A_54, %dma_start3A_55] : memref<128x128xf32, #tpu.memory_space<vmem>> -> memref<128x128xf32, #tpu.memory_space<vmem>>
      tpu.enqueue_dma source(%dma_start3A_56 : memref<128x128xf32, #tpu.memory_space<vmem>>) target(%dma_start3A_53 : memref<128x128xf32, #tpu.memory_space<vmem_shared>>) target_semaphore(%run_scoped3A : memref<!tpu.dma_semaphore, #tpu.memory_space<semaphore_mem>>)
      %dma_wait3A = arith.constant 0 : i32
      %dma_wait3A_57 = arith.constant 0 : i32
      %dma_wait3A_58 = tpu.memref_slice %arg10[%dma_wait3A, %dma_wait3A_57] : memref<128x128xf32, #tpu.memory_space<vmem>> -> memref<128x128xf32, #tpu.memory_space<vmem>>
      %dma_wait3A_59 = arith.constant 0 : i32
      %dma_wait3A_60 = tpu.memref_slice %arg12[%add3A_18, %dma_wait3A_59] : memref<10240x128xf32, #tpu.memory_space<vmem_shared>> -> memref<128x128xf32, #tpu.memory_space<vmem_shared>>
      %dma_wait3A_61 = arith.constant 0 : i32
      %dma_wait3A_62 = tpu.memref_slice %arg12[%add3A_18, %dma_wait3A_61] : memref<10240x128xf32, #tpu.memory_space<vmem_shared>> -> memref<128x128xf32, #tpu.memory_space<vmem_shared>>
      %dma_wait3A_63 = arith.constant 0 : i32
      %dma_wait3A_64 = arith.constant 0 : i32
      %dma_wait3A_65 = tpu.memref_slice %arg10[%dma_wait3A_63, %dma_wait3A_64] : memref<128x128xf32, #tpu.memory_space<vmem>> -> memref<128x128xf32, #tpu.memory_space<vmem>>
      tpu.wait_dma2 semaphore(%run_scoped3A : memref<!tpu.dma_semaphore, #tpu.memory_space<semaphore_mem>>) src(%dma_wait3A_65 : memref<128x128xf32, #tpu.memory_space<vmem>>) dst(%dma_wait3A_62 : memref<128x128xf32, #tpu.memory_space<vmem_shared>>)
      tpu.yield
    }) : () -> ()
    %add3A_19 = arith.constant 512 : i32
    %add3A_20 = arith.addi %mul3A_2, %add3A_19 : i32
    "tpu.region"() ({
      %run_scoped3A = tpu.sem_alloc : memref<!tpu.dma_semaphore, #tpu.memory_space<semaphore_mem>>
      %dma_start3A = arith.constant 0 : i32
      %dma_start3A_48 = arith.constant 0 : i32
      %dma_start3A_49 = tpu.memref_slice %arg10[%dma_start3A, %dma_start3A_48] : memref<128x128xf32, #tpu.memory_space<vmem>> -> memref<128x128xf32, #tpu.memory_space<vmem>>
      %dma_start3A_50 = arith.constant 0 : i32
      %dma_start3A_51 = tpu.memref_slice %arg12[%add3A_20, %dma_start3A_50] : memref<10240x128xf32, #tpu.memory_space<vmem_shared>> -> memref<128x128xf32, #tpu.memory_space<vmem_shared>>
      %dma_start3A_52 = arith.constant 0 : i32
      %dma_start3A_53 = tpu.memref_slice %arg12[%add3A_20, %dma_start3A_52] : memref<10240x128xf32, #tpu.memory_space<vmem_shared>> -> memref<128x128xf32, #tpu.memory_space<vmem_shared>>
      %dma_start3A_54 = arith.constant 0 : i32
      %dma_start3A_55 = arith.constant 0 : i32
      %dma_start3A_56 = tpu.memref_slice %arg10[%dma_start3A_54, %dma_start3A_55] : memref<128x128xf32, #tpu.memory_space<vmem>> -> memref<128x128xf32, #tpu.memory_space<vmem>>
      tpu.enqueue_dma source(%dma_start3A_56 : memref<128x128xf32, #tpu.memory_space<vmem>>) target(%dma_start3A_53 : memref<128x128xf32, #tpu.memory_space<vmem_shared>>) target_semaphore(%run_scoped3A : memref<!tpu.dma_semaphore, #tpu.memory_space<semaphore_mem>>)
      %dma_wait3A = arith.constant 0 : i32
      %dma_wait3A_57 = arith.constant 0 : i32
      %dma_wait3A_58 = tpu.memref_slice %arg10[%dma_wait3A, %dma_wait3A_57] : memref<128x128xf32, #tpu.memory_space<vmem>> -> memref<128x128xf32, #tpu.memory_space<vmem>>
      %dma_wait3A_59 = arith.constant 0 : i32
      %dma_wait3A_60 = tpu.memref_slice %arg12[%add3A_20, %dma_wait3A_59] : memref<10240x128xf32, #tpu.memory_space<vmem_shared>> -> memref<128x128xf32, #tpu.memory_space<vmem_shared>>
      %dma_wait3A_61 = arith.constant 0 : i32
      %dma_wait3A_62 = tpu.memref_slice %arg12[%add3A_20, %dma_wait3A_61] : memref<10240x128xf32, #tpu.memory_space<vmem_shared>> -> memref<128x128xf32, #tpu.memory_space<vmem_shared>>
      %dma_wait3A_63 = arith.constant 0 : i32
      %dma_wait3A_64 = arith.constant 0 : i32
      %dma_wait3A_65 = tpu.memref_slice %arg10[%dma_wait3A_63, %dma_wait3A_64] : memref<128x128xf32, #tpu.memory_space<vmem>> -> memref<128x128xf32, #tpu.memory_space<vmem>>
      tpu.wait_dma2 semaphore(%run_scoped3A : memref<!tpu.dma_semaphore, #tpu.memory_space<semaphore_mem>>) src(%dma_wait3A_65 : memref<128x128xf32, #tpu.memory_space<vmem>>) dst(%dma_wait3A_62 : memref<128x128xf32, #tpu.memory_space<vmem_shared>>)
      tpu.yield
    }) : () -> ()
    "tpu.region"() ({
      %run_scoped3A = tpu.sem_alloc : memref<!tpu.dma_semaphore, #tpu.memory_space<semaphore_mem>>
      %dma_start3A = arith.constant 0 : i32
      %dma_start3A_48 = arith.constant 0 : i32
      %dma_start3A_49 = tpu.memref_slice %arg3[%add3A, %dma_start3A, %dma_start3A_48] : memref<32x79x128xi32, #tpu.memory_space<hbm>> -> memref<1x79x128xi32, #tpu.memory_space<hbm>>
      %dma_start3A_50 = tpu.memref_squeeze %dma_start3A_49 : memref<1x79x128xi32, #tpu.memory_space<hbm>> -> memref<79x128xi32, #tpu.memory_space<hbm>>
      %dma_start3A_51 = arith.constant 0 : i32
      %dma_start3A_52 = arith.constant 0 : i32
      %dma_start3A_53 = tpu.memref_slice %arg3[%add3A, %dma_start3A_51, %dma_start3A_52] : memref<32x79x128xi32, #tpu.memory_space<hbm>> -> memref<1x79x128xi32, #tpu.memory_space<hbm>>
      %dma_start3A_54 = tpu.memref_squeeze %dma_start3A_53 : memref<1x79x128xi32, #tpu.memory_space<hbm>> -> memref<79x128xi32, #tpu.memory_space<hbm>>
      tpu.enqueue_dma source(%dma_start3A_54 : memref<79x128xi32, #tpu.memory_space<hbm>>) target(%arg8 : memref<79x128xi32, #tpu.memory_space<vmem>>) target_semaphore(%run_scoped3A : memref<!tpu.dma_semaphore, #tpu.memory_space<semaphore_mem>>)
      %dma_wait3A = arith.constant 0 : i32
      %dma_wait3A_55 = arith.constant 0 : i32
      %dma_wait3A_56 = tpu.memref_slice %arg3[%add3A, %dma_wait3A, %dma_wait3A_55] : memref<32x79x128xi32, #tpu.memory_space<hbm>> -> memref<1x79x128xi32, #tpu.memory_space<hbm>>
      %dma_wait3A_57 = tpu.memref_squeeze %dma_wait3A_56 : memref<1x79x128xi32, #tpu.memory_space<hbm>> -> memref<79x128xi32, #tpu.memory_space<hbm>>
      %dma_wait3A_58 = arith.constant 0 : i32
      %dma_wait3A_59 = arith.constant 0 : i32
      %dma_wait3A_60 = tpu.memref_slice %arg3[%add3A, %dma_wait3A_58, %dma_wait3A_59] : memref<32x79x128xi32, #tpu.memory_space<hbm>> -> memref<1x79x128xi32, #tpu.memory_space<hbm>>
      %dma_wait3A_61 = tpu.memref_squeeze %dma_wait3A_60 : memref<1x79x128xi32, #tpu.memory_space<hbm>> -> memref<79x128xi32, #tpu.memory_space<hbm>>
      tpu.wait_dma2 semaphore(%run_scoped3A : memref<!tpu.dma_semaphore, #tpu.memory_space<semaphore_mem>>) src(%dma_wait3A_61 : memref<79x128xi32, #tpu.memory_space<hbm>>) dst(%arg8 : memref<79x128xi32, #tpu.memory_space<vmem>>)
      tpu.yield
    }) : () -> ()
    "tpu.region"() ({
      %run_scoped3A = tpu.sem_alloc : memref<!tpu.dma_semaphore, #tpu.memory_space<semaphore_mem>>
      %dma_start3A = arith.constant 0 : i32
      %dma_start3A_48 = arith.constant 0 : i32
      %dma_start3A_49 = tpu.memref_slice %arg4[%add3A, %dma_start3A, %dma_start3A_48] : memref<32x79x128xi32, #tpu.memory_space<hbm>> -> memref<1x79x128xi32, #tpu.memory_space<hbm>>
      %dma_start3A_50 = tpu.memref_squeeze %dma_start3A_49 : memref<1x79x128xi32, #tpu.memory_space<hbm>> -> memref<79x128xi32, #tpu.memory_space<hbm>>
      %dma_start3A_51 = arith.constant 0 : i32
      %dma_start3A_52 = arith.constant 0 : i32
      %dma_start3A_53 = tpu.memref_slice %arg4[%add3A, %dma_start3A_51, %dma_start3A_52] : memref<32x79x128xi32, #tpu.memory_space<hbm>> -> memref<1x79x128xi32, #tpu.memory_space<hbm>>
      %dma_start3A_54 = tpu.memref_squeeze %dma_start3A_53 : memref<1x79x128xi32, #tpu.memory_space<hbm>> -> memref<79x128xi32, #tpu.memory_space<hbm>>
      tpu.enqueue_dma source(%dma_start3A_54 : memref<79x128xi32, #tpu.memory_space<hbm>>) target(%arg9 : memref<79x128xi32, #tpu.memory_space<vmem>>) target_semaphore(%run_scoped3A : memref<!tpu.dma_semaphore, #tpu.memory_space<semaphore_mem>>)
      %dma_wait3A = arith.constant 0 : i32
      %dma_wait3A_55 = arith.constant 0 : i32
      %dma_wait3A_56 = tpu.memref_slice %arg4[%add3A, %dma_wait3A, %dma_wait3A_55] : memref<32x79x128xi32, #tpu.memory_space<hbm>> -> memref<1x79x128xi32, #tpu.memory_space<hbm>>
      %dma_wait3A_57 = tpu.memref_squeeze %dma_wait3A_56 : memref<1x79x128xi32, #tpu.memory_space<hbm>> -> memref<79x128xi32, #tpu.memory_space<hbm>>
      %dma_wait3A_58 = arith.constant 0 : i32
      %dma_wait3A_59 = arith.constant 0 : i32
      %dma_wait3A_60 = tpu.memref_slice %arg4[%add3A, %dma_wait3A_58, %dma_wait3A_59] : memref<32x79x128xi32, #tpu.memory_space<hbm>> -> memref<1x79x128xi32, #tpu.memory_space<hbm>>
      %dma_wait3A_61 = tpu.memref_squeeze %dma_wait3A_60 : memref<1x79x128xi32, #tpu.memory_space<hbm>> -> memref<79x128xi32, #tpu.memory_space<hbm>>
      tpu.wait_dma2 semaphore(%run_scoped3A : memref<!tpu.dma_semaphore, #tpu.memory_space<semaphore_mem>>) src(%dma_wait3A_61 : memref<79x128xi32, #tpu.memory_space<hbm>>) dst(%arg9 : memref<79x128xi32, #tpu.memory_space<vmem>>)
      tpu.yield
    }) : () -> ()
    %barrier3A = arith.constant 0 : index
    tpu.barrier barrier_id(%barrier3A)
    %scan3A_21 = arith.constant 0 : i32
    %scan3A_22 = arith.constant 0 : i32
    %scan3A_23 = arith.constant 79 : i32
    %scan3A_24 = arith.addi %scan3A_22, %scan3A_23 : i32
    %scan3A_25 = arith.constant 1 : i32
    scf.for %scan3A_48 = %scan3A_22 to %scan3A_24 step %scan3A_25  : i32 {
      %dma_start3A = arith.constant 0 : i32
      %dma_start3A_49 = tpu.memref_slice %arg8[%scan3A_48, %dma_start3A] : memref<79x128xi32, #tpu.memory_space<vmem>> -> memref<1x128xi32, #tpu.memory_space<vmem>>
      %dma_start3A_50 = tpu.memref_squeeze %dma_start3A_49 : memref<1x128xi32, #tpu.memory_space<vmem>> -> memref<128xi32, #tpu.memory_space<vmem>>
      %dma_start3A_51 = arith.constant 0 : i32
      %dma_start3A_52 = arith.constant 0 : i32
      %dma_start3A_53 = tpu.memref_slice %arg2[%dma_start3A_51, %dma_start3A_52] : memref<174080x128xf32, #tpu.memory_space<hbm>> -> memref<174080x128xf32, #tpu.memory_space<hbm>>
      tpu.enqueue_indirect_dma source(%dma_start3A_53 : memref<174080x128xf32, #tpu.memory_space<hbm>>) target(%arg10 : memref<128x128xf32, #tpu.memory_space<vmem>>) offsets(%dma_start3A_50 : memref<128xi32, #tpu.memory_space<vmem>>) semaphore(%arg13 : memref<!tpu.dma_semaphore, #tpu.memory_space<semaphore_mem>>)
      %dma_wait3A = arith.constant 0 : i32
      %dma_wait3A_54 = tpu.memref_slice %arg8[%scan3A_48, %dma_wait3A] : memref<79x128xi32, #tpu.memory_space<vmem>> -> memref<1x128xi32, #tpu.memory_space<vmem>>
      %dma_wait3A_55 = tpu.memref_squeeze %dma_wait3A_54 : memref<1x128xi32, #tpu.memory_space<vmem>> -> memref<128xi32, #tpu.memory_space<vmem>>
      %dma_wait3A_56 = arith.constant 0 : i32
      %dma_wait3A_57 = arith.constant 0 : i32
      %dma_wait3A_58 = tpu.memref_slice %arg2[%dma_wait3A_56, %dma_wait3A_57] : memref<174080x128xf32, #tpu.memory_space<hbm>> -> memref<174080x128xf32, #tpu.memory_space<hbm>>
      tpu.wait_indirect_dma semaphore(%arg13 : memref<!tpu.dma_semaphore, #tpu.memory_space<semaphore_mem>>) src(%dma_wait3A_58 : memref<174080x128xf32, #tpu.memory_space<hbm>>) dst(%arg10 : memref<128x128xf32, #tpu.memory_space<vmem>>)
      "tpu.region"() ({
        %run_scoped3A = tpu.sem_alloc : memref<!tpu.dma_semaphore, #tpu.memory_space<semaphore_mem>>
        %dma_start3A_128 = arith.constant 0 : i32
        %dma_start3A_129 = tpu.memref_slice %arg9[%scan3A_48, %dma_start3A_128] : memref<79x128xi32, #tpu.memory_space<vmem>> -> memref<1x128xi32, #tpu.memory_space<vmem>>
        %dma_start3A_130 = tpu.memref_squeeze %dma_start3A_129 : memref<1x128xi32, #tpu.memory_space<vmem>> -> memref<128xi32, #tpu.memory_space<vmem>>
        %dma_start3A_131 = arith.constant 0 : i32
        %dma_start3A_132 = arith.constant 0 : i32
        %dma_start3A_133 = tpu.memref_slice %arg12[%dma_start3A_131, %dma_start3A_132] : memref<10240x128xf32, #tpu.memory_space<vmem_shared>> -> memref<10240x128xf32, #tpu.memory_space<vmem_shared>>
        tpu.enqueue_indirect_dma source(%arg10 : memref<128x128xf32, #tpu.memory_space<vmem>>) target(%dma_start3A_133 : memref<10240x128xf32, #tpu.memory_space<vmem_shared>>) offsets(%dma_start3A_130 : memref<128xi32, #tpu.memory_space<vmem>>) semaphore(%run_scoped3A : memref<!tpu.dma_semaphore, #tpu.memory_space<semaphore_mem>>) {add = true}
        %dma_wait3A_134 = arith.constant 0 : i32
        %dma_wait3A_135 = tpu.memref_slice %arg9[%scan3A_48, %dma_wait3A_134] : memref<79x128xi32, #tpu.memory_space<vmem>> -> memref<1x128xi32, #tpu.memory_space<vmem>>
        %dma_wait3A_136 = tpu.memref_squeeze %dma_wait3A_135 : memref<1x128xi32, #tpu.memory_space<vmem>> -> memref<128xi32, #tpu.memory_space<vmem>>
        %dma_wait3A_137 = arith.constant 0 : i32
        %dma_wait3A_138 = arith.constant 0 : i32
        %dma_wait3A_139 = tpu.memref_slice %arg12[%dma_wait3A_137, %dma_wait3A_138] : memref<10240x128xf32, #tpu.memory_space<vmem_shared>> -> memref<10240x128xf32, #tpu.memory_space<vmem_shared>>
        tpu.wait_indirect_dma semaphore(%run_scoped3A : memref<!tpu.dma_semaphore, #tpu.memory_space<semaphore_mem>>) src(%arg10 : memref<128x128xf32, #tpu.memory_space<vmem>>) dst(%dma_wait3A_139 : memref<10240x128xf32, #tpu.memory_space<vmem_shared>>)
        tpu.yield
      }) : () -> ()
      %get3A = arith.index_cast %scan3A_48 : i32 to index
      %get3A_59 = arith.constant 0 : index
      %get3A_60 = tpu.vector_load %arg9[%get3A, %get3A_59] {strides = array<i32>} : memref<79x128xi32, #tpu.memory_space<vmem>>, vector<16xi32>,
      %shift_right_logical3A = arith.constant 7 : i32
      %shift_right_logical3A_61 = vector.broadcast %shift_right_logical3A : i32 to vector<16xi32>
      %shift_right_logical3A_62 = arith.shrui %get3A_60, %shift_right_logical3A_61 : vector<16xi32>
      %and3A = arith.constant 127 : i32
      %and3A_63 = vector.broadcast %and3A : i32 to vector<16xi32>
      %and3A_64 = arith.andi %get3A_60, %and3A_63 : vector<16xi32>
      tpu.vector_store_idx %arg11[%shift_right_logical3A_62, %and3A_64], %broadcast_in_dim3A_5 {add = true} : memref<80x128xf32, #tpu.memory_space<vmem>>[vector<16xi32>, vector<16xi32>], vector<16xf32>,
      %get3A_65 = arith.index_cast %scan3A_48 : i32 to index
      %get3A_66 = arith.constant 16 : index
      %get3A_67 = tpu.vector_load %arg9[%get3A_65, %get3A_66] {strides = array<i32>} : memref<79x128xi32, #tpu.memory_space<vmem>>, vector<16xi32>,
      %shift_right_logical3A_68 = arith.constant 7 : i32
      %shift_right_logical3A_69 = vector.broadcast %shift_right_logical3A_68 : i32 to vector<16xi32>
      %shift_right_logical3A_70 = arith.shrui %get3A_67, %shift_right_logical3A_69 : vector<16xi32>
      %and3A_71 = arith.constant 127 : i32
      %and3A_72 = vector.broadcast %and3A_71 : i32 to vector<16xi32>
      %and3A_73 = arith.andi %get3A_67, %and3A_72 : vector<16xi32>
      tpu.vector_store_idx %arg11[%shift_right_logical3A_70, %and3A_73], %broadcast_in_dim3A_5 {add = true} : memref<80x128xf32, #tpu.memory_space<vmem>>[vector<16xi32>, vector<16xi32>], vector<16xf32>,
      %get3A_74 = arith.index_cast %scan3A_48 : i32 to index
      %get3A_75 = arith.constant 32 : index
      %get3A_76 = tpu.vector_load %arg9[%get3A_74, %get3A_75] {strides = array<i32>} : memref<79x128xi32, #tpu.memory_space<vmem>>, vector<16xi32>,
      %shift_right_logical3A_77 = arith.constant 7 : i32
      %shift_right_logical3A_78 = vector.broadcast %shift_right_logical3A_77 : i32 to vector<16xi32>
      %shift_right_logical3A_79 = arith.shrui %get3A_76, %shift_right_logical3A_78 : vector<16xi32>
      %and3A_80 = arith.constant 127 : i32
      %and3A_81 = vector.broadcast %and3A_80 : i32 to vector<16xi32>
      %and3A_82 = arith.andi %get3A_76, %and3A_81 : vector<16xi32>
      tpu.vector_store_idx %arg11[%shift_right_logical3A_79, %and3A_82], %broadcast_in_dim3A_5 {add = true} : memref<80x128xf32, #tpu.memory_space<vmem>>[vector<16xi32>, vector<16xi32>], vector<16xf32>,
      %get3A_83 = arith.index_cast %scan3A_48 : i32 to index
      %get3A_84 = arith.constant 48 : index
      %get3A_85 = tpu.vector_load %arg9[%get3A_83, %get3A_84] {strides = array<i32>} : memref<79x128xi32, #tpu.memory_space<vmem>>, vector<16xi32>,
      %shift_right_logical3A_86 = arith.constant 7 : i32
      %shift_right_logical3A_87 = vector.broadcast %shift_right_logical3A_86 : i32 to vector<16xi32>
      %shift_right_logical3A_88 = arith.shrui %get3A_85, %shift_right_logical3A_87 : vector<16xi32>
      %and3A_89 = arith.constant 127 : i32
      %and3A_90 = vector.broadcast %and3A_89 : i32 to vector<16xi32>
      %and3A_91 = arith.andi %get3A_85, %and3A_90 : vector<16xi32>
      tpu.vector_store_idx %arg11[%shift_right_logical3A_88, %and3A_91], %broadcast_in_dim3A_5 {add = true} : memref<80x128xf32, #tpu.memory_space<vmem>>[vector<16xi32>, vector<16xi32>], vector<16xf32>,
      %get3A_92 = arith.index_cast %scan3A_48 : i32 to index
      %get3A_93 = arith.constant 64 : index
      %get3A_94 = tpu.vector_load %arg9[%get3A_92, %get3A_93] {strides = array<i32>} : memref<79x128xi32, #tpu.memory_space<vmem>>, vector<16xi32>,
      %shift_right_logical3A_95 = arith.constant 7 : i32
      %shift_right_logical3A_96 = vector.broadcast %shift_right_logical3A_95 : i32 to vector<16xi32>
      %shift_right_logical3A_97 = arith.shrui %get3A_94, %shift_right_logical3A_96 : vector<16xi32>
      %and3A_98 = arith.constant 127 : i32
      %and3A_99 = vector.broadcast %and3A_98 : i32 to vector<16xi32>
      %and3A_100 = arith.andi %get3A_94, %and3A_99 : vector<16xi32>
      tpu.vector_store_idx %arg11[%shift_right_logical3A_97, %and3A_100], %broadcast_in_dim3A_5 {add = true} : memref<80x128xf32, #tpu.memory_space<vmem>>[vector<16xi32>, vector<16xi32>], vector<16xf32>,
      %get3A_101 = arith.index_cast %scan3A_48 : i32 to index
      %get3A_102 = arith.constant 80 : index
      %get3A_103 = tpu.vector_load %arg9[%get3A_101, %get3A_102] {strides = array<i32>} : memref<79x128xi32, #tpu.memory_space<vmem>>, vector<16xi32>,
      %shift_right_logical3A_104 = arith.constant 7 : i32
      %shift_right_logical3A_105 = vector.broadcast %shift_right_logical3A_104 : i32 to vector<16xi32>
      %shift_right_logical3A_106 = arith.shrui %get3A_103, %shift_right_logical3A_105 : vector<16xi32>
      %and3A_107 = arith.constant 127 : i32
      %and3A_108 = vector.broadcast %and3A_107 : i32 to vector<16xi32>
      %and3A_109 = arith.andi %get3A_103, %and3A_108 : vector<16xi32>
      tpu.vector_store_idx %arg11[%shift_right_logical3A_106, %and3A_109], %broadcast_in_dim3A_5 {add = true} : memref<80x128xf32, #tpu.memory_space<vmem>>[vector<16xi32>, vector<16xi32>], vector<16xf32>,
      %get3A_110 = arith.index_cast %scan3A_48 : i32 to index
      %get3A_111 = arith.constant 96 : index
      %get3A_112 = tpu.vector_load %arg9[%get3A_110, %get3A_111] {strides = array<i32>} : memref<79x128xi32, #tpu.memory_space<vmem>>, vector<16xi32>,
      %shift_right_logical3A_113 = arith.constant 7 : i32
      %shift_right_logical3A_114 = vector.broadcast %shift_right_logical3A_113 : i32 to vector<16xi32>
      %shift_right_logical3A_115 = arith.shrui %get3A_112, %shift_right_logical3A_114 : vector<16xi32>
      %and3A_116 = arith.constant 127 : i32
      %and3A_117 = vector.broadcast %and3A_116 : i32 to vector<16xi32>
      %and3A_118 = arith.andi %get3A_112, %and3A_117 : vector<16xi32>
      tpu.vector_store_idx %arg11[%shift_right_logical3A_115, %and3A_118], %broadcast_in_dim3A_5 {add = true} : memref<80x128xf32, #tpu.memory_space<vmem>>[vector<16xi32>, vector<16xi32>], vector<16xf32>,
      %get3A_119 = arith.index_cast %scan3A_48 : i32 to index
      %get3A_120 = arith.constant 112 : index
      %get3A_121 = tpu.vector_load %arg9[%get3A_119, %get3A_120] {strides = array<i32>} : memref<79x128xi32, #tpu.memory_space<vmem>>, vector<16xi32>,
      %shift_right_logical3A_122 = arith.constant 7 : i32
      %shift_right_logical3A_123 = vector.broadcast %shift_right_logical3A_122 : i32 to vector<16xi32>
      %shift_right_logical3A_124 = arith.shrui %get3A_121, %shift_right_logical3A_123 : vector<16xi32>
      %and3A_125 = arith.constant 127 : i32
      %and3A_126 = vector.broadcast %and3A_125 : i32 to vector<16xi32>
      %and3A_127 = arith.andi %get3A_121, %and3A_126 : vector<16xi32>
      tpu.vector_store_idx %arg11[%shift_right_logical3A_124, %and3A_127], %broadcast_in_dim3A_5 {add = true} : memref<80x128xf32, #tpu.memory_space<vmem>>[vector<16xi32>, vector<16xi32>], vector<16xf32>,
    }
    %scan3A_26 = arith.constant 79 : i32
    %barrier3A_27 = arith.constant 0 : index
    tpu.barrier barrier_id(%barrier3A_27)
    %add3A_28 = arith.constant 0 : i32
    %add3A_29 = arith.addi %mul3A_2, %add3A_28 : i32
    "tpu.region"() ({
      %run_scoped3A = tpu.sem_alloc : memref<!tpu.dma_semaphore, #tpu.memory_space<semaphore_mem>>
      %dma_start3A = arith.constant 0 : i32
      %dma_start3A_48 = arith.constant 0 : i32
      %dma_start3A_49 = tpu.memref_slice %arg10[%dma_start3A, %dma_start3A_48] : memref<128x128xf32, #tpu.memory_space<vmem>> -> memref<128x128xf32, #tpu.memory_space<vmem>>
      %dma_start3A_50 = arith.constant 0 : i32
      %dma_start3A_51 = tpu.memref_slice %arg12[%add3A_29, %dma_start3A_50] : memref<10240x128xf32, #tpu.memory_space<vmem_shared>> -> memref<128x128xf32, #tpu.memory_space<vmem_shared>>
      %dma_start3A_52 = arith.constant 0 : i32
      %dma_start3A_53 = arith.constant 0 : i32
      %dma_start3A_54 = tpu.memref_slice %arg10[%dma_start3A_52, %dma_start3A_53] : memref<128x128xf32, #tpu.memory_space<vmem>> -> memref<128x128xf32, #tpu.memory_space<vmem>>
      %dma_start3A_55 = arith.constant 0 : i32
      %dma_start3A_56 = tpu.memref_slice %arg12[%add3A_29, %dma_start3A_55] : memref<10240x128xf32, #tpu.memory_space<vmem_shared>> -> memref<128x128xf32, #tpu.memory_space<vmem_shared>>
      tpu.enqueue_dma source(%dma_start3A_56 : memref<128x128xf32, #tpu.memory_space<vmem_shared>>) target(%dma_start3A_54 : memref<128x128xf32, #tpu.memory_space<vmem>>) target_semaphore(%run_scoped3A : memref<!tpu.dma_semaphore, #tpu.memory_space<semaphore_mem>>)
      %dma_wait3A = arith.constant 0 : i32
      %dma_wait3A_57 = arith.constant 0 : i32
      %dma_wait3A_58 = tpu.memref_slice %arg10[%dma_wait3A, %dma_wait3A_57] : memref<128x128xf32, #tpu.memory_space<vmem>> -> memref<128x128xf32, #tpu.memory_space<vmem>>
      %dma_wait3A_59 = arith.constant 0 : i32
      %dma_wait3A_60 = tpu.memref_slice %arg12[%add3A_29, %dma_wait3A_59] : memref<10240x128xf32, #tpu.memory_space<vmem_shared>> -> memref<128x128xf32, #tpu.memory_space<vmem_shared>>
      %dma_wait3A_61 = arith.constant 0 : i32
      %dma_wait3A_62 = arith.constant 0 : i32
      %dma_wait3A_63 = tpu.memref_slice %arg10[%dma_wait3A_61, %dma_wait3A_62] : memref<128x128xf32, #tpu.memory_space<vmem>> -> memref<128x128xf32, #tpu.memory_space<vmem>>
      %dma_wait3A_64 = arith.constant 0 : i32
      %dma_wait3A_65 = tpu.memref_slice %arg12[%add3A_29, %dma_wait3A_64] : memref<10240x128xf32, #tpu.memory_space<vmem_shared>> -> memref<128x128xf32, #tpu.memory_space<vmem_shared>>
      tpu.wait_dma2 semaphore(%run_scoped3A : memref<!tpu.dma_semaphore, #tpu.memory_space<semaphore_mem>>) src(%dma_wait3A_65 : memref<128x128xf32, #tpu.memory_space<vmem_shared>>) dst(%dma_wait3A_63 : memref<128x128xf32, #tpu.memory_space<vmem>>)
      tpu.yield
    }) : () -> ()
    %add3A_30 = arith.constant 0 : i32
    %add3A_31 = arith.addi %mul3A_2, %add3A_30 : i32
    "tpu.region"() ({
      %run_scoped3A = tpu.sem_alloc : memref<!tpu.dma_semaphore, #tpu.memory_space<semaphore_mem>>
      %dma_start3A = arith.constant 0 : i32
      %dma_start3A_48 = arith.constant 0 : i32
      %dma_start3A_49 = tpu.memref_slice %arg10[%dma_start3A, %dma_start3A_48] : memref<128x128xf32, #tpu.memory_space<vmem>> -> memref<128x128xf32, #tpu.memory_space<vmem>>
      %dma_start3A_50 = arith.constant 0 : i32
      %dma_start3A_51 = tpu.memref_slice %arg6[%arg0, %add3A_31, %dma_start3A_50] : memref<2x10240x128xf32, #tpu.memory_space<hbm>> -> memref<1x128x128xf32, #tpu.memory_space<hbm>>
      %dma_start3A_52 = tpu.memref_squeeze %dma_start3A_51 : memref<1x128x128xf32, #tpu.memory_space<hbm>> -> memref<128x128xf32, #tpu.memory_space<hbm>>
      %dma_start3A_53 = arith.constant 0 : i32
      %dma_start3A_54 = tpu.memref_slice %arg6[%arg0, %add3A_31, %dma_start3A_53] : memref<2x10240x128xf32, #tpu.memory_space<hbm>> -> memref<1x128x128xf32, #tpu.memory_space<hbm>>
      %dma_start3A_55 = tpu.memref_squeeze %dma_start3A_54 : memref<1x128x128xf32, #tpu.memory_space<hbm>> -> memref<128x128xf32, #tpu.memory_space<hbm>>
      %dma_start3A_56 = arith.constant 0 : i32
      %dma_start3A_57 = arith.constant 0 : i32
      %dma_start3A_58 = tpu.memref_slice %arg10[%dma_start3A_56, %dma_start3A_57] : memref<128x128xf32, #tpu.memory_space<vmem>> -> memref<128x128xf32, #tpu.memory_space<vmem>>
      tpu.enqueue_dma source(%dma_start3A_58 : memref<128x128xf32, #tpu.memory_space<vmem>>) target(%dma_start3A_55 : memref<128x128xf32, #tpu.memory_space<hbm>>) target_semaphore(%run_scoped3A : memref<!tpu.dma_semaphore, #tpu.memory_space<semaphore_mem>>)
      %dma_wait3A = arith.constant 0 : i32
      %dma_wait3A_59 = arith.constant 0 : i32
      %dma_wait3A_60 = tpu.memref_slice %arg10[%dma_wait3A, %dma_wait3A_59] : memref<128x128xf32, #tpu.memory_space<vmem>> -> memref<128x128xf32, #tpu.memory_space<vmem>>
      %dma_wait3A_61 = arith.constant 0 : i32
      %dma_wait3A_62 = tpu.memref_slice %arg6[%arg0, %add3A_31, %dma_wait3A_61] : memref<2x10240x128xf32, #tpu.memory_space<hbm>> -> memref<1x128x128xf32, #tpu.memory_space<hbm>>
      %dma_wait3A_63 = tpu.memref_squeeze %dma_wait3A_62 : memref<1x128x128xf32, #tpu.memory_space<hbm>> -> memref<128x128xf32, #tpu.memory_space<hbm>>
      %dma_wait3A_64 = arith.constant 0 : i32
      %dma_wait3A_65 = tpu.memref_slice %arg6[%arg0, %add3A_31, %dma_wait3A_64] : memref<2x10240x128xf32, #tpu.memory_space<hbm>> -> memref<1x128x128xf32, #tpu.memory_space<hbm>>
      %dma_wait3A_66 = tpu.memref_squeeze %dma_wait3A_65 : memref<1x128x128xf32, #tpu.memory_space<hbm>> -> memref<128x128xf32, #tpu.memory_space<hbm>>
      %dma_wait3A_67 = arith.constant 0 : i32
      %dma_wait3A_68 = arith.constant 0 : i32
      %dma_wait3A_69 = tpu.memref_slice %arg10[%dma_wait3A_67, %dma_wait3A_68] : memref<128x128xf32, #tpu.memory_space<vmem>> -> memref<128x128xf32, #tpu.memory_space<vmem>>
      tpu.wait_dma2 semaphore(%run_scoped3A : memref<!tpu.dma_semaphore, #tpu.memory_space<semaphore_mem>>) src(%dma_wait3A_69 : memref<128x128xf32, #tpu.memory_space<vmem>>) dst(%dma_wait3A_66 : memref<128x128xf32, #tpu.memory_space<hbm>>)
      tpu.yield
    }) : () -> ()
    %add3A_32 = arith.constant 128 : i32
    %add3A_33 = arith.addi %mul3A_2, %add3A_32 : i32
    "tpu.region"() ({
      %run_scoped3A = tpu.sem_alloc : memref<!tpu.dma_semaphore, #tpu.memory_space<semaphore_mem>>
      %dma_start3A = arith.constant 0 : i32
      %dma_start3A_48 = arith.constant 0 : i32
      %dma_start3A_49 = tpu.memref_slice %arg10[%dma_start3A, %dma_start3A_48] : memref<128x128xf32, #tpu.memory_space<vmem>> -> memref<128x128xf32, #tpu.memory_space<vmem>>
      %dma_start3A_50 = arith.constant 0 : i32
      %dma_start3A_51 = tpu.memref_slice %arg12[%add3A_33, %dma_start3A_50] : memref<10240x128xf32, #tpu.memory_space<vmem_shared>> -> memref<128x128xf32, #tpu.memory_space<vmem_shared>>
      %dma_start3A_52 = arith.constant 0 : i32
      %dma_start3A_53 = arith.constant 0 : i32
      %dma_start3A_54 = tpu.memref_slice %arg10[%dma_start3A_52, %dma_start3A_53] : memref<128x128xf32, #tpu.memory_space<vmem>> -> memref<128x128xf32, #tpu.memory_space<vmem>>
      %dma_start3A_55 = arith.constant 0 : i32
      %dma_start3A_56 = tpu.memref_slice %arg12[%add3A_33, %dma_start3A_55] : memref<10240x128xf32, #tpu.memory_space<vmem_shared>> -> memref<128x128xf32, #tpu.memory_space<vmem_shared>>
      tpu.enqueue_dma source(%dma_start3A_56 : memref<128x128xf32, #tpu.memory_space<vmem_shared>>) target(%dma_start3A_54 : memref<128x128xf32, #tpu.memory_space<vmem>>) target_semaphore(%run_scoped3A : memref<!tpu.dma_semaphore, #tpu.memory_space<semaphore_mem>>)
      %dma_wait3A = arith.constant 0 : i32
      %dma_wait3A_57 = arith.constant 0 : i32
      %dma_wait3A_58 = tpu.memref_slice %arg10[%dma_wait3A, %dma_wait3A_57] : memref<128x128xf32, #tpu.memory_space<vmem>> -> memref<128x128xf32, #tpu.memory_space<vmem>>
      %dma_wait3A_59 = arith.constant 0 : i32
      %dma_wait3A_60 = tpu.memref_slice %arg12[%add3A_33, %dma_wait3A_59] : memref<10240x128xf32, #tpu.memory_space<vmem_shared>> -> memref<128x128xf32, #tpu.memory_space<vmem_shared>>
      %dma_wait3A_61 = arith.constant 0 : i32
      %dma_wait3A_62 = arith.constant 0 : i32
      %dma_wait3A_63 = tpu.memref_slice %arg10[%dma_wait3A_61, %dma_wait3A_62] : memref<128x128xf32, #tpu.memory_space<vmem>> -> memref<128x128xf32, #tpu.memory_space<vmem>>
      %dma_wait3A_64 = arith.constant 0 : i32
      %dma_wait3A_65 = tpu.memref_slice %arg12[%add3A_33, %dma_wait3A_64] : memref<10240x128xf32, #tpu.memory_space<vmem_shared>> -> memref<128x128xf32, #tpu.memory_space<vmem_shared>>
      tpu.wait_dma2 semaphore(%run_scoped3A : memref<!tpu.dma_semaphore, #tpu.memory_space<semaphore_mem>>) src(%dma_wait3A_65 : memref<128x128xf32, #tpu.memory_space<vmem_shared>>) dst(%dma_wait3A_63 : memref<128x128xf32, #tpu.memory_space<vmem>>)
      tpu.yield
    }) : () -> ()
    %add3A_34 = arith.constant 128 : i32
    %add3A_35 = arith.addi %mul3A_2, %add3A_34 : i32
    "tpu.region"() ({
      %run_scoped3A = tpu.sem_alloc : memref<!tpu.dma_semaphore, #tpu.memory_space<semaphore_mem>>
      %dma_start3A = arith.constant 0 : i32
      %dma_start3A_48 = arith.constant 0 : i32
      %dma_start3A_49 = tpu.memref_slice %arg10[%dma_start3A, %dma_start3A_48] : memref<128x128xf32, #tpu.memory_space<vmem>> -> memref<128x128xf32, #tpu.memory_space<vmem>>
      %dma_start3A_50 = arith.constant 0 : i32
      %dma_start3A_51 = tpu.memref_slice %arg6[%arg0, %add3A_35, %dma_start3A_50] : memref<2x10240x128xf32, #tpu.memory_space<hbm>> -> memref<1x128x128xf32, #tpu.memory_space<hbm>>
      %dma_start3A_52 = tpu.memref_squeeze %dma_start3A_51 : memref<1x128x128xf32, #tpu.memory_space<hbm>> -> memref<128x128xf32, #tpu.memory_space<hbm>>
      %dma_start3A_53 = arith.constant 0 : i32
      %dma_start3A_54 = tpu.memref_slice %arg6[%arg0, %add3A_35, %dma_start3A_53] : memref<2x10240x128xf32, #tpu.memory_space<hbm>> -> memref<1x128x128xf32, #tpu.memory_space<hbm>>
      %dma_start3A_55 = tpu.memref_squeeze %dma_start3A_54 : memref<1x128x128xf32, #tpu.memory_space<hbm>> -> memref<128x128xf32, #tpu.memory_space<hbm>>
      %dma_start3A_56 = arith.constant 0 : i32
      %dma_start3A_57 = arith.constant 0 : i32
      %dma_start3A_58 = tpu.memref_slice %arg10[%dma_start3A_56, %dma_start3A_57] : memref<128x128xf32, #tpu.memory_space<vmem>> -> memref<128x128xf32, #tpu.memory_space<vmem>>
      tpu.enqueue_dma source(%dma_start3A_58 : memref<128x128xf32, #tpu.memory_space<vmem>>) target(%dma_start3A_55 : memref<128x128xf32, #tpu.memory_space<hbm>>) target_semaphore(%run_scoped3A : memref<!tpu.dma_semaphore, #tpu.memory_space<semaphore_mem>>)
      %dma_wait3A = arith.constant 0 : i32
      %dma_wait3A_59 = arith.constant 0 : i32
      %dma_wait3A_60 = tpu.memref_slice %arg10[%dma_wait3A, %dma_wait3A_59] : memref<128x128xf32, #tpu.memory_space<vmem>> -> memref<128x128xf32, #tpu.memory_space<vmem>>
      %dma_wait3A_61 = arith.constant 0 : i32
      %dma_wait3A_62 = tpu.memref_slice %arg6[%arg0, %add3A_35, %dma_wait3A_61] : memref<2x10240x128xf32, #tpu.memory_space<hbm>> -> memref<1x128x128xf32, #tpu.memory_space<hbm>>
      %dma_wait3A_63 = tpu.memref_squeeze %dma_wait3A_62 : memref<1x128x128xf32, #tpu.memory_space<hbm>> -> memref<128x128xf32, #tpu.memory_space<hbm>>
      %dma_wait3A_64 = arith.constant 0 : i32
      %dma_wait3A_65 = tpu.memref_slice %arg6[%arg0, %add3A_35, %dma_wait3A_64] : memref<2x10240x128xf32, #tpu.memory_space<hbm>> -> memref<1x128x128xf32, #tpu.memory_space<hbm>>
      %dma_wait3A_66 = tpu.memref_squeeze %dma_wait3A_65 : memref<1x128x128xf32, #tpu.memory_space<hbm>> -> memref<128x128xf32, #tpu.memory_space<hbm>>
      %dma_wait3A_67 = arith.constant 0 : i32
      %dma_wait3A_68 = arith.constant 0 : i32
      %dma_wait3A_69 = tpu.memref_slice %arg10[%dma_wait3A_67, %dma_wait3A_68] : memref<128x128xf32, #tpu.memory_space<vmem>> -> memref<128x128xf32, #tpu.memory_space<vmem>>
      tpu.wait_dma2 semaphore(%run_scoped3A : memref<!tpu.dma_semaphore, #tpu.memory_space<semaphore_mem>>) src(%dma_wait3A_69 : memref<128x128xf32, #tpu.memory_space<vmem>>) dst(%dma_wait3A_66 : memref<128x128xf32, #tpu.memory_space<hbm>>)
      tpu.yield
    }) : () -> ()
    %add3A_36 = arith.constant 256 : i32
    %add3A_37 = arith.addi %mul3A_2, %add3A_36 : i32
    "tpu.region"() ({
      %run_scoped3A = tpu.sem_alloc : memref<!tpu.dma_semaphore, #tpu.memory_space<semaphore_mem>>
      %dma_start3A = arith.constant 0 : i32
      %dma_start3A_48 = arith.constant 0 : i32
      %dma_start3A_49 = tpu.memref_slice %arg10[%dma_start3A, %dma_start3A_48] : memref<128x128xf32, #tpu.memory_space<vmem>> -> memref<128x128xf32, #tpu.memory_space<vmem>>
      %dma_start3A_50 = arith.constant 0 : i32
      %dma_start3A_51 = tpu.memref_slice %arg12[%add3A_37, %dma_start3A_50] : memref<10240x128xf32, #tpu.memory_space<vmem_shared>> -> memref<128x128xf32, #tpu.memory_space<vmem_shared>>
      %dma_start3A_52 = arith.constant 0 : i32
      %dma_start3A_53 = arith.constant 0 : i32
      %dma_start3A_54 = tpu.memref_slice %arg10[%dma_start3A_52, %dma_start3A_53] : memref<128x128xf32, #tpu.memory_space<vmem>> -> memref<128x128xf32, #tpu.memory_space<vmem>>
      %dma_start3A_55 = arith.constant 0 : i32
      %dma_start3A_56 = tpu.memref_slice %arg12[%add3A_37, %dma_start3A_55] : memref<10240x128xf32, #tpu.memory_space<vmem_shared>> -> memref<128x128xf32, #tpu.memory_space<vmem_shared>>
      tpu.enqueue_dma source(%dma_start3A_56 : memref<128x128xf32, #tpu.memory_space<vmem_shared>>) target(%dma_start3A_54 : memref<128x128xf32, #tpu.memory_space<vmem>>) target_semaphore(%run_scoped3A : memref<!tpu.dma_semaphore, #tpu.memory_space<semaphore_mem>>)
      %dma_wait3A = arith.constant 0 : i32
      %dma_wait3A_57 = arith.constant 0 : i32
      %dma_wait3A_58 = tpu.memref_slice %arg10[%dma_wait3A, %dma_wait3A_57] : memref<128x128xf32, #tpu.memory_space<vmem>> -> memref<128x128xf32, #tpu.memory_space<vmem>>
      %dma_wait3A_59 = arith.constant 0 : i32
      %dma_wait3A_60 = tpu.memref_slice %arg12[%add3A_37, %dma_wait3A_59] : memref<10240x128xf32, #tpu.memory_space<vmem_shared>> -> memref<128x128xf32, #tpu.memory_space<vmem_shared>>
      %dma_wait3A_61 = arith.constant 0 : i32
      %dma_wait3A_62 = arith.constant 0 : i32
      %dma_wait3A_63 = tpu.memref_slice %arg10[%dma_wait3A_61, %dma_wait3A_62] : memref<128x128xf32, #tpu.memory_space<vmem>> -> memref<128x128xf32, #tpu.memory_space<vmem>>
      %dma_wait3A_64 = arith.constant 0 : i32
      %dma_wait3A_65 = tpu.memref_slice %arg12[%add3A_37, %dma_wait3A_64] : memref<10240x128xf32, #tpu.memory_space<vmem_shared>> -> memref<128x128xf32, #tpu.memory_space<vmem_shared>>
      tpu.wait_dma2 semaphore(%run_scoped3A : memref<!tpu.dma_semaphore, #tpu.memory_space<semaphore_mem>>) src(%dma_wait3A_65 : memref<128x128xf32, #tpu.memory_space<vmem_shared>>) dst(%dma_wait3A_63 : memref<128x128xf32, #tpu.memory_space<vmem>>)
      tpu.yield
    }) : () -> ()
    %add3A_38 = arith.constant 256 : i32
    %add3A_39 = arith.addi %mul3A_2, %add3A_38 : i32
    "tpu.region"() ({
      %run_scoped3A = tpu.sem_alloc : memref<!tpu.dma_semaphore, #tpu.memory_space<semaphore_mem>>
      %dma_start3A = arith.constant 0 : i32
      %dma_start3A_48 = arith.constant 0 : i32
      %dma_start3A_49 = tpu.memref_slice %arg10[%dma_start3A, %dma_start3A_48] : memref<128x128xf32, #tpu.memory_space<vmem>> -> memref<128x128xf32, #tpu.memory_space<vmem>>
      %dma_start3A_50 = arith.constant 0 : i32
      %dma_start3A_51 = tpu.memref_slice %arg6[%arg0, %add3A_39, %dma_start3A_50] : memref<2x10240x128xf32, #tpu.memory_space<hbm>> -> memref<1x128x128xf32, #tpu.memory_space<hbm>>
      %dma_start3A_52 = tpu.memref_squeeze %dma_start3A_51 : memref<1x128x128xf32, #tpu.memory_space<hbm>> -> memref<128x128xf32, #tpu.memory_space<hbm>>
      %dma_start3A_53 = arith.constant 0 : i32
      %dma_start3A_54 = tpu.memref_slice %arg6[%arg0, %add3A_39, %dma_start3A_53] : memref<2x10240x128xf32, #tpu.memory_space<hbm>> -> memref<1x128x128xf32, #tpu.memory_space<hbm>>
      %dma_start3A_55 = tpu.memref_squeeze %dma_start3A_54 : memref<1x128x128xf32, #tpu.memory_space<hbm>> -> memref<128x128xf32, #tpu.memory_space<hbm>>
      %dma_start3A_56 = arith.constant 0 : i32
      %dma_start3A_57 = arith.constant 0 : i32
      %dma_start3A_58 = tpu.memref_slice %arg10[%dma_start3A_56, %dma_start3A_57] : memref<128x128xf32, #tpu.memory_space<vmem>> -> memref<128x128xf32, #tpu.memory_space<vmem>>
      tpu.enqueue_dma source(%dma_start3A_58 : memref<128x128xf32, #tpu.memory_space<vmem>>) target(%dma_start3A_55 : memref<128x128xf32, #tpu.memory_space<hbm>>) target_semaphore(%run_scoped3A : memref<!tpu.dma_semaphore, #tpu.memory_space<semaphore_mem>>)
      %dma_wait3A = arith.constant 0 : i32
      %dma_wait3A_59 = arith.constant 0 : i32
      %dma_wait3A_60 = tpu.memref_slice %arg10[%dma_wait3A, %dma_wait3A_59] : memref<128x128xf32, #tpu.memory_space<vmem>> -> memref<128x128xf32, #tpu.memory_space<vmem>>
      %dma_wait3A_61 = arith.constant 0 : i32
      %dma_wait3A_62 = tpu.memref_slice %arg6[%arg0, %add3A_39, %dma_wait3A_61] : memref<2x10240x128xf32, #tpu.memory_space<hbm>> -> memref<1x128x128xf32, #tpu.memory_space<hbm>>
      %dma_wait3A_63 = tpu.memref_squeeze %dma_wait3A_62 : memref<1x128x128xf32, #tpu.memory_space<hbm>> -> memref<128x128xf32, #tpu.memory_space<hbm>>
      %dma_wait3A_64 = arith.constant 0 : i32
      %dma_wait3A_65 = tpu.memref_slice %arg6[%arg0, %add3A_39, %dma_wait3A_64] : memref<2x10240x128xf32, #tpu.memory_space<hbm>> -> memref<1x128x128xf32, #tpu.memory_space<hbm>>
      %dma_wait3A_66 = tpu.memref_squeeze %dma_wait3A_65 : memref<1x128x128xf32, #tpu.memory_space<hbm>> -> memref<128x128xf32, #tpu.memory_space<hbm>>
      %dma_wait3A_67 = arith.constant 0 : i32
      %dma_wait3A_68 = arith.constant 0 : i32
      %dma_wait3A_69 = tpu.memref_slice %arg10[%dma_wait3A_67, %dma_wait3A_68] : memref<128x128xf32, #tpu.memory_space<vmem>> -> memref<128x128xf32, #tpu.memory_space<vmem>>
      tpu.wait_dma2 semaphore(%run_scoped3A : memref<!tpu.dma_semaphore, #tpu.memory_space<semaphore_mem>>) src(%dma_wait3A_69 : memref<128x128xf32, #tpu.memory_space<vmem>>) dst(%dma_wait3A_66 : memref<128x128xf32, #tpu.memory_space<hbm>>)
      tpu.yield
    }) : () -> ()
    %add3A_40 = arith.constant 384 : i32
    %add3A_41 = arith.addi %mul3A_2, %add3A_40 : i32
    "tpu.region"() ({
      %run_scoped3A = tpu.sem_alloc : memref<!tpu.dma_semaphore, #tpu.memory_space<semaphore_mem>>
      %dma_start3A = arith.constant 0 : i32
      %dma_start3A_48 = arith.constant 0 : i32
      %dma_start3A_49 = tpu.memref_slice %arg10[%dma_start3A, %dma_start3A_48] : memref<128x128xf32, #tpu.memory_space<vmem>> -> memref<128x128xf32, #tpu.memory_space<vmem>>
      %dma_start3A_50 = arith.constant 0 : i32
      %dma_start3A_51 = tpu.memref_slice %arg12[%add3A_41, %dma_start3A_50] : memref<10240x128xf32, #tpu.memory_space<vmem_shared>> -> memref<128x128xf32, #tpu.memory_space<vmem_shared>>
      %dma_start3A_52 = arith.constant 0 : i32
      %dma_start3A_53 = arith.constant 0 : i32
      %dma_start3A_54 = tpu.memref_slice %arg10[%dma_start3A_52, %dma_start3A_53] : memref<128x128xf32, #tpu.memory_space<vmem>> -> memref<128x128xf32, #tpu.memory_space<vmem>>
      %dma_start3A_55 = arith.constant 0 : i32
      %dma_start3A_56 = tpu.memref_slice %arg12[%add3A_41, %dma_start3A_55] : memref<10240x128xf32, #tpu.memory_space<vmem_shared>> -> memref<128x128xf32, #tpu.memory_space<vmem_shared>>
      tpu.enqueue_dma source(%dma_start3A_56 : memref<128x128xf32, #tpu.memory_space<vmem_shared>>) target(%dma_start3A_54 : memref<128x128xf32, #tpu.memory_space<vmem>>) target_semaphore(%run_scoped3A : memref<!tpu.dma_semaphore, #tpu.memory_space<semaphore_mem>>)
      %dma_wait3A = arith.constant 0 : i32
      %dma_wait3A_57 = arith.constant 0 : i32
      %dma_wait3A_58 = tpu.memref_slice %arg10[%dma_wait3A, %dma_wait3A_57] : memref<128x128xf32, #tpu.memory_space<vmem>> -> memref<128x128xf32, #tpu.memory_space<vmem>>
      %dma_wait3A_59 = arith.constant 0 : i32
      %dma_wait3A_60 = tpu.memref_slice %arg12[%add3A_41, %dma_wait3A_59] : memref<10240x128xf32, #tpu.memory_space<vmem_shared>> -> memref<128x128xf32, #tpu.memory_space<vmem_shared>>
      %dma_wait3A_61 = arith.constant 0 : i32
      %dma_wait3A_62 = arith.constant 0 : i32
      %dma_wait3A_63 = tpu.memref_slice %arg10[%dma_wait3A_61, %dma_wait3A_62] : memref<128x128xf32, #tpu.memory_space<vmem>> -> memref<128x128xf32, #tpu.memory_space<vmem>>
      %dma_wait3A_64 = arith.constant 0 : i32
      %dma_wait3A_65 = tpu.memref_slice %arg12[%add3A_41, %dma_wait3A_64] : memref<10240x128xf32, #tpu.memory_space<vmem_shared>> -> memref<128x128xf32, #tpu.memory_space<vmem_shared>>
      tpu.wait_dma2 semaphore(%run_scoped3A : memref<!tpu.dma_semaphore, #tpu.memory_space<semaphore_mem>>) src(%dma_wait3A_65 : memref<128x128xf32, #tpu.memory_space<vmem_shared>>) dst(%dma_wait3A_63 : memref<128x128xf32, #tpu.memory_space<vmem>>)
      tpu.yield
    }) : () -> ()
    %add3A_42 = arith.constant 384 : i32
    %add3A_43 = arith.addi %mul3A_2, %add3A_42 : i32
    "tpu.region"() ({
      %run_scoped3A = tpu.sem_alloc : memref<!tpu.dma_semaphore, #tpu.memory_space<semaphore_mem>>
      %dma_start3A = arith.constant 0 : i32
      %dma_start3A_48 = arith.constant 0 : i32
      %dma_start3A_49 = tpu.memref_slice %arg10[%dma_start3A, %dma_start3A_48] : memref<128x128xf32, #tpu.memory_space<vmem>> -> memref<128x128xf32, #tpu.memory_space<vmem>>
      %dma_start3A_50 = arith.constant 0 : i32
      %dma_start3A_51 = tpu.memref_slice %arg6[%arg0, %add3A_43, %dma_start3A_50] : memref<2x10240x128xf32, #tpu.memory_space<hbm>> -> memref<1x128x128xf32, #tpu.memory_space<hbm>>
      %dma_start3A_52 = tpu.memref_squeeze %dma_start3A_51 : memref<1x128x128xf32, #tpu.memory_space<hbm>> -> memref<128x128xf32, #tpu.memory_space<hbm>>
      %dma_start3A_53 = arith.constant 0 : i32
      %dma_start3A_54 = tpu.memref_slice %arg6[%arg0, %add3A_43, %dma_start3A_53] : memref<2x10240x128xf32, #tpu.memory_space<hbm>> -> memref<1x128x128xf32, #tpu.memory_space<hbm>>
      %dma_start3A_55 = tpu.memref_squeeze %dma_start3A_54 : memref<1x128x128xf32, #tpu.memory_space<hbm>> -> memref<128x128xf32, #tpu.memory_space<hbm>>
      %dma_start3A_56 = arith.constant 0 : i32
      %dma_start3A_57 = arith.constant 0 : i32
      %dma_start3A_58 = tpu.memref_slice %arg10[%dma_start3A_56, %dma_start3A_57] : memref<128x128xf32, #tpu.memory_space<vmem>> -> memref<128x128xf32, #tpu.memory_space<vmem>>
      tpu.enqueue_dma source(%dma_start3A_58 : memref<128x128xf32, #tpu.memory_space<vmem>>) target(%dma_start3A_55 : memref<128x128xf32, #tpu.memory_space<hbm>>) target_semaphore(%run_scoped3A : memref<!tpu.dma_semaphore, #tpu.memory_space<semaphore_mem>>)
      %dma_wait3A = arith.constant 0 : i32
      %dma_wait3A_59 = arith.constant 0 : i32
      %dma_wait3A_60 = tpu.memref_slice %arg10[%dma_wait3A, %dma_wait3A_59] : memref<128x128xf32, #tpu.memory_space<vmem>> -> memref<128x128xf32, #tpu.memory_space<vmem>>
      %dma_wait3A_61 = arith.constant 0 : i32
      %dma_wait3A_62 = tpu.memref_slice %arg6[%arg0, %add3A_43, %dma_wait3A_61] : memref<2x10240x128xf32, #tpu.memory_space<hbm>> -> memref<1x128x128xf32, #tpu.memory_space<hbm>>
      %dma_wait3A_63 = tpu.memref_squeeze %dma_wait3A_62 : memref<1x128x128xf32, #tpu.memory_space<hbm>> -> memref<128x128xf32, #tpu.memory_space<hbm>>
      %dma_wait3A_64 = arith.constant 0 : i32
      %dma_wait3A_65 = tpu.memref_slice %arg6[%arg0, %add3A_43, %dma_wait3A_64] : memref<2x10240x128xf32, #tpu.memory_space<hbm>> -> memref<1x128x128xf32, #tpu.memory_space<hbm>>
      %dma_wait3A_66 = tpu.memref_squeeze %dma_wait3A_65 : memref<1x128x128xf32, #tpu.memory_space<hbm>> -> memref<128x128xf32, #tpu.memory_space<hbm>>
      %dma_wait3A_67 = arith.constant 0 : i32
      %dma_wait3A_68 = arith.constant 0 : i32
      %dma_wait3A_69 = tpu.memref_slice %arg10[%dma_wait3A_67, %dma_wait3A_68] : memref<128x128xf32, #tpu.memory_space<vmem>> -> memref<128x128xf32, #tpu.memory_space<vmem>>
      tpu.wait_dma2 semaphore(%run_scoped3A : memref<!tpu.dma_semaphore, #tpu.memory_space<semaphore_mem>>) src(%dma_wait3A_69 : memref<128x128xf32, #tpu.memory_space<vmem>>) dst(%dma_wait3A_66 : memref<128x128xf32, #tpu.memory_space<hbm>>)
      tpu.yield
    }) : () -> ()
    %add3A_44 = arith.constant 512 : i32
    %add3A_45 = arith.addi %mul3A_2, %add3A_44 : i32
    "tpu.region"() ({
      %run_scoped3A = tpu.sem_alloc : memref<!tpu.dma_semaphore, #tpu.memory_space<semaphore_mem>>
      %dma_start3A = arith.constant 0 : i32
      %dma_start3A_48 = arith.constant 0 : i32
      %dma_start3A_49 = tpu.memref_slice %arg10[%dma_start3A, %dma_start3A_48] : memref<128x128xf32, #tpu.memory_space<vmem>> -> memref<128x128xf32, #tpu.memory_space<vmem>>
      %dma_start3A_50 = arith.constant 0 : i32
      %dma_start3A_51 = tpu.memref_slice %arg12[%add3A_45, %dma_start3A_50] : memref<10240x128xf32, #tpu.memory_space<vmem_shared>> -> memref<128x128xf32, #tpu.memory_space<vmem_shared>>
      %dma_start3A_52 = arith.constant 0 : i32
      %dma_start3A_53 = arith.constant 0 : i32
      %dma_start3A_54 = tpu.memref_slice %arg10[%dma_start3A_52, %dma_start3A_53] : memref<128x128xf32, #tpu.memory_space<vmem>> -> memref<128x128xf32, #tpu.memory_space<vmem>>
      %dma_start3A_55 = arith.constant 0 : i32
      %dma_start3A_56 = tpu.memref_slice %arg12[%add3A_45, %dma_start3A_55] : memref<10240x128xf32, #tpu.memory_space<vmem_shared>> -> memref<128x128xf32, #tpu.memory_space<vmem_shared>>
      tpu.enqueue_dma source(%dma_start3A_56 : memref<128x128xf32, #tpu.memory_space<vmem_shared>>) target(%dma_start3A_54 : memref<128x128xf32, #tpu.memory_space<vmem>>) target_semaphore(%run_scoped3A : memref<!tpu.dma_semaphore, #tpu.memory_space<semaphore_mem>>)
      %dma_wait3A = arith.constant 0 : i32
      %dma_wait3A_57 = arith.constant 0 : i32
      %dma_wait3A_58 = tpu.memref_slice %arg10[%dma_wait3A, %dma_wait3A_57] : memref<128x128xf32, #tpu.memory_space<vmem>> -> memref<128x128xf32, #tpu.memory_space<vmem>>
      %dma_wait3A_59 = arith.constant 0 : i32
      %dma_wait3A_60 = tpu.memref_slice %arg12[%add3A_45, %dma_wait3A_59] : memref<10240x128xf32, #tpu.memory_space<vmem_shared>> -> memref<128x128xf32, #tpu.memory_space<vmem_shared>>
      %dma_wait3A_61 = arith.constant 0 : i32
      %dma_wait3A_62 = arith.constant 0 : i32
      %dma_wait3A_63 = tpu.memref_slice %arg10[%dma_wait3A_61, %dma_wait3A_62] : memref<128x128xf32, #tpu.memory_space<vmem>> -> memref<128x128xf32, #tpu.memory_space<vmem>>
      %dma_wait3A_64 = arith.constant 0 : i32
      %dma_wait3A_65 = tpu.memref_slice %arg12[%add3A_45, %dma_wait3A_64] : memref<10240x128xf32, #tpu.memory_space<vmem_shared>> -> memref<128x128xf32, #tpu.memory_space<vmem_shared>>
      tpu.wait_dma2 semaphore(%run_scoped3A : memref<!tpu.dma_semaphore, #tpu.memory_space<semaphore_mem>>) src(%dma_wait3A_65 : memref<128x128xf32, #tpu.memory_space<vmem_shared>>) dst(%dma_wait3A_63 : memref<128x128xf32, #tpu.memory_space<vmem>>)
      tpu.yield
    }) : () -> ()
    %add3A_46 = arith.constant 512 : i32
    %add3A_47 = arith.addi %mul3A_2, %add3A_46 : i32
    "tpu.region"() ({
      %run_scoped3A = tpu.sem_alloc : memref<!tpu.dma_semaphore, #tpu.memory_space<semaphore_mem>>
      %dma_start3A = arith.constant 0 : i32
      %dma_start3A_48 = arith.constant 0 : i32
      %dma_start3A_49 = tpu.memref_slice %arg10[%dma_start3A, %dma_start3A_48] : memref<128x128xf32, #tpu.memory_space<vmem>> -> memref<128x128xf32, #tpu.memory_space<vmem>>
      %dma_start3A_50 = arith.constant 0 : i32
      %dma_start3A_51 = tpu.memref_slice %arg6[%arg0, %add3A_47, %dma_start3A_50] : memref<2x10240x128xf32, #tpu.memory_space<hbm>> -> memref<1x128x128xf32, #tpu.memory_space<hbm>>
      %dma_start3A_52 = tpu.memref_squeeze %dma_start3A_51 : memref<1x128x128xf32, #tpu.memory_space<hbm>> -> memref<128x128xf32, #tpu.memory_space<hbm>>
      %dma_start3A_53 = arith.constant 0 : i32
      %dma_start3A_54 = tpu.memref_slice %arg6[%arg0, %add3A_47, %dma_start3A_53] : memref<2x10240x128xf32, #tpu.memory_space<hbm>> -> memref<1x128x128xf32, #tpu.memory_space<hbm>>
      %dma_start3A_55 = tpu.memref_squeeze %dma_start3A_54 : memref<1x128x128xf32, #tpu.memory_space<hbm>> -> memref<128x128xf32, #tpu.memory_space<hbm>>
      %dma_start3A_56 = arith.constant 0 : i32
      %dma_start3A_57 = arith.constant 0 : i32
      %dma_start3A_58 = tpu.memref_slice %arg10[%dma_start3A_56, %dma_start3A_57] : memref<128x128xf32, #tpu.memory_space<vmem>> -> memref<128x128xf32, #tpu.memory_space<vmem>>
      tpu.enqueue_dma source(%dma_start3A_58 : memref<128x128xf32, #tpu.memory_space<vmem>>) target(%dma_start3A_55 : memref<128x128xf32, #tpu.memory_space<hbm>>) target_semaphore(%run_scoped3A : memref<!tpu.dma_semaphore, #tpu.memory_space<semaphore_mem>>)
      %dma_wait3A = arith.constant 0 : i32
      %dma_wait3A_59 = arith.constant 0 : i32
      %dma_wait3A_60 = tpu.memref_slice %arg10[%dma_wait3A, %dma_wait3A_59] : memref<128x128xf32, #tpu.memory_space<vmem>> -> memref<128x128xf32, #tpu.memory_space<vmem>>
      %dma_wait3A_61 = arith.constant 0 : i32
      %dma_wait3A_62 = tpu.memref_slice %arg6[%arg0, %add3A_47, %dma_wait3A_61] : memref<2x10240x128xf32, #tpu.memory_space<hbm>> -> memref<1x128x128xf32, #tpu.memory_space<hbm>>
      %dma_wait3A_63 = tpu.memref_squeeze %dma_wait3A_62 : memref<1x128x128xf32, #tpu.memory_space<hbm>> -> memref<128x128xf32, #tpu.memory_space<hbm>>
      %dma_wait3A_64 = arith.constant 0 : i32
      %dma_wait3A_65 = tpu.memref_slice %arg6[%arg0, %add3A_47, %dma_wait3A_64] : memref<2x10240x128xf32, #tpu.memory_space<hbm>> -> memref<1x128x128xf32, #tpu.memory_space<hbm>>
      %dma_wait3A_66 = tpu.memref_squeeze %dma_wait3A_65 : memref<1x128x128xf32, #tpu.memory_space<hbm>> -> memref<128x128xf32, #tpu.memory_space<hbm>>
      %dma_wait3A_67 = arith.constant 0 : i32
      %dma_wait3A_68 = arith.constant 0 : i32
      %dma_wait3A_69 = tpu.memref_slice %arg10[%dma_wait3A_67, %dma_wait3A_68] : memref<128x128xf32, #tpu.memory_space<vmem>> -> memref<128x128xf32, #tpu.memory_space<vmem>>
      tpu.wait_dma2 semaphore(%run_scoped3A : memref<!tpu.dma_semaphore, #tpu.memory_space<semaphore_mem>>) src(%dma_wait3A_69 : memref<128x128xf32, #tpu.memory_space<vmem>>) dst(%dma_wait3A_66 : memref<128x128xf32, #tpu.memory_space<hbm>>)
      tpu.yield
    }) : () -> ()
    "tpu.region"() ({
      %run_scoped3A = tpu.sem_alloc : memref<!tpu.dma_semaphore, #tpu.memory_space<semaphore_mem>>
      %dma_start3A = arith.constant 0 : i32
      %dma_start3A_48 = arith.constant 0 : i32
      %dma_start3A_49 = tpu.memref_slice %arg7[%add3A, %dma_start3A, %dma_start3A_48] : memref<32x80x128xf32, #tpu.memory_space<hbm>> -> memref<1x80x128xf32, #tpu.memory_space<hbm>>
      %dma_start3A_50 = tpu.memref_squeeze %dma_start3A_49 : memref<1x80x128xf32, #tpu.memory_space<hbm>> -> memref<80x128xf32, #tpu.memory_space<hbm>>
      %dma_start3A_51 = arith.constant 0 : i32
      %dma_start3A_52 = arith.constant 0 : i32
      %dma_start3A_53 = tpu.memref_slice %arg7[%add3A, %dma_start3A_51, %dma_start3A_52] : memref<32x80x128xf32, #tpu.memory_space<hbm>> -> memref<1x80x128xf32, #tpu.memory_space<hbm>>
      %dma_start3A_54 = tpu.memref_squeeze %dma_start3A_53 : memref<1x80x128xf32, #tpu.memory_space<hbm>> -> memref<80x128xf32, #tpu.memory_space<hbm>>
      tpu.enqueue_dma source(%arg11 : memref<80x128xf32, #tpu.memory_space<vmem>>) target(%dma_start3A_54 : memref<80x128xf32, #tpu.memory_space<hbm>>) target_semaphore(%run_scoped3A : memref<!tpu.dma_semaphore, #tpu.memory_space<semaphore_mem>>)
      %dma_wait3A = arith.constant 0 : i32
      %dma_wait3A_55 = arith.constant 0 : i32
      %dma_wait3A_56 = tpu.memref_slice %arg7[%add3A, %dma_wait3A, %dma_wait3A_55] : memref<32x80x128xf32, #tpu.memory_space<hbm>> -> memref<1x80x128xf32, #tpu.memory_space<hbm>>
      %dma_wait3A_57 = tpu.memref_squeeze %dma_wait3A_56 : memref<1x80x128xf32, #tpu.memory_space<hbm>> -> memref<80x128xf32, #tpu.memory_space<hbm>>
      %dma_wait3A_58 = arith.constant 0 : i32
      %dma_wait3A_59 = arith.constant 0 : i32
      %dma_wait3A_60 = tpu.memref_slice %arg7[%add3A, %dma_wait3A_58, %dma_wait3A_59] : memref<32x80x128xf32, #tpu.memory_space<hbm>> -> memref<1x80x128xf32, #tpu.memory_space<hbm>>
      %dma_wait3A_61 = tpu.memref_squeeze %dma_wait3A_60 : memref<1x80x128xf32, #tpu.memory_space<hbm>> -> memref<80x128xf32, #tpu.memory_space<hbm>>
      tpu.wait_dma2 semaphore(%run_scoped3A : memref<!tpu.dma_semaphore, #tpu.memory_space<semaphore_mem>>) src(%arg11 : memref<80x128xf32, #tpu.memory_space<vmem>>) dst(%dma_wait3A_61 : memref<80x128xf32, #tpu.memory_space<hbm>>)
      tpu.yield
    }) : () -> ()
    return
  }
}

module attributes {stable_mosaic.version = 14 : i64} {
  func.func @_matmul_body(%arg0: i32, %arg1: i32, %arg2: memref<1024x128xf32, #tpu.memory_space<vmem>>, %arg3: memref<1x128x128xf32, #tpu.memory_space<vmem>>, %arg4: memref<1x1024x128xf32, #tpu.memory_space<vmem>>) attributes {dimension_semantics = [#tpu.dimension_semantics<arbitrary>, #tpu.dimension_semantics<arbitrary>], iteration_bounds = array<i64: 17, 10>, scalar_prefetch = 0 : i64, scratch_operands = 0 : i64, tpu.core_type = #tpu.core_type<tc>, window_params = [{transform_indices = @transform_0, window_bounds = array<i64: 1024, 128>}, {transform_indices = @transform_1, window_bounds = array<i64: 1, 128, 128>}, {transform_indices = @transform_2, window_bounds = array<i64: 1, 1024, 128>}]} {
    %get3A = arith.constant 0 : index
    %get3A_0 = arith.constant 0 : index
    %get3A_1 = vector.load %arg2[%get3A, %get3A_0] : memref<1024x128xf32, #tpu.memory_space<vmem>>, vector<1024x128xf32>
    %get3A_2 = arith.constant 0 : index
    %get3A_3 = arith.constant 0 : index
    %get3A_4 = arith.constant 0 : index
    %get3A_5 = vector.load %arg3[%get3A_2, %get3A_3, %get3A_4] : memref<1x128x128xf32, #tpu.memory_space<vmem>>, vector<1x128x128xf32>
    %get3A_6 = vector.shape_cast %get3A_5 : vector<1x128x128xf32> to vector<128x128xf32>
    %dot_general3A = arith.constant dense<0.000000e+00> : vector<1024x128xf32>
    %dot_general3A_7 = tpu.matmul %get3A_1, %get3A_6, %dot_general3A {dimension_numbers = #tpu.dot_dimension_numbers<[1], [0], [0], [1], [0, 0, 1, 1], [], []>, transpose_lhs_hint = false} : vector<1024x128xf32>, vector<128x128xf32>, vector<1024x128xf32> -> vector<1024x128xf32>
    %swap3A = arith.constant 0 : index
    %swap3A_8 = arith.constant 0 : index
    %swap3A_9 = arith.constant 0 : index
    %swap3A_10 = vector.load %arg4[%swap3A, %swap3A_8, %swap3A_9] : memref<1x1024x128xf32, #tpu.memory_space<vmem>>, vector<1x1024x128xf32>
    %swap3A_11 = vector.shape_cast %swap3A_10 : vector<1x1024x128xf32> to vector<1024x128xf32>
    %swap3A_12 = vector.shape_cast %dot_general3A_7 : vector<1024x128xf32> to vector<1x1024x128xf32>
    tpu.vector_store %arg4[%swap3A, %swap3A_8, %swap3A_9], %swap3A_12 {strides = array<i32>} : memref<1x1024x128xf32, #tpu.memory_space<vmem>>, vector<1x1024x128xf32>,
    return
  }
  func.func @transform_0(%arg0: i32, %arg1: i32) -> (i32, i32) {
    %c0_i32 = arith.constant 0 : i32
    %c0_i32_0 = arith.constant 0 : i32
    return %arg1, %c0_i32 : i32, i32
  }
  func.func @transform_1(%arg0: i32, %arg1: i32) -> (i32, i32, i32) {
    %c0_i32 = arith.constant 0 : i32
    %c0_i32_0 = arith.constant 0 : i32
    %c0_i32_1 = arith.constant 0 : i32
    return %arg0, %c0_i32, %c0_i32_0 : i32, i32, i32
  }
  func.func @transform_2(%arg0: i32, %arg1: i32) -> (i32, i32, i32) {
    %c0_i32 = arith.constant 0 : i32
    %c0_i32_0 = arith.constant 0 : i32
    return %arg0, %arg1, %c0_i32 : i32, i32, i32
  }
}

module attributes {stable_mosaic.version = 14 : i64} {
  func.func @_finalize_body(%arg0: i32, %arg1: memref<2x1280x128xf32, #tpu.memory_space<vmem>>, %arg2: memref<32x1280xf32, #tpu.memory_space<vmem>>, %arg3: memref<1280x128xf32, #tpu.memory_space<vmem>>, %arg4: memref<1x128xf32, #tpu.memory_space<vmem>>, %arg5: memref<1280x128xf32, #tpu.memory_space<vmem>>) attributes {dimension_semantics = [#tpu.dimension_semantics<arbitrary>], iteration_bounds = array<i64: 8>, scalar_prefetch = 0 : i64, scratch_operands = 0 : i64, tpu.core_type = #tpu.core_type<tc>, window_params = [{transform_indices = @transform_0, window_bounds = array<i64: 2, 1280, 128>}, {transform_indices = @transform_1, window_bounds = array<i64: 32, 1280>}, {transform_indices = @transform_2, window_bounds = array<i64: 1280, 128>}, {pipeline_mode = #tpu.pipeline_mode<synchronous>, transform_indices = @transform_3, window_bounds = array<i64: 1, 128>}, {transform_indices = @transform_4, window_bounds = array<i64: 1280, 128>}]} {
    %get3A = arith.constant 0 : index
    %get3A_0 = arith.constant 0 : index
    %get3A_1 = arith.constant 0 : index
    %get3A_2 = vector.load %arg1[%get3A, %get3A_0, %get3A_1] : memref<2x1280x128xf32, #tpu.memory_space<vmem>>, vector<1x1280x128xf32>
    %get3A_3 = vector.shape_cast %get3A_2 : vector<1x1280x128xf32> to vector<1280x128xf32>
    %get3A_4 = arith.constant 1 : index
    %get3A_5 = arith.constant 0 : index
    %get3A_6 = arith.constant 0 : index
    %get3A_7 = vector.load %arg1[%get3A_4, %get3A_5, %get3A_6] : memref<2x1280x128xf32, #tpu.memory_space<vmem>>, vector<1x1280x128xf32>
    %get3A_8 = vector.shape_cast %get3A_7 : vector<1x1280x128xf32> to vector<1280x128xf32>
    %add3A = arith.addf %get3A_3, %get3A_8 : vector<1280x128xf32>
    %broadcast_in_dim3A = arith.constant 1.000000e+00 : f32
    %broadcast_in_dim3A_9 = vector.broadcast %broadcast_in_dim3A : f32 to vector<32x128xf32>
    %get3A_10 = arith.constant 0 : index
    %get3A_11 = arith.constant 0 : index
    %get3A_12 = vector.load %arg2[%get3A_10, %get3A_11] : memref<32x1280xf32, #tpu.memory_space<vmem>>, vector<32x1280xf32>
    %dot_general3A = arith.constant dense<0.000000e+00> : vector<1280x128xf32>
    %dot_general3A_13 = tpu.matmul %get3A_12, %broadcast_in_dim3A_9, %dot_general3A {dimension_numbers = #tpu.dot_dimension_numbers<[0], [0], [1], [1], [0, 1, 1, 1], [], []>, transpose_lhs_hint = false} : vector<32x1280xf32>, vector<32x128xf32>, vector<1280x128xf32> -> vector<1280x128xf32>
    %max3A = arith.constant 1.000000e+00 : f32
    %max3A_14 = vector.broadcast %max3A : f32 to vector<1280x128xf32>
    %max3A_15 = arith.maximumf %dot_general3A_13, %max3A_14 : vector<1280x128xf32>
    %div3A = arith.divf %add3A, %max3A_15 : vector<1280x128xf32>
    %get3A_16 = arith.constant 0 : index
    %get3A_17 = arith.constant 0 : index
    %get3A_18 = vector.load %arg3[%get3A_16, %get3A_17] : memref<1280x128xf32, #tpu.memory_space<vmem>>, vector<1280x128xf32>
    %add3A_19 = arith.addf %div3A, %get3A_18 : vector<1280x128xf32>
    %get3A_20 = arith.constant 0 : index
    %get3A_21 = arith.constant 0 : index
    %get3A_22 = vector.load %arg4[%get3A_20, %get3A_21] : memref<1x128xf32, #tpu.memory_space<vmem>>, vector<1x128xf32>
    %add3A_23 = vector.broadcast %get3A_22 : vector<1x128xf32> to vector<1280x128xf32>
    %add3A_24 = arith.addf %add3A_19, %add3A_23 : vector<1280x128xf32>
    %max3A_25 = arith.constant 0.000000e+00 : f32
    %max3A_26 = vector.broadcast %max3A_25 : f32 to vector<1280x128xf32>
    %max3A_27 = arith.maximumf %add3A_24, %max3A_26 : vector<1280x128xf32>
    %swap3A = arith.constant 0 : index
    %swap3A_28 = arith.constant 0 : index
    %swap3A_29 = vector.load %arg5[%swap3A, %swap3A_28] : memref<1280x128xf32, #tpu.memory_space<vmem>>, vector<1280x128xf32>
    tpu.vector_store %arg5[%swap3A, %swap3A_28], %max3A_27 {strides = array<i32>} : memref<1280x128xf32, #tpu.memory_space<vmem>>, vector<1280x128xf32>,
    return
  }
  func.func @transform_0(%arg0: i32) -> (i32, i32, i32) {
    %c0_i32 = arith.constant 0 : i32
    %c0_i32_0 = arith.constant 0 : i32
    %c0_i32_1 = arith.constant 0 : i32
    return %c0_i32, %arg0, %c0_i32_0 : i32, i32, i32
  }
  func.func @transform_1(%arg0: i32) -> (i32, i32) {
    %c0_i32 = arith.constant 0 : i32
    %c0_i32_0 = arith.constant 0 : i32
    return %c0_i32, %arg0 : i32, i32
  }
  func.func @transform_2(%arg0: i32) -> (i32, i32) {
    %c0_i32 = arith.constant 0 : i32
    %c0_i32_0 = arith.constant 0 : i32
    return %arg0, %c0_i32 : i32, i32
  }
  func.func @transform_3(%arg0: i32) -> (i32, i32) {
    %c0_i32 = arith.constant 0 : i32
    %c0_i32_0 = arith.constant 0 : i32
    %c0_i32_1 = arith.constant 0 : i32
    return %c0_i32, %c0_i32_0 : i32, i32
  }
  func.func @transform_4(%arg0: i32) -> (i32, i32) {
    %c0_i32 = arith.constant 0 : i32
    %c0_i32_0 = arith.constant 0 : i32
    return %arg0, %c0_i32 : i32, i32
  }
}

</mosaic_0001>

<sc_bundles>
// kernel: gather_offload_async_start
scs
__scs_entry_jumppad:
0x0: {  	(pc) =	sbr.rel $0x88, $3  }
0x1: {  	(tag) =	ssettag $0x0;
	lr =	simm.s32 $0x1  }
0x2: {  	[smem:$0x3F96] =	sst lr;
	_ =	strace $0xD0000000  }
0x3: {  	_ = 	snop  }
0x4: {  	_ = 	snop  }
0x5: {  	_ = 	snop  }
0x6: {  	_ = 	snop  }
0x7: {  	_ = 	snop  }
__scs_overlays_trampoline_lowered:
0x8: {  	[smem:$0x3FA5] =	sst s0  }
0x9: {  	[smem:$0x3FA6] =	sst s1  }
0xa: {  	[smem:$0x3FA7] =	sst s2  }
0xb: {  	[smem:$0x3FA8] =	sst s3  }
0xc: {  	[smem:$0x3FA9] =	sst s4  }
0xd: {  	[smem:$0x3FAA] =	sst s5  }
0xe: {  	[smem:$0x3FAB] =	sst s6  }
0xf: {  	[smem:$0x3FAC] =	sst s7  }
0x10: {  	[smem:$0x3FAD] =	sst s8  }
0x11: {  	[smem:$0x3FAE] =	sst s9;
	s0 =	simm.s32 @!p0 $0x0  }
0x12: {  	s1 =	sld [smem:$0x3F94];
	s0 =	simm.s32 @p0 $0x1  }
0x13: {  	[smem:$0x3FAF] =	sst s0;
	s0 =	simm.s32 @!p1 $0x0  }
0x14: {  	s2 =	sld [smem:$0x3F93];
	s0 =	simm.s32 @p1 $0x1  }
0x15: {  	[smem:$0x3FB0] =	sst s0;
	s0 =	simm.s32 @!p2 $0x0  }
0x16: {  	s3 =	sld [smem:$0x3FDB];
	s0 =	simm.s32 @p2 $0x1  }
0x17: {  	s4 =	simm.s32 $0x1BF5;
	[smem:$0x3FB2] =	sst s0  }
0x18: {  	s0 =	sld [smem:$0x3F95];
	_ =	swait.ge [sflag:s4], $0x0  }
0x19: {  	s7 =	sld [smem:$0x3F96]  }
0x1a: {  	s8 =	sadd.s32 $0xFFFFE003, lr  }
0x1b: {  	s9 =	sadd.s32 $0xFFFFFEF7, lr;
	s5 =	simm.s32 $0xFFFFFFFF;
	p2 =	slt.u32 s8, $0xFFFFF086  }
0x1c: {  	p1 =	slt.u32 s9, $0xF7A;
	s5 =	simm.s32 @!p2 $0x0  }
0x1d: {  	s5 =	simm.s32 @p1 $0x1;
	p0 =	seq.s32 s7, s2  }
0x1e: {  	s7 =	smul.u32 @!p0 $0xF7A, s2;
	p2 =	seq.s32 @!p0 s5, $0x0  }
0x1f: {  	s9 =	smul.u32 $0xF7A, s1;
	s8 =	simm.s32 @!p0 $0x1BF5;
	p2 =	por !p2, p0  }
0x20: {  	[sflag:s8] =	ssyncset.s32 @!p0 $0xFFFFF086;
	s6 =	sadd.s32 @!p0 s3, s7;
	s7 =	simm.s32 @!p0 $0x108  }
0x21: {  	s3 =	sadd.s32 s3, s9;
	s6 =	sadd.s32 @!p0 $0x88, s6;
	s7 =	simm.s32 @p2 $0x1082  }
0x22: {  	[simem:s7], [sflag:s8] =	dma.local @!p0 [hbm:s6], $0xF7A  }
0x23: {  	s9 =	sor.u32 $0xD0000000, s2;
	s6 =	simm.s32 $0x108;
	_ =	swait.ge @!p0 [sflag:s8], $0x0  }
0x24: {  	s3 =	sadd.s32 $0x88, s3;
	s6 =	simm.s32 @!p1 $0x1082;
	[sflag:s4] =	ssyncset.s32 $0xFFFFF086  }
0x25: {  	[simem:s6], [sflag:s4] =	dma.local [hbm:s3], $0xF7A  }
0x26: {  	[smem:$0x3F96] =	sst s1;
	(tag) =	ssettag s2;
	_ =	strace s9  }
0x27: {  	s1 =	sld [smem:$0x3FA6]  }
0x28: {  	s2 =	sld [smem:$0x3FA7]  }
0x29: {  	s4 =	sld [smem:$0x3FA9]  }
0x2a: {  	p0 =	seq.s32 s5, $0x0;
	s5 =	sld [smem:$0x3FAA]  }
0x2b: {  	s6 =	sld [smem:$0x3FAB]  }
0x2c: {  	s7 =	sld [smem:$0x3FAC]  }
0x2d: {  	s3 =	simm.s32 $0x108;
	s8 =	sld [smem:$0x3FAD]  }
0x2e: {  	s3 =	simm.s32 @!p0 $0x1082;
	s9 =	sld [smem:$0x3FAE]  }
0x2f: {  	lr =	sadd.s32 s0, s3;
	s0 =	sld [smem:$0x3FA5]  }
0x30: {  	s3 =	sld [smem:$0x3FA8]  }
0x31: {  	[smem:$0x3FB1] =	sst s10  }
0x32: {  	s10 =	sld [smem:$0x3FAF];
	_ =	sdelay $0x3  }
0x33: {  	p0 =	seq.s32 s10, $0x1;
	s10 =	sld [smem:$0x3FB1];
	_ =	sdelay $0x3  }
0x34: {  	[smem:$0x3FB1] =	sst s10  }
0x35: {  	s10 =	sld [smem:$0x3FB0];
	_ =	sdelay $0x3  }
0x36: {  	p1 =	seq.s32 s10, $0x1;
	s10 =	sld [smem:$0x3FB1];
	_ =	sdelay $0x3  }
0x37: {  	[smem:$0x3FB1] =	sst s10  }
0x38: {  	s10 =	sld [smem:$0x3FB2]  }
0x39: {  	_ = 	snop;
	(pc) =	sbr.ind lr, $3  }
0x3a: {  	_ = 	snop  }
0x3b: {  	_ = 	snop  }
0x3c: {  	p2 =	seq.s32 s10, $0x1;
	s10 =	sld [smem:$0x3FB1]  }
0x3d: {  	_ =	shalt  }
0x3e: {  	_ =	shalt  }
0x3f: {  	_ =	shalt  }
0x40: {  	_ =	shalt  }
0x41: {  	_ =	shalt  }
0x42: {  	_ =	shalt  }
0x43: {  	_ =	shalt  }
0x44: {  	_ =	shalt  }
0x45: {  	_ =	shalt  }
0x46: {  	_ =	shalt  }
0x47: {  	_ =	shalt  }
0x48: {  	_ =	shalt  }
0x49: {  	_ =	shalt  }
0x4a: {  	_ =	shalt  }
0x4b: {  	_ =	shalt  }
0x4c: {  	_ =	shalt  }
0x4d: {  	_ =	shalt  }
0x4e: {  	_ =	shalt  }
0x4f: {  	_ =	shalt  }
0x50: {  	_ =	shalt  }
0x51: {  	_ =	shalt  }
0x52: {  	_ =	shalt  }
0x53: {  	_ =	shalt  }
0x54: {  	_ =	shalt  }
0x55: {  	_ =	shalt  }
0x56: {  	_ =	shalt  }
0x57: {  	_ =	shalt  }
0x58: {  	_ =	shalt  }
0x59: {  	_ =	shalt  }
0x5a: {  	_ =	shalt  }
0x5b: {  	_ =	shalt  }
0x5c: {  	_ =	shalt  }
0x5d: {  	_ =	shalt  }
0x5e: {  	_ =	shalt  }
0x5f: {  	_ =	shalt  }
0x60: {  	_ =	shalt  }
0x61: {  	_ =	shalt  }
0x62: {  	_ =	shalt  }
0x63: {  	_ =	shalt  }
0x64: {  	_ =	shalt  }
0x65: {  	_ =	shalt  }
0x66: {  	_ =	shalt  }
0x67: {  	_ =	shalt  }
0x68: {  	_ =	shalt  }
0x69: {  	_ =	shalt  }
0x6a: {  	_ =	shalt  }
0x6b: {  	_ =	shalt  }
0x6c: {  	_ =	shalt  }
0x6d: {  	_ =	shalt  }
0x6e: {  	_ =	shalt  }
0x6f: {  	_ =	shalt  }
0x70: {  	_ =	shalt  }
0x71: {  	_ =	shalt  }
0x72: {  	_ =	shalt  }
0x73: {  	_ =	shalt  }
0x74: {  	_ =	shalt  }
0x75: {  	_ =	shalt  }
0x76: {  	_ =	shalt  }
0x77: {  	_ =	shalt  }
0x78: {  	_ =	shalt  }
0x79: {  	_ =	shalt  }
0x7a: {  	_ =	shalt  }
0x7b: {  	_ =	shalt  }
0x7c: {  	_ =	shalt  }
0x7d: {  	_ =	shalt  }
0x7e: {  	_ =	shalt  }
0x7f: {  	_ =	shalt  }
0x80: {  	_ =	shalt  }
0x81: {  	_ =	shalt  }
0x82: {  	_ =	shalt  }
0x83: {  	_ =	shalt  }
0x84: {  	_ =	shalt  }
0x85: {  	_ =	shalt  }
0x86: {  	_ =	shalt  }
0x87: {  	_ =	shalt  }
.Lfunc_end0:
.L_simem_size_0:
called_computation_lowered:
.L_overlay_start_0:
0x88: {  	s0 =	sld [smem:$0x3FD9]  }
0x89: {  	s1 =	sld [smem:$0x3FFE];
	_ =	sdelay $0x3  }
0x8a: {  	s0 =	sadd.s32 s1, s0  }
0x8b: {  	[smem:$0x3FBD] =	sst s0  }
0x8c: {  	_ = 	snop  }
0x8d: {  	s0 =	sld [smem:$0x3FC3]  }
0x8e: {  	s16 =	sld [smem:$0x3FD0];
	(tm) =	ssettm $0x1  }
0x8f: {  	s2 =	sld [smem:$0x3FFB];
	_ =	sdelay $0x3  }
0x90: {  	_ =	strace s2  }
0x91: {  	s2 =	sld [smem:$0x3FFC];
	_ =	sdelay $0x3  }
0x92: {  	_ =	strace s2  }
0x93: {  	s2 =	sld [smem:$0x3FFD];
	_ =	sdelay $0x3  }
0x94: {  	_ =	strace s2  }
0x95: {  	_ =	strace $0x8FFFFFFF  }
0x96: {  	s17 =	sld [smem:$0x3FDB];
	_ =	sdelay $0x1  }
0x97: {  	s3 =	simm.s32 $_scs_section_size  }
0x98: {  	s4 =	simm.s32 $_size__tile_overlayer_lowered;
	s5 =	simm.s32 $_tile_overlayer_lowered  }
0x99: {  	s20 =	simm.s32 $0x1BFF;
	s19 =	sshll.u32 s5, $0x1;
	s2 =	sadd.s32 s3, s17  }
0x9a: {  	s6 =	simm.s32 $0x0;
	s18 =	sshll.u32 s4, $0x1;
	s4 =	sadd.s32 s19, s2  }
0x9b: {  	[timem:s6], [sflag:s20] =	dma.local [hbm:s4], s18  }
0x9c: {  	_ =	swait.ge [sflag:s20], s18  }
0x9d: {  	s3 =	ssub.s32 $0x0, s18;
	[sflag:s20] =	ssyncset.done $0x0  }
0x9e: {  	[sflag:s20] =	ssyncadd.s32 s3;
	_ =	sdelay $0x1  }
0x9f: {  	s21 =	simm.s32 $0x1B8B  }
0xa0: {  	_ =	swait.ge [sflag:s21], $0x1  }
0xa1: {  	[sflag:s21] =	ssyncset.done $0x0  }
0xa2: {  	s23 =	simm.s32 $0x1B8E;
	s22 =	sld [smem:$0x3FFE];
	[sflag:s21] =	ssyncadd.s32 $0xFFFFFFFF  }
0xa3: {  	s24 =	simm.s32 $execute0_lowered;
	[smem:$0x3FD2] =	sst s23  }
0xa4: {  	s4 =	sshll.u32 s24, $0x1;
	_ =	strace $0x80000046;
	[dreg:$0x1] =	wrdreg $0xFFFFFFFF  }
0xa5: {  	s25 =	simm.s32 $_size_execute0_lowered;
	s2 =	sadd.s32 s2, s4;
	[dreg:$0x0] =	wrdreg $0x0  }
0xa6: {  	s4 =	sshll.u32 s25, $0x1;
	[dreg:$0x2] =	wrdreg s2  }
0xa7: {  	[dreg:$0x3] =	wrdreg s4  }
0xa8: {  	[dreg:$0x4] =	wrdreg $0xC0  }
0xa9: {  	_ =	task [dreg:s6], $0x5FFFF  }
0xaa: {  	[dreg:$0x1] =	wrdreg $0xFFFFFFFF  }
0xab: {  	[dreg:$0x0] =	wrdreg $0x60  }
0xac: {  	[dreg:$0x2] =	wrdreg s0  }
0xad: {  	[dreg:$0x3] =	wrdreg s16  }
0xae: {  	[dreg:$0x4] =	wrdreg s22  }
0xaf: {  	[dreg:$0x5] =	wrdreg $0x9  }
0xb0: {  	_ =	task.clear_ibuf [dreg:s6], $0x6FFFF;
	_ =	strace $0x90000046  }
0xb1: {  	s26 =	simm.s32 $0x9;
	_ =	strace $0x80000048  }
0xb2: {  	_ =	swait.ge [sflag:s26], $0x1  }
0xb3: {  	[sflag:s26] =	ssyncadd.s32 $0xFFFFFFFF  }
0xb4: {  	_ =	strace $0x90000048  }
0xb5: {  	_ =	sfence  }
0xb6: {  	s28 =	sld [smem:$0x0];
	_ =	sdelay $0x1  }
0xb7: {  	s29 =	srdreg.scid  }
0xb8: {  	s30 =	sshll.u32 s29, $0xD;
	s31 =	sshrl.u32 s29, $0x2  }
0xb9: {  	s1 =	sand.u32 $0x1, s29;
	s2 =	sand.u32 $0x4000, s30;
	s0 =	sadd.s32 s31, s28  }
0xba: {  	s1 =	sor.u32 s2, s1;
	s0 =	sshll.u32 s0, $0x11  }
0xbb: {  	s0 =	sor.u32 s0, s1  }
0xbc: {  	s0 =	sadd.s32 $0x8F2B, s0  }
0xbd: {  	[sflag:s0] =	ssyncadd.remote.s32 $0x1  }
0xbe: {  	_ =	sfence.sel $0xFFFF  }
0xbf: {  	[dreg:$0x0] =	wrdreg $0xFFFFFFFF;
	(pc) =	sbr.abs _section_cstart, $3  }
0xc0: {  	[dreg:$0x1] =	wrdreg $0xFFFFFFFF  }
0xc1: {  	_ =	task.clear_ibuf [dreg:s6], $0x2FFFF;
	_ =	strace $0x9FFFFFFF  }
0xc2: {  	(tm) =	ssettm $0x7FFFFFFF  }
0xc3: {  	_ =	shalt  }
tec
execute0_lowered:
.L_overlay_start_1:
0x0: {  	(tag) =	ssettag $0x1  }
0x1: {  	s0 =	stileid.u32  }
0x2: {  	s1 =	smin.u32 s0, $0x9  }
0x3: {  	s1 =	sadd.s32 s0, s1  }
0x4: {  	s2 =	simm.s32 $0x320;
	p0 =	slt.u32 s0, $0x9;
	s1 =	smul.u32 $0x190, s1  }
0x5: {  	s2 =	simm.s32 @!p0 $0x190  }
0x6: {  	s2 =	sadd.s32 s2, s1  }
0x7: {  	s3 =	smin.u32 s2, $0x2710  }
0x8: {  	s7 =	ssub.s32 s3, s1  }
0x9: {  	p0 =	sgt.s32 s7, $0x0  }
0xa: {  	s7 =	simm.s32 @!p0 $0x0  }
0xb: {  	s31 =	sand.u32 $0xFFF0, s7  }
0xc: {  	s4 =	rddreg [dreg:$0x0];
	s2 =	sshrl.u32 s31, $0x4  }
0xd: {  	s5 =	rddreg [dreg:$0x1];
	s2 =	smul.u32 $0xA3E, s2  }
0xe: {  	s9 =	rddreg [dreg:$0x2]  }
0xf: {  	s6 =	simm.s32 $0x1;
	s11 =	simm.s32 $0x3;
	s8 =	sshrl.u32 s2, $0x10  }
0x10: {  	s13 =	simm.s32 $0x0;
	s12 =	simm.s32 $0x0;
	s10 =	smul.u32 $0x190, s8  }
.Ltmp0:
0x11: {  	s9 =	sadd.s32 $0x1C00, s9;
	s2 =	rddreg [dreg:$0x3];
	(pc) =	sbr.rel .LBB2_1-.Ltmp0, $4  }
0x12: {  	_ =	strace $0x80000047;
	p0 =	sne.s32 s7, s10;
	s10 =	simm.s32 $0x1  }
0x13: {  	[sflag:s6] =	ssyncpa.u1 $0x0;
	s7 =	simm.s32 $0x2;
	s10 =	simm.s32 @!p0 $0x0  }
0x14: {  	[sflag:s7] =	ssyncpa.u1 $0x0;
	p0 =	por $0x0, $0x0;
	s8 =	sadd.s32 s8, s10  }
0x15: {  	vm0 =	vmmov $0xff;
	vm1 =	vcmask $0x3F20;
	[sflag:s11] =	ssyncpa.u1 $0x0;
	s11 =	smov.u32 s1;
	s10 =	sadd.s32 $0x1, s8  }
.LBB2_6:
0x16: {  	[hbm:s17] =	stream.linear.scatter [tilespmem:s14], [sflag:$0x3], $0x400, $0x38;
	[tilespmem:$0x19320] =	vst v63  }
.LBB2_7:
0x17: {  	s13 =	sadd.s32 $0x190, s11  }
0x18: {  	s15 =	smov.u32 s1;
	p2 =	slt.s32 s13, s3  }
0x19: {  	s15 =	smov.u32 @p2 s13;
	p2 =	sne.s32 s12, s10  }
.Ltmp1:
0x1a: {  	p1 =	slt.u32 s12, $0x2;
	(pc) =	sbr.rel @!p2 .LBB2_8-.Ltmp1, $4  }
0x1b: {  	s14 =	simm.s32 @!p1 $0x3  }
0x1c: {  	s16 =	sadd.s32 $0x1, s12;
	_ =	swait.ge @!p1 [sflag:s14], $0xC800  }
0x1d: {  	p0 =	por !p0, !p0;
	s13 =	smov.u32 s11;
	[sflag:s14] =	ssyncset.done @!p1 $0x0  }
0x1e: {  	s12 =	smov.u32 s16;
	s11 =	smov.u32 s15;
	[sflag:s14] =	ssyncadd.s32 @!p1 $0xFFFF3800  }
.LBB2_1:
0x1f: {  	p1 =	sge.u32 s12, s8  }
0x20: {  	s14 =	sxor.u32 @!p1 $0xFFFFFFFF, s12  }
0x21: {  	s14 =	sand.u32 @!p1 $0x1, s14  }
0x22: {  	s14 =	smul.u32 @!p1 $0x640, s14  }
0x23: {  	s31 =	sadd.s32 $0xFFFFFFFF, s12;
	s15 =	sshrl.u32 @!p1 s11, $0x3  }
0x24: {  	s16 =	sand.u32 @!p1 $0x7, s11;
	s15 =	sadd.s32 @!p1 s5, s15;
	s14 =	sshrl.u32 @!p1 s14, $0x2  }
0x25: {  	[tilespmem:s14], [sflag:$0x2] =	stream.linear.gather @!p1 [hbm4b:s15+s16], $0x190, $0x38;
	[tilespmem:$0x19320] =	vst v63  }
0x26: {  	p1 =	sge.u32 s31, s8  }
.Ltmp2:
0x27: {  	_ = 	snop;
	(pc) =	sbr.rel @p1 .LBB2_7-.Ltmp2, $1  }
0x28: {  	_ =	sdelay $0x3  }
0x29: {  	s14 =	simm.s32 $0x1  }
0x2a: {  	s14 =	simm.s32 @!p0 $0x0  }
0x2b: {  	s15 =	smul.u32 $0x640, s14  }
0x2c: {  	_ =	swait.ge [sflag:s7], $0x190  }
0x2d: {  	[sflag:s7] =	ssyncset.done $0x0;
	s16 =	sshrl.u32 s15, $0x2  }
0x2e: {  	[sflag:s7] =	ssyncadd.s32 $0xFFFFFE70;
	s15 =	sadd.s32 $0x0, s16  }
0x2f: {  	v0 =	vld.msk [tilespmem:s15+$0x0 ss:$0x1], $0xffff;
	_ =	sdelay $0x4  }
0x30: {  	vm2 =	vgt.s32 v0, $0x0  }
0x31: {  	v0 =	vnsel vm2, $0x0, v0  }
0x32: {  	v0 =	vmin.u32 v0, $0x270F  }
0x33: {  	v0 =	vshll.u32 v0, $0x4  }
0x34: {  	s14 =	smul.u32 $0x32000, s14;
	_ =	sdelay $0x1  }
0x35: {  	s14 =	sshrl.u32 s14, $0x2  }
0x36: {  	s14 =	sor.u32 $0x320, s14  }
0x37: {  	[tilespmem:s14], [sflag:$0x1] =	stream.indirect_vreg.gather [hbm:s4], $0x80, v0, vm0, $0x38;
	[tilespmem:$0x19320] =	vst v63  }
0x38: {  	s17 =	sadd.s32 $0x10, s16;
	s15 =	sadd.s32 $0x400, s14  }
0x39: {  	[tilespmem:s15], [sflag:$0x1] =	stream.indirect_vreg.gather [hbm:s4], $0x80, v0, vm1, $0x38;
	[tilespmem:$0x19320] =	vst v63  }
0x3a: {  	s18 =	simm.s32 $0x80;
	v0 =	vld.msk [tilespmem:s17+$0x0 ss:$0x1], $0xffff;
	s17 =	smov.u32 s14  }
.LBB2_3:
0x3b: {  	p1 =	sne.s32 s18, $0x600;
	_ =	sdelay $0x4  }
0x3c: {  	vm2 =	vgt.s32 v0, $0x0  }
0x3d: {  	v0 =	vnsel vm2, $0x0, v0  }
0x3e: {  	v0 =	vmin.u32 v0, $0x270F  }
0x3f: {  	v0 =	vshll.u32 v0, $0x4;
	_ =	sdelay $0x3  }
.Ltmp3:
0x40: {  	s19 =	sshra.s32 s18, $0x2;
	s17 =	sadd.s32 $0x800, s17;
	(pc) =	sbr.rel @p1 .LBB2_3-.Ltmp3, $4  }
0x41: {  	[tilespmem:s17], [sflag:$0x1] =	stream.indirect_vreg.gather [hbm:s4], $0x80, v0, vm0, $0x38;
	[tilespmem:$0x19320] =	vst v63  }
0x42: {  	s19 =	sadd.s32 s19, s16;
	s20 =	sadd.s32 $0x400, s17  }
0x43: {  	[tilespmem:s20], [sflag:$0x1] =	stream.indirect_vreg.gather [hbm:s4], $0x80, v0, vm1, $0x38;
	[tilespmem:$0x19320] =	vst v63  }
0x44: {  	s18 =	sadd.s32 $0x40, s18;
	v0 =	vld.msk [tilespmem:s19+$0x0 ss:$0x1], $0xffff  }
0x45: {  	_ =	sdelay $0x3  }
0x46: {  	vm2 =	vgt.s32 v0, $0x0  }
0x47: {  	v0 =	vnsel vm2, $0x0, v0  }
0x48: {  	v0 =	vmin.u32 v0, $0x270F  }
0x49: {  	v0 =	vshll.u32 v0, $0x4;
	_ =	sdelay $0x3  }
0x4a: {  	s16 =	sadd.s32 $0x800, s17  }
0x4b: {  	[tilespmem:s16], [sflag:$0x1] =	stream.indirect_vreg.gather [hbm:s4], $0x80, v0, vm0, $0x38;
	[tilespmem:$0x19320] =	vst v63  }
0x4c: {  	s16 =	sadd.s32 $0x400, s16  }
0x4d: {  	[tilespmem:s16], [sflag:$0x1] =	stream.indirect_vreg.gather [hbm:s4], $0x80, v0, vm1, $0x38;
	[tilespmem:$0x19320] =	vst v63  }
0x4e: {  	s13 =	sshll.u32 s13, $0x4;
	_ =	swait.ge [sflag:s6], $0xC800  }
0x4f: {  	s13 =	sadd.s32 s13, s9;
	[sflag:s6] =	ssyncset.done $0x0  }
0x50: {  	s17 =	sadd.s32 $0x0, s13;
	s16 =	simm.s32 $0x80;
	[sflag:s6] =	ssyncadd.s32 $0xFFFF3800  }
.LBB2_5:
0x51: {  	[hbm:s17] =	stream.linear.scatter [tilespmem:s14], [sflag:$0x3], $0x400, $0x38;
	[tilespmem:$0x19320] =	vst v63  }
0x52: {  	s17 =	smov.u32 s16;
	s14 =	smov.u32 s15;
	p1 =	sne.s32 s16, $0x1880  }
.Ltmp4:
0x53: {  	s16 =	sadd.s32 $0x80, s16;
	(pc) =	sbr.rel @p1 .LBB2_5-.Ltmp4, $2  }
0x54: {  	_ =	sdelay $0x2  }
0x55: {  	s15 =	sadd.s32 $0x400, s15;
	s17 =	sadd.s32 s17, s13  }
.Ltmp5:
0x56: {  	_ = 	snop;
	(pc) =	sbr.rel .LBB2_6-.Ltmp5, $1  }
0x57: {  	_ =	sdelay $0x3  }
.LBB2_8:
0x58: {  	_ =	sfence.sel $0x180000  }
0x59: {  	s1 =	simm.s32 $0x2;
	[bflag:$0x0] =	sbarrier.arrive $0xFFFF  }
0x5a: {  	s30 =	simm.s32 $0x3;
	[sflag:s1] =	ssyncpa.u1 $0x1  }
0x5b: {  	s31 =	simm.s32 $0x1;
	[sflag:s30] =	ssyncpa.u1 $0x1  }
0x5c: {  	[sflag:s31] =	ssyncpa.u1 $0x1  }
0x5d: {  	p0 =	sne.s32 s0, $0x0;
	_ =	strace $0x90000047  }
0x5e: {  	s0 =	sadd.s32 @!p0 $0x100000, s2;
	[bflag:$0x2] =	sbarrier.arrive $0xFFFF  }
0x5f: {  	[sflag:s0] =	ssyncadd.tile.s32 @!p0 $0x1;
	_ =	shalt  }
.Lfunc_end2:
_tile_overlayer_lowered:
.L_overlay_start_2:
0x60: {  	(tag) =	ssettag $0x2  }
0x61: {  	s0 =	rddreg [dreg:$0x0];
	s2 =	stileid.u32  }
0x62: {  	s1 =	rddreg [dreg:$0x1];
	p0 =	sne.s32 s2, $0x0  }
0x63: {  	s3 =	rddreg [dreg:$0x2];
	[bflag:$0x3] =	sbarrier.arrive $0xFFFF;
	s2 =	simm.s32 @!p0 $0x1C01  }
0x64: {  	[timem:s3], [sflag:s2] =	dma.local @!p0 [hbm:s0], s1  }
0x65: {  	s0 =	simm.s32 @!p0 $0x1  }
0x66: {  	_ =	swait.ge @!p0 [sflag:s0], s1  }
0x67: {  	s1 =	ssub.s32 @!p0 $0x0, s1;
	[sflag:s0] =	ssyncset.done @!p0 $0x0  }
0x68: {  	[sflag:s0] =	ssyncadd.s32 @!p0 s1  }
0x69: {  	[bflag:$0x3] =	sbarrier.arrive $0xFFFF  }
0x6a: {  	_ =	shalt  }

// kernel: sc_agg.3.cloned.1.call-start
scs
__scs_entry_jumppad:
0x0: {  	(pc) =	sbr.rel $0x88, $3  }
0x1: {  	(tag) =	ssettag $0x0;
	lr =	simm.s32 $0x1  }
0x2: {  	[smem:$0x3F96] =	sst lr;
	_ =	strace $0xD0000000  }
0x3: {  	_ = 	snop  }
0x4: {  	_ = 	snop  }
0x5: {  	_ = 	snop  }
0x6: {  	_ = 	snop  }
0x7: {  	_ = 	snop  }
__scs_overlays_trampoline_lowered:
0x8: {  	[smem:$0x3FA5] =	sst s0  }
0x9: {  	[smem:$0x3FA6] =	sst s1  }
0xa: {  	[smem:$0x3FA7] =	sst s2  }
0xb: {  	[smem:$0x3FA8] =	sst s3  }
0xc: {  	[smem:$0x3FA9] =	sst s4  }
0xd: {  	[smem:$0x3FAA] =	sst s5  }
0xe: {  	[smem:$0x3FAB] =	sst s6  }
0xf: {  	[smem:$0x3FAC] =	sst s7  }
0x10: {  	[smem:$0x3FAD] =	sst s8  }
0x11: {  	[smem:$0x3FAE] =	sst s9;
	s0 =	simm.s32 @!p0 $0x0  }
0x12: {  	s1 =	sld [smem:$0x3F94];
	s0 =	simm.s32 @p0 $0x1  }
0x13: {  	[smem:$0x3FAF] =	sst s0;
	s0 =	simm.s32 @!p1 $0x0  }
0x14: {  	s2 =	sld [smem:$0x3F93];
	s0 =	simm.s32 @p1 $0x1  }
0x15: {  	[smem:$0x3FB0] =	sst s0;
	s0 =	simm.s32 @!p2 $0x0  }
0x16: {  	s3 =	sld [smem:$0x3FDB];
	s0 =	simm.s32 @p2 $0x1  }
0x17: {  	s4 =	simm.s32 $0x1BF5;
	[smem:$0x3FB2] =	sst s0  }
0x18: {  	s0 =	sld [smem:$0x3F95];
	_ =	swait.ge [sflag:s4], $0x0  }
0x19: {  	s7 =	sld [smem:$0x3F96]  }
0x1a: {  	s8 =	sadd.s32 $0xFFFFE003, lr  }
0x1b: {  	s9 =	sadd.s32 $0xFFFFFEF7, lr;
	s5 =	simm.s32 $0xFFFFFFFF;
	p2 =	slt.u32 s8, $0xFFFFF086  }
0x1c: {  	p1 =	slt.u32 s9, $0xF7A;
	s5 =	simm.s32 @!p2 $0x0  }
0x1d: {  	s5 =	simm.s32 @p1 $0x1;
	p0 =	seq.s32 s7, s2  }
0x1e: {  	s7 =	smul.u32 @!p0 $0xF7A, s2;
	p2 =	seq.s32 @!p0 s5, $0x0  }
0x1f: {  	s9 =	smul.u32 $0xF7A, s1;
	s8 =	simm.s32 @!p0 $0x1BF5;
	p2 =	por !p2, p0  }
0x20: {  	[sflag:s8] =	ssyncset.s32 @!p0 $0xFFFFF086;
	s6 =	sadd.s32 @!p0 s3, s7;
	s7 =	simm.s32 @!p0 $0x108  }
0x21: {  	s3 =	sadd.s32 s3, s9;
	s6 =	sadd.s32 @!p0 $0x88, s6;
	s7 =	simm.s32 @p2 $0x1082  }
0x22: {  	[simem:s7], [sflag:s8] =	dma.local @!p0 [hbm:s6], $0xF7A  }
0x23: {  	s9 =	sor.u32 $0xD0000000, s2;
	s6 =	simm.s32 $0x108;
	_ =	swait.ge @!p0 [sflag:s8], $0x0  }
0x24: {  	s3 =	sadd.s32 $0x88, s3;
	s6 =	simm.s32 @!p1 $0x1082;
	[sflag:s4] =	ssyncset.s32 $0xFFFFF086  }
0x25: {  	[simem:s6], [sflag:s4] =	dma.local [hbm:s3], $0xF7A  }
0x26: {  	[smem:$0x3F96] =	sst s1;
	(tag) =	ssettag s2;
	_ =	strace s9  }
0x27: {  	s1 =	sld [smem:$0x3FA6]  }
0x28: {  	s2 =	sld [smem:$0x3FA7]  }
0x29: {  	s4 =	sld [smem:$0x3FA9]  }
0x2a: {  	p0 =	seq.s32 s5, $0x0;
	s5 =	sld [smem:$0x3FAA]  }
0x2b: {  	s6 =	sld [smem:$0x3FAB]  }
0x2c: {  	s7 =	sld [smem:$0x3FAC]  }
0x2d: {  	s3 =	simm.s32 $0x108;
	s8 =	sld [smem:$0x3FAD]  }
0x2e: {  	s3 =	simm.s32 @!p0 $0x1082;
	s9 =	sld [smem:$0x3FAE]  }
0x2f: {  	lr =	sadd.s32 s0, s3;
	s0 =	sld [smem:$0x3FA5]  }
0x30: {  	s3 =	sld [smem:$0x3FA8]  }
0x31: {  	[smem:$0x3FB1] =	sst s10  }
0x32: {  	s10 =	sld [smem:$0x3FAF];
	_ =	sdelay $0x3  }
0x33: {  	p0 =	seq.s32 s10, $0x1;
	s10 =	sld [smem:$0x3FB1];
	_ =	sdelay $0x3  }
0x34: {  	[smem:$0x3FB1] =	sst s10  }
0x35: {  	s10 =	sld [smem:$0x3FB0];
	_ =	sdelay $0x3  }
0x36: {  	p1 =	seq.s32 s10, $0x1;
	s10 =	sld [smem:$0x3FB1];
	_ =	sdelay $0x3  }
0x37: {  	[smem:$0x3FB1] =	sst s10  }
0x38: {  	s10 =	sld [smem:$0x3FB2]  }
0x39: {  	_ = 	snop;
	(pc) =	sbr.ind lr, $3  }
0x3a: {  	_ = 	snop  }
0x3b: {  	_ = 	snop  }
0x3c: {  	p2 =	seq.s32 s10, $0x1;
	s10 =	sld [smem:$0x3FB1]  }
0x3d: {  	_ =	shalt  }
0x3e: {  	_ =	shalt  }
0x3f: {  	_ =	shalt  }
0x40: {  	_ =	shalt  }
0x41: {  	_ =	shalt  }
0x42: {  	_ =	shalt  }
0x43: {  	_ =	shalt  }
0x44: {  	_ =	shalt  }
0x45: {  	_ =	shalt  }
0x46: {  	_ =	shalt  }
0x47: {  	_ =	shalt  }
0x48: {  	_ =	shalt  }
0x49: {  	_ =	shalt  }
0x4a: {  	_ =	shalt  }
0x4b: {  	_ =	shalt  }
0x4c: {  	_ =	shalt  }
0x4d: {  	_ =	shalt  }
0x4e: {  	_ =	shalt  }
0x4f: {  	_ =	shalt  }
0x50: {  	_ =	shalt  }
0x51: {  	_ =	shalt  }
0x52: {  	_ =	shalt  }
0x53: {  	_ =	shalt  }
0x54: {  	_ =	shalt  }
0x55: {  	_ =	shalt  }
0x56: {  	_ =	shalt  }
0x57: {  	_ =	shalt  }
0x58: {  	_ =	shalt  }
0x59: {  	_ =	shalt  }
0x5a: {  	_ =	shalt  }
0x5b: {  	_ =	shalt  }
0x5c: {  	_ =	shalt  }
0x5d: {  	_ =	shalt  }
0x5e: {  	_ =	shalt  }
0x5f: {  	_ =	shalt  }
0x60: {  	_ =	shalt  }
0x61: {  	_ =	shalt  }
0x62: {  	_ =	shalt  }
0x63: {  	_ =	shalt  }
0x64: {  	_ =	shalt  }
0x65: {  	_ =	shalt  }
0x66: {  	_ =	shalt  }
0x67: {  	_ =	shalt  }
0x68: {  	_ =	shalt  }
0x69: {  	_ =	shalt  }
0x6a: {  	_ =	shalt  }
0x6b: {  	_ =	shalt  }
0x6c: {  	_ =	shalt  }
0x6d: {  	_ =	shalt  }
0x6e: {  	_ =	shalt  }
0x6f: {  	_ =	shalt  }
0x70: {  	_ =	shalt  }
0x71: {  	_ =	shalt  }
0x72: {  	_ =	shalt  }
0x73: {  	_ =	shalt  }
0x74: {  	_ =	shalt  }
0x75: {  	_ =	shalt  }
0x76: {  	_ =	shalt  }
0x77: {  	_ =	shalt  }
0x78: {  	_ =	shalt  }
0x79: {  	_ =	shalt  }
0x7a: {  	_ =	shalt  }
0x7b: {  	_ =	shalt  }
0x7c: {  	_ =	shalt  }
0x7d: {  	_ =	shalt  }
0x7e: {  	_ =	shalt  }
0x7f: {  	_ =	shalt  }
0x80: {  	_ =	shalt  }
0x81: {  	_ =	shalt  }
0x82: {  	_ =	shalt  }
0x83: {  	_ =	shalt  }
0x84: {  	_ =	shalt  }
0x85: {  	_ =	shalt  }
0x86: {  	_ =	shalt  }
0x87: {  	_ =	shalt  }
.Lfunc_end0:
.L_simem_size_0:
called_computation.1_lowered:
.L_overlay_start_0:
0x88: {  	s2 =	sld [smem:$0x3FD9]  }
0x89: {  	s3 =	sld [smem:$0x3FFE];
	_ =	sdelay $0x1  }
0x8a: {  	s1 =	srdreg.scid  }
0x8b: {  	s0 =	sand.u32 $0x1, s1  }
0x8c: {  	s17 =	sshll.u32 s0, $0xA;
	s2 =	sadd.s32 s3, s2  }
0x8d: {  	s2 =	sadd.s32 s2, s17  }
0x8e: {  	[smem:$0x3FBD] =	sst s2  }
0x8f: {  	_ = 	snop  }
0x90: {  	s2 =	sld [smem:$0x3FD0];
	(tm) =	ssettm $0x1  }
0x91: {  	s18 =	sld [smem:$0x3FFB];
	_ =	sdelay $0x3  }
0x92: {  	_ =	strace s18  }
0x93: {  	s3 =	sld [smem:$0x3FFC];
	_ =	sdelay $0x3  }
0x94: {  	_ =	strace s3  }
0x95: {  	s3 =	sld [smem:$0x3FFD];
	_ =	sdelay $0x3  }
0x96: {  	_ =	strace s3  }
0x97: {  	_ =	strace $0x8FFFFFFF  }
0x98: {  	s19 =	sld [smem:$0x3FDB];
	_ =	sdelay $0x1  }
0x99: {  	s4 =	simm.s32 $_scs_section_size  }
0x9a: {  	s5 =	simm.s32 $_size__tile_overlayer_lowered;
	s6 =	simm.s32 $_tile_overlayer_lowered  }
0x9b: {  	s22 =	simm.s32 $0x1BFF;
	s21 =	sshll.u32 s6, $0x1;
	s3 =	sadd.s32 s4, s19  }
0x9c: {  	s7 =	simm.s32 $0x0;
	s20 =	sshll.u32 s5, $0x1;
	s5 =	sadd.s32 s21, s3  }
0x9d: {  	[timem:s7], [sflag:s22] =	dma.local [hbm:s5], s20  }
0x9e: {  	_ =	swait.ge [sflag:s22], s20  }
0x9f: {  	s4 =	ssub.s32 $0x0, s20;
	[sflag:s22] =	ssyncset.done $0x0  }
0xa0: {  	[sflag:s22] =	ssyncadd.s32 s4;
	_ =	sdelay $0x1  }
0xa1: {  	s23 =	simm.s32 $0x1B8B  }
0xa2: {  	_ =	swait.ge [sflag:s23], $0x1  }
0xa3: {  	[sflag:s23] =	ssyncset.done $0x0  }
0xa4: {  	s25 =	simm.s32 $0x1B8E;
	s24 =	sld [smem:$0x3FFE];
	[sflag:s23] =	ssyncadd.s32 $0xFFFFFFFF  }
0xa5: {  	s26 =	simm.s32 $execute0_lowered;
	[smem:$0x3FD2] =	sst s25  }
0xa6: {  	s5 =	sshll.u32 s26, $0x1;
	_ =	strace $0x80000049;
	[dreg:$0x1] =	wrdreg $0xFFFFFFFF  }
0xa7: {  	s28 =	simm.s32 $_size_execute0_lowered;
	s3 =	sadd.s32 s3, s5;
	[dreg:$0x0] =	wrdreg $0x0  }
0xa8: {  	s5 =	sshll.u32 s28, $0x1;
	[dreg:$0x2] =	wrdreg s3  }
0xa9: {  	[dreg:$0x3] =	wrdreg s5  }
0xaa: {  	[dreg:$0x4] =	wrdreg $0xC0  }
0xab: {  	_ =	task [dreg:s7], $0x5FFFF  }
0xac: {  	[dreg:$0x1] =	wrdreg $0xFFFFFFFF  }
0xad: {  	[dreg:$0x0] =	wrdreg $0x60  }
0xae: {  	[dreg:$0x2] =	wrdreg s24  }
0xaf: {  	[dreg:$0x3] =	wrdreg s2  }
0xb0: {  	[dreg:$0x4] =	wrdreg $0xB8000  }
0xb1: {  	[dreg:$0x5] =	wrdreg $0x9  }
0xb2: {  	_ =	task.clear_ibuf [dreg:s7], $0x6FFFF;
	_ =	strace $0x90000049  }
0xb3: {  	s29 =	simm.s32 $0x9;
	_ =	strace $0x8000004B  }
0xb4: {  	_ =	swait.ge [sflag:s29], $0x1  }
0xb5: {  	[sflag:s29] =	ssyncadd.s32 $0xFFFFFFFF  }
0xb6: {  	_ =	strace $0x9000004B  }
0xb7: {  	_ =	sfence  }
0xb8: {  	s30 =	sld [smem:$0x0];
	_ =	sdelay $0x2  }
0xb9: {  	s31 =	sshll.u32 s1, $0xD;
	s1 =	sshrl.u32 s1, $0x2  }
0xba: {  	s3 =	sand.u32 $0x4000, s31;
	s1 =	sadd.s32 s1, s30  }
0xbb: {  	s0 =	sor.u32 s3, s0;
	s1 =	sshll.u32 s1, $0x11  }
0xbc: {  	s0 =	sor.u32 s1, s0  }
0xbd: {  	s0 =	sadd.s32 $0x8F2B, s0  }
0xbe: {  	[sflag:s0] =	ssyncadd.remote.s32 $0x1  }
0xbf: {  	_ =	sfence.sel $0xFFFF  }
0xc0: {  	[dreg:$0x0] =	wrdreg $0xFFFFFFFF;
	(pc) =	sbr.abs _section_cstart, $3  }
0xc1: {  	[dreg:$0x1] =	wrdreg $0xFFFFFFFF  }
0xc2: {  	_ =	task.clear_ibuf [dreg:s7], $0x2FFFF;
	_ =	strace $0x9FFFFFFF  }
0xc3: {  	(tm) =	ssettm $0x7FFFFFFF  }
tec
execute0_lowered:
.L_overlay_start_1:
0x0: {  	(tag) =	ssettag $0x1  }
0x1: {  	s6 =	rddreg [dreg:$0x0]  }
0x2: {  	s2 =	rddreg [dreg:$0x1]  }
0x3: {  	s0 =	srdreg.scid;
	s3 =	rddreg [dreg:$0x2]  }
0x4: {  	s4 =	simm.s32 $0x0;
	s22 =	simm.s32 $0x2800;
	s23 =	simm.s32 $0x80  }
0x5: {  	s24 =	simm.s32 $0x1;
	s8 =	sand.u32 $0x1, s0;
	s0 =	stileid.u32  }
0x6: {  	s25 =	simm.s32 $0x9000;
	s26 =	simm.s32 $0x0;
	s9 =	smul.u32 $0x50000, s0  }
0x7: {  	[smem:$0x7FF] =	sst s4;
	s17 =	sadd.s32 $0x2E4E00, s6;
	s11 =	smul.u32 $0x14000, s0  }
0x8: {  	s1 =	sshll.u32 s8, $0x4;
	s30 =	ssub.s32 $0x2, s8;
	s20 =	smul.u32 $0x140000, s8  }
0x9: {  	s5 =	sor.u32 s0, s1;
	s1 =	rddreg [dreg:$0x3];
	_ =	strace $0x8000004A  }
0xa: {  	s31 =	sshrl.u32 s30, $0x1;
	s7 =	smul.u32 $0x500, s5;
	s5 =	sadd.s32 $0x3CE00, s6  }
0xb: {  	s9 =	sshrl.u32 s9, $0x2;
	s12 =	sadd.s32 $0x4000, s11;
	s19 =	ssub.s32 s30, s31  }
0xc: {  	s15 =	sadd.s32 $0x8000, s11;
	s16 =	sadd.s32 $0xC000, s11;
	s21 =	sadd.s32 $0x10000, s11  }
0xd: {  	s13 =	sadd.s32 s11, s20;
	s8 =	sadd.s32 s15, s3;
	s10 =	sadd.s32 s21, s3  }
0xe: {  	s13 =	sshrl.u32 s13, $0x3;
	s15 =	sadd.s32 s20, s15;
	s19 =	smax.u32 s19, $0x1  }
0xf: {  	s18 =	sadd.s32 s7, s6;
	s6 =	sadd.s32 s9, s3;
	s7 =	sadd.s32 s12, s3  }
0x10: {  	s9 =	sadd.s32 s16, s3;
	s12 =	sadd.s32 s20, s12;
	s13 =	sadd.s32 s17, s13  }
0x11: {  	s16 =	sadd.s32 s20, s16;
	s20 =	sadd.s32 s20, s21;
	s15 =	sshrl.u32 s15, $0x3  }
0x12: {  	s21 =	simm.s32 $0x2;
	s11 =	sadd.s32 $0x28E00, s18;
	s14 =	sshrl.u32 s12, $0x3  }
0x13: {  	s12 =	sadd.s32 $0x32E00, s18;
	s16 =	sshrl.u32 s16, $0x3;
	s20 =	sshrl.u32 s20, $0x3  }
0x14: {  	s15 =	sadd.s32 s17, s15;
	s18 =	sadd.s32 $0x1C00, s18;
	s14 =	sadd.s32 s17, s14  }
0x15: {  	v0 =	vimm.f32 $0.0e+00;
	v1 =	vimm.f32 $1.000000000e+00;
	s16 =	sadd.s32 s17, s16;
	s17 =	sadd.s32 s17, s20;
	s20 =	simm.s32 $0x5000  }
.LBB2_1:
0x16: {  	s28 =	simm.s32 $0x0;
	s29 =	simm.s32 $0x200  }
.LBB2_2:
0x17: {  	p0 =	sne.s32 s29, $0x9E00;
	[tilespmem:s28+$0x9070] =	vst v0  }
0x18: {  	[tilespmem:s28+$0x9000] =	vst v0  }
0x19: {  	[tilespmem:s28+$0x9010] =	vst v0  }
.Ltmp0:
0x1a: {  	[tilespmem:s28+$0x9020] =	vst v0;
	(pc) =	sbr.rel @p0 .LBB2_2-.Ltmp0, $4  }
0x1b: {  	[tilespmem:s28+$0x9030] =	vst v0  }
0x1c: {  	[tilespmem:s28+$0x9040] =	vst v0  }
0x1d: {  	[tilespmem:s28+$0x9050] =	vst v0  }
0x1e: {  	[tilespmem:s28+$0x9060] =	vst v0;
	s28 =	sshra.s32 s29, $0x2;
	s29 =	sadd.s32 $0x200, s29  }
0x1f: {  	[tilespmem:s28+$0x9070] =	vst v0  }
0x20: {  	[tilespmem:s28+$0x9000] =	vst v0  }
0x21: {  	[tilespmem:s28+$0x9010] =	vst v0  }
0x22: {  	[tilespmem:s28+$0x9020] =	vst v0  }
0x23: {  	[tilespmem:s28+$0x9030] =	vst v0  }
0x24: {  	[tilespmem:s28+$0x9040] =	vst v0  }
0x25: {  	[tilespmem:s28+$0x9050] =	vst v0  }
0x26: {  	[tilespmem:s28+$0x9060] =	vst v0;
	s28 =	simm.s32 $0x0  }
0x27: {  	[tilespmem:s20], [sflag:$0x2] =	stream.linear.gather [hbm4b:s2+s28], $0x4000, $0x38;
	[tilespmem:$0x1F800] =	vst v63  }
0x28: {  	_ =	swait.ge [sflag:s21], $0x4000  }
0x29: {  	[sflag:s21] =	ssyncset.done $0x0  }
0x2a: {  	[sflag:s21] =	ssyncadd.s32 $0xFFFFC000  }
0x2b: {  	[spmem:s6] =	stream.linear.scatter [tilespmem:s20], [sflag:$0x2], $0x4000, $0x38;
	[tilespmem:$0x1F800] =	vst v63  }
0x2c: {  	_ =	swait.ge [sflag:s21], $0x4000  }
0x2d: {  	[sflag:s21] =	ssyncset.done $0x0  }
0x2e: {  	[sflag:s21] =	ssyncadd.s32 $0xFFFFC000  }
0x2f: {  	[spmem:s7] =	stream.linear.scatter [tilespmem:s20], [sflag:$0x2], $0x4000, $0x38;
	[tilespmem:$0x1F800] =	vst v63  }
0x30: {  	_ =	swait.ge [sflag:s21], $0x4000  }
0x31: {  	[sflag:s21] =	ssyncset.done $0x0  }
0x32: {  	[sflag:s21] =	ssyncadd.s32 $0xFFFFC000  }
0x33: {  	[spmem:s8] =	stream.linear.scatter [tilespmem:s20], [sflag:$0x2], $0x4000, $0x38;
	[tilespmem:$0x1F800] =	vst v63  }
0x34: {  	_ =	swait.ge [sflag:s21], $0x4000  }
0x35: {  	[sflag:s21] =	ssyncset.done $0x0  }
0x36: {  	[sflag:s21] =	ssyncadd.s32 $0xFFFFC000  }
0x37: {  	[spmem:s9] =	stream.linear.scatter [tilespmem:s20], [sflag:$0x2], $0x4000, $0x38;
	[tilespmem:$0x1F800] =	vst v63  }
0x38: {  	_ =	swait.ge [sflag:s21], $0x4000  }
0x39: {  	[sflag:s21] =	ssyncset.done $0x0  }
0x3a: {  	[sflag:s21] =	ssyncadd.s32 $0xFFFFC000  }
0x3b: {  	[spmem:s10] =	stream.linear.scatter [tilespmem:s20], [sflag:$0x2], $0x4000, $0x38;
	[tilespmem:$0x1F800] =	vst v63  }
0x3c: {  	_ =	swait.ge [sflag:s21], $0x4000  }
0x3d: {  	[sflag:s21] =	ssyncset.done $0x0  }
0x3e: {  	[sflag:s21] =	ssyncadd.s32 $0xFFFFC000  }
0x3f: {  	[tilespmem:s28], [sflag:$0x2] =	stream.linear.gather [hbm4b:s11+s28], $0x2780, $0x38;
	[tilespmem:$0x1F800] =	vst v63  }
0x40: {  	_ =	swait.ge [sflag:s21], $0x2780  }
0x41: {  	[sflag:s21] =	ssyncset.done $0x0  }
0x42: {  	[sflag:s21] =	ssyncadd.s32 $0xFFFFD880  }
0x43: {  	[tilespmem:s22], [sflag:$0x2] =	stream.linear.gather [hbm4b:s12+s28], $0x2780, $0x38;
	[tilespmem:$0x1F800] =	vst v63  }
0x44: {  	_ =	swait.ge [sflag:s21], $0x2780  }
0x45: {  	[sflag:s21] =	ssyncset.done $0x0  }
0x46: {  	[sflag:s21] =	ssyncadd.s32 $0xFFFFD880  }
0x47: {  	[bflag:$0x0] =	sbarrier.arrive $0xFFFF  }
.LBB2_4:
0x48: {  	s29 =	sshra.s32 s28, $0x2  }
0x49: {  	[tilespmem:s20], [sflag:$0x1] =	stream.indirect.gather [hbm4b:s5+s23], $0x80, s29, s23, $0xb8;
	[tilespmem:$0x1F800] =	vst v63  }
0x4a: {  	_ =	swait.ge [sflag:s24], $0x4000  }
0x4b: {  	[sflag:s24] =	ssyncset.done $0x0  }
0x4c: {  	s30 =	sadd.s32 $0x2800, s29;
	[sflag:s24] =	ssyncadd.s32 $0xFFFFC000  }
0x4d: {  	[spmem:s3] =	stream.indirect.scatter.add.f32 [tilespmem:s20], [sflag:$0x2], $0x80, s30, s23, $0xb8;
	[tilespmem:$0x1F800] =	vst v63  }
0x4e: {  	_ =	swait.ge [sflag:s21], $0x4000  }
0x4f: {  	[sflag:s21] =	ssyncset.done $0x0  }
0x50: {  	[sflag:s21] =	ssyncadd.s32 $0xFFFFC000  }
0x51: {  	v2 =	vld [tilespmem:s29+$0x2800];
	_ =	sdelay $0x7  }
0x52: {  	[tilespmem:v2+s25+$0x0] =	vst.idx.add.f32.msk $0xffff, v1  }
0x53: {  	v2 =	vld [tilespmem:s29+$0x2810];
	_ =	sdelay $0x7  }
0x54: {  	[tilespmem:v2+s25+$0x0] =	vst.idx.add.f32.msk $0xffff, v1  }
0x55: {  	v2 =	vld [tilespmem:s29+$0x2820];
	_ =	sdelay $0x7  }
0x56: {  	[tilespmem:v2+s25+$0x0] =	vst.idx.add.f32.msk $0xffff, v1  }
0x57: {  	v2 =	vld [tilespmem:s29+$0x2830];
	_ =	sdelay $0x7  }
0x58: {  	[tilespmem:v2+s25+$0x0] =	vst.idx.add.f32.msk $0xffff, v1  }
0x59: {  	v2 =	vld [tilespmem:s29+$0x2840];
	_ =	sdelay $0x7  }
0x5a: {  	[tilespmem:v2+s25+$0x0] =	vst.idx.add.f32.msk $0xffff, v1  }
0x5b: {  	v2 =	vld [tilespmem:s29+$0x2850];
	_ =	sdelay $0x7  }
0x5c: {  	[tilespmem:v2+s25+$0x0] =	vst.idx.add.f32.msk $0xffff, v1  }
0x5d: {  	v2 =	vld [tilespmem:s29+$0x2860];
	_ =	sdelay $0x7  }
0x5e: {  	[tilespmem:v2+s25+$0x0] =	vst.idx.add.f32.msk $0xffff, v1  }
0x5f: {  	v2 =	vld [tilespmem:s29+$0x2870];
	_ =	sdelay $0x2  }
0x60: {  	p0 =	sne.s32 s28, $0x9C00  }
.Ltmp1:
0x61: {  	_ = 	snop;
	(pc) =	sbr.rel @p0 .LBB2_4-.Ltmp1, $2  }
0x62: {  	_ =	sdelay $0x2  }
0x63: {  	s28 =	sadd.s32 $0x200, s28;
	[tilespmem:v2+s25+$0x0] =	vst.idx.add.f32.msk $0xffff, v1  }
0x64: {  	[bflag:$0x0] =	sbarrier.arrive $0xFFFF  }
0x65: {  	[tilespmem:s20], [sflag:$0x2] =	stream.linear.gather [spmem:s6], $0x4000, $0x38;
	[tilespmem:$0x1F800] =	vst v63  }
0x66: {  	_ =	swait.ge [sflag:s21], $0x4000  }
0x67: {  	[sflag:s21] =	ssyncset.done $0x0  }
0x68: {  	[sflag:s21] =	ssyncadd.s32 $0xFFFFC000  }
0x69: {  	[hbm4b:s13+s4] =	stream.linear.scatter [tilespmem:s20], [sflag:$0x2], $0x4000, $0x38;
	[tilespmem:$0x1F800] =	vst v63  }
0x6a: {  	_ =	swait.ge [sflag:s21], $0x4000  }
0x6b: {  	[sflag:s21] =	ssyncset.done $0x0  }
0x6c: {  	[sflag:s21] =	ssyncadd.s32 $0xFFFFC000  }
0x6d: {  	[tilespmem:s20], [sflag:$0x2] =	stream.linear.gather [spmem:s7], $0x4000, $0x38;
	[tilespmem:$0x1F800] =	vst v63  }
0x6e: {  	_ =	swait.ge [sflag:s21], $0x4000  }
0x6f: {  	[sflag:s21] =	ssyncset.done $0x0  }
0x70: {  	[sflag:s21] =	ssyncadd.s32 $0xFFFFC000  }
0x71: {  	[hbm4b:s14+s4] =	stream.linear.scatter [tilespmem:s20], [sflag:$0x2], $0x4000, $0x38;
	[tilespmem:$0x1F800] =	vst v63  }
0x72: {  	_ =	swait.ge [sflag:s21], $0x4000  }
0x73: {  	[sflag:s21] =	ssyncset.done $0x0  }
0x74: {  	[sflag:s21] =	ssyncadd.s32 $0xFFFFC000  }
0x75: {  	[tilespmem:s20], [sflag:$0x2] =	stream.linear.gather [spmem:s8], $0x4000, $0x38;
	[tilespmem:$0x1F800] =	vst v63  }
0x76: {  	_ =	swait.ge [sflag:s21], $0x4000  }
0x77: {  	[sflag:s21] =	ssyncset.done $0x0  }
0x78: {  	[sflag:s21] =	ssyncadd.s32 $0xFFFFC000  }
0x79: {  	[hbm4b:s15+s4] =	stream.linear.scatter [tilespmem:s20], [sflag:$0x2], $0x4000, $0x38;
	[tilespmem:$0x1F800] =	vst v63  }
0x7a: {  	_ =	swait.ge [sflag:s21], $0x4000  }
0x7b: {  	[sflag:s21] =	ssyncset.done $0x0  }
0x7c: {  	[sflag:s21] =	ssyncadd.s32 $0xFFFFC000  }
0x7d: {  	[tilespmem:s20], [sflag:$0x2] =	stream.linear.gather [spmem:s9], $0x4000, $0x38;
	[tilespmem:$0x1F800] =	vst v63  }
0x7e: {  	_ =	swait.ge [sflag:s21], $0x4000  }
0x7f: {  	[sflag:s21] =	ssyncset.done $0x0  }
0x80: {  	[sflag:s21] =	ssyncadd.s32 $0xFFFFC000  }
0x81: {  	[hbm4b:s16+s4] =	stream.linear.scatter [tilespmem:s20], [sflag:$0x2], $0x4000, $0x38;
	[tilespmem:$0x1F800] =	vst v63  }
0x82: {  	_ =	swait.ge [sflag:s21], $0x4000  }
0x83: {  	[sflag:s21] =	ssyncset.done $0x0  }
0x84: {  	[sflag:s21] =	ssyncadd.s32 $0xFFFFC000  }
0x85: {  	[tilespmem:s20], [sflag:$0x2] =	stream.linear.gather [spmem:s10], $0x4000, $0x38;
	[tilespmem:$0x1F800] =	vst v63  }
0x86: {  	_ =	swait.ge [sflag:s21], $0x4000  }
0x87: {  	[sflag:s21] =	ssyncset.done $0x0  }
0x88: {  	[sflag:s21] =	ssyncadd.s32 $0xFFFFC000  }
0x89: {  	[hbm4b:s17+s4] =	stream.linear.scatter [tilespmem:s20], [sflag:$0x2], $0x4000, $0x38;
	[tilespmem:$0x1F800] =	vst v63  }
0x8a: {  	s26 =	sadd.s32 $0x1, s26;
	_ =	swait.ge [sflag:s21], $0x4000  }
0x8b: {  	p0 =	sne.s32 s26, s19;
	[sflag:s21] =	ssyncset.done $0x0  }
.Ltmp2:
0x8c: {  	[sflag:s21] =	ssyncadd.s32 $0xFFFFC000;
	(pc) =	sbr.rel @p0 .LBB2_1-.Ltmp2, $4  }
0x8d: {  	[hbm4b:s18+s4] =	stream.linear.scatter [tilespmem:s25], [sflag:$0x2], $0x2800, $0x38;
	[tilespmem:$0x1F800] =	vst v63  }
0x8e: {  	_ =	swait.ge [sflag:s21], $0x2800  }
0x8f: {  	[sflag:s21] =	ssyncset.done $0x0  }
0x90: {  	[sflag:s21] =	ssyncadd.s32 $0xFFFFD800  }
0x91: {  	_ =	sfence.sel $0x180000  }
0x92: {  	[bflag:$0x0] =	sbarrier.arrive $0xFFFF  }
0x93: {  	p0 =	sne.s32 s0, $0x0;
	_ =	strace $0x9000004A  }
0x94: {  	s0 =	sadd.s32 @!p0 $0x100000, s1;
	[bflag:$0x2] =	sbarrier.arrive $0xFFFF  }
0x95: {  	[sflag:s0] =	ssyncadd.tile.s32 @!p0 $0x1;
	_ =	shalt  }
.Lfunc_end2:
_tile_overlayer_lowered:
.L_overlay_start_2:
0x96: {  	(tag) =	ssettag $0x2  }
0x97: {  	s0 =	rddreg [dreg:$0x0];
	s2 =	stileid.u32  }
0x98: {  	s1 =	rddreg [dreg:$0x1];
	p0 =	sne.s32 s2, $0x0  }
0x99: {  	s3 =	rddreg [dreg:$0x2];
	[bflag:$0x3] =	sbarrier.arrive $0xFFFF;
	s2 =	simm.s32 @!p0 $0x1C02  }
0x9a: {  	[timem:s3], [sflag:s2] =	dma.local @!p0 [hbm:s0], s1  }
0x9b: {  	s0 =	simm.s32 @!p0 $0x2  }
0x9c: {  	_ =	swait.ge @!p0 [sflag:s0], s1  }
0x9d: {  	s1 =	ssub.s32 @!p0 $0x0, s1;
	[sflag:s0] =	ssyncset.done @!p0 $0x0  }
0x9e: {  	[sflag:s0] =	ssyncadd.s32 @!p0 s1  }
0x9f: {  	[bflag:$0x3] =	sbarrier.arrive $0xFFFF  }
0xa0: {  	_ =	shalt  }

// kernel: sc_score.3.cloned.1.call-start
scs
__scs_entry_jumppad:
0x0: {  	(pc) =	sbr.rel $0x88, $3  }
0x1: {  	(tag) =	ssettag $0x0;
	lr =	simm.s32 $0x1  }
0x2: {  	[smem:$0x3F96] =	sst lr;
	_ =	strace $0xD0000000  }
0x3: {  	_ = 	snop  }
0x4: {  	_ = 	snop  }
0x5: {  	_ = 	snop  }
0x6: {  	_ = 	snop  }
0x7: {  	_ = 	snop  }
__scs_overlays_trampoline_lowered:
0x8: {  	[smem:$0x3FA5] =	sst s0  }
0x9: {  	[smem:$0x3FA6] =	sst s1  }
0xa: {  	[smem:$0x3FA7] =	sst s2  }
0xb: {  	[smem:$0x3FA8] =	sst s3  }
0xc: {  	[smem:$0x3FA9] =	sst s4  }
0xd: {  	[smem:$0x3FAA] =	sst s5  }
0xe: {  	[smem:$0x3FAB] =	sst s6  }
0xf: {  	[smem:$0x3FAC] =	sst s7  }
0x10: {  	[smem:$0x3FAD] =	sst s8  }
0x11: {  	[smem:$0x3FAE] =	sst s9;
	s0 =	simm.s32 @!p0 $0x0  }
0x12: {  	s1 =	sld [smem:$0x3F94];
	s0 =	simm.s32 @p0 $0x1  }
0x13: {  	[smem:$0x3FAF] =	sst s0;
	s0 =	simm.s32 @!p1 $0x0  }
0x14: {  	s2 =	sld [smem:$0x3F93];
	s0 =	simm.s32 @p1 $0x1  }
0x15: {  	[smem:$0x3FB0] =	sst s0;
	s0 =	simm.s32 @!p2 $0x0  }
0x16: {  	s3 =	sld [smem:$0x3FDB];
	s0 =	simm.s32 @p2 $0x1  }
0x17: {  	s4 =	simm.s32 $0x1BF5;
	[smem:$0x3FB2] =	sst s0  }
0x18: {  	s0 =	sld [smem:$0x3F95];
	_ =	swait.ge [sflag:s4], $0x0  }
0x19: {  	s7 =	sld [smem:$0x3F96]  }
0x1a: {  	s8 =	sadd.s32 $0xFFFFE003, lr  }
0x1b: {  	s9 =	sadd.s32 $0xFFFFFEF7, lr;
	s5 =	simm.s32 $0xFFFFFFFF;
	p2 =	slt.u32 s8, $0xFFFFF086  }
0x1c: {  	p1 =	slt.u32 s9, $0xF7A;
	s5 =	simm.s32 @!p2 $0x0  }
0x1d: {  	s5 =	simm.s32 @p1 $0x1;
	p0 =	seq.s32 s7, s2  }
0x1e: {  	s7 =	smul.u32 @!p0 $0xF7A, s2;
	p2 =	seq.s32 @!p0 s5, $0x0  }
0x1f: {  	s9 =	smul.u32 $0xF7A, s1;
	s8 =	simm.s32 @!p0 $0x1BF5;
	p2 =	por !p2, p0  }
0x20: {  	[sflag:s8] =	ssyncset.s32 @!p0 $0xFFFFF086;
	s6 =	sadd.s32 @!p0 s3, s7;
	s7 =	simm.s32 @!p0 $0x108  }
0x21: {  	s3 =	sadd.s32 s3, s9;
	s6 =	sadd.s32 @!p0 $0x88, s6;
	s7 =	simm.s32 @p2 $0x1082  }
0x22: {  	[simem:s7], [sflag:s8] =	dma.local @!p0 [hbm:s6], $0xF7A  }
0x23: {  	s9 =	sor.u32 $0xD0000000, s2;
	s6 =	simm.s32 $0x108;
	_ =	swait.ge @!p0 [sflag:s8], $0x0  }
0x24: {  	s3 =	sadd.s32 $0x88, s3;
	s6 =	simm.s32 @!p1 $0x1082;
	[sflag:s4] =	ssyncset.s32 $0xFFFFF086  }
0x25: {  	[simem:s6], [sflag:s4] =	dma.local [hbm:s3], $0xF7A  }
0x26: {  	[smem:$0x3F96] =	sst s1;
	(tag) =	ssettag s2;
	_ =	strace s9  }
0x27: {  	s1 =	sld [smem:$0x3FA6]  }
0x28: {  	s2 =	sld [smem:$0x3FA7]  }
0x29: {  	s4 =	sld [smem:$0x3FA9]  }
0x2a: {  	p0 =	seq.s32 s5, $0x0;
	s5 =	sld [smem:$0x3FAA]  }
0x2b: {  	s6 =	sld [smem:$0x3FAB]  }
0x2c: {  	s7 =	sld [smem:$0x3FAC]  }
0x2d: {  	s3 =	simm.s32 $0x108;
	s8 =	sld [smem:$0x3FAD]  }
0x2e: {  	s3 =	simm.s32 @!p0 $0x1082;
	s9 =	sld [smem:$0x3FAE]  }
0x2f: {  	lr =	sadd.s32 s0, s3;
	s0 =	sld [smem:$0x3FA5]  }
0x30: {  	s3 =	sld [smem:$0x3FA8]  }
0x31: {  	[smem:$0x3FB1] =	sst s10  }
0x32: {  	s10 =	sld [smem:$0x3FAF];
	_ =	sdelay $0x3  }
0x33: {  	p0 =	seq.s32 s10, $0x1;
	s10 =	sld [smem:$0x3FB1];
	_ =	sdelay $0x3  }
0x34: {  	[smem:$0x3FB1] =	sst s10  }
0x35: {  	s10 =	sld [smem:$0x3FB0];
	_ =	sdelay $0x3  }
0x36: {  	p1 =	seq.s32 s10, $0x1;
	s10 =	sld [smem:$0x3FB1];
	_ =	sdelay $0x3  }
0x37: {  	[smem:$0x3FB1] =	sst s10  }
0x38: {  	s10 =	sld [smem:$0x3FB2]  }
0x39: {  	_ = 	snop;
	(pc) =	sbr.ind lr, $3  }
0x3a: {  	_ = 	snop  }
0x3b: {  	_ = 	snop  }
0x3c: {  	p2 =	seq.s32 s10, $0x1;
	s10 =	sld [smem:$0x3FB1]  }
0x3d: {  	_ =	shalt  }
0x3e: {  	_ =	shalt  }
0x3f: {  	_ =	shalt  }
0x40: {  	_ =	shalt  }
0x41: {  	_ =	shalt  }
0x42: {  	_ =	shalt  }
0x43: {  	_ =	shalt  }
0x44: {  	_ =	shalt  }
0x45: {  	_ =	shalt  }
0x46: {  	_ =	shalt  }
0x47: {  	_ =	shalt  }
0x48: {  	_ =	shalt  }
0x49: {  	_ =	shalt  }
0x4a: {  	_ =	shalt  }
0x4b: {  	_ =	shalt  }
0x4c: {  	_ =	shalt  }
0x4d: {  	_ =	shalt  }
0x4e: {  	_ =	shalt  }
0x4f: {  	_ =	shalt  }
0x50: {  	_ =	shalt  }
0x51: {  	_ =	shalt  }
0x52: {  	_ =	shalt  }
0x53: {  	_ =	shalt  }
0x54: {  	_ =	shalt  }
0x55: {  	_ =	shalt  }
0x56: {  	_ =	shalt  }
0x57: {  	_ =	shalt  }
0x58: {  	_ =	shalt  }
0x59: {  	_ =	shalt  }
0x5a: {  	_ =	shalt  }
0x5b: {  	_ =	shalt  }
0x5c: {  	_ =	shalt  }
0x5d: {  	_ =	shalt  }
0x5e: {  	_ =	shalt  }
0x5f: {  	_ =	shalt  }
0x60: {  	_ =	shalt  }
0x61: {  	_ =	shalt  }
0x62: {  	_ =	shalt  }
0x63: {  	_ =	shalt  }
0x64: {  	_ =	shalt  }
0x65: {  	_ =	shalt  }
0x66: {  	_ =	shalt  }
0x67: {  	_ =	shalt  }
0x68: {  	_ =	shalt  }
0x69: {  	_ =	shalt  }
0x6a: {  	_ =	shalt  }
0x6b: {  	_ =	shalt  }
0x6c: {  	_ =	shalt  }
0x6d: {  	_ =	shalt  }
0x6e: {  	_ =	shalt  }
0x6f: {  	_ =	shalt  }
0x70: {  	_ =	shalt  }
0x71: {  	_ =	shalt  }
0x72: {  	_ =	shalt  }
0x73: {  	_ =	shalt  }
0x74: {  	_ =	shalt  }
0x75: {  	_ =	shalt  }
0x76: {  	_ =	shalt  }
0x77: {  	_ =	shalt  }
0x78: {  	_ =	shalt  }
0x79: {  	_ =	shalt  }
0x7a: {  	_ =	shalt  }
0x7b: {  	_ =	shalt  }
0x7c: {  	_ =	shalt  }
0x7d: {  	_ =	shalt  }
0x7e: {  	_ =	shalt  }
0x7f: {  	_ =	shalt  }
0x80: {  	_ =	shalt  }
0x81: {  	_ =	shalt  }
0x82: {  	_ =	shalt  }
0x83: {  	_ =	shalt  }
0x84: {  	_ =	shalt  }
0x85: {  	_ =	shalt  }
0x86: {  	_ =	shalt  }
0x87: {  	_ =	shalt  }
.Lfunc_end0:
.L_simem_size_0:
called_computation.2_lowered:
.L_overlay_start_0:
0x88: {  	s2 =	sld [smem:$0x3FD9]  }
0x89: {  	s3 =	sld [smem:$0x3FFE];
	_ =	sdelay $0x1  }
0x8a: {  	s1 =	srdreg.scid  }
0x8b: {  	s0 =	sand.u32 $0x1, s1  }
0x8c: {  	s17 =	sshll.u32 s0, $0xA;
	s2 =	sadd.s32 s3, s2  }
0x8d: {  	s2 =	sadd.s32 s2, s17  }
0x8e: {  	[smem:$0x3FBD] =	sst s2  }
0x8f: {  	_ = 	snop  }
0x90: {  	s2 =	sld [smem:$0x3FBF];
	(tm) =	ssettm $0x1  }
0x91: {  	s18 =	sld [smem:$0x3FFB];
	_ =	sdelay $0x3  }
0x92: {  	_ =	strace s18  }
0x93: {  	s3 =	sld [smem:$0x3FFC];
	_ =	sdelay $0x3  }
0x94: {  	_ =	strace s3  }
0x95: {  	s3 =	sld [smem:$0x3FFD];
	_ =	sdelay $0x3  }
0x96: {  	_ =	strace s3  }
0x97: {  	_ =	strace $0x8FFFFFFF  }
0x98: {  	s19 =	sld [smem:$0x3FDB];
	_ =	sdelay $0x1  }
0x99: {  	s4 =	simm.s32 $_scs_section_size  }
0x9a: {  	s5 =	simm.s32 $_size__tile_overlayer_lowered;
	s6 =	simm.s32 $_tile_overlayer_lowered  }
0x9b: {  	s22 =	simm.s32 $0x1BFF;
	s21 =	sshll.u32 s6, $0x1;
	s3 =	sadd.s32 s4, s19  }
0x9c: {  	s7 =	simm.s32 $0x0;
	s20 =	sshll.u32 s5, $0x1;
	s5 =	sadd.s32 s21, s3  }
0x9d: {  	[timem:s7], [sflag:s22] =	dma.local [hbm:s5], s20  }
0x9e: {  	_ =	swait.ge [sflag:s22], s20  }
0x9f: {  	s4 =	ssub.s32 $0x0, s20;
	[sflag:s22] =	ssyncset.done $0x0  }
0xa0: {  	[sflag:s22] =	ssyncadd.s32 s4;
	_ =	sdelay $0x1  }
0xa1: {  	s23 =	simm.s32 $0x1B8B  }
0xa2: {  	_ =	swait.ge [sflag:s23], $0x1  }
0xa3: {  	[sflag:s23] =	ssyncset.done $0x0  }
0xa4: {  	s25 =	simm.s32 $0x1B8E;
	s24 =	sld [smem:$0x3FFE];
	[sflag:s23] =	ssyncadd.s32 $0xFFFFFFFF  }
0xa5: {  	s26 =	simm.s32 $execute0_lowered;
	[smem:$0x3FD2] =	sst s25  }
0xa6: {  	s5 =	sshll.u32 s26, $0x1;
	_ =	strace $0x8000004C;
	[dreg:$0x1] =	wrdreg $0xFFFFFFFF  }
0xa7: {  	s28 =	simm.s32 $_size_execute0_lowered;
	s3 =	sadd.s32 s3, s5;
	[dreg:$0x0] =	wrdreg $0x0  }
0xa8: {  	s5 =	sshll.u32 s28, $0x1;
	[dreg:$0x2] =	wrdreg s3  }
0xa9: {  	[dreg:$0x3] =	wrdreg s5  }
0xaa: {  	[dreg:$0x4] =	wrdreg $0xC0  }
0xab: {  	_ =	task [dreg:s7], $0x5FFFF  }
0xac: {  	[dreg:$0x1] =	wrdreg $0xFFFFFFFF  }
0xad: {  	[dreg:$0x0] =	wrdreg $0x60  }
0xae: {  	[dreg:$0x2] =	wrdreg s24  }
0xaf: {  	[dreg:$0x3] =	wrdreg s2  }
0xb0: {  	[dreg:$0x4] =	wrdreg $0x9  }
0xb1: {  	_ =	task.clear_ibuf [dreg:s7], $0x5FFFF;
	_ =	strace $0x9000004C  }
0xb2: {  	s29 =	simm.s32 $0x9;
	_ =	strace $0x8000004E  }
0xb3: {  	_ =	swait.ge [sflag:s29], $0x1  }
0xb4: {  	[sflag:s29] =	ssyncadd.s32 $0xFFFFFFFF  }
0xb5: {  	_ =	strace $0x9000004E  }
0xb6: {  	_ =	sfence  }
0xb7: {  	s30 =	sld [smem:$0x0];
	_ =	sdelay $0x2  }
0xb8: {  	s31 =	sshll.u32 s1, $0xD;
	s1 =	sshrl.u32 s1, $0x2  }
0xb9: {  	s3 =	sand.u32 $0x4000, s31;
	s1 =	sadd.s32 s1, s30  }
0xba: {  	s0 =	sor.u32 s3, s0;
	s1 =	sshll.u32 s1, $0x11  }
0xbb: {  	s0 =	sor.u32 s1, s0  }
0xbc: {  	s0 =	sadd.s32 $0x8F2B, s0  }
0xbd: {  	[sflag:s0] =	ssyncadd.remote.s32 $0x1  }
0xbe: {  	_ =	sfence.sel $0xFFFF  }
0xbf: {  	[dreg:$0x0] =	wrdreg $0xFFFFFFFF;
	(pc) =	sbr.abs _section_cstart, $3  }
0xc0: {  	[dreg:$0x1] =	wrdreg $0xFFFFFFFF  }
0xc1: {  	_ =	task.clear_ibuf [dreg:s7], $0x2FFFF;
	_ =	strace $0x9FFFFFFF  }
0xc2: {  	(tm) =	ssettm $0x7FFFFFFF  }
0xc3: {  	_ =	shalt  }
tec
execute0_lowered:
.L_overlay_start_1:
0x0: {  	(tag) =	ssettag $0x1  }
0x1: {  	s5 =	rddreg [dreg:$0x0]  }
0x2: {  	s1 =	rddreg [dreg:$0x1]  }
0x3: {  	s2 =	srdreg.scid;
	s0 =	rddreg [dreg:$0x2];
	s3 =	simm.s32 $0x0  }
0x4: {  	s11 =	simm.s32 $0x1000;
	s12 =	simm.s32 $0x2000;
	s13 =	simm.s32 $0xB000  }
0x5: {  	v0 =	vlaneseq.u32;
	s14 =	simm.s32 $0x80;
	s15 =	simm.s32 $0x3000;
	s16 =	simm.s32 $0x7000  }
0x6: {  	s17 =	simm.s32 $0x1;
	s18 =	simm.s32 $0xC480;
	s19 =	simm.s32 $0xB800;
	v1 =	vor.u32 $0x10, v0;
	v2 =	vor.u32 $0x20, v0  }
0x7: {  	s20 =	simm.s32 $0x0;
	s4 =	sand.u32 $0x1, s2;
	[smem:$0x7FF] =	sst s3;
	v3 =	vor.u32 $0x30, v0;
	v4 =	vor.u32 $0x40, v0;
	v5 =	vmul.u32 $0x10, v0  }
0x8: {  	s2 =	stileid.u32;
	v6 =	vor.u32 $0x50, v0;
	v7 =	vor.u32 $0x60, v0;
	v8 =	vor.u32 $0x70, v0;
	s6 =	sshll.u32 s4, $0x4;
	s8 =	ssub.s32 $0x2, s4  }
0x9: {  	_ =	strace $0x8000004D;
	s6 =	sor.u32 s2, s6;
	s9 =	sshrl.u32 s8, $0x1;
	v9 =	vor.u32 $0x1, v5;
	v10 =	vor.u32 $0x2, v5;
	v11 =	vor.u32 $0x3, v5  }
0xa: {  	v12 =	vor.u32 $0x4, v5;
	v13 =	vor.u32 $0x5, v5;
	v14 =	vor.u32 $0x6, v5;
	s7 =	sshll.u32 s6, $0x9;
	s6 =	smul.u32 $0x190, s6;
	s9 =	ssub.s32 s8, s9  }
0xb: {  	s4 =	sadd.s32 $0x17C00, s5;
	v15 =	vor.u32 $0x7, v5;
	v16 =	vor.u32 $0x8, v5;
	v17 =	vor.u32 $0x9, v5;
	s7 =	sadd.s32 s7, s5;
	s9 =	smax.u32 s9, $0x1  }
0xc: {  	v18 =	vor.u32 $0xA, v5;
	v19 =	vor.u32 $0xB, v5;
	v20 =	vor.u32 $0xC, v5;
	s10 =	sadd.s32 s6, s5;
	s5 =	sadd.s32 $0xBC00, s7;
	s6 =	sadd.s32 $0xFC00, s7  }
0xd: {  	v21 =	vor.u32 $0xD, v5;
	v22 =	vor.u32 $0xE, v5;
	v23 =	vor.u32 $0xF, v5;
	s7 =	sadd.s32 $0x13C00, s7;
	s8 =	sadd.s32 $0x1C00, s10;
	s10 =	simm.s32 $0x2  }
.LBB2_1:
0xe: {  	[tilespmem:s3], [sflag:$0x2] =	stream.linear.gather [hbm4b:s5+s3], $0xC80, $0x38;
	[tilespmem:$0xC580] =	vst v63  }
0xf: {  	_ =	swait.ge [sflag:s10], $0xC80  }
0x10: {  	[sflag:s10] =	ssyncset.done $0x0  }
0x11: {  	[sflag:s10] =	ssyncadd.s32 $0xFFFFF380  }
0x12: {  	[tilespmem:s11], [sflag:$0x2] =	stream.linear.gather [hbm4b:s6+s3], $0xC80, $0x38;
	[tilespmem:$0xC580] =	vst v63  }
0x13: {  	_ =	swait.ge [sflag:s10], $0xC80  }
0x14: {  	[sflag:s10] =	ssyncset.done $0x0  }
0x15: {  	[sflag:s10] =	ssyncadd.s32 $0xFFFFF380  }
0x16: {  	[tilespmem:s12], [sflag:$0x2] =	stream.linear.gather [hbm4b:s7+s3], $0xC80, $0x38;
	[tilespmem:$0xC580] =	vst v63  }
0x17: {  	_ =	swait.ge [sflag:s10], $0xC80  }
0x18: {  	[sflag:s10] =	ssyncset.done $0x0  }
0x19: {  	[sflag:s10] =	ssyncadd.s32 $0xFFFFF380  }
0x1a: {  	[tilespmem:s13], [sflag:$0x2] =	stream.linear.gather [hbm4b:s1+s3], $0x800, $0x38;
	[tilespmem:$0xC580] =	vst v63  }
0x1b: {  	_ =	swait.ge [sflag:s10], $0x800  }
0x1c: {  	[sflag:s10] =	ssyncset.done $0x0  }
0x1d: {  	s21 =	simm.s32 $0x0;
	[sflag:s10] =	ssyncadd.s32 $0xFFFFF800  }
.LBB2_2:
0x1e: {  	s22 =	sshll.u32 s21, $0x7  }
0x1f: {  	[tilespmem:s15], [sflag:$0x1] =	stream.indirect.gather [hbm4b:s4+s14], $0x80, s22, s14, $0xb8;
	[tilespmem:$0xC580] =	vst v63  }
0x20: {  	s23 =	sadd.s32 $0x1000, s22  }
0x21: {  	[tilespmem:s16], [sflag:$0x1] =	stream.indirect.gather [hbm4b:s4+s14], $0x80, s23, s14, $0xb8;
	[tilespmem:$0xC580] =	vst v63  }
0x22: {  	_ =	swait.ge [sflag:s17], $0x4000  }
0x23: {  	s31 =	sadd.s32 $0x2000, s22;
	[sflag:s17] =	ssyncset.done $0x0  }
0x24: {  	v24 =	vmov s31;
	[sflag:s17] =	ssyncadd.s32 $0xFFFFC000  }
0x25: {  	_ =	swait.ge [sflag:s17], $0x4000  }
0x26: {  	s24 =	sadd.s32 $0xB800, s22;
	[sflag:s17] =	ssyncset.done $0x0  }
0x27: {  	s22 =	simm.s32 $0x0;
	v25 =	vmov s24;
	[sflag:s17] =	ssyncadd.s32 $0xFFFFC000  }
.LBB2_3:
0x28: {  	s23 =	sshll.u32 s22, $0x4  }
0x29: {  	v26 =	vld.idx.msk [tilespmem:v24+s23+$0x0 ss:$0x1], $0xffff  }
0x2a: {  	s24 =	sshll.u32 s22, $0xB  }
0x2b: {  	v29 =	vld [tilespmem:s24+$0x3000]  }
0x2c: {  	v31 =	vld [tilespmem:s24+$0x7000]  }
0x2d: {  	v32 =	vld [tilespmem:s24+$0x3010]  }
0x2e: {  	v34 =	vld [tilespmem:s24+$0x7010];
	v26 =	vshll.u32 v26, $0x7  }
0x2f: {  	v35 =	vld [tilespmem:s24+$0x3020];
	v27 =	vbroadcast v26, $0x0  }
0x30: {  	v37 =	vld [tilespmem:s24+$0x7020]  }
0x31: {  	v38 =	vld [tilespmem:s24+$0x3030];
	v28 =	vor.u32 v0, v27  }
0x32: {  	v40 =	vld [tilespmem:s24+$0x7030];
	v30 =	vor.u32 v1, v27  }
0x33: {  	v41 =	vld [tilespmem:s24+$0x3040]  }
0x34: {  	v43 =	vld [tilespmem:s24+$0x7040];
	v33 =	vor.u32 v2, v27  }
0x35: {  	v44 =	vld [tilespmem:s24+$0x3050]  }
0x36: {  	v36 =	vor.u32 v3, v27;
	v28 =	vld.idx.msk [tilespmem:v28+s13+$0x0], $0xffff  }
0x37: {  	v30 =	vld.idx.msk [tilespmem:v30+s13+$0x0], $0xffff  }
0x38: {  	v47 =	vld [tilespmem:s24+$0x7050];
	v39 =	vor.u32 v4, v27  }
0x39: {  	v33 =	vld.idx.msk [tilespmem:v33+s13+$0x0], $0xffff  }
0x3a: {  	v50 =	vld [tilespmem:s24+$0x3060];
	v29 =	vmul.f32 v31, v29;
	v62 =	vmul.f32 v34, v32;
	v42 =	vor.u32 v6, v27  }
0x3b: {  	v48 =	vmul.f32 v37, v35;
	v36 =	vld.idx.msk [tilespmem:v36+s13+$0x0], $0xffff  }
0x3c: {  	v52 =	vld [tilespmem:s24+$0x7060];
	v45 =	vor.u32 v7, v27;
	v28 =	vmul.f32 v28, v29;
	v46 =	vmul.f32 v30, v62  }
0x3d: {  	v51 =	vmul.f32 v40, v38;
	v63 =	vld.idx.msk [tilespmem:v39+s13+$0x0], $0xffff  }
0x3e: {  	v56 =	vld [tilespmem:s24+$0x3070];
	v27 =	vor.u32 v8, v27;
	v31 =	vmul.f32 v33, v48;
	v28 =	vadd.f32 v46, v28  }
0x3f: {  	v49 =	vld.idx.msk [tilespmem:v42+s13+$0x0], $0xffff  }
0x40: {  	v57 =	vld [tilespmem:s24+$0x7070];
	v55 =	vmul.f32 v43, v41;
	v54 =	vmul.f32 v36, v51;
	v28 =	vadd.f32 v31, v28  }
0x41: {  	v53 =	vld.idx.msk [tilespmem:v45+s13+$0x0], $0xffff  }
0x42: {  	v58 =	vmul.f32 v63, v55;
	v30 =	vmul.f32 v47, v44;
	v28 =	vadd.f32 v54, v28  }
0x43: {  	v27 =	vld.idx.msk [tilespmem:v27+s13+$0x0], $0xffff  }
0x44: {  	v29 =	vmul.f32 v52, v50;
	v30 =	vmul.f32 v49, v30;
	v28 =	vadd.f32 v58, v28;
	_ =	sdelay $0x1  }
0x45: {  	v59 =	vmul.f32 v57, v56;
	v29 =	vmul.f32 v53, v29;
	v28 =	vadd.f32 v30, v28;
	_ =	sdelay $0x1  }
0x46: {  	v27 =	vmul.f32 v27, v59;
	v28 =	vadd.f32 v29, v28;
	_ =	sdelay $0x1  }
0x47: {  	v27 =	vadd.f32 v27, v28;
	_ =	sdelay $0x1  }
0x48: {  	[tilespmem:$0xC480] =	vst v27  }
0x49: {  	v27 =	vld [tilespmem:s24+$0x3080]  }
0x4a: {  	v62 =	vld [tilespmem:s24+$0x7080]  }
0x4b: {  	v63 =	vld [tilespmem:s24+$0x3090]  }
0x4c: {  	v45 =	vld [tilespmem:s24+$0x7090]  }
0x4d: {  	v29 =	vbroadcast v26, $0x1;
	v46 =	vld [tilespmem:s24+$0x30A0]  }
0x4e: {  	v48 =	vld [tilespmem:s24+$0x70A0]  }
0x4f: {  	v60 =	vor.u32 v0, v29;
	v49 =	vld [tilespmem:s24+$0x30B0]  }
0x50: {  	v61 =	vor.u32 v1, v29;
	v51 =	vld [tilespmem:s24+$0x70B0]  }
0x51: {  	v44 =	vor.u32 v2, v29;
	v52 =	vld [tilespmem:s24+$0x30C0]  }
0x52: {  	v47 =	vor.u32 v3, v29;
	v54 =	vld [tilespmem:s24+$0x70C0]  }
0x53: {  	v50 =	vor.u32 v4, v29;
	v57 =	vld [tilespmem:s24+$0x30D0]  }
0x54: {  	v28 =	vld.idx.msk [tilespmem:v60+s13+$0x0], $0xffff  }
0x55: {  	v30 =	vld.idx.msk [tilespmem:v61+s13+$0x0], $0xffff  }
0x56: {  	v53 =	vor.u32 v6, v29;
	v33 =	vld.idx.msk [tilespmem:v44+s13+$0x0], $0xffff  }
0x57: {  	v36 =	vld.idx.msk [tilespmem:v47+s13+$0x0], $0xffff  }
0x58: {  	v58 =	vor.u32 v7, v29;
	v56 =	vld.idx.msk [tilespmem:v50+s13+$0x0], $0xffff;
	v27 =	vmul.f32 v62, v27;
	v55 =	vmul.f32 v45, v63  }
0x59: {  	v60 =	vld [tilespmem:s24+$0x70D0];
	v61 =	vmul.f32 v48, v46  }
0x5a: {  	v44 =	vld [tilespmem:s24+$0x70E0];
	v27 =	vmul.f32 v28, v27;
	v59 =	vmul.f32 v30, v55  }
0x5b: {  	v29 =	vor.u32 v8, v29;
	v62 =	vld.idx.msk [tilespmem:v53+s13+$0x0], $0xffff  }
0x5c: {  	v63 =	vld [tilespmem:s24+$0x30E0];
	v42 =	vmul.f32 v51, v49;
	v31 =	vmul.f32 v33, v61;
	v27 =	vadd.f32 v59, v27  }
0x5d: {  	v45 =	vld.idx.msk [tilespmem:v58+s13+$0x0], $0xffff  }
0x5e: {  	v47 =	vmul.f32 v54, v52;
	v48 =	vld [tilespmem:s24+$0x30F0];
	v46 =	vmul.f32 v36, v42;
	v27 =	vadd.f32 v31, v27  }
0x5f: {  	v49 =	vld [tilespmem:s24+$0x70F0]  }
0x60: {  	v50 =	vmul.f32 v56, v47;
	v30 =	vmul.f32 v60, v57;
	v27 =	vadd.f32 v46, v27  }
0x61: {  	v29 =	vld.idx.msk [tilespmem:v29+s13+$0x0], $0xffff  }
0x62: {  	v30 =	vmul.f32 v62, v30;
	v28 =	vmul.f32 v44, v63;
	v27 =	vadd.f32 v50, v27;
	_ =	sdelay $0x1  }
0x63: {  	v51 =	vmul.f32 v49, v48;
	v28 =	vmul.f32 v45, v28;
	v27 =	vadd.f32 v30, v27;
	_ =	sdelay $0x1  }
0x64: {  	v52 =	vmul.f32 v29, v51;
	v29 =	vbroadcast v26, $0x2;
	v27 =	vadd.f32 v28, v27;
	_ =	sdelay $0x1  }
0x65: {  	v53 =	vor.u32 v0, v29;
	v27 =	vadd.f32 v52, v27;
	_ =	sdelay $0x1  }
0x66: {  	[tilespmem:$0xC490] =	vst v27  }
0x67: {  	v54 =	vor.u32 v1, v29;
	v27 =	vld [tilespmem:s24+$0x3100]  }
0x68: {  	v55 =	vld [tilespmem:s24+$0x7100]  }
0x69: {  	v28 =	vld.idx.msk [tilespmem:v53+s13+$0x0], $0xffff  }
0x6a: {  	v57 =	vor.u32 v2, v29;
	v56 =	vld [tilespmem:s24+$0x3110]  }
0x6b: {  	v58 =	vld [tilespmem:s24+$0x7110]  }
0x6c: {  	v30 =	vld.idx.msk [tilespmem:v54+s13+$0x0], $0xffff  }
0x6d: {  	v60 =	vor.u32 v3, v29;
	v59 =	vld [tilespmem:s24+$0x3120]  }
0x6e: {  	v61 =	vld [tilespmem:s24+$0x7120]  }
0x6f: {  	v33 =	vld.idx.msk [tilespmem:v57+s13+$0x0], $0xffff  }
0x70: {  	v63 =	vor.u32 v4, v29;
	v62 =	vld [tilespmem:s24+$0x3130]  }
0x71: {  	v45 =	vld [tilespmem:s24+$0x7130]  }
0x72: {  	v36 =	vld.idx.msk [tilespmem:v60+s13+$0x0], $0xffff  }
0x73: {  	v46 =	vld [tilespmem:s24+$0x3140]  }
0x74: {  	v48 =	vld [tilespmem:s24+$0x7140]  }
0x75: {  	v47 =	vor.u32 v6, v29;
	v50 =	vld.idx.msk [tilespmem:v63+s13+$0x0], $0xffff  }
0x76: {  	v51 =	vld [tilespmem:s24+$0x3150];
	v27 =	vmul.f32 v55, v27;
	v49 =	vmul.f32 v58, v56  }
0x77: {  	v54 =	vld [tilespmem:s24+$0x7150];
	v55 =	vmul.f32 v61, v59  }
0x78: {  	v52 =	vor.u32 v7, v29;
	v57 =	vld [tilespmem:s24+$0x3160];
	v27 =	vmul.f32 v28, v27;
	v53 =	vmul.f32 v30, v49  }
0x79: {  	v29 =	vor.u32 v8, v29;
	v63 =	vld [tilespmem:s24+$0x3170]  }
0x7a: {  	v56 =	vld.idx.msk [tilespmem:v47+s13+$0x0], $0xffff;
	v58 =	vmul.f32 v45, v62;
	v31 =	vmul.f32 v33, v55;
	v27 =	vadd.f32 v53, v27  }
0x7b: {  	v59 =	vld [tilespmem:s24+$0x7160]  }
0x7c: {  	v42 =	vld [tilespmem:s24+$0x7170];
	v62 =	vmul.f32 v48, v46;
	v61 =	vmul.f32 v36, v58;
	v27 =	vadd.f32 v31, v27  }
0x7d: {  	v60 =	vld.idx.msk [tilespmem:v52+s13+$0x0], $0xffff  }
0x7e: {  	v43 =	vmul.f32 v50, v62;
	v30 =	vmul.f32 v54, v51;
	v27 =	vadd.f32 v61, v27  }
0x7f: {  	v29 =	vld.idx.msk [tilespmem:v29+s13+$0x0], $0xffff  }
0x80: {  	v30 =	vmul.f32 v56, v30;
	v28 =	vmul.f32 v59, v57;
	v27 =	vadd.f32 v43, v27;
	_ =	sdelay $0x1  }
0x81: {  	v44 =	vmul.f32 v42, v63;
	v28 =	vmul.f32 v60, v28;
	v27 =	vadd.f32 v30, v27;
	_ =	sdelay $0x1  }
0x82: {  	v45 =	vmul.f32 v29, v44;
	v29 =	vbroadcast v26, $0x3;
	v27 =	vadd.f32 v28, v27;
	_ =	sdelay $0x1  }
0x83: {  	v46 =	vor.u32 v0, v29;
	v27 =	vadd.f32 v45, v27;
	_ =	sdelay $0x1  }
0x84: {  	[tilespmem:$0xC4A0] =	vst v27  }
0x85: {  	v47 =	vor.u32 v1, v29;
	v27 =	vld [tilespmem:s24+$0x3180]  }
0x86: {  	v48 =	vld [tilespmem:s24+$0x7180]  }
0x87: {  	v28 =	vld.idx.msk [tilespmem:v46+s13+$0x0], $0xffff  }
0x88: {  	v50 =	vor.u32 v2, v29;
	v49 =	vld [tilespmem:s24+$0x3190]  }
0x89: {  	v51 =	vld [tilespmem:s24+$0x7190]  }
0x8a: {  	v30 =	vld.idx.msk [tilespmem:v47+s13+$0x0], $0xffff  }
0x8b: {  	v53 =	vor.u32 v3, v29;
	v52 =	vld [tilespmem:s24+$0x31A0]  }
0x8c: {  	v54 =	vld [tilespmem:s24+$0x71A0]  }
0x8d: {  	v33 =	vld.idx.msk [tilespmem:v50+s13+$0x0], $0xffff  }
0x8e: {  	v56 =	vor.u32 v4, v29;
	v55 =	vld [tilespmem:s24+$0x31B0]  }
0x8f: {  	v57 =	vld [tilespmem:s24+$0x71B0]  }
0x90: {  	v36 =	vld.idx.msk [tilespmem:v53+s13+$0x0], $0xffff  }
0x91: {  	v58 =	vld [tilespmem:s24+$0x31C0]  }
0x92: {  	v59 =	vor.u32 v6, v29;
	v60 =	vld [tilespmem:s24+$0x71C0]  }
0x93: {  	v62 =	vld.idx.msk [tilespmem:v56+s13+$0x0], $0xffff  }
0x94: {  	v63 =	vld [tilespmem:s24+$0x31D0];
	v27 =	vmul.f32 v48, v27;
	v61 =	vmul.f32 v51, v49  }
0x95: {  	v44 =	vor.u32 v7, v29;
	v46 =	vld [tilespmem:s24+$0x71D0];
	v47 =	vmul.f32 v54, v52  }
0x96: {  	v56 =	vld [tilespmem:s24+$0x71F0];
	v27 =	vmul.f32 v28, v27;
	v45 =	vmul.f32 v30, v61  }
0x97: {  	v29 =	vor.u32 v8, v29;
	v48 =	vld.idx.msk [tilespmem:v59+s13+$0x0], $0xffff  }
0x98: {  	v49 =	vld [tilespmem:s24+$0x31E0];
	v50 =	vmul.f32 v57, v55;
	v31 =	vmul.f32 v33, v47;
	v27 =	vadd.f32 v45, v27  }
0x99: {  	v51 =	vld [tilespmem:s24+$0x71E0]  }
0x9a: {  	v52 =	vld.idx.msk [tilespmem:v44+s13+$0x0], $0xffff;
	v54 =	vmul.f32 v60, v58;
	v53 =	vmul.f32 v36, v50;
	v27 =	vadd.f32 v31, v27  }
0x9b: {  	v55 =	vld [tilespmem:s24+$0x31F0]  }
0x9c: {  	v57 =	vmul.f32 v62, v54;
	v30 =	vmul.f32 v46, v63;
	v27 =	vadd.f32 v53, v27  }
0x9d: {  	v29 =	vld.idx.msk [tilespmem:v29+s13+$0x0], $0xffff  }
0x9e: {  	v30 =	vmul.f32 v48, v30;
	v28 =	vmul.f32 v51, v49;
	v27 =	vadd.f32 v57, v27;
	_ =	sdelay $0x1  }
0x9f: {  	v58 =	vmul.f32 v56, v55;
	v28 =	vmul.f32 v52, v28;
	v27 =	vadd.f32 v30, v27;
	_ =	sdelay $0x1  }
0xa0: {  	v59 =	vmul.f32 v29, v58;
	v29 =	vbroadcast v26, $0x4;
	v27 =	vadd.f32 v28, v27;
	_ =	sdelay $0x1  }
0xa1: {  	v60 =	vor.u32 v0, v29;
	v27 =	vadd.f32 v59, v27;
	_ =	sdelay $0x1  }
0xa2: {  	[tilespmem:$0xC4B0] =	vst v27  }
0xa3: {  	v61 =	vor.u32 v1, v29;
	v27 =	vld [tilespmem:s24+$0x3200]  }
0xa4: {  	v62 =	vld [tilespmem:s24+$0x7200]  }
0xa5: {  	v28 =	vld.idx.msk [tilespmem:v60+s13+$0x0], $0xffff  }
0xa6: {  	v44 =	vor.u32 v2, v29;
	v63 =	vld [tilespmem:s24+$0x3210]  }
0xa7: {  	v45 =	vld [tilespmem:s24+$0x7210]  }
0xa8: {  	v30 =	vld.idx.msk [tilespmem:v61+s13+$0x0], $0xffff  }
0xa9: {  	v47 =	vor.u32 v3, v29;
	v46 =	vld [tilespmem:s24+$0x3220]  }
0xaa: {  	v48 =	vld [tilespmem:s24+$0x7220]  }
0xab: {  	v33 =	vld.idx.msk [tilespmem:v44+s13+$0x0], $0xffff  }
0xac: {  	v50 =	vor.u32 v4, v29;
	v49 =	vld [tilespmem:s24+$0x3230]  }
0xad: {  	v51 =	vld [tilespmem:s24+$0x7230]  }
0xae: {  	v36 =	vld.idx.msk [tilespmem:v47+s13+$0x0], $0xffff  }
0xaf: {  	v52 =	vld [tilespmem:s24+$0x3240]  }
0xb0: {  	v53 =	vor.u32 v6, v29;
	v54 =	vld [tilespmem:s24+$0x7240]  }
0xb1: {  	v56 =	vld.idx.msk [tilespmem:v50+s13+$0x0], $0xffff  }
0xb2: {  	v58 =	vor.u32 v7, v29;
	v57 =	vld [tilespmem:s24+$0x3250];
	v27 =	vmul.f32 v62, v27;
	v55 =	vmul.f32 v45, v63  }
0xb3: {  	v60 =	vld [tilespmem:s24+$0x7250];
	v61 =	vmul.f32 v48, v46  }
0xb4: {  	v44 =	vld [tilespmem:s24+$0x7260];
	v27 =	vmul.f32 v28, v27;
	v59 =	vmul.f32 v30, v55  }
0xb5: {  	v29 =	vor.u32 v8, v29;
	v62 =	vld.idx.msk [tilespmem:v53+s13+$0x0], $0xffff  }
0xb6: {  	v63 =	vld [tilespmem:s24+$0x3260];
	v42 =	vmul.f32 v51, v49;
	v31 =	vmul.f32 v33, v61;
	v27 =	vadd.f32 v59, v27  }
0xb7: {  	v45 =	vld.idx.msk [tilespmem:v58+s13+$0x0], $0xffff  }
0xb8: {  	v47 =	vmul.f32 v54, v52;
	v48 =	vld [tilespmem:s24+$0x3270];
	v46 =	vmul.f32 v36, v42;
	v27 =	vadd.f32 v31, v27  }
0xb9: {  	v49 =	vld [tilespmem:s24+$0x7270]  }
0xba: {  	v50 =	vmul.f32 v56, v47;
	v30 =	vmul.f32 v60, v57;
	v27 =	vadd.f32 v46, v27  }
0xbb: {  	v29 =	vld.idx.msk [tilespmem:v29+s13+$0x0], $0xffff  }
0xbc: {  	v30 =	vmul.f32 v62, v30;
	v28 =	vmul.f32 v44, v63;
	v27 =	vadd.f32 v50, v27;
	_ =	sdelay $0x1  }
0xbd: {  	v51 =	vmul.f32 v49, v48;
	v28 =	vmul.f32 v45, v28;
	v27 =	vadd.f32 v30, v27;
	_ =	sdelay $0x1  }
0xbe: {  	v52 =	vmul.f32 v29, v51;
	v29 =	vbroadcast v26, $0x5;
	v27 =	vadd.f32 v28, v27;
	_ =	sdelay $0x1  }
0xbf: {  	v53 =	vor.u32 v0, v29;
	v27 =	vadd.f32 v52, v27;
	_ =	sdelay $0x1  }
0xc0: {  	[tilespmem:$0xC4C0] =	vst v27  }
0xc1: {  	v54 =	vor.u32 v1, v29;
	v27 =	vld [tilespmem:s24+$0x3280]  }
0xc2: {  	v55 =	vld [tilespmem:s24+$0x7280]  }
0xc3: {  	v28 =	vld.idx.msk [tilespmem:v53+s13+$0x0], $0xffff  }
0xc4: {  	v57 =	vor.u32 v2, v29;
	v56 =	vld [tilespmem:s24+$0x3290]  }
0xc5: {  	v58 =	vld [tilespmem:s24+$0x7290]  }
0xc6: {  	v30 =	vld.idx.msk [tilespmem:v54+s13+$0x0], $0xffff  }
0xc7: {  	v60 =	vor.u32 v3, v29;
	v59 =	vld [tilespmem:s24+$0x32A0]  }
0xc8: {  	v61 =	vld [tilespmem:s24+$0x72A0]  }
0xc9: {  	v33 =	vld.idx.msk [tilespmem:v57+s13+$0x0], $0xffff  }
0xca: {  	v63 =	vor.u32 v4, v29;
	v62 =	vld [tilespmem:s24+$0x32B0]  }
0xcb: {  	v45 =	vld [tilespmem:s24+$0x72B0]  }
0xcc: {  	v36 =	vld.idx.msk [tilespmem:v60+s13+$0x0], $0xffff  }
0xcd: {  	v46 =	vld [tilespmem:s24+$0x32C0]  }
0xce: {  	v48 =	vld [tilespmem:s24+$0x72C0]  }
0xcf: {  	v47 =	vor.u32 v6, v29;
	v50 =	vld.idx.msk [tilespmem:v63+s13+$0x0], $0xffff  }
0xd0: {  	v51 =	vld [tilespmem:s24+$0x32D0];
	v27 =	vmul.f32 v55, v27;
	v49 =	vmul.f32 v58, v56  }
0xd1: {  	v54 =	vld [tilespmem:s24+$0x72D0];
	v55 =	vmul.f32 v61, v59  }
0xd2: {  	v52 =	vor.u32 v7, v29;
	v57 =	vld [tilespmem:s24+$0x32E0];
	v27 =	vmul.f32 v28, v27;
	v53 =	vmul.f32 v30, v49  }
0xd3: {  	v29 =	vor.u32 v8, v29;
	v63 =	vld [tilespmem:s24+$0x32F0]  }
0xd4: {  	v56 =	vld.idx.msk [tilespmem:v47+s13+$0x0], $0xffff;
	v58 =	vmul.f32 v45, v62;
	v31 =	vmul.f32 v33, v55;
	v27 =	vadd.f32 v53, v27  }
0xd5: {  	v59 =	vld [tilespmem:s24+$0x72E0]  }
0xd6: {  	v42 =	vld [tilespmem:s24+$0x72F0];
	v62 =	vmul.f32 v48, v46;
	v61 =	vmul.f32 v36, v58;
	v27 =	vadd.f32 v31, v27  }
0xd7: {  	v60 =	vld.idx.msk [tilespmem:v52+s13+$0x0], $0xffff  }
0xd8: {  	v43 =	vmul.f32 v50, v62;
	v30 =	vmul.f32 v54, v51;
	v27 =	vadd.f32 v61, v27  }
0xd9: {  	v29 =	vld.idx.msk [tilespmem:v29+s13+$0x0], $0xffff  }
0xda: {  	v30 =	vmul.f32 v56, v30;
	v28 =	vmul.f32 v59, v57;
	v27 =	vadd.f32 v43, v27;
	_ =	sdelay $0x1  }
0xdb: {  	v44 =	vmul.f32 v42, v63;
	v28 =	vmul.f32 v60, v28;
	v27 =	vadd.f32 v30, v27;
	_ =	sdelay $0x1  }
0xdc: {  	v45 =	vmul.f32 v29, v44;
	v29 =	vbroadcast v26, $0x6;
	v27 =	vadd.f32 v28, v27;
	_ =	sdelay $0x1  }
0xdd: {  	v46 =	vor.u32 v0, v29;
	v27 =	vadd.f32 v45, v27;
	_ =	sdelay $0x1  }
0xde: {  	[tilespmem:$0xC4D0] =	vst v27  }
0xdf: {  	v47 =	vor.u32 v1, v29;
	v27 =	vld [tilespmem:s24+$0x3300]  }
0xe0: {  	v48 =	vld [tilespmem:s24+$0x7300]  }
0xe1: {  	v28 =	vld.idx.msk [tilespmem:v46+s13+$0x0], $0xffff  }
0xe2: {  	v50 =	vor.u32 v2, v29;
	v49 =	vld [tilespmem:s24+$0x3310]  }
0xe3: {  	v51 =	vld [tilespmem:s24+$0x7310]  }
0xe4: {  	v30 =	vld.idx.msk [tilespmem:v47+s13+$0x0], $0xffff  }
0xe5: {  	v53 =	vor.u32 v3, v29;
	v52 =	vld [tilespmem:s24+$0x3320]  }
0xe6: {  	v54 =	vld [tilespmem:s24+$0x7320]  }
0xe7: {  	v33 =	vld.idx.msk [tilespmem:v50+s13+$0x0], $0xffff  }
0xe8: {  	v56 =	vor.u32 v4, v29;
	v55 =	vld [tilespmem:s24+$0x3330]  }
0xe9: {  	v57 =	vld [tilespmem:s24+$0x7330]  }
0xea: {  	v36 =	vld.idx.msk [tilespmem:v53+s13+$0x0], $0xffff  }
0xeb: {  	v58 =	vld [tilespmem:s24+$0x3340]  }
0xec: {  	v59 =	vor.u32 v6, v29;
	v60 =	vld [tilespmem:s24+$0x7340]  }
0xed: {  	v62 =	vld.idx.msk [tilespmem:v56+s13+$0x0], $0xffff  }
0xee: {  	v63 =	vld [tilespmem:s24+$0x3350];
	v27 =	vmul.f32 v48, v27;
	v61 =	vmul.f32 v51, v49  }
0xef: {  	v44 =	vor.u32 v7, v29;
	v46 =	vld [tilespmem:s24+$0x7350];
	v47 =	vmul.f32 v54, v52  }
0xf0: {  	v56 =	vld [tilespmem:s24+$0x7370];
	v27 =	vmul.f32 v28, v27;
	v45 =	vmul.f32 v30, v61  }
0xf1: {  	v29 =	vor.u32 v8, v29;
	v48 =	vld.idx.msk [tilespmem:v59+s13+$0x0], $0xffff  }
0xf2: {  	v49 =	vld [tilespmem:s24+$0x3360];
	v50 =	vmul.f32 v57, v55;
	v31 =	vmul.f32 v33, v47;
	v27 =	vadd.f32 v45, v27  }
0xf3: {  	v51 =	vld [tilespmem:s24+$0x7360]  }
0xf4: {  	v52 =	vld.idx.msk [tilespmem:v44+s13+$0x0], $0xffff;
	v54 =	vmul.f32 v60, v58;
	v53 =	vmul.f32 v36, v50;
	v27 =	vadd.f32 v31, v27  }
0xf5: {  	v55 =	vld [tilespmem:s24+$0x3370]  }
0xf6: {  	v57 =	vmul.f32 v62, v54;
	v30 =	vmul.f32 v46, v63;
	v27 =	vadd.f32 v53, v27  }
0xf7: {  	v29 =	vld.idx.msk [tilespmem:v29+s13+$0x0], $0xffff  }
0xf8: {  	v30 =	vmul.f32 v48, v30;
	v28 =	vmul.f32 v51, v49;
	v27 =	vadd.f32 v57, v27;
	_ =	sdelay $0x1  }
0xf9: {  	v58 =	vmul.f32 v56, v55;
	v28 =	vmul.f32 v52, v28;
	v27 =	vadd.f32 v30, v27;
	_ =	sdelay $0x1  }
0xfa: {  	v59 =	vmul.f32 v29, v58;
	v29 =	vbroadcast v26, $0x7;
	v27 =	vadd.f32 v28, v27;
	_ =	sdelay $0x1  }
0xfb: {  	v60 =	vor.u32 v0, v29;
	v27 =	vadd.f32 v59, v27;
	_ =	sdelay $0x1  }
0xfc: {  	[tilespmem:$0xC4E0] =	vst v27  }
0xfd: {  	v61 =	vor.u32 v1, v29;
	v27 =	vld [tilespmem:s24+$0x3380]  }
0xfe: {  	v62 =	vld [tilespmem:s24+$0x7380]  }
0xff: {  	v28 =	vld.idx.msk [tilespmem:v60+s13+$0x0], $0xffff  }
0x100: {  	v44 =	vor.u32 v2, v29;
	v63 =	vld [tilespmem:s24+$0x3390]  }
0x101: {  	v45 =	vld [tilespmem:s24+$0x7390]  }
0x102: {  	v30 =	vld.idx.msk [tilespmem:v61+s13+$0x0], $0xffff  }
0x103: {  	v47 =	vor.u32 v3, v29;
	v46 =	vld [tilespmem:s24+$0x33A0]  }
0x104: {  	v48 =	vld [tilespmem:s24+$0x73A0]  }
0x105: {  	v33 =	vld.idx.msk [tilespmem:v44+s13+$0x0], $0xffff  }
0x106: {  	v50 =	vor.u32 v4, v29;
	v49 =	vld [tilespmem:s24+$0x33B0]  }
0x107: {  	v51 =	vld [tilespmem:s24+$0x73B0]  }
0x108: {  	v36 =	vld.idx.msk [tilespmem:v47+s13+$0x0], $0xffff  }
0x109: {  	v52 =	vld [tilespmem:s24+$0x33C0]  }
0x10a: {  	v53 =	vor.u32 v6, v29;
	v54 =	vld [tilespmem:s24+$0x73C0]  }
0x10b: {  	v56 =	vld.idx.msk [tilespmem:v50+s13+$0x0], $0xffff  }
0x10c: {  	v58 =	vor.u32 v7, v29;
	v57 =	vld [tilespmem:s24+$0x33D0];
	v27 =	vmul.f32 v62, v27;
	v55 =	vmul.f32 v45, v63  }
0x10d: {  	v60 =	vld [tilespmem:s24+$0x73D0];
	v61 =	vmul.f32 v48, v46  }
0x10e: {  	v44 =	vld [tilespmem:s24+$0x73E0];
	v27 =	vmul.f32 v28, v27;
	v59 =	vmul.f32 v30, v55  }
0x10f: {  	v29 =	vor.u32 v8, v29;
	v62 =	vld.idx.msk [tilespmem:v53+s13+$0x0], $0xffff  }
0x110: {  	v63 =	vld [tilespmem:s24+$0x33E0];
	v42 =	vmul.f32 v51, v49;
	v31 =	vmul.f32 v33, v61;
	v27 =	vadd.f32 v59, v27  }
0x111: {  	v45 =	vld.idx.msk [tilespmem:v58+s13+$0x0], $0xffff  }
0x112: {  	v47 =	vmul.f32 v54, v52;
	v48 =	vld [tilespmem:s24+$0x33F0];
	v46 =	vmul.f32 v36, v42;
	v27 =	vadd.f32 v31, v27  }
0x113: {  	v49 =	vld [tilespmem:s24+$0x73F0]  }
0x114: {  	v50 =	vmul.f32 v56, v47;
	v30 =	vmul.f32 v60, v57;
	v27 =	vadd.f32 v46, v27  }
0x115: {  	v29 =	vld.idx.msk [tilespmem:v29+s13+$0x0], $0xffff  }
0x116: {  	v30 =	vmul.f32 v62, v30;
	v28 =	vmul.f32 v44, v63;
	v27 =	vadd.f32 v50, v27;
	_ =	sdelay $0x1  }
0x117: {  	v51 =	vmul.f32 v49, v48;
	v28 =	vmul.f32 v45, v28;
	v27 =	vadd.f32 v30, v27;
	_ =	sdelay $0x1  }
0x118: {  	v52 =	vmul.f32 v29, v51;
	v29 =	vbroadcast v26, $0x8;
	v27 =	vadd.f32 v28, v27;
	_ =	sdelay $0x1  }
0x119: {  	v53 =	vor.u32 v0, v29;
	v27 =	vadd.f32 v52, v27;
	_ =	sdelay $0x1  }
0x11a: {  	[tilespmem:$0xC4F0] =	vst v27  }
0x11b: {  	v54 =	vor.u32 v1, v29;
	v27 =	vld [tilespmem:s24+$0x3400]  }
0x11c: {  	v55 =	vld [tilespmem:s24+$0x7400]  }
0x11d: {  	v28 =	vld.idx.msk [tilespmem:v53+s13+$0x0], $0xffff  }
0x11e: {  	v57 =	vor.u32 v2, v29;
	v56 =	vld [tilespmem:s24+$0x3410]  }
0x11f: {  	v58 =	vld [tilespmem:s24+$0x7410]  }
0x120: {  	v30 =	vld.idx.msk [tilespmem:v54+s13+$0x0], $0xffff  }
0x121: {  	v60 =	vor.u32 v3, v29;
	v59 =	vld [tilespmem:s24+$0x3420]  }
0x122: {  	v61 =	vld [tilespmem:s24+$0x7420]  }
0x123: {  	v33 =	vld.idx.msk [tilespmem:v57+s13+$0x0], $0xffff  }
0x124: {  	v63 =	vor.u32 v4, v29;
	v62 =	vld [tilespmem:s24+$0x3430]  }
0x125: {  	v45 =	vld [tilespmem:s24+$0x7430]  }
0x126: {  	v36 =	vld.idx.msk [tilespmem:v60+s13+$0x0], $0xffff  }
0x127: {  	v46 =	vld [tilespmem:s24+$0x3440]  }
0x128: {  	v48 =	vld [tilespmem:s24+$0x7440]  }
0x129: {  	v47 =	vor.u32 v6, v29;
	v50 =	vld.idx.msk [tilespmem:v63+s13+$0x0], $0xffff  }
0x12a: {  	v51 =	vld [tilespmem:s24+$0x3450];
	v27 =	vmul.f32 v55, v27;
	v49 =	vmul.f32 v58, v56  }
0x12b: {  	v54 =	vld [tilespmem:s24+$0x7450];
	v55 =	vmul.f32 v61, v59  }
0x12c: {  	v52 =	vor.u32 v7, v29;
	v57 =	vld [tilespmem:s24+$0x3460];
	v27 =	vmul.f32 v28, v27;
	v53 =	vmul.f32 v30, v49  }
0x12d: {  	v29 =	vor.u32 v8, v29;
	v63 =	vld [tilespmem:s24+$0x3470]  }
0x12e: {  	v56 =	vld.idx.msk [tilespmem:v47+s13+$0x0], $0xffff;
	v58 =	vmul.f32 v45, v62;
	v31 =	vmul.f32 v33, v55;
	v27 =	vadd.f32 v53, v27  }
0x12f: {  	v59 =	vld [tilespmem:s24+$0x7460]  }
0x130: {  	v42 =	vld [tilespmem:s24+$0x7470];
	v62 =	vmul.f32 v48, v46;
	v61 =	vmul.f32 v36, v58;
	v27 =	vadd.f32 v31, v27  }
0x131: {  	v60 =	vld.idx.msk [tilespmem:v52+s13+$0x0], $0xffff  }
0x132: {  	v43 =	vmul.f32 v50, v62;
	v30 =	vmul.f32 v54, v51;
	v27 =	vadd.f32 v61, v27  }
0x133: {  	v29 =	vld.idx.msk [tilespmem:v29+s13+$0x0], $0xffff  }
0x134: {  	v30 =	vmul.f32 v56, v30;
	v28 =	vmul.f32 v59, v57;
	v27 =	vadd.f32 v43, v27;
	_ =	sdelay $0x1  }
0x135: {  	v44 =	vmul.f32 v42, v63;
	v28 =	vmul.f32 v60, v28;
	v27 =	vadd.f32 v30, v27;
	_ =	sdelay $0x1  }
0x136: {  	v45 =	vmul.f32 v29, v44;
	v29 =	vbroadcast v26, $0x9;
	v27 =	vadd.f32 v28, v27;
	_ =	sdelay $0x1  }
0x137: {  	v46 =	vor.u32 v0, v29;
	v27 =	vadd.f32 v45, v27;
	_ =	sdelay $0x1  }
0x138: {  	[tilespmem:$0xC500] =	vst v27  }
0x139: {  	v47 =	vor.u32 v1, v29;
	v27 =	vld [tilespmem:s24+$0x3480]  }
0x13a: {  	v48 =	vld [tilespmem:s24+$0x7480]  }
0x13b: {  	v28 =	vld.idx.msk [tilespmem:v46+s13+$0x0], $0xffff  }
0x13c: {  	v50 =	vor.u32 v2, v29;
	v49 =	vld [tilespmem:s24+$0x3490]  }
0x13d: {  	v51 =	vld [tilespmem:s24+$0x7490]  }
0x13e: {  	v30 =	vld.idx.msk [tilespmem:v47+s13+$0x0], $0xffff  }
0x13f: {  	v53 =	vor.u32 v3, v29;
	v52 =	vld [tilespmem:s24+$0x34A0]  }
0x140: {  	v54 =	vld [tilespmem:s24+$0x74A0]  }
0x141: {  	v33 =	vld.idx.msk [tilespmem:v50+s13+$0x0], $0xffff  }
0x142: {  	v56 =	vor.u32 v4, v29;
	v55 =	vld [tilespmem:s24+$0x34B0]  }
0x143: {  	v57 =	vld [tilespmem:s24+$0x74B0]  }
0x144: {  	v36 =	vld.idx.msk [tilespmem:v53+s13+$0x0], $0xffff  }
0x145: {  	v58 =	vld [tilespmem:s24+$0x34C0]  }
0x146: {  	v59 =	vor.u32 v6, v29;
	v60 =	vld [tilespmem:s24+$0x74C0]  }
0x147: {  	v62 =	vld.idx.msk [tilespmem:v56+s13+$0x0], $0xffff  }
0x148: {  	v63 =	vld [tilespmem:s24+$0x34D0];
	v27 =	vmul.f32 v48, v27;
	v61 =	vmul.f32 v51, v49  }
0x149: {  	v44 =	vor.u32 v7, v29;
	v46 =	vld [tilespmem:s24+$0x74D0];
	v47 =	vmul.f32 v54, v52  }
0x14a: {  	v56 =	vld [tilespmem:s24+$0x74F0];
	v27 =	vmul.f32 v28, v27;
	v45 =	vmul.f32 v30, v61  }
0x14b: {  	v29 =	vor.u32 v8, v29;
	v48 =	vld.idx.msk [tilespmem:v59+s13+$0x0], $0xffff  }
0x14c: {  	v49 =	vld [tilespmem:s24+$0x34E0];
	v50 =	vmul.f32 v57, v55;
	v31 =	vmul.f32 v33, v47;
	v27 =	vadd.f32 v45, v27  }
0x14d: {  	v51 =	vld [tilespmem:s24+$0x74E0]  }
0x14e: {  	v52 =	vld.idx.msk [tilespmem:v44+s13+$0x0], $0xffff;
	v54 =	vmul.f32 v60, v58;
	v53 =	vmul.f32 v36, v50;
	v27 =	vadd.f32 v31, v27  }
0x14f: {  	v55 =	vld [tilespmem:s24+$0x34F0]  }
0x150: {  	v57 =	vmul.f32 v62, v54;
	v30 =	vmul.f32 v46, v63;
	v27 =	vadd.f32 v53, v27  }
0x151: {  	v29 =	vld.idx.msk [tilespmem:v29+s13+$0x0], $0xffff  }
0x152: {  	v30 =	vmul.f32 v48, v30;
	v28 =	vmul.f32 v51, v49;
	v27 =	vadd.f32 v57, v27;
	_ =	sdelay $0x1  }
0x153: {  	v58 =	vmul.f32 v56, v55;
	v28 =	vmul.f32 v52, v28;
	v27 =	vadd.f32 v30, v27;
	_ =	sdelay $0x1  }
0x154: {  	v59 =	vmul.f32 v29, v58;
	v29 =	vbroadcast v26, $0xA;
	v27 =	vadd.f32 v28, v27;
	_ =	sdelay $0x1  }
0x155: {  	v60 =	vor.u32 v0, v29;
	v27 =	vadd.f32 v59, v27;
	_ =	sdelay $0x1  }
0x156: {  	[tilespmem:$0xC510] =	vst v27  }
0x157: {  	v61 =	vor.u32 v1, v29;
	v27 =	vld [tilespmem:s24+$0x3500]  }
0x158: {  	v62 =	vld [tilespmem:s24+$0x7500]  }
0x159: {  	v28 =	vld.idx.msk [tilespmem:v60+s13+$0x0], $0xffff  }
0x15a: {  	v44 =	vor.u32 v2, v29;
	v63 =	vld [tilespmem:s24+$0x3510]  }
0x15b: {  	v45 =	vld [tilespmem:s24+$0x7510]  }
0x15c: {  	v30 =	vld.idx.msk [tilespmem:v61+s13+$0x0], $0xffff  }
0x15d: {  	v47 =	vor.u32 v3, v29;
	v46 =	vld [tilespmem:s24+$0x3520]  }
0x15e: {  	v48 =	vld [tilespmem:s24+$0x7520]  }
0x15f: {  	v33 =	vld.idx.msk [tilespmem:v44+s13+$0x0], $0xffff  }
0x160: {  	v50 =	vor.u32 v4, v29;
	v49 =	vld [tilespmem:s24+$0x3530]  }
0x161: {  	v51 =	vld [tilespmem:s24+$0x7530]  }
0x162: {  	v36 =	vld.idx.msk [tilespmem:v47+s13+$0x0], $0xffff  }
0x163: {  	v52 =	vld [tilespmem:s24+$0x3540]  }
0x164: {  	v53 =	vor.u32 v6, v29;
	v54 =	vld [tilespmem:s24+$0x7540]  }
0x165: {  	v56 =	vld.idx.msk [tilespmem:v50+s13+$0x0], $0xffff  }
0x166: {  	v58 =	vor.u32 v7, v29;
	v57 =	vld [tilespmem:s24+$0x3550];
	v27 =	vmul.f32 v62, v27;
	v55 =	vmul.f32 v45, v63  }
0x167: {  	v60 =	vld [tilespmem:s24+$0x7550];
	v61 =	vmul.f32 v48, v46  }
0x168: {  	v44 =	vld [tilespmem:s24+$0x7560];
	v27 =	vmul.f32 v28, v27;
	v59 =	vmul.f32 v30, v55  }
0x169: {  	v29 =	vor.u32 v8, v29;
	v62 =	vld.idx.msk [tilespmem:v53+s13+$0x0], $0xffff  }
0x16a: {  	v63 =	vld [tilespmem:s24+$0x3560];
	v42 =	vmul.f32 v51, v49;
	v31 =	vmul.f32 v33, v61;
	v27 =	vadd.f32 v59, v27  }
0x16b: {  	v45 =	vld.idx.msk [tilespmem:v58+s13+$0x0], $0xffff  }
0x16c: {  	v47 =	vmul.f32 v54, v52;
	v48 =	vld [tilespmem:s24+$0x3570];
	v46 =	vmul.f32 v36, v42;
	v27 =	vadd.f32 v31, v27  }
0x16d: {  	v49 =	vld [tilespmem:s24+$0x7570]  }
0x16e: {  	v50 =	vmul.f32 v56, v47;
	v30 =	vmul.f32 v60, v57;
	v27 =	vadd.f32 v46, v27  }
0x16f: {  	v29 =	vld.idx.msk [tilespmem:v29+s13+$0x0], $0xffff  }
0x170: {  	v30 =	vmul.f32 v62, v30;
	v28 =	vmul.f32 v44, v63;
	v27 =	vadd.f32 v50, v27;
	_ =	sdelay $0x1  }
0x171: {  	v51 =	vmul.f32 v49, v48;
	v28 =	vmul.f32 v45, v28;
	v27 =	vadd.f32 v30, v27;
	_ =	sdelay $0x1  }
0x172: {  	v52 =	vmul.f32 v29, v51;
	v29 =	vbroadcast v26, $0xB;
	v27 =	vadd.f32 v28, v27;
	_ =	sdelay $0x1  }
0x173: {  	v53 =	vor.u32 v0, v29;
	v27 =	vadd.f32 v52, v27;
	_ =	sdelay $0x1  }
0x174: {  	[tilespmem:$0xC520] =	vst v27  }
0x175: {  	v54 =	vor.u32 v1, v29;
	v27 =	vld [tilespmem:s24+$0x3580]  }
0x176: {  	v55 =	vld [tilespmem:s24+$0x7580]  }
0x177: {  	v28 =	vld.idx.msk [tilespmem:v53+s13+$0x0], $0xffff  }
0x178: {  	v57 =	vor.u32 v2, v29;
	v56 =	vld [tilespmem:s24+$0x3590]  }
0x179: {  	v58 =	vld [tilespmem:s24+$0x7590]  }
0x17a: {  	v30 =	vld.idx.msk [tilespmem:v54+s13+$0x0], $0xffff  }
0x17b: {  	v60 =	vor.u32 v3, v29;
	v59 =	vld [tilespmem:s24+$0x35A0]  }
0x17c: {  	v61 =	vld [tilespmem:s24+$0x75A0]  }
0x17d: {  	v33 =	vld.idx.msk [tilespmem:v57+s13+$0x0], $0xffff  }
0x17e: {  	v63 =	vor.u32 v4, v29;
	v62 =	vld [tilespmem:s24+$0x35B0]  }
0x17f: {  	v45 =	vld [tilespmem:s24+$0x75B0]  }
0x180: {  	v36 =	vld.idx.msk [tilespmem:v60+s13+$0x0], $0xffff  }
0x181: {  	v46 =	vld [tilespmem:s24+$0x35C0]  }
0x182: {  	v48 =	vld [tilespmem:s24+$0x75C0]  }
0x183: {  	v47 =	vor.u32 v6, v29;
	v50 =	vld.idx.msk [tilespmem:v63+s13+$0x0], $0xffff  }
0x184: {  	v51 =	vld [tilespmem:s24+$0x35D0];
	v27 =	vmul.f32 v55, v27;
	v49 =	vmul.f32 v58, v56  }
0x185: {  	v54 =	vld [tilespmem:s24+$0x75D0];
	v55 =	vmul.f32 v61, v59  }
0x186: {  	v52 =	vor.u32 v7, v29;
	v57 =	vld [tilespmem:s24+$0x35E0];
	v27 =	vmul.f32 v28, v27;
	v53 =	vmul.f32 v30, v49  }
0x187: {  	v29 =	vor.u32 v8, v29;
	v63 =	vld [tilespmem:s24+$0x35F0]  }
0x188: {  	v56 =	vld.idx.msk [tilespmem:v47+s13+$0x0], $0xffff;
	v58 =	vmul.f32 v45, v62;
	v31 =	vmul.f32 v33, v55;
	v27 =	vadd.f32 v53, v27  }
0x189: {  	v59 =	vld [tilespmem:s24+$0x75E0]  }
0x18a: {  	v42 =	vld [tilespmem:s24+$0x75F0];
	v62 =	vmul.f32 v48, v46;
	v61 =	vmul.f32 v36, v58;
	v27 =	vadd.f32 v31, v27  }
0x18b: {  	v60 =	vld.idx.msk [tilespmem:v52+s13+$0x0], $0xffff  }
0x18c: {  	v43 =	vmul.f32 v50, v62;
	v30 =	vmul.f32 v54, v51;
	v27 =	vadd.f32 v61, v27  }
0x18d: {  	v29 =	vld.idx.msk [tilespmem:v29+s13+$0x0], $0xffff  }
0x18e: {  	v30 =	vmul.f32 v56, v30;
	v28 =	vmul.f32 v59, v57;
	v27 =	vadd.f32 v43, v27;
	_ =	sdelay $0x1  }
0x18f: {  	v44 =	vmul.f32 v42, v63;
	v28 =	vmul.f32 v60, v28;
	v27 =	vadd.f32 v30, v27;
	_ =	sdelay $0x1  }
0x190: {  	v45 =	vmul.f32 v29, v44;
	v29 =	vbroadcast v26, $0xC;
	v27 =	vadd.f32 v28, v27;
	_ =	sdelay $0x1  }
0x191: {  	v46 =	vor.u32 v0, v29;
	v27 =	vadd.f32 v45, v27;
	_ =	sdelay $0x1  }
0x192: {  	[tilespmem:$0xC530] =	vst v27  }
0x193: {  	v47 =	vor.u32 v1, v29;
	v27 =	vld [tilespmem:s24+$0x3600]  }
0x194: {  	v48 =	vld [tilespmem:s24+$0x7600]  }
0x195: {  	v28 =	vld.idx.msk [tilespmem:v46+s13+$0x0], $0xffff  }
0x196: {  	v50 =	vor.u32 v2, v29;
	v49 =	vld [tilespmem:s24+$0x3610]  }
0x197: {  	v51 =	vld [tilespmem:s24+$0x7610]  }
0x198: {  	v30 =	vld.idx.msk [tilespmem:v47+s13+$0x0], $0xffff  }
0x199: {  	v53 =	vor.u32 v3, v29;
	v52 =	vld [tilespmem:s24+$0x3620]  }
0x19a: {  	v54 =	vld [tilespmem:s24+$0x7620]  }
0x19b: {  	v33 =	vld.idx.msk [tilespmem:v50+s13+$0x0], $0xffff  }
0x19c: {  	v56 =	vor.u32 v4, v29;
	v55 =	vld [tilespmem:s24+$0x3630]  }
0x19d: {  	v57 =	vld [tilespmem:s24+$0x7630]  }
0x19e: {  	v36 =	vld.idx.msk [tilespmem:v53+s13+$0x0], $0xffff  }
0x19f: {  	v58 =	vld [tilespmem:s24+$0x3640]  }
0x1a0: {  	v59 =	vor.u32 v6, v29;
	v60 =	vld [tilespmem:s24+$0x7640]  }
0x1a1: {  	v62 =	vld.idx.msk [tilespmem:v56+s13+$0x0], $0xffff  }
0x1a2: {  	v63 =	vld [tilespmem:s24+$0x3650];
	v27 =	vmul.f32 v48, v27;
	v61 =	vmul.f32 v51, v49  }
0x1a3: {  	v44 =	vor.u32 v7, v29;
	v46 =	vld [tilespmem:s24+$0x7650];
	v47 =	vmul.f32 v54, v52  }
0x1a4: {  	v56 =	vld [tilespmem:s24+$0x7670];
	v27 =	vmul.f32 v28, v27;
	v45 =	vmul.f32 v30, v61  }
0x1a5: {  	v29 =	vor.u32 v8, v29;
	v48 =	vld.idx.msk [tilespmem:v59+s13+$0x0], $0xffff  }
0x1a6: {  	v49 =	vld [tilespmem:s24+$0x3660];
	v50 =	vmul.f32 v57, v55;
	v31 =	vmul.f32 v33, v47;
	v27 =	vadd.f32 v45, v27  }
0x1a7: {  	v51 =	vld [tilespmem:s24+$0x7660]  }
0x1a8: {  	v52 =	vld.idx.msk [tilespmem:v44+s13+$0x0], $0xffff;
	v54 =	vmul.f32 v60, v58;
	v53 =	vmul.f32 v36, v50;
	v27 =	vadd.f32 v31, v27  }
0x1a9: {  	v55 =	vld [tilespmem:s24+$0x3670]  }
0x1aa: {  	v57 =	vmul.f32 v62, v54;
	v30 =	vmul.f32 v46, v63;
	v27 =	vadd.f32 v53, v27  }
0x1ab: {  	v29 =	vld.idx.msk [tilespmem:v29+s13+$0x0], $0xffff  }
0x1ac: {  	v30 =	vmul.f32 v48, v30;
	v28 =	vmul.f32 v51, v49;
	v27 =	vadd.f32 v57, v27;
	_ =	sdelay $0x1  }
0x1ad: {  	v58 =	vmul.f32 v56, v55;
	v28 =	vmul.f32 v52, v28;
	v27 =	vadd.f32 v30, v27;
	_ =	sdelay $0x1  }
0x1ae: {  	v59 =	vmul.f32 v29, v58;
	v29 =	vbroadcast v26, $0xD;
	v27 =	vadd.f32 v28, v27;
	_ =	sdelay $0x1  }
0x1af: {  	v60 =	vor.u32 v0, v29;
	v27 =	vadd.f32 v59, v27;
	_ =	sdelay $0x1  }
0x1b0: {  	[tilespmem:$0xC540] =	vst v27  }
0x1b1: {  	v61 =	vor.u32 v1, v29;
	v27 =	vld [tilespmem:s24+$0x3680]  }
0x1b2: {  	v62 =	vld [tilespmem:s24+$0x7680]  }
0x1b3: {  	v28 =	vld.idx.msk [tilespmem:v60+s13+$0x0], $0xffff  }
0x1b4: {  	v44 =	vor.u32 v2, v29;
	v63 =	vld [tilespmem:s24+$0x3690]  }
0x1b5: {  	v45 =	vld [tilespmem:s24+$0x7690]  }
0x1b6: {  	v30 =	vld.idx.msk [tilespmem:v61+s13+$0x0], $0xffff  }
0x1b7: {  	v47 =	vor.u32 v3, v29;
	v46 =	vld [tilespmem:s24+$0x36A0]  }
0x1b8: {  	v48 =	vld [tilespmem:s24+$0x76A0]  }
0x1b9: {  	v33 =	vld.idx.msk [tilespmem:v44+s13+$0x0], $0xffff  }
0x1ba: {  	v50 =	vor.u32 v4, v29;
	v49 =	vld [tilespmem:s24+$0x36B0]  }
0x1bb: {  	v51 =	vld [tilespmem:s24+$0x76B0]  }
0x1bc: {  	v36 =	vld.idx.msk [tilespmem:v47+s13+$0x0], $0xffff  }
0x1bd: {  	v52 =	vld [tilespmem:s24+$0x36C0]  }
0x1be: {  	v58 =	vor.u32 v7, v29;
	v54 =	vld [tilespmem:s24+$0x76C0]  }
0x1bf: {  	v53 =	vor.u32 v6, v29;
	v56 =	vld.idx.msk [tilespmem:v50+s13+$0x0], $0xffff  }
0x1c0: {  	v57 =	vld [tilespmem:s24+$0x36D0];
	v27 =	vmul.f32 v62, v27;
	v55 =	vmul.f32 v45, v63  }
0x1c1: {  	v60 =	vld [tilespmem:s24+$0x76D0];
	v61 =	vmul.f32 v48, v46  }
0x1c2: {  	v42 =	vld [tilespmem:s24+$0x76E0];
	v27 =	vmul.f32 v28, v27;
	v59 =	vmul.f32 v30, v55  }
0x1c3: {  	v29 =	vor.u32 v8, v29;
	v44 =	vld.idx.msk [tilespmem:v58+s13+$0x0], $0xffff  }
0x1c4: {  	v62 =	vld.idx.msk [tilespmem:v53+s13+$0x0], $0xffff;
	v40 =	vmul.f32 v51, v49;
	v31 =	vmul.f32 v33, v61;
	v27 =	vadd.f32 v59, v27  }
0x1c5: {  	v63 =	vld [tilespmem:s24+$0x36E0]  }
0x1c6: {  	v47 =	vld [tilespmem:s24+$0x36F0];
	v46 =	vmul.f32 v54, v52;
	v45 =	vmul.f32 v36, v40;
	v27 =	vadd.f32 v31, v27  }
0x1c7: {  	v48 =	vld [tilespmem:s24+$0x76F0]  }
0x1c8: {  	v49 =	vmul.f32 v56, v46;
	v30 =	vmul.f32 v60, v57;
	v27 =	vadd.f32 v45, v27  }
0x1c9: {  	v29 =	vld.idx.msk [tilespmem:v29+s13+$0x0], $0xffff  }
0x1ca: {  	v30 =	vmul.f32 v62, v30;
	v28 =	vmul.f32 v42, v63;
	v27 =	vadd.f32 v49, v27;
	_ =	sdelay $0x1  }
0x1cb: {  	v50 =	vmul.f32 v48, v47;
	v28 =	vmul.f32 v44, v28;
	v27 =	vadd.f32 v30, v27;
	_ =	sdelay $0x1  }
0x1cc: {  	v51 =	vmul.f32 v29, v50;
	v29 =	vbroadcast v26, $0xE;
	v27 =	vadd.f32 v28, v27;
	_ =	sdelay $0x1  }
0x1cd: {  	v52 =	vor.u32 v0, v29;
	v27 =	vadd.f32 v51, v27;
	_ =	sdelay $0x1  }
0x1ce: {  	[tilespmem:$0xC550] =	vst v27  }
0x1cf: {  	v53 =	vor.u32 v1, v29;
	v27 =	vld [tilespmem:s24+$0x3700]  }
0x1d0: {  	v54 =	vld [tilespmem:s24+$0x7700]  }
0x1d1: {  	v28 =	vld.idx.msk [tilespmem:v52+s13+$0x0], $0xffff  }
0x1d2: {  	v56 =	vor.u32 v2, v29;
	v55 =	vld [tilespmem:s24+$0x3710]  }
0x1d3: {  	v57 =	vld [tilespmem:s24+$0x7710]  }
0x1d4: {  	v30 =	vld.idx.msk [tilespmem:v53+s13+$0x0], $0xffff  }
0x1d5: {  	v59 =	vor.u32 v3, v29;
	v58 =	vld [tilespmem:s24+$0x3720]  }
0x1d6: {  	v60 =	vld [tilespmem:s24+$0x7720]  }
0x1d7: {  	v33 =	vld.idx.msk [tilespmem:v56+s13+$0x0], $0xffff  }
0x1d8: {  	v62 =	vor.u32 v4, v29;
	v61 =	vld [tilespmem:s24+$0x3730]  }
0x1d9: {  	v63 =	vld [tilespmem:s24+$0x7730]  }
0x1da: {  	v36 =	vld.idx.msk [tilespmem:v59+s13+$0x0], $0xffff  }
0x1db: {  	v45 =	vld [tilespmem:s24+$0x3740]  }
0x1dc: {  	v47 =	vld [tilespmem:s24+$0x7740]  }
0x1dd: {  	v46 =	vor.u32 v6, v29;
	v49 =	vld.idx.msk [tilespmem:v62+s13+$0x0], $0xffff  }
0x1de: {  	v50 =	vld [tilespmem:s24+$0x3750];
	v27 =	vmul.f32 v54, v27;
	v48 =	vmul.f32 v57, v55  }
0x1df: {  	v51 =	vor.u32 v7, v29;
	v53 =	vld [tilespmem:s24+$0x7750];
	v54 =	vmul.f32 v60, v58  }
0x1e0: {  	v56 =	vld [tilespmem:s24+$0x3760];
	v27 =	vmul.f32 v28, v27;
	v52 =	vmul.f32 v30, v48  }
0x1e1: {  	v29 =	vor.u32 v8, v29;
	v62 =	vld [tilespmem:s24+$0x3770]  }
0x1e2: {  	v55 =	vld.idx.msk [tilespmem:v46+s13+$0x0], $0xffff;
	v57 =	vmul.f32 v63, v61;
	v31 =	vmul.f32 v33, v54;
	v27 =	vadd.f32 v52, v27  }
0x1e3: {  	v58 =	vld [tilespmem:s24+$0x7760]  }
0x1e4: {  	v59 =	vld.idx.msk [tilespmem:v51+s13+$0x0], $0xffff;
	v61 =	vmul.f32 v47, v45;
	v60 =	vmul.f32 v36, v57;
	v27 =	vadd.f32 v31, v27  }
0x1e5: {  	v63 =	vld [tilespmem:s24+$0x7770]  }
0x1e6: {  	v40 =	vmul.f32 v49, v61;
	v30 =	vmul.f32 v53, v50;
	v27 =	vadd.f32 v60, v27  }
0x1e7: {  	v29 =	vld.idx.msk [tilespmem:v29+s13+$0x0], $0xffff  }
0x1e8: {  	v30 =	vmul.f32 v55, v30;
	v28 =	vmul.f32 v58, v56;
	v27 =	vadd.f32 v40, v27;
	_ =	sdelay $0x1  }
0x1e9: {  	v41 =	vmul.f32 v63, v62;
	v28 =	vmul.f32 v59, v28;
	v27 =	vadd.f32 v30, v27;
	_ =	sdelay $0x1  }
0x1ea: {  	v26 =	vbroadcast v26, $0xF;
	v42 =	vmul.f32 v29, v41;
	v27 =	vadd.f32 v28, v27;
	_ =	sdelay $0x1  }
0x1eb: {  	v43 =	vor.u32 v0, v26;
	v27 =	vadd.f32 v42, v27;
	_ =	sdelay $0x1  }
0x1ec: {  	[tilespmem:$0xC560] =	vst v27  }
0x1ed: {  	v44 =	vor.u32 v1, v26;
	v27 =	vld [tilespmem:s24+$0x3780]  }
0x1ee: {  	v45 =	vld [tilespmem:s24+$0x7780]  }
0x1ef: {  	v28 =	vld.idx.msk [tilespmem:v43+s13+$0x0], $0xffff  }
0x1f0: {  	v47 =	vor.u32 v2, v26;
	v46 =	vld [tilespmem:s24+$0x3790]  }
0x1f1: {  	v48 =	vld [tilespmem:s24+$0x7790]  }
0x1f2: {  	v29 =	vld.idx.msk [tilespmem:v44+s13+$0x0], $0xffff  }
0x1f3: {  	v50 =	vor.u32 v3, v26;
	v49 =	vld [tilespmem:s24+$0x37A0]  }
0x1f4: {  	v51 =	vld [tilespmem:s24+$0x77A0]  }
0x1f5: {  	v32 =	vld.idx.msk [tilespmem:v47+s13+$0x0], $0xffff  }
0x1f6: {  	v53 =	vor.u32 v4, v26;
	v52 =	vld [tilespmem:s24+$0x37B0]  }
0x1f7: {  	v54 =	vld [tilespmem:s24+$0x77B0]  }
0x1f8: {  	v35 =	vld.idx.msk [tilespmem:v50+s13+$0x0], $0xffff  }
0x1f9: {  	v56 =	vor.u32 v6, v26;
	v55 =	vld [tilespmem:s24+$0x37C0]  }
0x1fa: {  	v57 =	vld [tilespmem:s24+$0x77C0]  }
0x1fb: {  	v61 =	vor.u32 v7, v26;
	v59 =	vld.idx.msk [tilespmem:v53+s13+$0x0], $0xffff  }
0x1fc: {  	v60 =	vld [tilespmem:s24+$0x37D0];
	v27 =	vmul.f32 v45, v27;
	v58 =	vmul.f32 v48, v46  }
0x1fd: {  	v63 =	vld [tilespmem:s24+$0x77D0];
	v36 =	vmul.f32 v51, v49  }
0x1fe: {  	v43 =	vld.idx.msk [tilespmem:v56+s13+$0x0], $0xffff;
	v27 =	vmul.f32 v28, v27;
	v62 =	vmul.f32 v29, v58  }
0x1ff: {  	v26 =	vor.u32 v8, v26;
	v44 =	vld [tilespmem:s24+$0x37E0]  }
0x200: {  	v47 =	vld.idx.msk [tilespmem:v61+s13+$0x0], $0xffff;
	v45 =	vmul.f32 v54, v52;
	v30 =	vmul.f32 v32, v36;
	v27 =	vadd.f32 v62, v27  }
0x201: {  	v46 =	vld [tilespmem:s24+$0x77E0]  }
0x202: {  	v50 =	vld [tilespmem:s24+$0x37F0];
	v49 =	vmul.f32 v57, v55;
	v48 =	vmul.f32 v35, v45;
	v27 =	vadd.f32 v30, v27  }
0x203: {  	v51 =	vld [tilespmem:s24+$0x77F0]  }
0x204: {  	v52 =	vmul.f32 v59, v49;
	v29 =	vmul.f32 v63, v60;
	v27 =	vadd.f32 v48, v27  }
0x205: {  	v26 =	vld.idx.msk [tilespmem:v26+s13+$0x0], $0xffff  }
0x206: {  	v29 =	vmul.f32 v43, v29;
	v28 =	vmul.f32 v46, v44;
	v27 =	vadd.f32 v52, v27;
	_ =	sdelay $0x1  }
0x207: {  	v53 =	vmul.f32 v51, v50;
	v28 =	vmul.f32 v47, v28;
	v27 =	vadd.f32 v29, v27;
	_ =	sdelay $0x1  }
0x208: {  	v26 =	vmul.f32 v26, v53;
	v27 =	vadd.f32 v28, v27;
	_ =	sdelay $0x1  }
0x209: {  	v26 =	vadd.f32 v26, v27;
	_ =	sdelay $0x1  }
0x20a: {  	[tilespmem:$0xC570] =	vst v26  }
0x20b: {  	v26 =	vld.idx.msk [tilespmem:v5+s18+$0x0], $0xffff  }
0x20c: {  	v27 =	vld.idx.msk [tilespmem:v9+s18+$0x0], $0xffff;
	_ =	sdelay $0x1  }
0x20d: {  	v54 =	vld.idx.msk [tilespmem:v10+s18+$0x0], $0xffff;
	_ =	sdelay $0x1  }
0x20e: {  	v55 =	vld.idx.msk [tilespmem:v11+s18+$0x0], $0xffff  }
0x20f: {  	v26 =	vadd.f32 v27, v26  }
0x210: {  	v27 =	vld.idx.msk [tilespmem:v12+s18+$0x0], $0xffff  }
0x211: {  	v26 =	vadd.f32 v54, v26  }
0x212: {  	v56 =	vld.idx.msk [tilespmem:v13+s18+$0x0], $0xffff  }
0x213: {  	v26 =	vadd.f32 v55, v26  }
0x214: {  	v57 =	vld.idx.msk [tilespmem:v14+s18+$0x0], $0xffff  }
0x215: {  	v26 =	vadd.f32 v27, v26  }
0x216: {  	v27 =	vld.idx.msk [tilespmem:v15+s18+$0x0], $0xffff  }
0x217: {  	v26 =	vadd.f32 v56, v26  }
0x218: {  	v58 =	vld.idx.msk [tilespmem:v16+s18+$0x0], $0xffff  }
0x219: {  	v26 =	vadd.f32 v57, v26  }
0x21a: {  	v59 =	vld.idx.msk [tilespmem:v17+s18+$0x0], $0xffff  }
0x21b: {  	v26 =	vadd.f32 v27, v26  }
0x21c: {  	v27 =	vld.idx.msk [tilespmem:v18+s18+$0x0], $0xffff  }
0x21d: {  	v26 =	vadd.f32 v58, v26  }
0x21e: {  	v60 =	vld.idx.msk [tilespmem:v19+s18+$0x0], $0xffff  }
0x21f: {  	v26 =	vadd.f32 v59, v26  }
0x220: {  	v61 =	vld.idx.msk [tilespmem:v20+s18+$0x0], $0xffff  }
0x221: {  	v26 =	vadd.f32 v27, v26  }
0x222: {  	v27 =	vld.idx.msk [tilespmem:v21+s18+$0x0], $0xffff  }
0x223: {  	v26 =	vadd.f32 v60, v26  }
0x224: {  	v62 =	vld.idx.msk [tilespmem:v22+s18+$0x0], $0xffff  }
0x225: {  	v26 =	vadd.f32 v61, v26  }
0x226: {  	v63 =	vld.idx.msk [tilespmem:v23+s18+$0x0], $0xffff  }
0x227: {  	v26 =	vadd.f32 v27, v26  }
0x228: {  	p0 =	sne.s32 s22, $0x7  }
.Ltmp0:
0x229: {  	v26 =	vadd.f32 v62, v26;
	(pc) =	sbr.rel @p0 .LBB2_3-.Ltmp0, $3  }
0x22a: {  	_ = 	snop  }
0x22b: {  	v26 =	vadd.f32 v63, v26;
	_ =	sdelay $0x1  }
0x22c: {  	s22 =	sadd.s32 $0x1, s22;
	[tilespmem:v25+s23+$0x0 ss:$0x1] =	vst.idx.msk $0xffff, v26  }
0x22d: {  	s21 =	sadd.s32 $0x1, s21  }
0x22e: {  	p0 =	sne.s32 s21, $0x19  }
.Ltmp1:
0x22f: {  	_ = 	snop;
	(pc) =	sbr.rel @p0 .LBB2_2-.Ltmp1, $1  }
0x230: {  	_ =	sdelay $0x3  }
0x231: {  	s20 =	sadd.s32 $0x1, s20  }
0x232: {  	p0 =	sne.s32 s20, s9  }
.Ltmp2:
0x233: {  	_ = 	snop;
	(pc) =	sbr.rel @p0 .LBB2_1-.Ltmp2, $4  }
0x234: {  	[hbm4b:s8+s3] =	stream.linear.scatter [tilespmem:s19], [sflag:$0x2], $0xC80, $0x38;
	[tilespmem:$0xC580] =	vst v63  }
0x235: {  	_ =	swait.ge [sflag:s10], $0xC80  }
0x236: {  	[sflag:s10] =	ssyncset.done $0x0  }
0x237: {  	[sflag:s10] =	ssyncadd.s32 $0xFFFFF380  }
0x238: {  	_ =	sfence.sel $0x180000  }
0x239: {  	[bflag:$0x0] =	sbarrier.arrive $0xFFFF  }
0x23a: {  	p0 =	sne.s32 s2, $0x0;
	_ =	strace $0x9000004D  }
0x23b: {  	s0 =	sadd.s32 @!p0 $0x100000, s0;
	[bflag:$0x2] =	sbarrier.arrive $0xFFFF  }
0x23c: {  	[sflag:s0] =	ssyncadd.tile.s32 @!p0 $0x1;
	_ =	shalt  }
.Lfunc_end2:
_tile_overlayer_lowered:
.L_overlay_start_2:
0x23d: {  	(tag) =	ssettag $0x2  }
0x23e: {  	s0 =	rddreg [dreg:$0x0];
	s2 =	stileid.u32  }
0x23f: {  	s1 =	rddreg [dreg:$0x1];
	p0 =	sne.s32 s2, $0x0  }
0x240: {  	s3 =	rddreg [dreg:$0x2];
	[bflag:$0x3] =	sbarrier.arrive $0xFFFF;
	s2 =	simm.s32 @!p0 $0x1C02  }
0x241: {  	[timem:s3], [sflag:s2] =	dma.local @!p0 [hbm:s0], s1  }
0x242: {  	s0 =	simm.s32 @!p0 $0x2  }
0x243: {  	_ =	swait.ge @!p0 [sflag:s0], s1  }
0x244: {  	s1 =	ssub.s32 @!p0 $0x0, s1;
	[sflag:s0] =	ssyncset.done @!p0 $0x0  }
0x245: {  	[sflag:s0] =	ssyncadd.s32 @!p0 s1  }
0x246: {  	[bflag:$0x3] =	sbarrier.arrive $0xFFFF  }
0x247: {  	_ =	shalt  }

</sc_bundles>
